<compile_context>
chip_gen: v7x
topology: tpu7x:2x2x1
jax: 0.10.2.dev20260603
libtpu: 0.0.44.dev20260713+nightly
codegen_flags: <defaults>
</compile_context>

<pallas_src>
import functools

import jax
import jax.numpy as jnp
from jax import lax
from jax.experimental import pallas as pl
from jax.experimental.pallas import tpu as pltpu
from jax.experimental.pallas import tpu_sc as plsc

D = 32
NC = 2
NS = 16
NW = NC * NS
CH = 128
BLK = 512
TC = 512


def _table_transpose(table_t, tail_rm):
    V = table_t.shape[1]
    n_chunks = V // TC
    v_main = n_chunks * TC
    tail = V - v_main
    mesh = plsc.VectorSubcoreMesh(core_axis_name="c", subcore_axis_name="s")

    @functools.partial(
        pl.kernel,
        mesh=mesh,
        out_type=jax.ShapeDtypeStruct((V // 4, 4 * D), jnp.float32),
        scratch_types=[
            pltpu.VMEM((3, D, TC), jnp.float32),
            pltpu.VMEM((3, TC // 4, 4 * D), jnp.float32),
            pltpu.SemaphoreType.DMA,
            pltpu.SemaphoreType.DMA,
        ],
        compiler_params=pltpu.CompilerParams(
            use_tc_tiling_on_sc=True, needs_layout_passes=False),
    )
    def k(tab_hbm, tail_hbm, out_hbm, slab_v, rows_v, isem, osem):
        wid = lax.axis_index("s") * NC + lax.axis_index("c")
        lanes = lax.iota(jnp.int32, 16)

        def i_copy(chunk, p):
            return pltpu.make_async_copy(
                tab_hbm.at[:, pl.ds(chunk * TC, TC)], slab_v.at[p], isem)

        def o_copy(chunk, p):
            return pltpu.make_async_copy(
                rows_v.at[p], out_hbm.at[pl.ds(chunk * (TC // 4), TC // 4)],
                osem)

        def transpose(p, nrows):
            @plsc.parallel_loop(0, nrows, unroll=2)
            def tr_body(r):
                for q in range(4 * D // 16):
                    dvec = (q % 2) * 16 + lanes
                    cvec = jnp.zeros((16,), jnp.int32) + (4 * r + q // 2)
                    rows_v[p, r, pl.ds(q * 16, 16)] = plsc.load_gather(
                        slab_v.at[p], [dvec, cvec])

        n_mine = (n_chunks - 1 - wid) // NW + 1
        i_copy(wid, 0).start()

        @pl.when(n_mine >= 2)
        def _():
            i_copy(wid + NW, 1).start()

        def body(g, carry):
            chunk = wid + g * NW
            p = lax.rem(g, 3)
            i_copy(chunk, p).wait()

            @pl.when(g < n_mine - 2)
            def _():
                i_copy(chunk + 2 * NW, lax.rem(g + 2, 3)).start()

            @pl.when(g >= 3)
            def _():
                o_copy(0, p).wait()

            transpose(p, TC // 4)
            o_copy(chunk, p).start()
            return carry

        lax.fori_loop(0, n_mine, body, 0)

        o_copy(0, 0).wait()
        o_copy(0, 1).wait()
        o_copy(0, 2).wait()

        if tail:
            @pl.when(wid == 0)
            def _():
                pltpu.sync_copy(tail_hbm, rows_v.at[0, pl.ds(0, tail // 4)])
                pltpu.sync_copy(rows_v.at[0, pl.ds(0, tail // 4)],
                                out_hbm.at[pl.ds(v_main // 4, tail // 4)])

    return k(table_t, tail_rm)


def _go2vec_sc(idx, table, hist, batch):
    mesh = plsc.VectorSubcoreMesh(core_axis_name="c", subcore_axis_name="s")
    assert hist % 2 == 0 and batch == NW * BLK
    NTC = BLK // CH

    @functools.partial(
        pl.kernel,
        mesh=mesh,
        out_type=jax.ShapeDtypeStruct((hist, D // 8, batch // CH, 8, CH),
                                      jnp.float32),
        scratch_types=[
            pltpu.VMEM((hist, BLK), jnp.int32),
            pltpu.VMEM((4, BLK, D), jnp.float32),
            pltpu.VMEM((2, D // 8, NTC, 8, CH), jnp.float32),
            pltpu.SemaphoreType.DMA,
            pltpu.SemaphoreType.DMA,
        ],
        compiler_params=pltpu.CompilerParams(
            use_tc_tiling_on_sc=False, needs_layout_passes=False),
    )
    def k(idx_hbm, table_hbm, out_hbm, idx_v, rows_v, trans_v, gsem, osem):
        wid = lax.axis_index("s") * NC + lax.axis_index("c")

        pltpu.sync_copy(idx_hbm.at[:, pl.ds(wid * BLK, BLK)], idx_v)

        def g_copy(h, p):
            return pltpu.make_async_copy(
                table_hbm.at[idx_v.at[h]], rows_v.at[p], gsem)

        def o_copy(h, p, r):
            return pltpu.make_async_copy(
                trans_v.at[p, r],
                out_hbm.at[h, r, pl.ds(wid * NTC, NTC)], osem)

        def transpose(pr, tp):
            rows = rows_v.at[pr]
            lanes = lax.iota(jnp.int32, 16)

            @plsc.parallel_loop(0, BLK // 16, unroll=2)
            def tr_body(g):
                bvec = g * 16 + lanes
                ct = g // 8
                lo = lax.rem(g, 8) * 16
                for d in range(D):
                    dvec = jnp.full((16,), d, jnp.int32)
                    trans_v[tp, d // 8, ct, d % 8, pl.ds(lo, 16)] = (
                        plsc.load_gather(rows, [bvec, dvec]))

        def step(h, tp, hh):
            pr = lax.rem(h, 4)
            g_copy(h, pr).wait()

            @pl.when(h + 3 < hist)
            def _():
                g_copy(h + 3, lax.rem(h + 3, 4)).start()

            @pl.when(hh >= 1)
            def _():
                for r in range(D // 8):
                    o_copy(h - 2, tp, r).wait()

            transpose(pr, tp)
            for r in range(D // 8):
                o_copy(h, tp, r).start()

        g_copy(0, 0).start()
        g_copy(1, 1).start()
        g_copy(2, 2).start()

        def pair(hh, carry):
            step(2 * hh, 0, hh)
            step(2 * hh + 1, 1, hh)
            return carry

        lax.fori_loop(0, hist // 2, pair, 0)

        for r in range(D // 8):
            o_copy(hist - 2, 0, r).wait()
            o_copy(hist - 1, 1, r).wait()

    return k(idx, table)


@functools.partial(jax.jit, static_argnames=("hist", "batch", "vocab"))
def _impl(go, emb_weights, *, hist, batch, vocab):
    idx = go.T.astype(jnp.int32)
    v_main = (vocab // TC) * TC
    tail_rm = emb_weights[v_main:].reshape((vocab - v_main) // 4, 4 * D)
    t128 = _table_transpose(emb_weights.T, tail_rm)
    tbl_rm = t128.reshape(vocab, D)
    out5 = _go2vec_sc(idx, tbl_rm, hist, batch)
    return out5.transpose(2, 4, 0, 1, 3).reshape(batch, hist, D)


def kernel(go, emb_weights):
    batch, hist = go.shape
    return _impl(go, emb_weights, hist=hist, batch=batch,
                 vocab=emb_weights.shape[0])

# --- scband reference (transcript-rebuilt; emitter-appended) ---
"""Pipeline reference for scband-go2-vec-9844065042792 (READ-ONLY COPY).

The authoritative reference and input builder live on the scoring server;
editing this copy changes nothing except your own understanding.
"""

import jax, jax.numpy as jnp
import numpy as np

VOCAB = 1000000
EMBED_DIM = 32
BATCH = 16384
HIST = 50

def setup_inputs(seed: int = 0) -> dict:
    key = jax.random.key(seed)
    k_idx, k_emb = jax.random.split(key)
    go = jax.random.randint(k_idx, (BATCH, HIST), 0, VOCAB, dtype=jnp.int64 if jax.config.jax_enable_x64 else jnp.int32)
    emb_weights = jax.random.normal(k_emb, (VOCAB, EMBED_DIM), dtype=jnp.float32)
    return {"go": go, "emb_weights": emb_weights}

def reference(go, emb_weights):
    # Faithful translation of Go2Vec.forward: nn.Embedding lookup
    return jnp.take(emb_weights, go, axis=0)

if __name__ == "__main__":
    import jax
    _d = setup_inputs()
    print(jax.jit(kernel)(*tuple(_d.values())))

</pallas_src>

<mosaic_0001>
#map = affine_map<(d0, d1) -> (0, 0)>
#map1 = affine_map<(d0, d1) -> (0, 0, 0, 0, 0)>
module attributes {stable_mosaic.version = 14 : i64} {
  func.func @k(%arg0: i32, %arg1: i32, %arg2: memref<50x16384xi32, #tpu.memory_space<hbm>>, %arg3: memref<1000000x32xf32, #tpu.memory_space<hbm>>, %arg4: memref<50x4x128x8x128xf32, #tpu.memory_space<hbm>>, %arg5: memref<50x512xi32, #tpu.memory_space<vmem>>, %arg6: memref<4x512x32xf32, #tpu.memory_space<vmem>>, %arg7: memref<2x4x4x8x128xf32, #tpu.memory_space<vmem>>, %arg8: memref<!tpu.dma_semaphore, #tpu.memory_space<semaphore_mem>>, %arg9: memref<!tpu.dma_semaphore, #tpu.memory_space<semaphore_mem>>) attributes {dimension_semantics = [#tpu.dimension_semantics<core_parallel>, #tpu.dimension_semantics<subcore_parallel>], iteration_bounds = array<i64: 2, 16>, scalar_prefetch = 0 : i64, scratch_operands = 5 : i64, tpu.core_type = #tpu.core_type<sc_vector_subcore>, window_params = [{transform_indices = #map}, {transform_indices = #map}, {transform_indices = #map1}]} {
    %mul3A = arith.constant 2 : i32
    %mul3A_0 = arith.muli %arg1, %mul3A : i32
    %add3A = arith.addi %mul3A_0, %arg0 : i32
    %mul3A_1 = arith.constant 512 : i32
    %mul3A_2 = arith.muli %add3A, %mul3A_1 : i32
    "tpu.region"() ({
      %run_scoped3A = tpu.sem_alloc : memref<!tpu.dma_semaphore, #tpu.memory_space<semaphore_mem>>
      %dma_start3A_234 = arith.constant 0 : i32
      %dma_start3A_235 = tpu.memref_slice %arg2[%dma_start3A_234, %mul3A_2] : memref<50x16384xi32, #tpu.memory_space<hbm>> -> memref<50x512xi32, #tpu.memory_space<hbm>>
      %dma_start3A_236 = arith.constant 0 : i32
      %dma_start3A_237 = tpu.memref_slice %arg2[%dma_start3A_236, %mul3A_2] : memref<50x16384xi32, #tpu.memory_space<hbm>> -> memref<50x512xi32, #tpu.memory_space<hbm>>
      tpu.enqueue_dma source(%dma_start3A_237 : memref<50x512xi32, #tpu.memory_space<hbm>>) target(%arg5 : memref<50x512xi32, #tpu.memory_space<vmem>>) target_semaphore(%run_scoped3A : memref<!tpu.dma_semaphore, #tpu.memory_space<semaphore_mem>>)
      %dma_wait3A_238 = arith.constant 0 : i32
      %dma_wait3A_239 = tpu.memref_slice %arg2[%dma_wait3A_238, %mul3A_2] : memref<50x16384xi32, #tpu.memory_space<hbm>> -> memref<50x512xi32, #tpu.memory_space<hbm>>
      %dma_wait3A_240 = arith.constant 0 : i32
      %dma_wait3A_241 = tpu.memref_slice %arg2[%dma_wait3A_240, %mul3A_2] : memref<50x16384xi32, #tpu.memory_space<hbm>> -> memref<50x512xi32, #tpu.memory_space<hbm>>
      tpu.wait_dma2 semaphore(%run_scoped3A : memref<!tpu.dma_semaphore, #tpu.memory_space<semaphore_mem>>) src(%dma_wait3A_241 : memref<50x512xi32, #tpu.memory_space<hbm>>) dst(%arg5 : memref<50x512xi32, #tpu.memory_space<vmem>>)
      tpu.yield
    }) : () -> ()
    %dma_start3A = arith.constant 0 : i32
    %dma_start3A_3 = arith.constant 0 : i32
    %dma_start3A_4 = arith.constant 0 : i32
    %dma_start3A_5 = arith.constant 0 : i32
    %dma_start3A_6 = tpu.memref_slice %arg6[%dma_start3A_3, %dma_start3A_4, %dma_start3A_5] : memref<4x512x32xf32, #tpu.memory_space<vmem>> -> memref<1x512x32xf32, #tpu.memory_space<vmem>>
    %dma_start3A_7 = tpu.memref_squeeze %dma_start3A_6 : memref<1x512x32xf32, #tpu.memory_space<vmem>> -> memref<512x32xf32, #tpu.memory_space<vmem>>
    %dma_start3A_8 = arith.constant 0 : i32
    %dma_start3A_9 = tpu.memref_slice %arg5[%dma_start3A, %dma_start3A_8] : memref<50x512xi32, #tpu.memory_space<vmem>> -> memref<1x512xi32, #tpu.memory_space<vmem>>
    %dma_start3A_10 = tpu.memref_squeeze %dma_start3A_9 : memref<1x512xi32, #tpu.memory_space<vmem>> -> memref<512xi32, #tpu.memory_space<vmem>>
    %dma_start3A_11 = arith.constant 0 : i32
    %dma_start3A_12 = arith.constant 0 : i32
    %dma_start3A_13 = tpu.memref_slice %arg3[%dma_start3A_11, %dma_start3A_12] : memref<1000000x32xf32, #tpu.memory_space<hbm>> -> memref<1000000x32xf32, #tpu.memory_space<hbm>>
    tpu.enqueue_indirect_dma source(%dma_start3A_13 : memref<1000000x32xf32, #tpu.memory_space<hbm>>) target(%dma_start3A_7 : memref<512x32xf32, #tpu.memory_space<vmem>>) offsets(%dma_start3A_10 : memref<512xi32, #tpu.memory_space<vmem>>) semaphore(%arg8 : memref<!tpu.dma_semaphore, #tpu.memory_space<semaphore_mem>>)
    %dma_start3A_14 = arith.constant 1 : i32
    %dma_start3A_15 = arith.constant 1 : i32
    %dma_start3A_16 = arith.constant 0 : i32
    %dma_start3A_17 = arith.constant 0 : i32
    %dma_start3A_18 = tpu.memref_slice %arg6[%dma_start3A_15, %dma_start3A_16, %dma_start3A_17] : memref<4x512x32xf32, #tpu.memory_space<vmem>> -> memref<1x512x32xf32, #tpu.memory_space<vmem>>
    %dma_start3A_19 = tpu.memref_squeeze %dma_start3A_18 : memref<1x512x32xf32, #tpu.memory_space<vmem>> -> memref<512x32xf32, #tpu.memory_space<vmem>>
    %dma_start3A_20 = arith.constant 0 : i32
    %dma_start3A_21 = tpu.memref_slice %arg5[%dma_start3A_14, %dma_start3A_20] : memref<50x512xi32, #tpu.memory_space<vmem>> -> memref<1x512xi32, #tpu.memory_space<vmem>>
    %dma_start3A_22 = tpu.memref_squeeze %dma_start3A_21 : memref<1x512xi32, #tpu.memory_space<vmem>> -> memref<512xi32, #tpu.memory_space<vmem>>
    %dma_start3A_23 = arith.constant 0 : i32
    %dma_start3A_24 = arith.constant 0 : i32
    %dma_start3A_25 = tpu.memref_slice %arg3[%dma_start3A_23, %dma_start3A_24] : memref<1000000x32xf32, #tpu.memory_space<hbm>> -> memref<1000000x32xf32, #tpu.memory_space<hbm>>
    tpu.enqueue_indirect_dma source(%dma_start3A_25 : memref<1000000x32xf32, #tpu.memory_space<hbm>>) target(%dma_start3A_19 : memref<512x32xf32, #tpu.memory_space<vmem>>) offsets(%dma_start3A_22 : memref<512xi32, #tpu.memory_space<vmem>>) semaphore(%arg8 : memref<!tpu.dma_semaphore, #tpu.memory_space<semaphore_mem>>)
    %dma_start3A_26 = arith.constant 2 : i32
    %dma_start3A_27 = arith.constant 2 : i32
    %dma_start3A_28 = arith.constant 0 : i32
    %dma_start3A_29 = arith.constant 0 : i32
    %dma_start3A_30 = tpu.memref_slice %arg6[%dma_start3A_27, %dma_start3A_28, %dma_start3A_29] : memref<4x512x32xf32, #tpu.memory_space<vmem>> -> memref<1x512x32xf32, #tpu.memory_space<vmem>>
    %dma_start3A_31 = tpu.memref_squeeze %dma_start3A_30 : memref<1x512x32xf32, #tpu.memory_space<vmem>> -> memref<512x32xf32, #tpu.memory_space<vmem>>
    %dma_start3A_32 = arith.constant 0 : i32
    %dma_start3A_33 = tpu.memref_slice %arg5[%dma_start3A_26, %dma_start3A_32] : memref<50x512xi32, #tpu.memory_space<vmem>> -> memref<1x512xi32, #tpu.memory_space<vmem>>
    %dma_start3A_34 = tpu.memref_squeeze %dma_start3A_33 : memref<1x512xi32, #tpu.memory_space<vmem>> -> memref<512xi32, #tpu.memory_space<vmem>>
    %dma_start3A_35 = arith.constant 0 : i32
    %dma_start3A_36 = arith.constant 0 : i32
    %dma_start3A_37 = tpu.memref_slice %arg3[%dma_start3A_35, %dma_start3A_36] : memref<1000000x32xf32, #tpu.memory_space<hbm>> -> memref<1000000x32xf32, #tpu.memory_space<hbm>>
    tpu.enqueue_indirect_dma source(%dma_start3A_37 : memref<1000000x32xf32, #tpu.memory_space<hbm>>) target(%dma_start3A_31 : memref<512x32xf32, #tpu.memory_space<vmem>>) offsets(%dma_start3A_34 : memref<512xi32, #tpu.memory_space<vmem>>) semaphore(%arg8 : memref<!tpu.dma_semaphore, #tpu.memory_space<semaphore_mem>>)
    %scan3A = arith.constant 0 : i32
    %scan3A_38 = arith.constant 0 : i32
    %scan3A_39 = arith.constant 25 : i32
    %scan3A_40 = arith.addi %scan3A_38, %scan3A_39 : i32
    %scan3A_41 = arith.constant 1 : i32
    scf.for %scan3A_234 = %scan3A_38 to %scan3A_40 step %scan3A_41  : i32 {
      %mul3A_235 = arith.constant 2 : i32
      %mul3A_236 = arith.muli %mul3A_235, %scan3A_234 : i32
      %rem3A = arith.constant 4 : i32
      %rem3A_237 = arith.remsi %mul3A_236, %rem3A : i32
      %dma_wait3A_238 = arith.constant 0 : i32
      %dma_wait3A_239 = arith.constant 0 : i32
      %dma_wait3A_240 = tpu.memref_slice %arg6[%rem3A_237, %dma_wait3A_238, %dma_wait3A_239] : memref<4x512x32xf32, #tpu.memory_space<vmem>> -> memref<1x512x32xf32, #tpu.memory_space<vmem>>
      %dma_wait3A_241 = tpu.memref_squeeze %dma_wait3A_240 : memref<1x512x32xf32, #tpu.memory_space<vmem>> -> memref<512x32xf32, #tpu.memory_space<vmem>>
      %dma_wait3A_242 = arith.constant 0 : i32
      %dma_wait3A_243 = tpu.memref_slice %arg5[%mul3A_236, %dma_wait3A_242] : memref<50x512xi32, #tpu.memory_space<vmem>> -> memref<1x512xi32, #tpu.memory_space<vmem>>
      %dma_wait3A_244 = tpu.memref_squeeze %dma_wait3A_243 : memref<1x512xi32, #tpu.memory_space<vmem>> -> memref<512xi32, #tpu.memory_space<vmem>>
      %dma_wait3A_245 = arith.constant 0 : i32
      %dma_wait3A_246 = arith.constant 0 : i32
      %dma_wait3A_247 = tpu.memref_slice %arg3[%dma_wait3A_245, %dma_wait3A_246] : memref<1000000x32xf32, #tpu.memory_space<hbm>> -> memref<1000000x32xf32, #tpu.memory_space<hbm>>
      tpu.wait_indirect_dma semaphore(%arg8 : memref<!tpu.dma_semaphore, #tpu.memory_space<semaphore_mem>>) src(%dma_wait3A_247 : memref<1000000x32xf32, #tpu.memory_space<hbm>>) dst(%dma_wait3A_241 : memref<512x32xf32, #tpu.memory_space<vmem>>)
      %add3A_248 = arith.constant 3 : i32
      %add3A_249 = arith.addi %mul3A_236, %add3A_248 : i32
      %lt3A = arith.constant 50 : i32
      %lt3A_250 = arith.cmpi slt, %add3A_249, %lt3A : i32
      %convert_element_type3A = arith.extui %lt3A_250 : i1 to i32
      %cond3A = arith.constant 0 : i32
      %cond3A_251 = arith.cmpi ne, %convert_element_type3A, %cond3A : i32
      scf.if %cond3A_251 {
        %add3A_474 = arith.constant 3 : i32
        %add3A_475 = arith.addi %mul3A_236, %add3A_474 : i32
        %add3A_476 = arith.constant 3 : i32
        %add3A_477 = arith.addi %mul3A_236, %add3A_476 : i32
        %rem3A_478 = arith.constant 4 : i32
        %rem3A_479 = arith.remsi %add3A_477, %rem3A_478 : i32
        %dma_start3A_480 = arith.constant 0 : i32
        %dma_start3A_481 = arith.constant 0 : i32
        %dma_start3A_482 = tpu.memref_slice %arg6[%rem3A_479, %dma_start3A_480, %dma_start3A_481] : memref<4x512x32xf32, #tpu.memory_space<vmem>> -> memref<1x512x32xf32, #tpu.memory_space<vmem>>
        %dma_start3A_483 = tpu.memref_squeeze %dma_start3A_482 : memref<1x512x32xf32, #tpu.memory_space<vmem>> -> memref<512x32xf32, #tpu.memory_space<vmem>>
        %dma_start3A_484 = arith.constant 0 : i32
        %dma_start3A_485 = tpu.memref_slice %arg5[%add3A_475, %dma_start3A_484] : memref<50x512xi32, #tpu.memory_space<vmem>> -> memref<1x512xi32, #tpu.memory_space<vmem>>
        %dma_start3A_486 = tpu.memref_squeeze %dma_start3A_485 : memref<1x512xi32, #tpu.memory_space<vmem>> -> memref<512xi32, #tpu.memory_space<vmem>>
        %dma_start3A_487 = arith.constant 0 : i32
        %dma_start3A_488 = arith.constant 0 : i32
        %dma_start3A_489 = tpu.memref_slice %arg3[%dma_start3A_487, %dma_start3A_488] : memref<1000000x32xf32, #tpu.memory_space<hbm>> -> memref<1000000x32xf32, #tpu.memory_space<hbm>>
        tpu.enqueue_indirect_dma source(%dma_start3A_489 : memref<1000000x32xf32, #tpu.memory_space<hbm>>) target(%dma_start3A_483 : memref<512x32xf32, #tpu.memory_space<vmem>>) offsets(%dma_start3A_486 : memref<512xi32, #tpu.memory_space<vmem>>) semaphore(%arg8 : memref<!tpu.dma_semaphore, #tpu.memory_space<semaphore_mem>>)
      } else {
      }
      %ge3A = arith.constant 1 : i32
      %ge3A_252 = arith.cmpi sge, %scan3A_234, %ge3A : i32
      %convert_element_type3A_253 = arith.extui %ge3A_252 : i1 to i32
      %cond3A_254 = arith.constant 0 : i32
      %cond3A_255 = arith.cmpi ne, %convert_element_type3A_253, %cond3A_254 : i32
      scf.if %cond3A_255 {
        %sub3A = arith.constant 2 : i32
        %sub3A_474 = arith.subi %mul3A_236, %sub3A : i32
        %mul3A_475 = arith.constant 4 : i32
        %mul3A_476 = arith.muli %add3A, %mul3A_475 : i32
        %dma_wait3A_477 = arith.constant 0 : i32
        %dma_wait3A_478 = arith.constant 0 : i32
        %dma_wait3A_479 = arith.constant 0 : i32
        %dma_wait3A_480 = arith.constant 0 : i32
        %dma_wait3A_481 = arith.constant 0 : i32
        %dma_wait3A_482 = arith.constant 0 : i32
        %dma_wait3A_483 = tpu.memref_slice %arg7[%dma_wait3A_477, %dma_wait3A_478, %dma_wait3A_480, %dma_wait3A_481, %dma_wait3A_482] : memref<2x4x4x8x128xf32, #tpu.memory_space<vmem>> -> memref<1x1x4x8x128xf32, #tpu.memory_space<vmem>>
        %dma_wait3A_484 = tpu.memref_squeeze %dma_wait3A_483 : memref<1x1x4x8x128xf32, #tpu.memory_space<vmem>> -> memref<4x8x128xf32, #tpu.memory_space<vmem>>
        %dma_wait3A_485 = arith.constant 0 : i32
        %dma_wait3A_486 = arith.constant 0 : i32
        %dma_wait3A_487 = tpu.memref_slice %arg4[%sub3A_474, %dma_wait3A_479, %mul3A_476, %dma_wait3A_485, %dma_wait3A_486] : memref<50x4x128x8x128xf32, #tpu.memory_space<hbm>> -> memref<1x1x4x8x128xf32, #tpu.memory_space<hbm>>
        %dma_wait3A_488 = tpu.memref_squeeze %dma_wait3A_487 : memref<1x1x4x8x128xf32, #tpu.memory_space<hbm>> -> memref<4x8x128xf32, #tpu.memory_space<hbm>>
        %dma_wait3A_489 = arith.constant 0 : i32
        %dma_wait3A_490 = arith.constant 0 : i32
        %dma_wait3A_491 = tpu.memref_slice %arg4[%sub3A_474, %dma_wait3A_479, %mul3A_476, %dma_wait3A_489, %dma_wait3A_490] : memref<50x4x128x8x128xf32, #tpu.memory_space<hbm>> -> memref<1x1x4x8x128xf32, #tpu.memory_space<hbm>>
        %dma_wait3A_492 = tpu.memref_squeeze %dma_wait3A_491 : memref<1x1x4x8x128xf32, #tpu.memory_space<hbm>> -> memref<4x8x128xf32, #tpu.memory_space<hbm>>
        %dma_wait3A_493 = arith.constant 0 : i32
        %dma_wait3A_494 = arith.constant 0 : i32
        %dma_wait3A_495 = arith.constant 0 : i32
        %dma_wait3A_496 = tpu.memref_slice %arg7[%dma_wait3A_477, %dma_wait3A_478, %dma_wait3A_493, %dma_wait3A_494, %dma_wait3A_495] : memref<2x4x4x8x128xf32, #tpu.memory_space<vmem>> -> memref<1x1x4x8x128xf32, #tpu.memory_space<vmem>>
        %dma_wait3A_497 = tpu.memref_squeeze %dma_wait3A_496 : memref<1x1x4x8x128xf32, #tpu.memory_space<vmem>> -> memref<4x8x128xf32, #tpu.memory_space<vmem>>
        tpu.wait_dma2 semaphore(%arg9 : memref<!tpu.dma_semaphore, #tpu.memory_space<semaphore_mem>>) src(%dma_wait3A_497 : memref<4x8x128xf32, #tpu.memory_space<vmem>>) dst(%dma_wait3A_492 : memref<4x8x128xf32, #tpu.memory_space<hbm>>)
        %sub3A_498 = arith.constant 2 : i32
        %sub3A_499 = arith.subi %mul3A_236, %sub3A_498 : i32
        %mul3A_500 = arith.constant 4 : i32
        %mul3A_501 = arith.muli %add3A, %mul3A_500 : i32
        %dma_wait3A_502 = arith.constant 0 : i32
        %dma_wait3A_503 = arith.constant 1 : i32
        %dma_wait3A_504 = arith.constant 1 : i32
        %dma_wait3A_505 = arith.constant 0 : i32
        %dma_wait3A_506 = arith.constant 0 : i32
        %dma_wait3A_507 = arith.constant 0 : i32
        %dma_wait3A_508 = tpu.memref_slice %arg7[%dma_wait3A_502, %dma_wait3A_503, %dma_wait3A_505, %dma_wait3A_506, %dma_wait3A_507] : memref<2x4x4x8x128xf32, #tpu.memory_space<vmem>> -> memref<1x1x4x8x128xf32, #tpu.memory_space<vmem>>
        %dma_wait3A_509 = tpu.memref_squeeze %dma_wait3A_508 : memref<1x1x4x8x128xf32, #tpu.memory_space<vmem>> -> memref<4x8x128xf32, #tpu.memory_space<vmem>>
        %dma_wait3A_510 = arith.constant 0 : i32
        %dma_wait3A_511 = arith.constant 0 : i32
        %dma_wait3A_512 = tpu.memref_slice %arg4[%sub3A_499, %dma_wait3A_504, %mul3A_501, %dma_wait3A_510, %dma_wait3A_511] : memref<50x4x128x8x128xf32, #tpu.memory_space<hbm>> -> memref<1x1x4x8x128xf32, #tpu.memory_space<hbm>>
        %dma_wait3A_513 = tpu.memref_squeeze %dma_wait3A_512 : memref<1x1x4x8x128xf32, #tpu.memory_space<hbm>> -> memref<4x8x128xf32, #tpu.memory_space<hbm>>
        %dma_wait3A_514 = arith.constant 0 : i32
        %dma_wait3A_515 = arith.constant 0 : i32
        %dma_wait3A_516 = tpu.memref_slice %arg4[%sub3A_499, %dma_wait3A_504, %mul3A_501, %dma_wait3A_514, %dma_wait3A_515] : memref<50x4x128x8x128xf32, #tpu.memory_space<hbm>> -> memref<1x1x4x8x128xf32, #tpu.memory_space<hbm>>
        %dma_wait3A_517 = tpu.memref_squeeze %dma_wait3A_516 : memref<1x1x4x8x128xf32, #tpu.memory_space<hbm>> -> memref<4x8x128xf32, #tpu.memory_space<hbm>>
        %dma_wait3A_518 = arith.constant 0 : i32
        %dma_wait3A_519 = arith.constant 0 : i32
        %dma_wait3A_520 = arith.constant 0 : i32
        %dma_wait3A_521 = tpu.memref_slice %arg7[%dma_wait3A_502, %dma_wait3A_503, %dma_wait3A_518, %dma_wait3A_519, %dma_wait3A_520] : memref<2x4x4x8x128xf32, #tpu.memory_space<vmem>> -> memref<1x1x4x8x128xf32, #tpu.memory_space<vmem>>
        %dma_wait3A_522 = tpu.memref_squeeze %dma_wait3A_521 : memref<1x1x4x8x128xf32, #tpu.memory_space<vmem>> -> memref<4x8x128xf32, #tpu.memory_space<vmem>>
        tpu.wait_dma2 semaphore(%arg9 : memref<!tpu.dma_semaphore, #tpu.memory_space<semaphore_mem>>) src(%dma_wait3A_522 : memref<4x8x128xf32, #tpu.memory_space<vmem>>) dst(%dma_wait3A_517 : memref<4x8x128xf32, #tpu.memory_space<hbm>>)
        %sub3A_523 = arith.constant 2 : i32
        %sub3A_524 = arith.subi %mul3A_236, %sub3A_523 : i32
        %mul3A_525 = arith.constant 4 : i32
        %mul3A_526 = arith.muli %add3A, %mul3A_525 : i32
        %dma_wait3A_527 = arith.constant 0 : i32
        %dma_wait3A_528 = arith.constant 2 : i32
        %dma_wait3A_529 = arith.constant 2 : i32
        %dma_wait3A_530 = arith.constant 0 : i32
        %dma_wait3A_531 = arith.constant 0 : i32
        %dma_wait3A_532 = arith.constant 0 : i32
        %dma_wait3A_533 = tpu.memref_slice %arg7[%dma_wait3A_527, %dma_wait3A_528, %dma_wait3A_530, %dma_wait3A_531, %dma_wait3A_532] : memref<2x4x4x8x128xf32, #tpu.memory_space<vmem>> -> memref<1x1x4x8x128xf32, #tpu.memory_space<vmem>>
        %dma_wait3A_534 = tpu.memref_squeeze %dma_wait3A_533 : memref<1x1x4x8x128xf32, #tpu.memory_space<vmem>> -> memref<4x8x128xf32, #tpu.memory_space<vmem>>
        %dma_wait3A_535 = arith.constant 0 : i32
        %dma_wait3A_536 = arith.constant 0 : i32
        %dma_wait3A_537 = tpu.memref_slice %arg4[%sub3A_524, %dma_wait3A_529, %mul3A_526, %dma_wait3A_535, %dma_wait3A_536] : memref<50x4x128x8x128xf32, #tpu.memory_space<hbm>> -> memref<1x1x4x8x128xf32, #tpu.memory_space<hbm>>
        %dma_wait3A_538 = tpu.memref_squeeze %dma_wait3A_537 : memref<1x1x4x8x128xf32, #tpu.memory_space<hbm>> -> memref<4x8x128xf32, #tpu.memory_space<hbm>>
        %dma_wait3A_539 = arith.constant 0 : i32
        %dma_wait3A_540 = arith.constant 0 : i32
        %dma_wait3A_541 = tpu.memref_slice %arg4[%sub3A_524, %dma_wait3A_529, %mul3A_526, %dma_wait3A_539, %dma_wait3A_540] : memref<50x4x128x8x128xf32, #tpu.memory_space<hbm>> -> memref<1x1x4x8x128xf32, #tpu.memory_space<hbm>>
        %dma_wait3A_542 = tpu.memref_squeeze %dma_wait3A_541 : memref<1x1x4x8x128xf32, #tpu.memory_space<hbm>> -> memref<4x8x128xf32, #tpu.memory_space<hbm>>
        %dma_wait3A_543 = arith.constant 0 : i32
        %dma_wait3A_544 = arith.constant 0 : i32
        %dma_wait3A_545 = arith.constant 0 : i32
        %dma_wait3A_546 = tpu.memref_slice %arg7[%dma_wait3A_527, %dma_wait3A_528, %dma_wait3A_543, %dma_wait3A_544, %dma_wait3A_545] : memref<2x4x4x8x128xf32, #tpu.memory_space<vmem>> -> memref<1x1x4x8x128xf32, #tpu.memory_space<vmem>>
        %dma_wait3A_547 = tpu.memref_squeeze %dma_wait3A_546 : memref<1x1x4x8x128xf32, #tpu.memory_space<vmem>> -> memref<4x8x128xf32, #tpu.memory_space<vmem>>
        tpu.wait_dma2 semaphore(%arg9 : memref<!tpu.dma_semaphore, #tpu.memory_space<semaphore_mem>>) src(%dma_wait3A_547 : memref<4x8x128xf32, #tpu.memory_space<vmem>>) dst(%dma_wait3A_542 : memref<4x8x128xf32, #tpu.memory_space<hbm>>)
        %sub3A_548 = arith.constant 2 : i32
        %sub3A_549 = arith.subi %mul3A_236, %sub3A_548 : i32
        %mul3A_550 = arith.constant 4 : i32
        %mul3A_551 = arith.muli %add3A, %mul3A_550 : i32
        %dma_wait3A_552 = arith.constant 0 : i32
        %dma_wait3A_553 = arith.constant 3 : i32
        %dma_wait3A_554 = arith.constant 3 : i32
        %dma_wait3A_555 = arith.constant 0 : i32
        %dma_wait3A_556 = arith.constant 0 : i32
        %dma_wait3A_557 = arith.constant 0 : i32
        %dma_wait3A_558 = tpu.memref_slice %arg7[%dma_wait3A_552, %dma_wait3A_553, %dma_wait3A_555, %dma_wait3A_556, %dma_wait3A_557] : memref<2x4x4x8x128xf32, #tpu.memory_space<vmem>> -> memref<1x1x4x8x128xf32, #tpu.memory_space<vmem>>
        %dma_wait3A_559 = tpu.memref_squeeze %dma_wait3A_558 : memref<1x1x4x8x128xf32, #tpu.memory_space<vmem>> -> memref<4x8x128xf32, #tpu.memory_space<vmem>>
        %dma_wait3A_560 = arith.constant 0 : i32
        %dma_wait3A_561 = arith.constant 0 : i32
        %dma_wait3A_562 = tpu.memref_slice %arg4[%sub3A_549, %dma_wait3A_554, %mul3A_551, %dma_wait3A_560, %dma_wait3A_561] : memref<50x4x128x8x128xf32, #tpu.memory_space<hbm>> -> memref<1x1x4x8x128xf32, #tpu.memory_space<hbm>>
        %dma_wait3A_563 = tpu.memref_squeeze %dma_wait3A_562 : memref<1x1x4x8x128xf32, #tpu.memory_space<hbm>> -> memref<4x8x128xf32, #tpu.memory_space<hbm>>
        %dma_wait3A_564 = arith.constant 0 : i32
        %dma_wait3A_565 = arith.constant 0 : i32
        %dma_wait3A_566 = tpu.memref_slice %arg4[%sub3A_549, %dma_wait3A_554, %mul3A_551, %dma_wait3A_564, %dma_wait3A_565] : memref<50x4x128x8x128xf32, #tpu.memory_space<hbm>> -> memref<1x1x4x8x128xf32, #tpu.memory_space<hbm>>
        %dma_wait3A_567 = tpu.memref_squeeze %dma_wait3A_566 : memref<1x1x4x8x128xf32, #tpu.memory_space<hbm>> -> memref<4x8x128xf32, #tpu.memory_space<hbm>>
        %dma_wait3A_568 = arith.constant 0 : i32
        %dma_wait3A_569 = arith.constant 0 : i32
        %dma_wait3A_570 = arith.constant 0 : i32
        %dma_wait3A_571 = tpu.memref_slice %arg7[%dma_wait3A_552, %dma_wait3A_553, %dma_wait3A_568, %dma_wait3A_569, %dma_wait3A_570] : memref<2x4x4x8x128xf32, #tpu.memory_space<vmem>> -> memref<1x1x4x8x128xf32, #tpu.memory_space<vmem>>
        %dma_wait3A_572 = tpu.memref_squeeze %dma_wait3A_571 : memref<1x1x4x8x128xf32, #tpu.memory_space<vmem>> -> memref<4x8x128xf32, #tpu.memory_space<vmem>>
        tpu.wait_dma2 semaphore(%arg9 : memref<!tpu.dma_semaphore, #tpu.memory_space<semaphore_mem>>) src(%dma_wait3A_572 : memref<4x8x128xf32, #tpu.memory_space<vmem>>) dst(%dma_wait3A_567 : memref<4x8x128xf32, #tpu.memory_space<hbm>>)
      } else {
      }
      %iota3A = tpu.iota {dimensions = array<i32: 0>} : vector<16xi32>
      %parallel_loop3A = arith.constant 0 : i32
      %parallel_loop3A_256 = arith.constant 32 : i32
      %parallel_loop3A_257 = arith.constant 1 : i32
      scf.for %parallel_loop3A_474 = %parallel_loop3A to %parallel_loop3A_256 step %parallel_loop3A_257  : i32 {
        %parallel_loop3A_475 = arith.constant 16 : i32
        %parallel_loop3A_476 = arith.muli %parallel_loop3A_474, %parallel_loop3A_475 : i32
        %parallel_loop3A_477 = vector.broadcast %parallel_loop3A_476 : i32 to vector<16xi32>
        %parallel_loop3A_478 = arith.addi %parallel_loop3A_477, %iota3A : vector<16xi32>
        %parallel_loop3A_479 = arith.constant 8 : i32
        %parallel_loop3A_480 = arith.divsi %parallel_loop3A_474, %parallel_loop3A_479 : i32
        %parallel_loop3A_481 = arith.constant 0 : i32
        %parallel_loop3A_482 = arith.cmpi sgt, %parallel_loop3A_474, %parallel_loop3A_481 : i32
        %parallel_loop3A_483 = arith.extui %parallel_loop3A_482 : i1 to i32
        %parallel_loop3A_484 = arith.constant 0 : i32
        %parallel_loop3A_485 = arith.cmpi slt, %parallel_loop3A_474, %parallel_loop3A_484 : i32
        %parallel_loop3A_486 = arith.extui %parallel_loop3A_485 : i1 to i32
        %parallel_loop3A_487 = arith.subi %parallel_loop3A_483, %parallel_loop3A_486 : i32
        %parallel_loop3A_488 = arith.constant 0 : i32
        %parallel_loop3A_489 = arith.cmpi sgt, %parallel_loop3A_479, %parallel_loop3A_488 : i32
        %parallel_loop3A_490 = arith.extui %parallel_loop3A_489 : i1 to i32
        %parallel_loop3A_491 = arith.constant 0 : i32
        %parallel_loop3A_492 = arith.cmpi slt, %parallel_loop3A_479, %parallel_loop3A_491 : i32
        %parallel_loop3A_493 = arith.extui %parallel_loop3A_492 : i1 to i32
        %parallel_loop3A_494 = arith.subi %parallel_loop3A_490, %parallel_loop3A_493 : i32
        %parallel_loop3A_495 = arith.cmpi ne, %parallel_loop3A_487, %parallel_loop3A_494 : i32
        %parallel_loop3A_496 = arith.remsi %parallel_loop3A_474, %parallel_loop3A_479 : i32
        %parallel_loop3A_497 = arith.constant 0 : i32
        %parallel_loop3A_498 = arith.cmpi ne, %parallel_loop3A_496, %parallel_loop3A_497 : i32
        %parallel_loop3A_499 = arith.andi %parallel_loop3A_495, %parallel_loop3A_498 : i1
        %parallel_loop3A_500 = arith.constant 1 : i32
        %parallel_loop3A_501 = arith.subi %parallel_loop3A_480, %parallel_loop3A_500 : i32
        %parallel_loop3A_502 = arith.select %parallel_loop3A_499, %parallel_loop3A_501, %parallel_loop3A_480 : i32
        %parallel_loop3A_503 = arith.constant 8 : i32
        %parallel_loop3A_504 = arith.remsi %parallel_loop3A_474, %parallel_loop3A_503 : i32
        %parallel_loop3A_505 = arith.constant 16 : i32
        %parallel_loop3A_506 = arith.muli %parallel_loop3A_504, %parallel_loop3A_505 : i32
        %parallel_loop3A_507 = arith.constant 0 : i32
        %parallel_loop3A_508 = vector.broadcast %parallel_loop3A_507 : i32 to vector<16xi32>
        %parallel_loop3A_509 = arith.constant 0 : i32
        %parallel_loop3A_510 = arith.constant 0 : i32
        %parallel_loop3A_511 = tpu.memref_slice %arg6[%rem3A_237, %parallel_loop3A_509, %parallel_loop3A_510] : memref<4x512x32xf32, #tpu.memory_space<vmem>> -> memref<1x512x32xf32, #tpu.memory_space<vmem>>
        %parallel_loop3A_512 = tpu.memref_squeeze %parallel_loop3A_511 : memref<1x512x32xf32, #tpu.memory_space<vmem>> -> memref<512x32xf32, #tpu.memory_space<vmem>>
        %parallel_loop3A_513 = tpu.vector_load_idx %parallel_loop3A_512[%parallel_loop3A_478, %parallel_loop3A_508] : memref<512x32xf32, #tpu.memory_space<vmem>>[vector<16xi32>, vector<16xi32>], vector<16xf32>,
        %parallel_loop3A_514 = arith.constant 0 : i32
        %parallel_loop3A_515 = arith.constant 0 : i32
        %parallel_loop3A_516 = arith.constant 0 : i32
        %parallel_loop3A_517 = arith.index_cast %parallel_loop3A_514 : i32 to index
        %parallel_loop3A_518 = arith.index_cast %parallel_loop3A_515 : i32 to index
        %parallel_loop3A_519 = arith.index_cast %parallel_loop3A_502 : i32 to index
        %parallel_loop3A_520 = arith.index_cast %parallel_loop3A_516 : i32 to index
        %parallel_loop3A_521 = arith.index_cast %parallel_loop3A_506 : i32 to index
        %parallel_loop3A_522 = tpu.vector_load %arg7[%parallel_loop3A_517, %parallel_loop3A_518, %parallel_loop3A_519, %parallel_loop3A_520, %parallel_loop3A_521] {strides = array<i32>} : memref<2x4x4x8x128xf32, #tpu.memory_space<vmem>>, vector<16xf32>,
        tpu.vector_store %arg7[%parallel_loop3A_517, %parallel_loop3A_518, %parallel_loop3A_519, %parallel_loop3A_520, %parallel_loop3A_521], %parallel_loop3A_513 {strides = array<i32>} : memref<2x4x4x8x128xf32, #tpu.memory_space<vmem>>, vector<16xf32>,
        %parallel_loop3A_523 = arith.constant 1 : i32
        %parallel_loop3A_524 = vector.broadcast %parallel_loop3A_523 : i32 to vector<16xi32>
        %parallel_loop3A_525 = arith.constant 0 : i32
        %parallel_loop3A_526 = arith.constant 0 : i32
        %parallel_loop3A_527 = tpu.memref_slice %arg6[%rem3A_237, %parallel_loop3A_525, %parallel_loop3A_526] : memref<4x512x32xf32, #tpu.memory_space<vmem>> -> memref<1x512x32xf32, #tpu.memory_space<vmem>>
        %parallel_loop3A_528 = tpu.memref_squeeze %parallel_loop3A_527 : memref<1x512x32xf32, #tpu.memory_space<vmem>> -> memref<512x32xf32, #tpu.memory_space<vmem>>
        %parallel_loop3A_529 = tpu.vector_load_idx %parallel_loop3A_528[%parallel_loop3A_478, %parallel_loop3A_524] : memref<512x32xf32, #tpu.memory_space<vmem>>[vector<16xi32>, vector<16xi32>], vector<16xf32>,
        %parallel_loop3A_530 = arith.constant 0 : i32
        %parallel_loop3A_531 = arith.constant 0 : i32
        %parallel_loop3A_532 = arith.constant 1 : i32
        %parallel_loop3A_533 = arith.index_cast %parallel_loop3A_530 : i32 to index
        %parallel_loop3A_534 = arith.index_cast %parallel_loop3A_531 : i32 to index
        %parallel_loop3A_535 = arith.index_cast %parallel_loop3A_502 : i32 to index
        %parallel_loop3A_536 = arith.index_cast %parallel_loop3A_532 : i32 to index
        %parallel_loop3A_537 = arith.index_cast %parallel_loop3A_506 : i32 to index
        %parallel_loop3A_538 = tpu.vector_load %arg7[%parallel_loop3A_533, %parallel_loop3A_534, %parallel_loop3A_535, %parallel_loop3A_536, %parallel_loop3A_537] {strides = array<i32>} : memref<2x4x4x8x128xf32, #tpu.memory_space<vmem>>, vector<16xf32>,
        tpu.vector_store %arg7[%parallel_loop3A_533, %parallel_loop3A_534, %parallel_loop3A_535, %parallel_loop3A_536, %parallel_loop3A_537], %parallel_loop3A_529 {strides = array<i32>} : memref<2x4x4x8x128xf32, #tpu.memory_space<vmem>>, vector<16xf32>,
        %parallel_loop3A_539 = arith.constant 2 : i32
        %parallel_loop3A_540 = vector.broadcast %parallel_loop3A_539 : i32 to vector<16xi32>
        %parallel_loop3A_541 = arith.constant 0 : i32
        %parallel_loop3A_542 = arith.constant 0 : i32
        %parallel_loop3A_543 = tpu.memref_slice %arg6[%rem3A_237, %parallel_loop3A_541, %parallel_loop3A_542] : memref<4x512x32xf32, #tpu.memory_space<vmem>> -> memref<1x512x32xf32, #tpu.memory_space<vmem>>
        %parallel_loop3A_544 = tpu.memref_squeeze %parallel_loop3A_543 : memref<1x512x32xf32, #tpu.memory_space<vmem>> -> memref<512x32xf32, #tpu.memory_space<vmem>>
        %parallel_loop3A_545 = tpu.vector_load_idx %parallel_loop3A_544[%parallel_loop3A_478, %parallel_loop3A_540] : memref<512x32xf32, #tpu.memory_space<vmem>>[vector<16xi32>, vector<16xi32>], vector<16xf32>,
        %parallel_loop3A_546 = arith.constant 0 : i32
        %parallel_loop3A_547 = arith.constant 0 : i32
        %parallel_loop3A_548 = arith.constant 2 : i32
        %parallel_loop3A_549 = arith.index_cast %parallel_loop3A_546 : i32 to index
        %parallel_loop3A_550 = arith.index_cast %parallel_loop3A_547 : i32 to index
        %parallel_loop3A_551 = arith.index_cast %parallel_loop3A_502 : i32 to index
        %parallel_loop3A_552 = arith.index_cast %parallel_loop3A_548 : i32 to index
        %parallel_loop3A_553 = arith.index_cast %parallel_loop3A_506 : i32 to index
        %parallel_loop3A_554 = tpu.vector_load %arg7[%parallel_loop3A_549, %parallel_loop3A_550, %parallel_loop3A_551, %parallel_loop3A_552, %parallel_loop3A_553] {strides = array<i32>} : memref<2x4x4x8x128xf32, #tpu.memory_space<vmem>>, vector<16xf32>,
        tpu.vector_store %arg7[%parallel_loop3A_549, %parallel_loop3A_550, %parallel_loop3A_551, %parallel_loop3A_552, %parallel_loop3A_553], %parallel_loop3A_545 {strides = array<i32>} : memref<2x4x4x8x128xf32, #tpu.memory_space<vmem>>, vector<16xf32>,
        %parallel_loop3A_555 = arith.constant 3 : i32
        %parallel_loop3A_556 = vector.broadcast %parallel_loop3A_555 : i32 to vector<16xi32>
        %parallel_loop3A_557 = arith.constant 0 : i32
        %parallel_loop3A_558 = arith.constant 0 : i32
        %parallel_loop3A_559 = tpu.memref_slice %arg6[%rem3A_237, %parallel_loop3A_557, %parallel_loop3A_558] : memref<4x512x32xf32, #tpu.memory_space<vmem>> -> memref<1x512x32xf32, #tpu.memory_space<vmem>>
        %parallel_loop3A_560 = tpu.memref_squeeze %parallel_loop3A_559 : memref<1x512x32xf32, #tpu.memory_space<vmem>> -> memref<512x32xf32, #tpu.memory_space<vmem>>
        %parallel_loop3A_561 = tpu.vector_load_idx %parallel_loop3A_560[%parallel_loop3A_478, %parallel_loop3A_556] : memref<512x32xf32, #tpu.memory_space<vmem>>[vector<16xi32>, vector<16xi32>], vector<16xf32>,
        %parallel_loop3A_562 = arith.constant 0 : i32
        %parallel_loop3A_563 = arith.constant 0 : i32
        %parallel_loop3A_564 = arith.constant 3 : i32
        %parallel_loop3A_565 = arith.index_cast %parallel_loop3A_562 : i32 to index
        %parallel_loop3A_566 = arith.index_cast %parallel_loop3A_563 : i32 to index
        %parallel_loop3A_567 = arith.index_cast %parallel_loop3A_502 : i32 to index
        %parallel_loop3A_568 = arith.index_cast %parallel_loop3A_564 : i32 to index
        %parallel_loop3A_569 = arith.index_cast %parallel_loop3A_506 : i32 to index
        %parallel_loop3A_570 = tpu.vector_load %arg7[%parallel_loop3A_565, %parallel_loop3A_566, %parallel_loop3A_567, %parallel_loop3A_568, %parallel_loop3A_569] {strides = array<i32>} : memref<2x4x4x8x128xf32, #tpu.memory_space<vmem>>, vector<16xf32>,
        tpu.vector_store %arg7[%parallel_loop3A_565, %parallel_loop3A_566, %parallel_loop3A_567, %parallel_loop3A_568, %parallel_loop3A_569], %parallel_loop3A_561 {strides = array<i32>} : memref<2x4x4x8x128xf32, #tpu.memory_space<vmem>>, vector<16xf32>,
        %parallel_loop3A_571 = arith.constant 4 : i32
        %parallel_loop3A_572 = vector.broadcast %parallel_loop3A_571 : i32 to vector<16xi32>
        %parallel_loop3A_573 = arith.constant 0 : i32
        %parallel_loop3A_574 = arith.constant 0 : i32
        %parallel_loop3A_575 = tpu.memref_slice %arg6[%rem3A_237, %parallel_loop3A_573, %parallel_loop3A_574] : memref<4x512x32xf32, #tpu.memory_space<vmem>> -> memref<1x512x32xf32, #tpu.memory_space<vmem>>
        %parallel_loop3A_576 = tpu.memref_squeeze %parallel_loop3A_575 : memref<1x512x32xf32, #tpu.memory_space<vmem>> -> memref<512x32xf32, #tpu.memory_space<vmem>>
        %parallel_loop3A_577 = tpu.vector_load_idx %parallel_loop3A_576[%parallel_loop3A_478, %parallel_loop3A_572] : memref<512x32xf32, #tpu.memory_space<vmem>>[vector<16xi32>, vector<16xi32>], vector<16xf32>,
        %parallel_loop3A_578 = arith.constant 0 : i32
        %parallel_loop3A_579 = arith.constant 0 : i32
        %parallel_loop3A_580 = arith.constant 4 : i32
        %parallel_loop3A_581 = arith.index_cast %parallel_loop3A_578 : i32 to index
        %parallel_loop3A_582 = arith.index_cast %parallel_loop3A_579 : i32 to index
        %parallel_loop3A_583 = arith.index_cast %parallel_loop3A_502 : i32 to index
        %parallel_loop3A_584 = arith.index_cast %parallel_loop3A_580 : i32 to index
        %parallel_loop3A_585 = arith.index_cast %parallel_loop3A_506 : i32 to index
        %parallel_loop3A_586 = tpu.vector_load %arg7[%parallel_loop3A_581, %parallel_loop3A_582, %parallel_loop3A_583, %parallel_loop3A_584, %parallel_loop3A_585] {strides = array<i32>} : memref<2x4x4x8x128xf32, #tpu.memory_space<vmem>>, vector<16xf32>,
        tpu.vector_store %arg7[%parallel_loop3A_581, %parallel_loop3A_582, %parallel_loop3A_583, %parallel_loop3A_584, %parallel_loop3A_585], %parallel_loop3A_577 {strides = array<i32>} : memref<2x4x4x8x128xf32, #tpu.memory_space<vmem>>, vector<16xf32>,
        %parallel_loop3A_587 = arith.constant 5 : i32
        %parallel_loop3A_588 = vector.broadcast %parallel_loop3A_587 : i32 to vector<16xi32>
        %parallel_loop3A_589 = arith.constant 0 : i32
        %parallel_loop3A_590 = arith.constant 0 : i32
        %parallel_loop3A_591 = tpu.memref_slice %arg6[%rem3A_237, %parallel_loop3A_589, %parallel_loop3A_590] : memref<4x512x32xf32, #tpu.memory_space<vmem>> -> memref<1x512x32xf32, #tpu.memory_space<vmem>>
        %parallel_loop3A_592 = tpu.memref_squeeze %parallel_loop3A_591 : memref<1x512x32xf32, #tpu.memory_space<vmem>> -> memref<512x32xf32, #tpu.memory_space<vmem>>
        %parallel_loop3A_593 = tpu.vector_load_idx %parallel_loop3A_592[%parallel_loop3A_478, %parallel_loop3A_588] : memref<512x32xf32, #tpu.memory_space<vmem>>[vector<16xi32>, vector<16xi32>], vector<16xf32>,
        %parallel_loop3A_594 = arith.constant 0 : i32
        %parallel_loop3A_595 = arith.constant 0 : i32
        %parallel_loop3A_596 = arith.constant 5 : i32
        %parallel_loop3A_597 = arith.index_cast %parallel_loop3A_594 : i32 to index
        %parallel_loop3A_598 = arith.index_cast %parallel_loop3A_595 : i32 to index
        %parallel_loop3A_599 = arith.index_cast %parallel_loop3A_502 : i32 to index
        %parallel_loop3A_600 = arith.index_cast %parallel_loop3A_596 : i32 to index
        %parallel_loop3A_601 = arith.index_cast %parallel_loop3A_506 : i32 to index
        %parallel_loop3A_602 = tpu.vector_load %arg7[%parallel_loop3A_597, %parallel_loop3A_598, %parallel_loop3A_599, %parallel_loop3A_600, %parallel_loop3A_601] {strides = array<i32>} : memref<2x4x4x8x128xf32, #tpu.memory_space<vmem>>, vector<16xf32>,
        tpu.vector_store %arg7[%parallel_loop3A_597, %parallel_loop3A_598, %parallel_loop3A_599, %parallel_loop3A_600, %parallel_loop3A_601], %parallel_loop3A_593 {strides = array<i32>} : memref<2x4x4x8x128xf32, #tpu.memory_space<vmem>>, vector<16xf32>,
        %parallel_loop3A_603 = arith.constant 6 : i32
        %parallel_loop3A_604 = vector.broadcast %parallel_loop3A_603 : i32 to vector<16xi32>
        %parallel_loop3A_605 = arith.constant 0 : i32
        %parallel_loop3A_606 = arith.constant 0 : i32
        %parallel_loop3A_607 = tpu.memref_slice %arg6[%rem3A_237, %parallel_loop3A_605, %parallel_loop3A_606] : memref<4x512x32xf32, #tpu.memory_space<vmem>> -> memref<1x512x32xf32, #tpu.memory_space<vmem>>
        %parallel_loop3A_608 = tpu.memref_squeeze %parallel_loop3A_607 : memref<1x512x32xf32, #tpu.memory_space<vmem>> -> memref<512x32xf32, #tpu.memory_space<vmem>>
        %parallel_loop3A_609 = tpu.vector_load_idx %parallel_loop3A_608[%parallel_loop3A_478, %parallel_loop3A_604] : memref<512x32xf32, #tpu.memory_space<vmem>>[vector<16xi32>, vector<16xi32>], vector<16xf32>,
        %parallel_loop3A_610 = arith.constant 0 : i32
        %parallel_loop3A_611 = arith.constant 0 : i32
        %parallel_loop3A_612 = arith.constant 6 : i32
        %parallel_loop3A_613 = arith.index_cast %parallel_loop3A_610 : i32 to index
        %parallel_loop3A_614 = arith.index_cast %parallel_loop3A_611 : i32 to index
        %parallel_loop3A_615 = arith.index_cast %parallel_loop3A_502 : i32 to index
        %parallel_loop3A_616 = arith.index_cast %parallel_loop3A_612 : i32 to index
        %parallel_loop3A_617 = arith.index_cast %parallel_loop3A_506 : i32 to index
        %parallel_loop3A_618 = tpu.vector_load %arg7[%parallel_loop3A_613, %parallel_loop3A_614, %parallel_loop3A_615, %parallel_loop3A_616, %parallel_loop3A_617] {strides = array<i32>} : memref<2x4x4x8x128xf32, #tpu.memory_space<vmem>>, vector<16xf32>,
        tpu.vector_store %arg7[%parallel_loop3A_613, %parallel_loop3A_614, %parallel_loop3A_615, %parallel_loop3A_616, %parallel_loop3A_617], %parallel_loop3A_609 {strides = array<i32>} : memref<2x4x4x8x128xf32, #tpu.memory_space<vmem>>, vector<16xf32>,
        %parallel_loop3A_619 = arith.constant 7 : i32
        %parallel_loop3A_620 = vector.broadcast %parallel_loop3A_619 : i32 to vector<16xi32>
        %parallel_loop3A_621 = arith.constant 0 : i32
        %parallel_loop3A_622 = arith.constant 0 : i32
        %parallel_loop3A_623 = tpu.memref_slice %arg6[%rem3A_237, %parallel_loop3A_621, %parallel_loop3A_622] : memref<4x512x32xf32, #tpu.memory_space<vmem>> -> memref<1x512x32xf32, #tpu.memory_space<vmem>>
        %parallel_loop3A_624 = tpu.memref_squeeze %parallel_loop3A_623 : memref<1x512x32xf32, #tpu.memory_space<vmem>> -> memref<512x32xf32, #tpu.memory_space<vmem>>
        %parallel_loop3A_625 = tpu.vector_load_idx %parallel_loop3A_624[%parallel_loop3A_478, %parallel_loop3A_620] : memref<512x32xf32, #tpu.memory_space<vmem>>[vector<16xi32>, vector<16xi32>], vector<16xf32>,
        %parallel_loop3A_626 = arith.constant 0 : i32
        %parallel_loop3A_627 = arith.constant 0 : i32
        %parallel_loop3A_628 = arith.constant 7 : i32
        %parallel_loop3A_629 = arith.index_cast %parallel_loop3A_626 : i32 to index
        %parallel_loop3A_630 = arith.index_cast %parallel_loop3A_627 : i32 to index
        %parallel_loop3A_631 = arith.index_cast %parallel_loop3A_502 : i32 to index
        %parallel_loop3A_632 = arith.index_cast %parallel_loop3A_628 : i32 to index
        %parallel_loop3A_633 = arith.index_cast %parallel_loop3A_506 : i32 to index
        %parallel_loop3A_634 = tpu.vector_load %arg7[%parallel_loop3A_629, %parallel_loop3A_630, %parallel_loop3A_631, %parallel_loop3A_632, %parallel_loop3A_633] {strides = array<i32>} : memref<2x4x4x8x128xf32, #tpu.memory_space<vmem>>, vector<16xf32>,
        tpu.vector_store %arg7[%parallel_loop3A_629, %parallel_loop3A_630, %parallel_loop3A_631, %parallel_loop3A_632, %parallel_loop3A_633], %parallel_loop3A_625 {strides = array<i32>} : memref<2x4x4x8x128xf32, #tpu.memory_space<vmem>>, vector<16xf32>,
        %parallel_loop3A_635 = arith.constant 8 : i32
        %parallel_loop3A_636 = vector.broadcast %parallel_loop3A_635 : i32 to vector<16xi32>
        %parallel_loop3A_637 = arith.constant 0 : i32
        %parallel_loop3A_638 = arith.constant 0 : i32
        %parallel_loop3A_639 = tpu.memref_slice %arg6[%rem3A_237, %parallel_loop3A_637, %parallel_loop3A_638] : memref<4x512x32xf32, #tpu.memory_space<vmem>> -> memref<1x512x32xf32, #tpu.memory_space<vmem>>
        %parallel_loop3A_640 = tpu.memref_squeeze %parallel_loop3A_639 : memref<1x512x32xf32, #tpu.memory_space<vmem>> -> memref<512x32xf32, #tpu.memory_space<vmem>>
        %parallel_loop3A_641 = tpu.vector_load_idx %parallel_loop3A_640[%parallel_loop3A_478, %parallel_loop3A_636] : memref<512x32xf32, #tpu.memory_space<vmem>>[vector<16xi32>, vector<16xi32>], vector<16xf32>,
        %parallel_loop3A_642 = arith.constant 0 : i32
        %parallel_loop3A_643 = arith.constant 1 : i32
        %parallel_loop3A_644 = arith.constant 0 : i32
        %parallel_loop3A_645 = arith.index_cast %parallel_loop3A_642 : i32 to index
        %parallel_loop3A_646 = arith.index_cast %parallel_loop3A_643 : i32 to index
        %parallel_loop3A_647 = arith.index_cast %parallel_loop3A_502 : i32 to index
        %parallel_loop3A_648 = arith.index_cast %parallel_loop3A_644 : i32 to index
        %parallel_loop3A_649 = arith.index_cast %parallel_loop3A_506 : i32 to index
        %parallel_loop3A_650 = tpu.vector_load %arg7[%parallel_loop3A_645, %parallel_loop3A_646, %parallel_loop3A_647, %parallel_loop3A_648, %parallel_loop3A_649] {strides = array<i32>} : memref<2x4x4x8x128xf32, #tpu.memory_space<vmem>>, vector<16xf32>,
        tpu.vector_store %arg7[%parallel_loop3A_645, %parallel_loop3A_646, %parallel_loop3A_647, %parallel_loop3A_648, %parallel_loop3A_649], %parallel_loop3A_641 {strides = array<i32>} : memref<2x4x4x8x128xf32, #tpu.memory_space<vmem>>, vector<16xf32>,
        %parallel_loop3A_651 = arith.constant 9 : i32
        %parallel_loop3A_652 = vector.broadcast %parallel_loop3A_651 : i32 to vector<16xi32>
        %parallel_loop3A_653 = arith.constant 0 : i32
        %parallel_loop3A_654 = arith.constant 0 : i32
        %parallel_loop3A_655 = tpu.memref_slice %arg6[%rem3A_237, %parallel_loop3A_653, %parallel_loop3A_654] : memref<4x512x32xf32, #tpu.memory_space<vmem>> -> memref<1x512x32xf32, #tpu.memory_space<vmem>>
        %parallel_loop3A_656 = tpu.memref_squeeze %parallel_loop3A_655 : memref<1x512x32xf32, #tpu.memory_space<vmem>> -> memref<512x32xf32, #tpu.memory_space<vmem>>
        %parallel_loop3A_657 = tpu.vector_load_idx %parallel_loop3A_656[%parallel_loop3A_478, %parallel_loop3A_652] : memref<512x32xf32, #tpu.memory_space<vmem>>[vector<16xi32>, vector<16xi32>], vector<16xf32>,
        %parallel_loop3A_658 = arith.constant 0 : i32
        %parallel_loop3A_659 = arith.constant 1 : i32
        %parallel_loop3A_660 = arith.constant 1 : i32
        %parallel_loop3A_661 = arith.index_cast %parallel_loop3A_658 : i32 to index
        %parallel_loop3A_662 = arith.index_cast %parallel_loop3A_659 : i32 to index
        %parallel_loop3A_663 = arith.index_cast %parallel_loop3A_502 : i32 to index
        %parallel_loop3A_664 = arith.index_cast %parallel_loop3A_660 : i32 to index
        %parallel_loop3A_665 = arith.index_cast %parallel_loop3A_506 : i32 to index
        %parallel_loop3A_666 = tpu.vector_load %arg7[%parallel_loop3A_661, %parallel_loop3A_662, %parallel_loop3A_663, %parallel_loop3A_664, %parallel_loop3A_665] {strides = array<i32>} : memref<2x4x4x8x128xf32, #tpu.memory_space<vmem>>, vector<16xf32>,
        tpu.vector_store %arg7[%parallel_loop3A_661, %parallel_loop3A_662, %parallel_loop3A_663, %parallel_loop3A_664, %parallel_loop3A_665], %parallel_loop3A_657 {strides = array<i32>} : memref<2x4x4x8x128xf32, #tpu.memory_space<vmem>>, vector<16xf32>,
        %parallel_loop3A_667 = arith.constant 10 : i32
        %parallel_loop3A_668 = vector.broadcast %parallel_loop3A_667 : i32 to vector<16xi32>
        %parallel_loop3A_669 = arith.constant 0 : i32
        %parallel_loop3A_670 = arith.constant 0 : i32
        %parallel_loop3A_671 = tpu.memref_slice %arg6[%rem3A_237, %parallel_loop3A_669, %parallel_loop3A_670] : memref<4x512x32xf32, #tpu.memory_space<vmem>> -> memref<1x512x32xf32, #tpu.memory_space<vmem>>
        %parallel_loop3A_672 = tpu.memref_squeeze %parallel_loop3A_671 : memref<1x512x32xf32, #tpu.memory_space<vmem>> -> memref<512x32xf32, #tpu.memory_space<vmem>>
        %parallel_loop3A_673 = tpu.vector_load_idx %parallel_loop3A_672[%parallel_loop3A_478, %parallel_loop3A_668] : memref<512x32xf32, #tpu.memory_space<vmem>>[vector<16xi32>, vector<16xi32>], vector<16xf32>,
        %parallel_loop3A_674 = arith.constant 0 : i32
        %parallel_loop3A_675 = arith.constant 1 : i32
        %parallel_loop3A_676 = arith.constant 2 : i32
        %parallel_loop3A_677 = arith.index_cast %parallel_loop3A_674 : i32 to index
        %parallel_loop3A_678 = arith.index_cast %parallel_loop3A_675 : i32 to index
        %parallel_loop3A_679 = arith.index_cast %parallel_loop3A_502 : i32 to index
        %parallel_loop3A_680 = arith.index_cast %parallel_loop3A_676 : i32 to index
        %parallel_loop3A_681 = arith.index_cast %parallel_loop3A_506 : i32 to index
        %parallel_loop3A_682 = tpu.vector_load %arg7[%parallel_loop3A_677, %parallel_loop3A_678, %parallel_loop3A_679, %parallel_loop3A_680, %parallel_loop3A_681] {strides = array<i32>} : memref<2x4x4x8x128xf32, #tpu.memory_space<vmem>>, vector<16xf32>,
        tpu.vector_store %arg7[%parallel_loop3A_677, %parallel_loop3A_678, %parallel_loop3A_679, %parallel_loop3A_680, %parallel_loop3A_681], %parallel_loop3A_673 {strides = array<i32>} : memref<2x4x4x8x128xf32, #tpu.memory_space<vmem>>, vector<16xf32>,
        %parallel_loop3A_683 = arith.constant 11 : i32
        %parallel_loop3A_684 = vector.broadcast %parallel_loop3A_683 : i32 to vector<16xi32>
        %parallel_loop3A_685 = arith.constant 0 : i32
        %parallel_loop3A_686 = arith.constant 0 : i32
        %parallel_loop3A_687 = tpu.memref_slice %arg6[%rem3A_237, %parallel_loop3A_685, %parallel_loop3A_686] : memref<4x512x32xf32, #tpu.memory_space<vmem>> -> memref<1x512x32xf32, #tpu.memory_space<vmem>>
        %parallel_loop3A_688 = tpu.memref_squeeze %parallel_loop3A_687 : memref<1x512x32xf32, #tpu.memory_space<vmem>> -> memref<512x32xf32, #tpu.memory_space<vmem>>
        %parallel_loop3A_689 = tpu.vector_load_idx %parallel_loop3A_688[%parallel_loop3A_478, %parallel_loop3A_684] : memref<512x32xf32, #tpu.memory_space<vmem>>[vector<16xi32>, vector<16xi32>], vector<16xf32>,
        %parallel_loop3A_690 = arith.constant 0 : i32
        %parallel_loop3A_691 = arith.constant 1 : i32
        %parallel_loop3A_692 = arith.constant 3 : i32
        %parallel_loop3A_693 = arith.index_cast %parallel_loop3A_690 : i32 to index
        %parallel_loop3A_694 = arith.index_cast %parallel_loop3A_691 : i32 to index
        %parallel_loop3A_695 = arith.index_cast %parallel_loop3A_502 : i32 to index
        %parallel_loop3A_696 = arith.index_cast %parallel_loop3A_692 : i32 to index
        %parallel_loop3A_697 = arith.index_cast %parallel_loop3A_506 : i32 to index
        %parallel_loop3A_698 = tpu.vector_load %arg7[%parallel_loop3A_693, %parallel_loop3A_694, %parallel_loop3A_695, %parallel_loop3A_696, %parallel_loop3A_697] {strides = array<i32>} : memref<2x4x4x8x128xf32, #tpu.memory_space<vmem>>, vector<16xf32>,
        tpu.vector_store %arg7[%parallel_loop3A_693, %parallel_loop3A_694, %parallel_loop3A_695, %parallel_loop3A_696, %parallel_loop3A_697], %parallel_loop3A_689 {strides = array<i32>} : memref<2x4x4x8x128xf32, #tpu.memory_space<vmem>>, vector<16xf32>,
        %parallel_loop3A_699 = arith.constant 12 : i32
        %parallel_loop3A_700 = vector.broadcast %parallel_loop3A_699 : i32 to vector<16xi32>
        %parallel_loop3A_701 = arith.constant 0 : i32
        %parallel_loop3A_702 = arith.constant 0 : i32
        %parallel_loop3A_703 = tpu.memref_slice %arg6[%rem3A_237, %parallel_loop3A_701, %parallel_loop3A_702] : memref<4x512x32xf32, #tpu.memory_space<vmem>> -> memref<1x512x32xf32, #tpu.memory_space<vmem>>
        %parallel_loop3A_704 = tpu.memref_squeeze %parallel_loop3A_703 : memref<1x512x32xf32, #tpu.memory_space<vmem>> -> memref<512x32xf32, #tpu.memory_space<vmem>>
        %parallel_loop3A_705 = tpu.vector_load_idx %parallel_loop3A_704[%parallel_loop3A_478, %parallel_loop3A_700] : memref<512x32xf32, #tpu.memory_space<vmem>>[vector<16xi32>, vector<16xi32>], vector<16xf32>,
        %parallel_loop3A_706 = arith.constant 0 : i32
        %parallel_loop3A_707 = arith.constant 1 : i32
        %parallel_loop3A_708 = arith.constant 4 : i32
        %parallel_loop3A_709 = arith.index_cast %parallel_loop3A_706 : i32 to index
        %parallel_loop3A_710 = arith.index_cast %parallel_loop3A_707 : i32 to index
        %parallel_loop3A_711 = arith.index_cast %parallel_loop3A_502 : i32 to index
        %parallel_loop3A_712 = arith.index_cast %parallel_loop3A_708 : i32 to index
        %parallel_loop3A_713 = arith.index_cast %parallel_loop3A_506 : i32 to index
        %parallel_loop3A_714 = tpu.vector_load %arg7[%parallel_loop3A_709, %parallel_loop3A_710, %parallel_loop3A_711, %parallel_loop3A_712, %parallel_loop3A_713] {strides = array<i32>} : memref<2x4x4x8x128xf32, #tpu.memory_space<vmem>>, vector<16xf32>,
        tpu.vector_store %arg7[%parallel_loop3A_709, %parallel_loop3A_710, %parallel_loop3A_711, %parallel_loop3A_712, %parallel_loop3A_713], %parallel_loop3A_705 {strides = array<i32>} : memref<2x4x4x8x128xf32, #tpu.memory_space<vmem>>, vector<16xf32>,
        %parallel_loop3A_715 = arith.constant 13 : i32
        %parallel_loop3A_716 = vector.broadcast %parallel_loop3A_715 : i32 to vector<16xi32>
        %parallel_loop3A_717 = arith.constant 0 : i32
        %parallel_loop3A_718 = arith.constant 0 : i32
        %parallel_loop3A_719 = tpu.memref_slice %arg6[%rem3A_237, %parallel_loop3A_717, %parallel_loop3A_718] : memref<4x512x32xf32, #tpu.memory_space<vmem>> -> memref<1x512x32xf32, #tpu.memory_space<vmem>>
        %parallel_loop3A_720 = tpu.memref_squeeze %parallel_loop3A_719 : memref<1x512x32xf32, #tpu.memory_space<vmem>> -> memref<512x32xf32, #tpu.memory_space<vmem>>
        %parallel_loop3A_721 = tpu.vector_load_idx %parallel_loop3A_720[%parallel_loop3A_478, %parallel_loop3A_716] : memref<512x32xf32, #tpu.memory_space<vmem>>[vector<16xi32>, vector<16xi32>], vector<16xf32>,
        %parallel_loop3A_722 = arith.constant 0 : i32
        %parallel_loop3A_723 = arith.constant 1 : i32
        %parallel_loop3A_724 = arith.constant 5 : i32
        %parallel_loop3A_725 = arith.index_cast %parallel_loop3A_722 : i32 to index
        %parallel_loop3A_726 = arith.index_cast %parallel_loop3A_723 : i32 to index
        %parallel_loop3A_727 = arith.index_cast %parallel_loop3A_502 : i32 to index
        %parallel_loop3A_728 = arith.index_cast %parallel_loop3A_724 : i32 to index
        %parallel_loop3A_729 = arith.index_cast %parallel_loop3A_506 : i32 to index
        %parallel_loop3A_730 = tpu.vector_load %arg7[%parallel_loop3A_725, %parallel_loop3A_726, %parallel_loop3A_727, %parallel_loop3A_728, %parallel_loop3A_729] {strides = array<i32>} : memref<2x4x4x8x128xf32, #tpu.memory_space<vmem>>, vector<16xf32>,
        tpu.vector_store %arg7[%parallel_loop3A_725, %parallel_loop3A_726, %parallel_loop3A_727, %parallel_loop3A_728, %parallel_loop3A_729], %parallel_loop3A_721 {strides = array<i32>} : memref<2x4x4x8x128xf32, #tpu.memory_space<vmem>>, vector<16xf32>,
        %parallel_loop3A_731 = arith.constant 14 : i32
        %parallel_loop3A_732 = vector.broadcast %parallel_loop3A_731 : i32 to vector<16xi32>
        %parallel_loop3A_733 = arith.constant 0 : i32
        %parallel_loop3A_734 = arith.constant 0 : i32
        %parallel_loop3A_735 = tpu.memref_slice %arg6[%rem3A_237, %parallel_loop3A_733, %parallel_loop3A_734] : memref<4x512x32xf32, #tpu.memory_space<vmem>> -> memref<1x512x32xf32, #tpu.memory_space<vmem>>
        %parallel_loop3A_736 = tpu.memref_squeeze %parallel_loop3A_735 : memref<1x512x32xf32, #tpu.memory_space<vmem>> -> memref<512x32xf32, #tpu.memory_space<vmem>>
        %parallel_loop3A_737 = tpu.vector_load_idx %parallel_loop3A_736[%parallel_loop3A_478, %parallel_loop3A_732] : memref<512x32xf32, #tpu.memory_space<vmem>>[vector<16xi32>, vector<16xi32>], vector<16xf32>,
        %parallel_loop3A_738 = arith.constant 0 : i32
        %parallel_loop3A_739 = arith.constant 1 : i32
        %parallel_loop3A_740 = arith.constant 6 : i32
        %parallel_loop3A_741 = arith.index_cast %parallel_loop3A_738 : i32 to index
        %parallel_loop3A_742 = arith.index_cast %parallel_loop3A_739 : i32 to index
        %parallel_loop3A_743 = arith.index_cast %parallel_loop3A_502 : i32 to index
        %parallel_loop3A_744 = arith.index_cast %parallel_loop3A_740 : i32 to index
        %parallel_loop3A_745 = arith.index_cast %parallel_loop3A_506 : i32 to index
        %parallel_loop3A_746 = tpu.vector_load %arg7[%parallel_loop3A_741, %parallel_loop3A_742, %parallel_loop3A_743, %parallel_loop3A_744, %parallel_loop3A_745] {strides = array<i32>} : memref<2x4x4x8x128xf32, #tpu.memory_space<vmem>>, vector<16xf32>,
        tpu.vector_store %arg7[%parallel_loop3A_741, %parallel_loop3A_742, %parallel_loop3A_743, %parallel_loop3A_744, %parallel_loop3A_745], %parallel_loop3A_737 {strides = array<i32>} : memref<2x4x4x8x128xf32, #tpu.memory_space<vmem>>, vector<16xf32>,
        %parallel_loop3A_747 = arith.constant 15 : i32
        %parallel_loop3A_748 = vector.broadcast %parallel_loop3A_747 : i32 to vector<16xi32>
        %parallel_loop3A_749 = arith.constant 0 : i32
        %parallel_loop3A_750 = arith.constant 0 : i32
        %parallel_loop3A_751 = tpu.memref_slice %arg6[%rem3A_237, %parallel_loop3A_749, %parallel_loop3A_750] : memref<4x512x32xf32, #tpu.memory_space<vmem>> -> memref<1x512x32xf32, #tpu.memory_space<vmem>>
        %parallel_loop3A_752 = tpu.memref_squeeze %parallel_loop3A_751 : memref<1x512x32xf32, #tpu.memory_space<vmem>> -> memref<512x32xf32, #tpu.memory_space<vmem>>
        %parallel_loop3A_753 = tpu.vector_load_idx %parallel_loop3A_752[%parallel_loop3A_478, %parallel_loop3A_748] : memref<512x32xf32, #tpu.memory_space<vmem>>[vector<16xi32>, vector<16xi32>], vector<16xf32>,
        %parallel_loop3A_754 = arith.constant 0 : i32
        %parallel_loop3A_755 = arith.constant 1 : i32
        %parallel_loop3A_756 = arith.constant 7 : i32
        %parallel_loop3A_757 = arith.index_cast %parallel_loop3A_754 : i32 to index
        %parallel_loop3A_758 = arith.index_cast %parallel_loop3A_755 : i32 to index
        %parallel_loop3A_759 = arith.index_cast %parallel_loop3A_502 : i32 to index
        %parallel_loop3A_760 = arith.index_cast %parallel_loop3A_756 : i32 to index
        %parallel_loop3A_761 = arith.index_cast %parallel_loop3A_506 : i32 to index
        %parallel_loop3A_762 = tpu.vector_load %arg7[%parallel_loop3A_757, %parallel_loop3A_758, %parallel_loop3A_759, %parallel_loop3A_760, %parallel_loop3A_761] {strides = array<i32>} : memref<2x4x4x8x128xf32, #tpu.memory_space<vmem>>, vector<16xf32>,
        tpu.vector_store %arg7[%parallel_loop3A_757, %parallel_loop3A_758, %parallel_loop3A_759, %parallel_loop3A_760, %parallel_loop3A_761], %parallel_loop3A_753 {strides = array<i32>} : memref<2x4x4x8x128xf32, #tpu.memory_space<vmem>>, vector<16xf32>,
        %parallel_loop3A_763 = arith.constant 16 : i32
        %parallel_loop3A_764 = vector.broadcast %parallel_loop3A_763 : i32 to vector<16xi32>
        %parallel_loop3A_765 = arith.constant 0 : i32
        %parallel_loop3A_766 = arith.constant 0 : i32
        %parallel_loop3A_767 = tpu.memref_slice %arg6[%rem3A_237, %parallel_loop3A_765, %parallel_loop3A_766] : memref<4x512x32xf32, #tpu.memory_space<vmem>> -> memref<1x512x32xf32, #tpu.memory_space<vmem>>
        %parallel_loop3A_768 = tpu.memref_squeeze %parallel_loop3A_767 : memref<1x512x32xf32, #tpu.memory_space<vmem>> -> memref<512x32xf32, #tpu.memory_space<vmem>>
        %parallel_loop3A_769 = tpu.vector_load_idx %parallel_loop3A_768[%parallel_loop3A_478, %parallel_loop3A_764] : memref<512x32xf32, #tpu.memory_space<vmem>>[vector<16xi32>, vector<16xi32>], vector<16xf32>,
        %parallel_loop3A_770 = arith.constant 0 : i32
        %parallel_loop3A_771 = arith.constant 2 : i32
        %parallel_loop3A_772 = arith.constant 0 : i32
        %parallel_loop3A_773 = arith.index_cast %parallel_loop3A_770 : i32 to index
        %parallel_loop3A_774 = arith.index_cast %parallel_loop3A_771 : i32 to index
        %parallel_loop3A_775 = arith.index_cast %parallel_loop3A_502 : i32 to index
        %parallel_loop3A_776 = arith.index_cast %parallel_loop3A_772 : i32 to index
        %parallel_loop3A_777 = arith.index_cast %parallel_loop3A_506 : i32 to index
        %parallel_loop3A_778 = tpu.vector_load %arg7[%parallel_loop3A_773, %parallel_loop3A_774, %parallel_loop3A_775, %parallel_loop3A_776, %parallel_loop3A_777] {strides = array<i32>} : memref<2x4x4x8x128xf32, #tpu.memory_space<vmem>>, vector<16xf32>,
        tpu.vector_store %arg7[%parallel_loop3A_773, %parallel_loop3A_774, %parallel_loop3A_775, %parallel_loop3A_776, %parallel_loop3A_777], %parallel_loop3A_769 {strides = array<i32>} : memref<2x4x4x8x128xf32, #tpu.memory_space<vmem>>, vector<16xf32>,
        %parallel_loop3A_779 = arith.constant 17 : i32
        %parallel_loop3A_780 = vector.broadcast %parallel_loop3A_779 : i32 to vector<16xi32>
        %parallel_loop3A_781 = arith.constant 0 : i32
        %parallel_loop3A_782 = arith.constant 0 : i32
        %parallel_loop3A_783 = tpu.memref_slice %arg6[%rem3A_237, %parallel_loop3A_781, %parallel_loop3A_782] : memref<4x512x32xf32, #tpu.memory_space<vmem>> -> memref<1x512x32xf32, #tpu.memory_space<vmem>>
        %parallel_loop3A_784 = tpu.memref_squeeze %parallel_loop3A_783 : memref<1x512x32xf32, #tpu.memory_space<vmem>> -> memref<512x32xf32, #tpu.memory_space<vmem>>
        %parallel_loop3A_785 = tpu.vector_load_idx %parallel_loop3A_784[%parallel_loop3A_478, %parallel_loop3A_780] : memref<512x32xf32, #tpu.memory_space<vmem>>[vector<16xi32>, vector<16xi32>], vector<16xf32>,
        %parallel_loop3A_786 = arith.constant 0 : i32
        %parallel_loop3A_787 = arith.constant 2 : i32
        %parallel_loop3A_788 = arith.constant 1 : i32
        %parallel_loop3A_789 = arith.index_cast %parallel_loop3A_786 : i32 to index
        %parallel_loop3A_790 = arith.index_cast %parallel_loop3A_787 : i32 to index
        %parallel_loop3A_791 = arith.index_cast %parallel_loop3A_502 : i32 to index
        %parallel_loop3A_792 = arith.index_cast %parallel_loop3A_788 : i32 to index
        %parallel_loop3A_793 = arith.index_cast %parallel_loop3A_506 : i32 to index
        %parallel_loop3A_794 = tpu.vector_load %arg7[%parallel_loop3A_789, %parallel_loop3A_790, %parallel_loop3A_791, %parallel_loop3A_792, %parallel_loop3A_793] {strides = array<i32>} : memref<2x4x4x8x128xf32, #tpu.memory_space<vmem>>, vector<16xf32>,
        tpu.vector_store %arg7[%parallel_loop3A_789, %parallel_loop3A_790, %parallel_loop3A_791, %parallel_loop3A_792, %parallel_loop3A_793], %parallel_loop3A_785 {strides = array<i32>} : memref<2x4x4x8x128xf32, #tpu.memory_space<vmem>>, vector<16xf32>,
        %parallel_loop3A_795 = arith.constant 18 : i32
        %parallel_loop3A_796 = vector.broadcast %parallel_loop3A_795 : i32 to vector<16xi32>
        %parallel_loop3A_797 = arith.constant 0 : i32
        %parallel_loop3A_798 = arith.constant 0 : i32
        %parallel_loop3A_799 = tpu.memref_slice %arg6[%rem3A_237, %parallel_loop3A_797, %parallel_loop3A_798] : memref<4x512x32xf32, #tpu.memory_space<vmem>> -> memref<1x512x32xf32, #tpu.memory_space<vmem>>
        %parallel_loop3A_800 = tpu.memref_squeeze %parallel_loop3A_799 : memref<1x512x32xf32, #tpu.memory_space<vmem>> -> memref<512x32xf32, #tpu.memory_space<vmem>>
        %parallel_loop3A_801 = tpu.vector_load_idx %parallel_loop3A_800[%parallel_loop3A_478, %parallel_loop3A_796] : memref<512x32xf32, #tpu.memory_space<vmem>>[vector<16xi32>, vector<16xi32>], vector<16xf32>,
        %parallel_loop3A_802 = arith.constant 0 : i32
        %parallel_loop3A_803 = arith.constant 2 : i32
        %parallel_loop3A_804 = arith.constant 2 : i32
        %parallel_loop3A_805 = arith.index_cast %parallel_loop3A_802 : i32 to index
        %parallel_loop3A_806 = arith.index_cast %parallel_loop3A_803 : i32 to index
        %parallel_loop3A_807 = arith.index_cast %parallel_loop3A_502 : i32 to index
        %parallel_loop3A_808 = arith.index_cast %parallel_loop3A_804 : i32 to index
        %parallel_loop3A_809 = arith.index_cast %parallel_loop3A_506 : i32 to index
        %parallel_loop3A_810 = tpu.vector_load %arg7[%parallel_loop3A_805, %parallel_loop3A_806, %parallel_loop3A_807, %parallel_loop3A_808, %parallel_loop3A_809] {strides = array<i32>} : memref<2x4x4x8x128xf32, #tpu.memory_space<vmem>>, vector<16xf32>,
        tpu.vector_store %arg7[%parallel_loop3A_805, %parallel_loop3A_806, %parallel_loop3A_807, %parallel_loop3A_808, %parallel_loop3A_809], %parallel_loop3A_801 {strides = array<i32>} : memref<2x4x4x8x128xf32, #tpu.memory_space<vmem>>, vector<16xf32>,
        %parallel_loop3A_811 = arith.constant 19 : i32
        %parallel_loop3A_812 = vector.broadcast %parallel_loop3A_811 : i32 to vector<16xi32>
        %parallel_loop3A_813 = arith.constant 0 : i32
        %parallel_loop3A_814 = arith.constant 0 : i32
        %parallel_loop3A_815 = tpu.memref_slice %arg6[%rem3A_237, %parallel_loop3A_813, %parallel_loop3A_814] : memref<4x512x32xf32, #tpu.memory_space<vmem>> -> memref<1x512x32xf32, #tpu.memory_space<vmem>>
        %parallel_loop3A_816 = tpu.memref_squeeze %parallel_loop3A_815 : memref<1x512x32xf32, #tpu.memory_space<vmem>> -> memref<512x32xf32, #tpu.memory_space<vmem>>
        %parallel_loop3A_817 = tpu.vector_load_idx %parallel_loop3A_816[%parallel_loop3A_478, %parallel_loop3A_812] : memref<512x32xf32, #tpu.memory_space<vmem>>[vector<16xi32>, vector<16xi32>], vector<16xf32>,
        %parallel_loop3A_818 = arith.constant 0 : i32
        %parallel_loop3A_819 = arith.constant 2 : i32
        %parallel_loop3A_820 = arith.constant 3 : i32
        %parallel_loop3A_821 = arith.index_cast %parallel_loop3A_818 : i32 to index
        %parallel_loop3A_822 = arith.index_cast %parallel_loop3A_819 : i32 to index
        %parallel_loop3A_823 = arith.index_cast %parallel_loop3A_502 : i32 to index
        %parallel_loop3A_824 = arith.index_cast %parallel_loop3A_820 : i32 to index
        %parallel_loop3A_825 = arith.index_cast %parallel_loop3A_506 : i32 to index
        %parallel_loop3A_826 = tpu.vector_load %arg7[%parallel_loop3A_821, %parallel_loop3A_822, %parallel_loop3A_823, %parallel_loop3A_824, %parallel_loop3A_825] {strides = array<i32>} : memref<2x4x4x8x128xf32, #tpu.memory_space<vmem>>, vector<16xf32>,
        tpu.vector_store %arg7[%parallel_loop3A_821, %parallel_loop3A_822, %parallel_loop3A_823, %parallel_loop3A_824, %parallel_loop3A_825], %parallel_loop3A_817 {strides = array<i32>} : memref<2x4x4x8x128xf32, #tpu.memory_space<vmem>>, vector<16xf32>,
        %parallel_loop3A_827 = arith.constant 20 : i32
        %parallel_loop3A_828 = vector.broadcast %parallel_loop3A_827 : i32 to vector<16xi32>
        %parallel_loop3A_829 = arith.constant 0 : i32
        %parallel_loop3A_830 = arith.constant 0 : i32
        %parallel_loop3A_831 = tpu.memref_slice %arg6[%rem3A_237, %parallel_loop3A_829, %parallel_loop3A_830] : memref<4x512x32xf32, #tpu.memory_space<vmem>> -> memref<1x512x32xf32, #tpu.memory_space<vmem>>
        %parallel_loop3A_832 = tpu.memref_squeeze %parallel_loop3A_831 : memref<1x512x32xf32, #tpu.memory_space<vmem>> -> memref<512x32xf32, #tpu.memory_space<vmem>>
        %parallel_loop3A_833 = tpu.vector_load_idx %parallel_loop3A_832[%parallel_loop3A_478, %parallel_loop3A_828] : memref<512x32xf32, #tpu.memory_space<vmem>>[vector<16xi32>, vector<16xi32>], vector<16xf32>,
        %parallel_loop3A_834 = arith.constant 0 : i32
        %parallel_loop3A_835 = arith.constant 2 : i32
        %parallel_loop3A_836 = arith.constant 4 : i32
        %parallel_loop3A_837 = arith.index_cast %parallel_loop3A_834 : i32 to index
        %parallel_loop3A_838 = arith.index_cast %parallel_loop3A_835 : i32 to index
        %parallel_loop3A_839 = arith.index_cast %parallel_loop3A_502 : i32 to index
        %parallel_loop3A_840 = arith.index_cast %parallel_loop3A_836 : i32 to index
        %parallel_loop3A_841 = arith.index_cast %parallel_loop3A_506 : i32 to index
        %parallel_loop3A_842 = tpu.vector_load %arg7[%parallel_loop3A_837, %parallel_loop3A_838, %parallel_loop3A_839, %parallel_loop3A_840, %parallel_loop3A_841] {strides = array<i32>} : memref<2x4x4x8x128xf32, #tpu.memory_space<vmem>>, vector<16xf32>,
        tpu.vector_store %arg7[%parallel_loop3A_837, %parallel_loop3A_838, %parallel_loop3A_839, %parallel_loop3A_840, %parallel_loop3A_841], %parallel_loop3A_833 {strides = array<i32>} : memref<2x4x4x8x128xf32, #tpu.memory_space<vmem>>, vector<16xf32>,
        %parallel_loop3A_843 = arith.constant 21 : i32
        %parallel_loop3A_844 = vector.broadcast %parallel_loop3A_843 : i32 to vector<16xi32>
        %parallel_loop3A_845 = arith.constant 0 : i32
        %parallel_loop3A_846 = arith.constant 0 : i32
        %parallel_loop3A_847 = tpu.memref_slice %arg6[%rem3A_237, %parallel_loop3A_845, %parallel_loop3A_846] : memref<4x512x32xf32, #tpu.memory_space<vmem>> -> memref<1x512x32xf32, #tpu.memory_space<vmem>>
        %parallel_loop3A_848 = tpu.memref_squeeze %parallel_loop3A_847 : memref<1x512x32xf32, #tpu.memory_space<vmem>> -> memref<512x32xf32, #tpu.memory_space<vmem>>
        %parallel_loop3A_849 = tpu.vector_load_idx %parallel_loop3A_848[%parallel_loop3A_478, %parallel_loop3A_844] : memref<512x32xf32, #tpu.memory_space<vmem>>[vector<16xi32>, vector<16xi32>], vector<16xf32>,
        %parallel_loop3A_850 = arith.constant 0 : i32
        %parallel_loop3A_851 = arith.constant 2 : i32
        %parallel_loop3A_852 = arith.constant 5 : i32
        %parallel_loop3A_853 = arith.index_cast %parallel_loop3A_850 : i32 to index
        %parallel_loop3A_854 = arith.index_cast %parallel_loop3A_851 : i32 to index
        %parallel_loop3A_855 = arith.index_cast %parallel_loop3A_502 : i32 to index
        %parallel_loop3A_856 = arith.index_cast %parallel_loop3A_852 : i32 to index
        %parallel_loop3A_857 = arith.index_cast %parallel_loop3A_506 : i32 to index
        %parallel_loop3A_858 = tpu.vector_load %arg7[%parallel_loop3A_853, %parallel_loop3A_854, %parallel_loop3A_855, %parallel_loop3A_856, %parallel_loop3A_857] {strides = array<i32>} : memref<2x4x4x8x128xf32, #tpu.memory_space<vmem>>, vector<16xf32>,
        tpu.vector_store %arg7[%parallel_loop3A_853, %parallel_loop3A_854, %parallel_loop3A_855, %parallel_loop3A_856, %parallel_loop3A_857], %parallel_loop3A_849 {strides = array<i32>} : memref<2x4x4x8x128xf32, #tpu.memory_space<vmem>>, vector<16xf32>,
        %parallel_loop3A_859 = arith.constant 22 : i32
        %parallel_loop3A_860 = vector.broadcast %parallel_loop3A_859 : i32 to vector<16xi32>
        %parallel_loop3A_861 = arith.constant 0 : i32
        %parallel_loop3A_862 = arith.constant 0 : i32
        %parallel_loop3A_863 = tpu.memref_slice %arg6[%rem3A_237, %parallel_loop3A_861, %parallel_loop3A_862] : memref<4x512x32xf32, #tpu.memory_space<vmem>> -> memref<1x512x32xf32, #tpu.memory_space<vmem>>
        %parallel_loop3A_864 = tpu.memref_squeeze %parallel_loop3A_863 : memref<1x512x32xf32, #tpu.memory_space<vmem>> -> memref<512x32xf32, #tpu.memory_space<vmem>>
        %parallel_loop3A_865 = tpu.vector_load_idx %parallel_loop3A_864[%parallel_loop3A_478, %parallel_loop3A_860] : memref<512x32xf32, #tpu.memory_space<vmem>>[vector<16xi32>, vector<16xi32>], vector<16xf32>,
        %parallel_loop3A_866 = arith.constant 0 : i32
        %parallel_loop3A_867 = arith.constant 2 : i32
        %parallel_loop3A_868 = arith.constant 6 : i32
        %parallel_loop3A_869 = arith.index_cast %parallel_loop3A_866 : i32 to index
        %parallel_loop3A_870 = arith.index_cast %parallel_loop3A_867 : i32 to index
        %parallel_loop3A_871 = arith.index_cast %parallel_loop3A_502 : i32 to index
        %parallel_loop3A_872 = arith.index_cast %parallel_loop3A_868 : i32 to index
        %parallel_loop3A_873 = arith.index_cast %parallel_loop3A_506 : i32 to index
        %parallel_loop3A_874 = tpu.vector_load %arg7[%parallel_loop3A_869, %parallel_loop3A_870, %parallel_loop3A_871, %parallel_loop3A_872, %parallel_loop3A_873] {strides = array<i32>} : memref<2x4x4x8x128xf32, #tpu.memory_space<vmem>>, vector<16xf32>,
        tpu.vector_store %arg7[%parallel_loop3A_869, %parallel_loop3A_870, %parallel_loop3A_871, %parallel_loop3A_872, %parallel_loop3A_873], %parallel_loop3A_865 {strides = array<i32>} : memref<2x4x4x8x128xf32, #tpu.memory_space<vmem>>, vector<16xf32>,
        %parallel_loop3A_875 = arith.constant 23 : i32
        %parallel_loop3A_876 = vector.broadcast %parallel_loop3A_875 : i32 to vector<16xi32>
        %parallel_loop3A_877 = arith.constant 0 : i32
        %parallel_loop3A_878 = arith.constant 0 : i32
        %parallel_loop3A_879 = tpu.memref_slice %arg6[%rem3A_237, %parallel_loop3A_877, %parallel_loop3A_878] : memref<4x512x32xf32, #tpu.memory_space<vmem>> -> memref<1x512x32xf32, #tpu.memory_space<vmem>>
        %parallel_loop3A_880 = tpu.memref_squeeze %parallel_loop3A_879 : memref<1x512x32xf32, #tpu.memory_space<vmem>> -> memref<512x32xf32, #tpu.memory_space<vmem>>
        %parallel_loop3A_881 = tpu.vector_load_idx %parallel_loop3A_880[%parallel_loop3A_478, %parallel_loop3A_876] : memref<512x32xf32, #tpu.memory_space<vmem>>[vector<16xi32>, vector<16xi32>], vector<16xf32>,
        %parallel_loop3A_882 = arith.constant 0 : i32
        %parallel_loop3A_883 = arith.constant 2 : i32
        %parallel_loop3A_884 = arith.constant 7 : i32
        %parallel_loop3A_885 = arith.index_cast %parallel_loop3A_882 : i32 to index
        %parallel_loop3A_886 = arith.index_cast %parallel_loop3A_883 : i32 to index
        %parallel_loop3A_887 = arith.index_cast %parallel_loop3A_502 : i32 to index
        %parallel_loop3A_888 = arith.index_cast %parallel_loop3A_884 : i32 to index
        %parallel_loop3A_889 = arith.index_cast %parallel_loop3A_506 : i32 to index
        %parallel_loop3A_890 = tpu.vector_load %arg7[%parallel_loop3A_885, %parallel_loop3A_886, %parallel_loop3A_887, %parallel_loop3A_888, %parallel_loop3A_889] {strides = array<i32>} : memref<2x4x4x8x128xf32, #tpu.memory_space<vmem>>, vector<16xf32>,
        tpu.vector_store %arg7[%parallel_loop3A_885, %parallel_loop3A_886, %parallel_loop3A_887, %parallel_loop3A_888, %parallel_loop3A_889], %parallel_loop3A_881 {strides = array<i32>} : memref<2x4x4x8x128xf32, #tpu.memory_space<vmem>>, vector<16xf32>,
        %parallel_loop3A_891 = arith.constant 24 : i32
        %parallel_loop3A_892 = vector.broadcast %parallel_loop3A_891 : i32 to vector<16xi32>
        %parallel_loop3A_893 = arith.constant 0 : i32
        %parallel_loop3A_894 = arith.constant 0 : i32
        %parallel_loop3A_895 = tpu.memref_slice %arg6[%rem3A_237, %parallel_loop3A_893, %parallel_loop3A_894] : memref<4x512x32xf32, #tpu.memory_space<vmem>> -> memref<1x512x32xf32, #tpu.memory_space<vmem>>
        %parallel_loop3A_896 = tpu.memref_squeeze %parallel_loop3A_895 : memref<1x512x32xf32, #tpu.memory_space<vmem>> -> memref<512x32xf32, #tpu.memory_space<vmem>>
        %parallel_loop3A_897 = tpu.vector_load_idx %parallel_loop3A_896[%parallel_loop3A_478, %parallel_loop3A_892] : memref<512x32xf32, #tpu.memory_space<vmem>>[vector<16xi32>, vector<16xi32>], vector<16xf32>,
        %parallel_loop3A_898 = arith.constant 0 : i32
        %parallel_loop3A_899 = arith.constant 3 : i32
        %parallel_loop3A_900 = arith.constant 0 : i32
        %parallel_loop3A_901 = arith.index_cast %parallel_loop3A_898 : i32 to index
        %parallel_loop3A_902 = arith.index_cast %parallel_loop3A_899 : i32 to index
        %parallel_loop3A_903 = arith.index_cast %parallel_loop3A_502 : i32 to index
        %parallel_loop3A_904 = arith.index_cast %parallel_loop3A_900 : i32 to index
        %parallel_loop3A_905 = arith.index_cast %parallel_loop3A_506 : i32 to index
        %parallel_loop3A_906 = tpu.vector_load %arg7[%parallel_loop3A_901, %parallel_loop3A_902, %parallel_loop3A_903, %parallel_loop3A_904, %parallel_loop3A_905] {strides = array<i32>} : memref<2x4x4x8x128xf32, #tpu.memory_space<vmem>>, vector<16xf32>,
        tpu.vector_store %arg7[%parallel_loop3A_901, %parallel_loop3A_902, %parallel_loop3A_903, %parallel_loop3A_904, %parallel_loop3A_905], %parallel_loop3A_897 {strides = array<i32>} : memref<2x4x4x8x128xf32, #tpu.memory_space<vmem>>, vector<16xf32>,
        %parallel_loop3A_907 = arith.constant 25 : i32
        %parallel_loop3A_908 = vector.broadcast %parallel_loop3A_907 : i32 to vector<16xi32>
        %parallel_loop3A_909 = arith.constant 0 : i32
        %parallel_loop3A_910 = arith.constant 0 : i32
        %parallel_loop3A_911 = tpu.memref_slice %arg6[%rem3A_237, %parallel_loop3A_909, %parallel_loop3A_910] : memref<4x512x32xf32, #tpu.memory_space<vmem>> -> memref<1x512x32xf32, #tpu.memory_space<vmem>>
        %parallel_loop3A_912 = tpu.memref_squeeze %parallel_loop3A_911 : memref<1x512x32xf32, #tpu.memory_space<vmem>> -> memref<512x32xf32, #tpu.memory_space<vmem>>
        %parallel_loop3A_913 = tpu.vector_load_idx %parallel_loop3A_912[%parallel_loop3A_478, %parallel_loop3A_908] : memref<512x32xf32, #tpu.memory_space<vmem>>[vector<16xi32>, vector<16xi32>], vector<16xf32>,
        %parallel_loop3A_914 = arith.constant 0 : i32
        %parallel_loop3A_915 = arith.constant 3 : i32
        %parallel_loop3A_916 = arith.constant 1 : i32
        %parallel_loop3A_917 = arith.index_cast %parallel_loop3A_914 : i32 to index
        %parallel_loop3A_918 = arith.index_cast %parallel_loop3A_915 : i32 to index
        %parallel_loop3A_919 = arith.index_cast %parallel_loop3A_502 : i32 to index
        %parallel_loop3A_920 = arith.index_cast %parallel_loop3A_916 : i32 to index
        %parallel_loop3A_921 = arith.index_cast %parallel_loop3A_506 : i32 to index
        %parallel_loop3A_922 = tpu.vector_load %arg7[%parallel_loop3A_917, %parallel_loop3A_918, %parallel_loop3A_919, %parallel_loop3A_920, %parallel_loop3A_921] {strides = array<i32>} : memref<2x4x4x8x128xf32, #tpu.memory_space<vmem>>, vector<16xf32>,
        tpu.vector_store %arg7[%parallel_loop3A_917, %parallel_loop3A_918, %parallel_loop3A_919, %parallel_loop3A_920, %parallel_loop3A_921], %parallel_loop3A_913 {strides = array<i32>} : memref<2x4x4x8x128xf32, #tpu.memory_space<vmem>>, vector<16xf32>,
        %parallel_loop3A_923 = arith.constant 26 : i32
        %parallel_loop3A_924 = vector.broadcast %parallel_loop3A_923 : i32 to vector<16xi32>
        %parallel_loop3A_925 = arith.constant 0 : i32
        %parallel_loop3A_926 = arith.constant 0 : i32
        %parallel_loop3A_927 = tpu.memref_slice %arg6[%rem3A_237, %parallel_loop3A_925, %parallel_loop3A_926] : memref<4x512x32xf32, #tpu.memory_space<vmem>> -> memref<1x512x32xf32, #tpu.memory_space<vmem>>
        %parallel_loop3A_928 = tpu.memref_squeeze %parallel_loop3A_927 : memref<1x512x32xf32, #tpu.memory_space<vmem>> -> memref<512x32xf32, #tpu.memory_space<vmem>>
        %parallel_loop3A_929 = tpu.vector_load_idx %parallel_loop3A_928[%parallel_loop3A_478, %parallel_loop3A_924] : memref<512x32xf32, #tpu.memory_space<vmem>>[vector<16xi32>, vector<16xi32>], vector<16xf32>,
        %parallel_loop3A_930 = arith.constant 0 : i32
        %parallel_loop3A_931 = arith.constant 3 : i32
        %parallel_loop3A_932 = arith.constant 2 : i32
        %parallel_loop3A_933 = arith.index_cast %parallel_loop3A_930 : i32 to index
        %parallel_loop3A_934 = arith.index_cast %parallel_loop3A_931 : i32 to index
        %parallel_loop3A_935 = arith.index_cast %parallel_loop3A_502 : i32 to index
        %parallel_loop3A_936 = arith.index_cast %parallel_loop3A_932 : i32 to index
        %parallel_loop3A_937 = arith.index_cast %parallel_loop3A_506 : i32 to index
        %parallel_loop3A_938 = tpu.vector_load %arg7[%parallel_loop3A_933, %parallel_loop3A_934, %parallel_loop3A_935, %parallel_loop3A_936, %parallel_loop3A_937] {strides = array<i32>} : memref<2x4x4x8x128xf32, #tpu.memory_space<vmem>>, vector<16xf32>,
        tpu.vector_store %arg7[%parallel_loop3A_933, %parallel_loop3A_934, %parallel_loop3A_935, %parallel_loop3A_936, %parallel_loop3A_937], %parallel_loop3A_929 {strides = array<i32>} : memref<2x4x4x8x128xf32, #tpu.memory_space<vmem>>, vector<16xf32>,
        %parallel_loop3A_939 = arith.constant 27 : i32
        %parallel_loop3A_940 = vector.broadcast %parallel_loop3A_939 : i32 to vector<16xi32>
        %parallel_loop3A_941 = arith.constant 0 : i32
        %parallel_loop3A_942 = arith.constant 0 : i32
        %parallel_loop3A_943 = tpu.memref_slice %arg6[%rem3A_237, %parallel_loop3A_941, %parallel_loop3A_942] : memref<4x512x32xf32, #tpu.memory_space<vmem>> -> memref<1x512x32xf32, #tpu.memory_space<vmem>>
        %parallel_loop3A_944 = tpu.memref_squeeze %parallel_loop3A_943 : memref<1x512x32xf32, #tpu.memory_space<vmem>> -> memref<512x32xf32, #tpu.memory_space<vmem>>
        %parallel_loop3A_945 = tpu.vector_load_idx %parallel_loop3A_944[%parallel_loop3A_478, %parallel_loop3A_940] : memref<512x32xf32, #tpu.memory_space<vmem>>[vector<16xi32>, vector<16xi32>], vector<16xf32>,
        %parallel_loop3A_946 = arith.constant 0 : i32
        %parallel_loop3A_947 = arith.constant 3 : i32
        %parallel_loop3A_948 = arith.constant 3 : i32
        %parallel_loop3A_949 = arith.index_cast %parallel_loop3A_946 : i32 to index
        %parallel_loop3A_950 = arith.index_cast %parallel_loop3A_947 : i32 to index
        %parallel_loop3A_951 = arith.index_cast %parallel_loop3A_502 : i32 to index
        %parallel_loop3A_952 = arith.index_cast %parallel_loop3A_948 : i32 to index
        %parallel_loop3A_953 = arith.index_cast %parallel_loop3A_506 : i32 to index
        %parallel_loop3A_954 = tpu.vector_load %arg7[%parallel_loop3A_949, %parallel_loop3A_950, %parallel_loop3A_951, %parallel_loop3A_952, %parallel_loop3A_953] {strides = array<i32>} : memref<2x4x4x8x128xf32, #tpu.memory_space<vmem>>, vector<16xf32>,
        tpu.vector_store %arg7[%parallel_loop3A_949, %parallel_loop3A_950, %parallel_loop3A_951, %parallel_loop3A_952, %parallel_loop3A_953], %parallel_loop3A_945 {strides = array<i32>} : memref<2x4x4x8x128xf32, #tpu.memory_space<vmem>>, vector<16xf32>,
        %parallel_loop3A_955 = arith.constant 28 : i32
        %parallel_loop3A_956 = vector.broadcast %parallel_loop3A_955 : i32 to vector<16xi32>
        %parallel_loop3A_957 = arith.constant 0 : i32
        %parallel_loop3A_958 = arith.constant 0 : i32
        %parallel_loop3A_959 = tpu.memref_slice %arg6[%rem3A_237, %parallel_loop3A_957, %parallel_loop3A_958] : memref<4x512x32xf32, #tpu.memory_space<vmem>> -> memref<1x512x32xf32, #tpu.memory_space<vmem>>
        %parallel_loop3A_960 = tpu.memref_squeeze %parallel_loop3A_959 : memref<1x512x32xf32, #tpu.memory_space<vmem>> -> memref<512x32xf32, #tpu.memory_space<vmem>>
        %parallel_loop3A_961 = tpu.vector_load_idx %parallel_loop3A_960[%parallel_loop3A_478, %parallel_loop3A_956] : memref<512x32xf32, #tpu.memory_space<vmem>>[vector<16xi32>, vector<16xi32>], vector<16xf32>,
        %parallel_loop3A_962 = arith.constant 0 : i32
        %parallel_loop3A_963 = arith.constant 3 : i32
        %parallel_loop3A_964 = arith.constant 4 : i32
        %parallel_loop3A_965 = arith.index_cast %parallel_loop3A_962 : i32 to index
        %parallel_loop3A_966 = arith.index_cast %parallel_loop3A_963 : i32 to index
        %parallel_loop3A_967 = arith.index_cast %parallel_loop3A_502 : i32 to index
        %parallel_loop3A_968 = arith.index_cast %parallel_loop3A_964 : i32 to index
        %parallel_loop3A_969 = arith.index_cast %parallel_loop3A_506 : i32 to index
        %parallel_loop3A_970 = tpu.vector_load %arg7[%parallel_loop3A_965, %parallel_loop3A_966, %parallel_loop3A_967, %parallel_loop3A_968, %parallel_loop3A_969] {strides = array<i32>} : memref<2x4x4x8x128xf32, #tpu.memory_space<vmem>>, vector<16xf32>,
        tpu.vector_store %arg7[%parallel_loop3A_965, %parallel_loop3A_966, %parallel_loop3A_967, %parallel_loop3A_968, %parallel_loop3A_969], %parallel_loop3A_961 {strides = array<i32>} : memref<2x4x4x8x128xf32, #tpu.memory_space<vmem>>, vector<16xf32>,
        %parallel_loop3A_971 = arith.constant 29 : i32
        %parallel_loop3A_972 = vector.broadcast %parallel_loop3A_971 : i32 to vector<16xi32>
        %parallel_loop3A_973 = arith.constant 0 : i32
        %parallel_loop3A_974 = arith.constant 0 : i32
        %parallel_loop3A_975 = tpu.memref_slice %arg6[%rem3A_237, %parallel_loop3A_973, %parallel_loop3A_974] : memref<4x512x32xf32, #tpu.memory_space<vmem>> -> memref<1x512x32xf32, #tpu.memory_space<vmem>>
        %parallel_loop3A_976 = tpu.memref_squeeze %parallel_loop3A_975 : memref<1x512x32xf32, #tpu.memory_space<vmem>> -> memref<512x32xf32, #tpu.memory_space<vmem>>
        %parallel_loop3A_977 = tpu.vector_load_idx %parallel_loop3A_976[%parallel_loop3A_478, %parallel_loop3A_972] : memref<512x32xf32, #tpu.memory_space<vmem>>[vector<16xi32>, vector<16xi32>], vector<16xf32>,
        %parallel_loop3A_978 = arith.constant 0 : i32
        %parallel_loop3A_979 = arith.constant 3 : i32
        %parallel_loop3A_980 = arith.constant 5 : i32
        %parallel_loop3A_981 = arith.index_cast %parallel_loop3A_978 : i32 to index
        %parallel_loop3A_982 = arith.index_cast %parallel_loop3A_979 : i32 to index
        %parallel_loop3A_983 = arith.index_cast %parallel_loop3A_502 : i32 to index
        %parallel_loop3A_984 = arith.index_cast %parallel_loop3A_980 : i32 to index
        %parallel_loop3A_985 = arith.index_cast %parallel_loop3A_506 : i32 to index
        %parallel_loop3A_986 = tpu.vector_load %arg7[%parallel_loop3A_981, %parallel_loop3A_982, %parallel_loop3A_983, %parallel_loop3A_984, %parallel_loop3A_985] {strides = array<i32>} : memref<2x4x4x8x128xf32, #tpu.memory_space<vmem>>, vector<16xf32>,
        tpu.vector_store %arg7[%parallel_loop3A_981, %parallel_loop3A_982, %parallel_loop3A_983, %parallel_loop3A_984, %parallel_loop3A_985], %parallel_loop3A_977 {strides = array<i32>} : memref<2x4x4x8x128xf32, #tpu.memory_space<vmem>>, vector<16xf32>,
        %parallel_loop3A_987 = arith.constant 30 : i32
        %parallel_loop3A_988 = vector.broadcast %parallel_loop3A_987 : i32 to vector<16xi32>
        %parallel_loop3A_989 = arith.constant 0 : i32
        %parallel_loop3A_990 = arith.constant 0 : i32
        %parallel_loop3A_991 = tpu.memref_slice %arg6[%rem3A_237, %parallel_loop3A_989, %parallel_loop3A_990] : memref<4x512x32xf32, #tpu.memory_space<vmem>> -> memref<1x512x32xf32, #tpu.memory_space<vmem>>
        %parallel_loop3A_992 = tpu.memref_squeeze %parallel_loop3A_991 : memref<1x512x32xf32, #tpu.memory_space<vmem>> -> memref<512x32xf32, #tpu.memory_space<vmem>>
        %parallel_loop3A_993 = tpu.vector_load_idx %parallel_loop3A_992[%parallel_loop3A_478, %parallel_loop3A_988] : memref<512x32xf32, #tpu.memory_space<vmem>>[vector<16xi32>, vector<16xi32>], vector<16xf32>,
        %parallel_loop3A_994 = arith.constant 0 : i32
        %parallel_loop3A_995 = arith.constant 3 : i32
        %parallel_loop3A_996 = arith.constant 6 : i32
        %parallel_loop3A_997 = arith.index_cast %parallel_loop3A_994 : i32 to index
        %parallel_loop3A_998 = arith.index_cast %parallel_loop3A_995 : i32 to index
        %parallel_loop3A_999 = arith.index_cast %parallel_loop3A_502 : i32 to index
        %parallel_loop3A_1000 = arith.index_cast %parallel_loop3A_996 : i32 to index
        %parallel_loop3A_1001 = arith.index_cast %parallel_loop3A_506 : i32 to index
        %parallel_loop3A_1002 = tpu.vector_load %arg7[%parallel_loop3A_997, %parallel_loop3A_998, %parallel_loop3A_999, %parallel_loop3A_1000, %parallel_loop3A_1001] {strides = array<i32>} : memref<2x4x4x8x128xf32, #tpu.memory_space<vmem>>, vector<16xf32>,
        tpu.vector_store %arg7[%parallel_loop3A_997, %parallel_loop3A_998, %parallel_loop3A_999, %parallel_loop3A_1000, %parallel_loop3A_1001], %parallel_loop3A_993 {strides = array<i32>} : memref<2x4x4x8x128xf32, #tpu.memory_space<vmem>>, vector<16xf32>,
        %parallel_loop3A_1003 = arith.constant 31 : i32
        %parallel_loop3A_1004 = vector.broadcast %parallel_loop3A_1003 : i32 to vector<16xi32>
        %parallel_loop3A_1005 = arith.constant 0 : i32
        %parallel_loop3A_1006 = arith.constant 0 : i32
        %parallel_loop3A_1007 = tpu.memref_slice %arg6[%rem3A_237, %parallel_loop3A_1005, %parallel_loop3A_1006] : memref<4x512x32xf32, #tpu.memory_space<vmem>> -> memref<1x512x32xf32, #tpu.memory_space<vmem>>
        %parallel_loop3A_1008 = tpu.memref_squeeze %parallel_loop3A_1007 : memref<1x512x32xf32, #tpu.memory_space<vmem>> -> memref<512x32xf32, #tpu.memory_space<vmem>>
        %parallel_loop3A_1009 = tpu.vector_load_idx %parallel_loop3A_1008[%parallel_loop3A_478, %parallel_loop3A_1004] : memref<512x32xf32, #tpu.memory_space<vmem>>[vector<16xi32>, vector<16xi32>], vector<16xf32>,
        %parallel_loop3A_1010 = arith.constant 0 : i32
        %parallel_loop3A_1011 = arith.constant 3 : i32
        %parallel_loop3A_1012 = arith.constant 7 : i32
        %parallel_loop3A_1013 = arith.index_cast %parallel_loop3A_1010 : i32 to index
        %parallel_loop3A_1014 = arith.index_cast %parallel_loop3A_1011 : i32 to index
        %parallel_loop3A_1015 = arith.index_cast %parallel_loop3A_502 : i32 to index
        %parallel_loop3A_1016 = arith.index_cast %parallel_loop3A_1012 : i32 to index
        %parallel_loop3A_1017 = arith.index_cast %parallel_loop3A_506 : i32 to index
        %parallel_loop3A_1018 = tpu.vector_load %arg7[%parallel_loop3A_1013, %parallel_loop3A_1014, %parallel_loop3A_1015, %parallel_loop3A_1016, %parallel_loop3A_1017] {strides = array<i32>} : memref<2x4x4x8x128xf32, #tpu.memory_space<vmem>>, vector<16xf32>,
        tpu.vector_store %arg7[%parallel_loop3A_1013, %parallel_loop3A_1014, %parallel_loop3A_1015, %parallel_loop3A_1016, %parallel_loop3A_1017], %parallel_loop3A_1009 {strides = array<i32>} : memref<2x4x4x8x128xf32, #tpu.memory_space<vmem>>, vector<16xf32>,
      } {sc.loop_unroll_factor = 2 : i64, sc.parallel_access}
      %mul3A_258 = arith.constant 4 : i32
      %mul3A_259 = arith.muli %add3A, %mul3A_258 : i32
      %dma_start3A_260 = arith.constant 0 : i32
      %dma_start3A_261 = arith.constant 0 : i32
      %dma_start3A_262 = arith.constant 0 : i32
      %dma_start3A_263 = arith.constant 0 : i32
      %dma_start3A_264 = arith.constant 0 : i32
      %dma_start3A_265 = arith.constant 0 : i32
      %dma_start3A_266 = tpu.memref_slice %arg7[%dma_start3A_260, %dma_start3A_261, %dma_start3A_263, %dma_start3A_264, %dma_start3A_265] : memref<2x4x4x8x128xf32, #tpu.memory_space<vmem>> -> memref<1x1x4x8x128xf32, #tpu.memory_space<vmem>>
      %dma_start3A_267 = tpu.memref_squeeze %dma_start3A_266 : memref<1x1x4x8x128xf32, #tpu.memory_space<vmem>> -> memref<4x8x128xf32, #tpu.memory_space<vmem>>
      %dma_start3A_268 = arith.constant 0 : i32
      %dma_start3A_269 = arith.constant 0 : i32
      %dma_start3A_270 = tpu.memref_slice %arg4[%mul3A_236, %dma_start3A_262, %mul3A_259, %dma_start3A_268, %dma_start3A_269] : memref<50x4x128x8x128xf32, #tpu.memory_space<hbm>> -> memref<1x1x4x8x128xf32, #tpu.memory_space<hbm>>
      %dma_start3A_271 = tpu.memref_squeeze %dma_start3A_270 : memref<1x1x4x8x128xf32, #tpu.memory_space<hbm>> -> memref<4x8x128xf32, #tpu.memory_space<hbm>>
      %dma_start3A_272 = arith.constant 0 : i32
      %dma_start3A_273 = arith.constant 0 : i32
      %dma_start3A_274 = tpu.memref_slice %arg4[%mul3A_236, %dma_start3A_262, %mul3A_259, %dma_start3A_272, %dma_start3A_273] : memref<50x4x128x8x128xf32, #tpu.memory_space<hbm>> -> memref<1x1x4x8x128xf32, #tpu.memory_space<hbm>>
      %dma_start3A_275 = tpu.memref_squeeze %dma_start3A_274 : memref<1x1x4x8x128xf32, #tpu.memory_space<hbm>> -> memref<4x8x128xf32, #tpu.memory_space<hbm>>
      %dma_start3A_276 = arith.constant 0 : i32
      %dma_start3A_277 = arith.constant 0 : i32
      %dma_start3A_278 = arith.constant 0 : i32
      %dma_start3A_279 = tpu.memref_slice %arg7[%dma_start3A_260, %dma_start3A_261, %dma_start3A_276, %dma_start3A_277, %dma_start3A_278] : memref<2x4x4x8x128xf32, #tpu.memory_space<vmem>> -> memref<1x1x4x8x128xf32, #tpu.memory_space<vmem>>
      %dma_start3A_280 = tpu.memref_squeeze %dma_start3A_279 : memref<1x1x4x8x128xf32, #tpu.memory_space<vmem>> -> memref<4x8x128xf32, #tpu.memory_space<vmem>>
      tpu.enqueue_dma source(%dma_start3A_280 : memref<4x8x128xf32, #tpu.memory_space<vmem>>) target(%dma_start3A_275 : memref<4x8x128xf32, #tpu.memory_space<hbm>>) target_semaphore(%arg9 : memref<!tpu.dma_semaphore, #tpu.memory_space<semaphore_mem>>)
      %mul3A_281 = arith.constant 4 : i32
      %mul3A_282 = arith.muli %add3A, %mul3A_281 : i32
      %dma_start3A_283 = arith.constant 0 : i32
      %dma_start3A_284 = arith.constant 1 : i32
      %dma_start3A_285 = arith.constant 1 : i32
      %dma_start3A_286 = arith.constant 0 : i32
      %dma_start3A_287 = arith.constant 0 : i32
      %dma_start3A_288 = arith.constant 0 : i32
      %dma_start3A_289 = tpu.memref_slice %arg7[%dma_start3A_283, %dma_start3A_284, %dma_start3A_286, %dma_start3A_287, %dma_start3A_288] : memref<2x4x4x8x128xf32, #tpu.memory_space<vmem>> -> memref<1x1x4x8x128xf32, #tpu.memory_space<vmem>>
      %dma_start3A_290 = tpu.memref_squeeze %dma_start3A_289 : memref<1x1x4x8x128xf32, #tpu.memory_space<vmem>> -> memref<4x8x128xf32, #tpu.memory_space<vmem>>
      %dma_start3A_291 = arith.constant 0 : i32
      %dma_start3A_292 = arith.constant 0 : i32
      %dma_start3A_293 = tpu.memref_slice %arg4[%mul3A_236, %dma_start3A_285, %mul3A_282, %dma_start3A_291, %dma_start3A_292] : memref<50x4x128x8x128xf32, #tpu.memory_space<hbm>> -> memref<1x1x4x8x128xf32, #tpu.memory_space<hbm>>
      %dma_start3A_294 = tpu.memref_squeeze %dma_start3A_293 : memref<1x1x4x8x128xf32, #tpu.memory_space<hbm>> -> memref<4x8x128xf32, #tpu.memory_space<hbm>>
      %dma_start3A_295 = arith.constant 0 : i32
      %dma_start3A_296 = arith.constant 0 : i32
      %dma_start3A_297 = tpu.memref_slice %arg4[%mul3A_236, %dma_start3A_285, %mul3A_282, %dma_start3A_295, %dma_start3A_296] : memref<50x4x128x8x128xf32, #tpu.memory_space<hbm>> -> memref<1x1x4x8x128xf32, #tpu.memory_space<hbm>>
      %dma_start3A_298 = tpu.memref_squeeze %dma_start3A_297 : memref<1x1x4x8x128xf32, #tpu.memory_space<hbm>> -> memref<4x8x128xf32, #tpu.memory_space<hbm>>
      %dma_start3A_299 = arith.constant 0 : i32
      %dma_start3A_300 = arith.constant 0 : i32
      %dma_start3A_301 = arith.constant 0 : i32
      %dma_start3A_302 = tpu.memref_slice %arg7[%dma_start3A_283, %dma_start3A_284, %dma_start3A_299, %dma_start3A_300, %dma_start3A_301] : memref<2x4x4x8x128xf32, #tpu.memory_space<vmem>> -> memref<1x1x4x8x128xf32, #tpu.memory_space<vmem>>
      %dma_start3A_303 = tpu.memref_squeeze %dma_start3A_302 : memref<1x1x4x8x128xf32, #tpu.memory_space<vmem>> -> memref<4x8x128xf32, #tpu.memory_space<vmem>>
      tpu.enqueue_dma source(%dma_start3A_303 : memref<4x8x128xf32, #tpu.memory_space<vmem>>) target(%dma_start3A_298 : memref<4x8x128xf32, #tpu.memory_space<hbm>>) target_semaphore(%arg9 : memref<!tpu.dma_semaphore, #tpu.memory_space<semaphore_mem>>)
      %mul3A_304 = arith.constant 4 : i32
      %mul3A_305 = arith.muli %add3A, %mul3A_304 : i32
      %dma_start3A_306 = arith.constant 0 : i32
      %dma_start3A_307 = arith.constant 2 : i32
      %dma_start3A_308 = arith.constant 2 : i32
      %dma_start3A_309 = arith.constant 0 : i32
      %dma_start3A_310 = arith.constant 0 : i32
      %dma_start3A_311 = arith.constant 0 : i32
      %dma_start3A_312 = tpu.memref_slice %arg7[%dma_start3A_306, %dma_start3A_307, %dma_start3A_309, %dma_start3A_310, %dma_start3A_311] : memref<2x4x4x8x128xf32, #tpu.memory_space<vmem>> -> memref<1x1x4x8x128xf32, #tpu.memory_space<vmem>>
      %dma_start3A_313 = tpu.memref_squeeze %dma_start3A_312 : memref<1x1x4x8x128xf32, #tpu.memory_space<vmem>> -> memref<4x8x128xf32, #tpu.memory_space<vmem>>
      %dma_start3A_314 = arith.constant 0 : i32
      %dma_start3A_315 = arith.constant 0 : i32
      %dma_start3A_316 = tpu.memref_slice %arg4[%mul3A_236, %dma_start3A_308, %mul3A_305, %dma_start3A_314, %dma_start3A_315] : memref<50x4x128x8x128xf32, #tpu.memory_space<hbm>> -> memref<1x1x4x8x128xf32, #tpu.memory_space<hbm>>
      %dma_start3A_317 = tpu.memref_squeeze %dma_start3A_316 : memref<1x1x4x8x128xf32, #tpu.memory_space<hbm>> -> memref<4x8x128xf32, #tpu.memory_space<hbm>>
      %dma_start3A_318 = arith.constant 0 : i32
      %dma_start3A_319 = arith.constant 0 : i32
      %dma_start3A_320 = tpu.memref_slice %arg4[%mul3A_236, %dma_start3A_308, %mul3A_305, %dma_start3A_318, %dma_start3A_319] : memref<50x4x128x8x128xf32, #tpu.memory_space<hbm>> -> memref<1x1x4x8x128xf32, #tpu.memory_space<hbm>>
      %dma_start3A_321 = tpu.memref_squeeze %dma_start3A_320 : memref<1x1x4x8x128xf32, #tpu.memory_space<hbm>> -> memref<4x8x128xf32, #tpu.memory_space<hbm>>
      %dma_start3A_322 = arith.constant 0 : i32
      %dma_start3A_323 = arith.constant 0 : i32
      %dma_start3A_324 = arith.constant 0 : i32
      %dma_start3A_325 = tpu.memref_slice %arg7[%dma_start3A_306, %dma_start3A_307, %dma_start3A_322, %dma_start3A_323, %dma_start3A_324] : memref<2x4x4x8x128xf32, #tpu.memory_space<vmem>> -> memref<1x1x4x8x128xf32, #tpu.memory_space<vmem>>
      %dma_start3A_326 = tpu.memref_squeeze %dma_start3A_325 : memref<1x1x4x8x128xf32, #tpu.memory_space<vmem>> -> memref<4x8x128xf32, #tpu.memory_space<vmem>>
      tpu.enqueue_dma source(%dma_start3A_326 : memref<4x8x128xf32, #tpu.memory_space<vmem>>) target(%dma_start3A_321 : memref<4x8x128xf32, #tpu.memory_space<hbm>>) target_semaphore(%arg9 : memref<!tpu.dma_semaphore, #tpu.memory_space<semaphore_mem>>)
      %mul3A_327 = arith.constant 4 : i32
      %mul3A_328 = arith.muli %add3A, %mul3A_327 : i32
      %dma_start3A_329 = arith.constant 0 : i32
      %dma_start3A_330 = arith.constant 3 : i32
      %dma_start3A_331 = arith.constant 3 : i32
      %dma_start3A_332 = arith.constant 0 : i32
      %dma_start3A_333 = arith.constant 0 : i32
      %dma_start3A_334 = arith.constant 0 : i32
      %dma_start3A_335 = tpu.memref_slice %arg7[%dma_start3A_329, %dma_start3A_330, %dma_start3A_332, %dma_start3A_333, %dma_start3A_334] : memref<2x4x4x8x128xf32, #tpu.memory_space<vmem>> -> memref<1x1x4x8x128xf32, #tpu.memory_space<vmem>>
      %dma_start3A_336 = tpu.memref_squeeze %dma_start3A_335 : memref<1x1x4x8x128xf32, #tpu.memory_space<vmem>> -> memref<4x8x128xf32, #tpu.memory_space<vmem>>
      %dma_start3A_337 = arith.constant 0 : i32
      %dma_start3A_338 = arith.constant 0 : i32
      %dma_start3A_339 = tpu.memref_slice %arg4[%mul3A_236, %dma_start3A_331, %mul3A_328, %dma_start3A_337, %dma_start3A_338] : memref<50x4x128x8x128xf32, #tpu.memory_space<hbm>> -> memref<1x1x4x8x128xf32, #tpu.memory_space<hbm>>
      %dma_start3A_340 = tpu.memref_squeeze %dma_start3A_339 : memref<1x1x4x8x128xf32, #tpu.memory_space<hbm>> -> memref<4x8x128xf32, #tpu.memory_space<hbm>>
      %dma_start3A_341 = arith.constant 0 : i32
      %dma_start3A_342 = arith.constant 0 : i32
      %dma_start3A_343 = tpu.memref_slice %arg4[%mul3A_236, %dma_start3A_331, %mul3A_328, %dma_start3A_341, %dma_start3A_342] : memref<50x4x128x8x128xf32, #tpu.memory_space<hbm>> -> memref<1x1x4x8x128xf32, #tpu.memory_space<hbm>>
      %dma_start3A_344 = tpu.memref_squeeze %dma_start3A_343 : memref<1x1x4x8x128xf32, #tpu.memory_space<hbm>> -> memref<4x8x128xf32, #tpu.memory_space<hbm>>
      %dma_start3A_345 = arith.constant 0 : i32
      %dma_start3A_346 = arith.constant 0 : i32
      %dma_start3A_347 = arith.constant 0 : i32
      %dma_start3A_348 = tpu.memref_slice %arg7[%dma_start3A_329, %dma_start3A_330, %dma_start3A_345, %dma_start3A_346, %dma_start3A_347] : memref<2x4x4x8x128xf32, #tpu.memory_space<vmem>> -> memref<1x1x4x8x128xf32, #tpu.memory_space<vmem>>
      %dma_start3A_349 = tpu.memref_squeeze %dma_start3A_348 : memref<1x1x4x8x128xf32, #tpu.memory_space<vmem>> -> memref<4x8x128xf32, #tpu.memory_space<vmem>>
      tpu.enqueue_dma source(%dma_start3A_349 : memref<4x8x128xf32, #tpu.memory_space<vmem>>) target(%dma_start3A_344 : memref<4x8x128xf32, #tpu.memory_space<hbm>>) target_semaphore(%arg9 : memref<!tpu.dma_semaphore, #tpu.memory_space<semaphore_mem>>)
      %mul3A_350 = arith.constant 2 : i32
      %mul3A_351 = arith.muli %mul3A_350, %scan3A_234 : i32
      %add3A_352 = arith.constant 1 : i32
      %add3A_353 = arith.addi %mul3A_351, %add3A_352 : i32
      %rem3A_354 = arith.constant 4 : i32
      %rem3A_355 = arith.remsi %add3A_353, %rem3A_354 : i32
      %dma_wait3A_356 = arith.constant 0 : i32
      %dma_wait3A_357 = arith.constant 0 : i32
      %dma_wait3A_358 = tpu.memref_slice %arg6[%rem3A_355, %dma_wait3A_356, %dma_wait3A_357] : memref<4x512x32xf32, #tpu.memory_space<vmem>> -> memref<1x512x32xf32, #tpu.memory_space<vmem>>
      %dma_wait3A_359 = tpu.memref_squeeze %dma_wait3A_358 : memref<1x512x32xf32, #tpu.memory_space<vmem>> -> memref<512x32xf32, #tpu.memory_space<vmem>>
      %dma_wait3A_360 = arith.constant 0 : i32
      %dma_wait3A_361 = tpu.memref_slice %arg5[%add3A_353, %dma_wait3A_360] : memref<50x512xi32, #tpu.memory_space<vmem>> -> memref<1x512xi32, #tpu.memory_space<vmem>>
      %dma_wait3A_362 = tpu.memref_squeeze %dma_wait3A_361 : memref<1x512xi32, #tpu.memory_space<vmem>> -> memref<512xi32, #tpu.memory_space<vmem>>
      %dma_wait3A_363 = arith.constant 0 : i32
      %dma_wait3A_364 = arith.constant 0 : i32
      %dma_wait3A_365 = tpu.memref_slice %arg3[%dma_wait3A_363, %dma_wait3A_364] : memref<1000000x32xf32, #tpu.memory_space<hbm>> -> memref<1000000x32xf32, #tpu.memory_space<hbm>>
      tpu.wait_indirect_dma semaphore(%arg8 : memref<!tpu.dma_semaphore, #tpu.memory_space<semaphore_mem>>) src(%dma_wait3A_365 : memref<1000000x32xf32, #tpu.memory_space<hbm>>) dst(%dma_wait3A_359 : memref<512x32xf32, #tpu.memory_space<vmem>>)
      %add3A_366 = arith.constant 3 : i32
      %add3A_367 = arith.addi %add3A_353, %add3A_366 : i32
      %lt3A_368 = arith.constant 50 : i32
      %lt3A_369 = arith.cmpi slt, %add3A_367, %lt3A_368 : i32
      %convert_element_type3A_370 = arith.extui %lt3A_369 : i1 to i32
      %cond3A_371 = arith.constant 0 : i32
      %cond3A_372 = arith.cmpi ne, %convert_element_type3A_370, %cond3A_371 : i32
      scf.if %cond3A_372 {
        %add3A_474 = arith.constant 3 : i32
        %add3A_475 = arith.addi %add3A_353, %add3A_474 : i32
        %add3A_476 = arith.constant 3 : i32
        %add3A_477 = arith.addi %add3A_353, %add3A_476 : i32
        %rem3A_478 = arith.constant 4 : i32
        %rem3A_479 = arith.remsi %add3A_477, %rem3A_478 : i32
        %dma_start3A_480 = arith.constant 0 : i32
        %dma_start3A_481 = arith.constant 0 : i32
        %dma_start3A_482 = tpu.memref_slice %arg6[%rem3A_479, %dma_start3A_480, %dma_start3A_481] : memref<4x512x32xf32, #tpu.memory_space<vmem>> -> memref<1x512x32xf32, #tpu.memory_space<vmem>>
        %dma_start3A_483 = tpu.memref_squeeze %dma_start3A_482 : memref<1x512x32xf32, #tpu.memory_space<vmem>> -> memref<512x32xf32, #tpu.memory_space<vmem>>
        %dma_start3A_484 = arith.constant 0 : i32
        %dma_start3A_485 = tpu.memref_slice %arg5[%add3A_475, %dma_start3A_484] : memref<50x512xi32, #tpu.memory_space<vmem>> -> memref<1x512xi32, #tpu.memory_space<vmem>>
        %dma_start3A_486 = tpu.memref_squeeze %dma_start3A_485 : memref<1x512xi32, #tpu.memory_space<vmem>> -> memref<512xi32, #tpu.memory_space<vmem>>
        %dma_start3A_487 = arith.constant 0 : i32
        %dma_start3A_488 = arith.constant 0 : i32
        %dma_start3A_489 = tpu.memref_slice %arg3[%dma_start3A_487, %dma_start3A_488] : memref<1000000x32xf32, #tpu.memory_space<hbm>> -> memref<1000000x32xf32, #tpu.memory_space<hbm>>
        tpu.enqueue_indirect_dma source(%dma_start3A_489 : memref<1000000x32xf32, #tpu.memory_space<hbm>>) target(%dma_start3A_483 : memref<512x32xf32, #tpu.memory_space<vmem>>) offsets(%dma_start3A_486 : memref<512xi32, #tpu.memory_space<vmem>>) semaphore(%arg8 : memref<!tpu.dma_semaphore, #tpu.memory_space<semaphore_mem>>)
      } else {
      }
      %ge3A_373 = arith.constant 1 : i32
      %ge3A_374 = arith.cmpi sge, %scan3A_234, %ge3A_373 : i32
      %convert_element_type3A_375 = arith.extui %ge3A_374 : i1 to i32
      %cond3A_376 = arith.constant 0 : i32
      %cond3A_377 = arith.cmpi ne, %convert_element_type3A_375, %cond3A_376 : i32
      scf.if %cond3A_377 {
        %sub3A = arith.constant 2 : i32
        %sub3A_474 = arith.subi %add3A_353, %sub3A : i32
        %mul3A_475 = arith.constant 4 : i32
        %mul3A_476 = arith.muli %add3A, %mul3A_475 : i32
        %dma_wait3A_477 = arith.constant 1 : i32
        %dma_wait3A_478 = arith.constant 0 : i32
        %dma_wait3A_479 = arith.constant 0 : i32
        %dma_wait3A_480 = arith.constant 0 : i32
        %dma_wait3A_481 = arith.constant 0 : i32
        %dma_wait3A_482 = arith.constant 0 : i32
        %dma_wait3A_483 = tpu.memref_slice %arg7[%dma_wait3A_477, %dma_wait3A_478, %dma_wait3A_480, %dma_wait3A_481, %dma_wait3A_482] : memref<2x4x4x8x128xf32, #tpu.memory_space<vmem>> -> memref<1x1x4x8x128xf32, #tpu.memory_space<vmem>>
        %dma_wait3A_484 = tpu.memref_squeeze %dma_wait3A_483 : memref<1x1x4x8x128xf32, #tpu.memory_space<vmem>> -> memref<4x8x128xf32, #tpu.memory_space<vmem>>
        %dma_wait3A_485 = arith.constant 0 : i32
        %dma_wait3A_486 = arith.constant 0 : i32
        %dma_wait3A_487 = tpu.memref_slice %arg4[%sub3A_474, %dma_wait3A_479, %mul3A_476, %dma_wait3A_485, %dma_wait3A_486] : memref<50x4x128x8x128xf32, #tpu.memory_space<hbm>> -> memref<1x1x4x8x128xf32, #tpu.memory_space<hbm>>
        %dma_wait3A_488 = tpu.memref_squeeze %dma_wait3A_487 : memref<1x1x4x8x128xf32, #tpu.memory_space<hbm>> -> memref<4x8x128xf32, #tpu.memory_space<hbm>>
        %dma_wait3A_489 = arith.constant 0 : i32
        %dma_wait3A_490 = arith.constant 0 : i32
        %dma_wait3A_491 = tpu.memref_slice %arg4[%sub3A_474, %dma_wait3A_479, %mul3A_476, %dma_wait3A_489, %dma_wait3A_490] : memref<50x4x128x8x128xf32, #tpu.memory_space<hbm>> -> memref<1x1x4x8x128xf32, #tpu.memory_space<hbm>>
        %dma_wait3A_492 = tpu.memref_squeeze %dma_wait3A_491 : memref<1x1x4x8x128xf32, #tpu.memory_space<hbm>> -> memref<4x8x128xf32, #tpu.memory_space<hbm>>
        %dma_wait3A_493 = arith.constant 0 : i32
        %dma_wait3A_494 = arith.constant 0 : i32
        %dma_wait3A_495 = arith.constant 0 : i32
        %dma_wait3A_496 = tpu.memref_slice %arg7[%dma_wait3A_477, %dma_wait3A_478, %dma_wait3A_493, %dma_wait3A_494, %dma_wait3A_495] : memref<2x4x4x8x128xf32, #tpu.memory_space<vmem>> -> memref<1x1x4x8x128xf32, #tpu.memory_space<vmem>>
        %dma_wait3A_497 = tpu.memref_squeeze %dma_wait3A_496 : memref<1x1x4x8x128xf32, #tpu.memory_space<vmem>> -> memref<4x8x128xf32, #tpu.memory_space<vmem>>
        tpu.wait_dma2 semaphore(%arg9 : memref<!tpu.dma_semaphore, #tpu.memory_space<semaphore_mem>>) src(%dma_wait3A_497 : memref<4x8x128xf32, #tpu.memory_space<vmem>>) dst(%dma_wait3A_492 : memref<4x8x128xf32, #tpu.memory_space<hbm>>)
        %sub3A_498 = arith.constant 2 : i32
        %sub3A_499 = arith.subi %add3A_353, %sub3A_498 : i32
        %mul3A_500 = arith.constant 4 : i32
        %mul3A_501 = arith.muli %add3A, %mul3A_500 : i32
        %dma_wait3A_502 = arith.constant 1 : i32
        %dma_wait3A_503 = arith.constant 1 : i32
        %dma_wait3A_504 = arith.constant 1 : i32
        %dma_wait3A_505 = arith.constant 0 : i32
        %dma_wait3A_506 = arith.constant 0 : i32
        %dma_wait3A_507 = arith.constant 0 : i32
        %dma_wait3A_508 = tpu.memref_slice %arg7[%dma_wait3A_502, %dma_wait3A_503, %dma_wait3A_505, %dma_wait3A_506, %dma_wait3A_507] : memref<2x4x4x8x128xf32, #tpu.memory_space<vmem>> -> memref<1x1x4x8x128xf32, #tpu.memory_space<vmem>>
        %dma_wait3A_509 = tpu.memref_squeeze %dma_wait3A_508 : memref<1x1x4x8x128xf32, #tpu.memory_space<vmem>> -> memref<4x8x128xf32, #tpu.memory_space<vmem>>
        %dma_wait3A_510 = arith.constant 0 : i32
        %dma_wait3A_511 = arith.constant 0 : i32
        %dma_wait3A_512 = tpu.memref_slice %arg4[%sub3A_499, %dma_wait3A_504, %mul3A_501, %dma_wait3A_510, %dma_wait3A_511] : memref<50x4x128x8x128xf32, #tpu.memory_space<hbm>> -> memref<1x1x4x8x128xf32, #tpu.memory_space<hbm>>
        %dma_wait3A_513 = tpu.memref_squeeze %dma_wait3A_512 : memref<1x1x4x8x128xf32, #tpu.memory_space<hbm>> -> memref<4x8x128xf32, #tpu.memory_space<hbm>>
        %dma_wait3A_514 = arith.constant 0 : i32
        %dma_wait3A_515 = arith.constant 0 : i32
        %dma_wait3A_516 = tpu.memref_slice %arg4[%sub3A_499, %dma_wait3A_504, %mul3A_501, %dma_wait3A_514, %dma_wait3A_515] : memref<50x4x128x8x128xf32, #tpu.memory_space<hbm>> -> memref<1x1x4x8x128xf32, #tpu.memory_space<hbm>>
        %dma_wait3A_517 = tpu.memref_squeeze %dma_wait3A_516 : memref<1x1x4x8x128xf32, #tpu.memory_space<hbm>> -> memref<4x8x128xf32, #tpu.memory_space<hbm>>
        %dma_wait3A_518 = arith.constant 0 : i32
        %dma_wait3A_519 = arith.constant 0 : i32
        %dma_wait3A_520 = arith.constant 0 : i32
        %dma_wait3A_521 = tpu.memref_slice %arg7[%dma_wait3A_502, %dma_wait3A_503, %dma_wait3A_518, %dma_wait3A_519, %dma_wait3A_520] : memref<2x4x4x8x128xf32, #tpu.memory_space<vmem>> -> memref<1x1x4x8x128xf32, #tpu.memory_space<vmem>>
        %dma_wait3A_522 = tpu.memref_squeeze %dma_wait3A_521 : memref<1x1x4x8x128xf32, #tpu.memory_space<vmem>> -> memref<4x8x128xf32, #tpu.memory_space<vmem>>
        tpu.wait_dma2 semaphore(%arg9 : memref<!tpu.dma_semaphore, #tpu.memory_space<semaphore_mem>>) src(%dma_wait3A_522 : memref<4x8x128xf32, #tpu.memory_space<vmem>>) dst(%dma_wait3A_517 : memref<4x8x128xf32, #tpu.memory_space<hbm>>)
        %sub3A_523 = arith.constant 2 : i32
        %sub3A_524 = arith.subi %add3A_353, %sub3A_523 : i32
        %mul3A_525 = arith.constant 4 : i32
        %mul3A_526 = arith.muli %add3A, %mul3A_525 : i32
        %dma_wait3A_527 = arith.constant 1 : i32
        %dma_wait3A_528 = arith.constant 2 : i32
        %dma_wait3A_529 = arith.constant 2 : i32
        %dma_wait3A_530 = arith.constant 0 : i32
        %dma_wait3A_531 = arith.constant 0 : i32
        %dma_wait3A_532 = arith.constant 0 : i32
        %dma_wait3A_533 = tpu.memref_slice %arg7[%dma_wait3A_527, %dma_wait3A_528, %dma_wait3A_530, %dma_wait3A_531, %dma_wait3A_532] : memref<2x4x4x8x128xf32, #tpu.memory_space<vmem>> -> memref<1x1x4x8x128xf32, #tpu.memory_space<vmem>>
        %dma_wait3A_534 = tpu.memref_squeeze %dma_wait3A_533 : memref<1x1x4x8x128xf32, #tpu.memory_space<vmem>> -> memref<4x8x128xf32, #tpu.memory_space<vmem>>
        %dma_wait3A_535 = arith.constant 0 : i32
        %dma_wait3A_536 = arith.constant 0 : i32
        %dma_wait3A_537 = tpu.memref_slice %arg4[%sub3A_524, %dma_wait3A_529, %mul3A_526, %dma_wait3A_535, %dma_wait3A_536] : memref<50x4x128x8x128xf32, #tpu.memory_space<hbm>> -> memref<1x1x4x8x128xf32, #tpu.memory_space<hbm>>
        %dma_wait3A_538 = tpu.memref_squeeze %dma_wait3A_537 : memref<1x1x4x8x128xf32, #tpu.memory_space<hbm>> -> memref<4x8x128xf32, #tpu.memory_space<hbm>>
        %dma_wait3A_539 = arith.constant 0 : i32
        %dma_wait3A_540 = arith.constant 0 : i32
        %dma_wait3A_541 = tpu.memref_slice %arg4[%sub3A_524, %dma_wait3A_529, %mul3A_526, %dma_wait3A_539, %dma_wait3A_540] : memref<50x4x128x8x128xf32, #tpu.memory_space<hbm>> -> memref<1x1x4x8x128xf32, #tpu.memory_space<hbm>>
        %dma_wait3A_542 = tpu.memref_squeeze %dma_wait3A_541 : memref<1x1x4x8x128xf32, #tpu.memory_space<hbm>> -> memref<4x8x128xf32, #tpu.memory_space<hbm>>
        %dma_wait3A_543 = arith.constant 0 : i32
        %dma_wait3A_544 = arith.constant 0 : i32
        %dma_wait3A_545 = arith.constant 0 : i32
        %dma_wait3A_546 = tpu.memref_slice %arg7[%dma_wait3A_527, %dma_wait3A_528, %dma_wait3A_543, %dma_wait3A_544, %dma_wait3A_545] : memref<2x4x4x8x128xf32, #tpu.memory_space<vmem>> -> memref<1x1x4x8x128xf32, #tpu.memory_space<vmem>>
        %dma_wait3A_547 = tpu.memref_squeeze %dma_wait3A_546 : memref<1x1x4x8x128xf32, #tpu.memory_space<vmem>> -> memref<4x8x128xf32, #tpu.memory_space<vmem>>
        tpu.wait_dma2 semaphore(%arg9 : memref<!tpu.dma_semaphore, #tpu.memory_space<semaphore_mem>>) src(%dma_wait3A_547 : memref<4x8x128xf32, #tpu.memory_space<vmem>>) dst(%dma_wait3A_542 : memref<4x8x128xf32, #tpu.memory_space<hbm>>)
        %sub3A_548 = arith.constant 2 : i32
        %sub3A_549 = arith.subi %add3A_353, %sub3A_548 : i32
        %mul3A_550 = arith.constant 4 : i32
        %mul3A_551 = arith.muli %add3A, %mul3A_550 : i32
        %dma_wait3A_552 = arith.constant 1 : i32
        %dma_wait3A_553 = arith.constant 3 : i32
        %dma_wait3A_554 = arith.constant 3 : i32
        %dma_wait3A_555 = arith.constant 0 : i32
        %dma_wait3A_556 = arith.constant 0 : i32
        %dma_wait3A_557 = arith.constant 0 : i32
        %dma_wait3A_558 = tpu.memref_slice %arg7[%dma_wait3A_552, %dma_wait3A_553, %dma_wait3A_555, %dma_wait3A_556, %dma_wait3A_557] : memref<2x4x4x8x128xf32, #tpu.memory_space<vmem>> -> memref<1x1x4x8x128xf32, #tpu.memory_space<vmem>>
        %dma_wait3A_559 = tpu.memref_squeeze %dma_wait3A_558 : memref<1x1x4x8x128xf32, #tpu.memory_space<vmem>> -> memref<4x8x128xf32, #tpu.memory_space<vmem>>
        %dma_wait3A_560 = arith.constant 0 : i32
        %dma_wait3A_561 = arith.constant 0 : i32
        %dma_wait3A_562 = tpu.memref_slice %arg4[%sub3A_549, %dma_wait3A_554, %mul3A_551, %dma_wait3A_560, %dma_wait3A_561] : memref<50x4x128x8x128xf32, #tpu.memory_space<hbm>> -> memref<1x1x4x8x128xf32, #tpu.memory_space<hbm>>
        %dma_wait3A_563 = tpu.memref_squeeze %dma_wait3A_562 : memref<1x1x4x8x128xf32, #tpu.memory_space<hbm>> -> memref<4x8x128xf32, #tpu.memory_space<hbm>>
        %dma_wait3A_564 = arith.constant 0 : i32
        %dma_wait3A_565 = arith.constant 0 : i32
        %dma_wait3A_566 = tpu.memref_slice %arg4[%sub3A_549, %dma_wait3A_554, %mul3A_551, %dma_wait3A_564, %dma_wait3A_565] : memref<50x4x128x8x128xf32, #tpu.memory_space<hbm>> -> memref<1x1x4x8x128xf32, #tpu.memory_space<hbm>>
        %dma_wait3A_567 = tpu.memref_squeeze %dma_wait3A_566 : memref<1x1x4x8x128xf32, #tpu.memory_space<hbm>> -> memref<4x8x128xf32, #tpu.memory_space<hbm>>
        %dma_wait3A_568 = arith.constant 0 : i32
        %dma_wait3A_569 = arith.constant 0 : i32
        %dma_wait3A_570 = arith.constant 0 : i32
        %dma_wait3A_571 = tpu.memref_slice %arg7[%dma_wait3A_552, %dma_wait3A_553, %dma_wait3A_568, %dma_wait3A_569, %dma_wait3A_570] : memref<2x4x4x8x128xf32, #tpu.memory_space<vmem>> -> memref<1x1x4x8x128xf32, #tpu.memory_space<vmem>>
        %dma_wait3A_572 = tpu.memref_squeeze %dma_wait3A_571 : memref<1x1x4x8x128xf32, #tpu.memory_space<vmem>> -> memref<4x8x128xf32, #tpu.memory_space<vmem>>
        tpu.wait_dma2 semaphore(%arg9 : memref<!tpu.dma_semaphore, #tpu.memory_space<semaphore_mem>>) src(%dma_wait3A_572 : memref<4x8x128xf32, #tpu.memory_space<vmem>>) dst(%dma_wait3A_567 : memref<4x8x128xf32, #tpu.memory_space<hbm>>)
      } else {
      }
      %iota3A_378 = tpu.iota {dimensions = array<i32: 0>} : vector<16xi32>
      %parallel_loop3A_379 = arith.constant 0 : i32
      %parallel_loop3A_380 = arith.constant 32 : i32
      %parallel_loop3A_381 = arith.constant 1 : i32
      scf.for %parallel_loop3A_474 = %parallel_loop3A_379 to %parallel_loop3A_380 step %parallel_loop3A_381  : i32 {
        %parallel_loop3A_475 = arith.constant 16 : i32
        %parallel_loop3A_476 = arith.muli %parallel_loop3A_474, %parallel_loop3A_475 : i32
        %parallel_loop3A_477 = vector.broadcast %parallel_loop3A_476 : i32 to vector<16xi32>
        %parallel_loop3A_478 = arith.addi %parallel_loop3A_477, %iota3A_378 : vector<16xi32>
        %parallel_loop3A_479 = arith.constant 8 : i32
        %parallel_loop3A_480 = arith.divsi %parallel_loop3A_474, %parallel_loop3A_479 : i32
        %parallel_loop3A_481 = arith.constant 0 : i32
        %parallel_loop3A_482 = arith.cmpi sgt, %parallel_loop3A_474, %parallel_loop3A_481 : i32
        %parallel_loop3A_483 = arith.extui %parallel_loop3A_482 : i1 to i32
        %parallel_loop3A_484 = arith.constant 0 : i32
        %parallel_loop3A_485 = arith.cmpi slt, %parallel_loop3A_474, %parallel_loop3A_484 : i32
        %parallel_loop3A_486 = arith.extui %parallel_loop3A_485 : i1 to i32
        %parallel_loop3A_487 = arith.subi %parallel_loop3A_483, %parallel_loop3A_486 : i32
        %parallel_loop3A_488 = arith.constant 0 : i32
        %parallel_loop3A_489 = arith.cmpi sgt, %parallel_loop3A_479, %parallel_loop3A_488 : i32
        %parallel_loop3A_490 = arith.extui %parallel_loop3A_489 : i1 to i32
        %parallel_loop3A_491 = arith.constant 0 : i32
        %parallel_loop3A_492 = arith.cmpi slt, %parallel_loop3A_479, %parallel_loop3A_491 : i32
        %parallel_loop3A_493 = arith.extui %parallel_loop3A_492 : i1 to i32
        %parallel_loop3A_494 = arith.subi %parallel_loop3A_490, %parallel_loop3A_493 : i32
        %parallel_loop3A_495 = arith.cmpi ne, %parallel_loop3A_487, %parallel_loop3A_494 : i32
        %parallel_loop3A_496 = arith.remsi %parallel_loop3A_474, %parallel_loop3A_479 : i32
        %parallel_loop3A_497 = arith.constant 0 : i32
        %parallel_loop3A_498 = arith.cmpi ne, %parallel_loop3A_496, %parallel_loop3A_497 : i32
        %parallel_loop3A_499 = arith.andi %parallel_loop3A_495, %parallel_loop3A_498 : i1
        %parallel_loop3A_500 = arith.constant 1 : i32
        %parallel_loop3A_501 = arith.subi %parallel_loop3A_480, %parallel_loop3A_500 : i32
        %parallel_loop3A_502 = arith.select %parallel_loop3A_499, %parallel_loop3A_501, %parallel_loop3A_480 : i32
        %parallel_loop3A_503 = arith.constant 8 : i32
        %parallel_loop3A_504 = arith.remsi %parallel_loop3A_474, %parallel_loop3A_503 : i32
        %parallel_loop3A_505 = arith.constant 16 : i32
        %parallel_loop3A_506 = arith.muli %parallel_loop3A_504, %parallel_loop3A_505 : i32
        %parallel_loop3A_507 = arith.constant 0 : i32
        %parallel_loop3A_508 = vector.broadcast %parallel_loop3A_507 : i32 to vector<16xi32>
        %parallel_loop3A_509 = arith.constant 0 : i32
        %parallel_loop3A_510 = arith.constant 0 : i32
        %parallel_loop3A_511 = tpu.memref_slice %arg6[%rem3A_355, %parallel_loop3A_509, %parallel_loop3A_510] : memref<4x512x32xf32, #tpu.memory_space<vmem>> -> memref<1x512x32xf32, #tpu.memory_space<vmem>>
        %parallel_loop3A_512 = tpu.memref_squeeze %parallel_loop3A_511 : memref<1x512x32xf32, #tpu.memory_space<vmem>> -> memref<512x32xf32, #tpu.memory_space<vmem>>
        %parallel_loop3A_513 = tpu.vector_load_idx %parallel_loop3A_512[%parallel_loop3A_478, %parallel_loop3A_508] : memref<512x32xf32, #tpu.memory_space<vmem>>[vector<16xi32>, vector<16xi32>], vector<16xf32>,
        %parallel_loop3A_514 = arith.constant 1 : i32
        %parallel_loop3A_515 = arith.constant 0 : i32
        %parallel_loop3A_516 = arith.constant 0 : i32
        %parallel_loop3A_517 = arith.index_cast %parallel_loop3A_514 : i32 to index
        %parallel_loop3A_518 = arith.index_cast %parallel_loop3A_515 : i32 to index
        %parallel_loop3A_519 = arith.index_cast %parallel_loop3A_502 : i32 to index
        %parallel_loop3A_520 = arith.index_cast %parallel_loop3A_516 : i32 to index
        %parallel_loop3A_521 = arith.index_cast %parallel_loop3A_506 : i32 to index
        %parallel_loop3A_522 = tpu.vector_load %arg7[%parallel_loop3A_517, %parallel_loop3A_518, %parallel_loop3A_519, %parallel_loop3A_520, %parallel_loop3A_521] {strides = array<i32>} : memref<2x4x4x8x128xf32, #tpu.memory_space<vmem>>, vector<16xf32>,
        tpu.vector_store %arg7[%parallel_loop3A_517, %parallel_loop3A_518, %parallel_loop3A_519, %parallel_loop3A_520, %parallel_loop3A_521], %parallel_loop3A_513 {strides = array<i32>} : memref<2x4x4x8x128xf32, #tpu.memory_space<vmem>>, vector<16xf32>,
        %parallel_loop3A_523 = arith.constant 1 : i32
        %parallel_loop3A_524 = vector.broadcast %parallel_loop3A_523 : i32 to vector<16xi32>
        %parallel_loop3A_525 = arith.constant 0 : i32
        %parallel_loop3A_526 = arith.constant 0 : i32
        %parallel_loop3A_527 = tpu.memref_slice %arg6[%rem3A_355, %parallel_loop3A_525, %parallel_loop3A_526] : memref<4x512x32xf32, #tpu.memory_space<vmem>> -> memref<1x512x32xf32, #tpu.memory_space<vmem>>
        %parallel_loop3A_528 = tpu.memref_squeeze %parallel_loop3A_527 : memref<1x512x32xf32, #tpu.memory_space<vmem>> -> memref<512x32xf32, #tpu.memory_space<vmem>>
        %parallel_loop3A_529 = tpu.vector_load_idx %parallel_loop3A_528[%parallel_loop3A_478, %parallel_loop3A_524] : memref<512x32xf32, #tpu.memory_space<vmem>>[vector<16xi32>, vector<16xi32>], vector<16xf32>,
        %parallel_loop3A_530 = arith.constant 1 : i32
        %parallel_loop3A_531 = arith.constant 0 : i32
        %parallel_loop3A_532 = arith.constant 1 : i32
        %parallel_loop3A_533 = arith.index_cast %parallel_loop3A_530 : i32 to index
        %parallel_loop3A_534 = arith.index_cast %parallel_loop3A_531 : i32 to index
        %parallel_loop3A_535 = arith.index_cast %parallel_loop3A_502 : i32 to index
        %parallel_loop3A_536 = arith.index_cast %parallel_loop3A_532 : i32 to index
        %parallel_loop3A_537 = arith.index_cast %parallel_loop3A_506 : i32 to index
        %parallel_loop3A_538 = tpu.vector_load %arg7[%parallel_loop3A_533, %parallel_loop3A_534, %parallel_loop3A_535, %parallel_loop3A_536, %parallel_loop3A_537] {strides = array<i32>} : memref<2x4x4x8x128xf32, #tpu.memory_space<vmem>>, vector<16xf32>,
        tpu.vector_store %arg7[%parallel_loop3A_533, %parallel_loop3A_534, %parallel_loop3A_535, %parallel_loop3A_536, %parallel_loop3A_537], %parallel_loop3A_529 {strides = array<i32>} : memref<2x4x4x8x128xf32, #tpu.memory_space<vmem>>, vector<16xf32>,
        %parallel_loop3A_539 = arith.constant 2 : i32
        %parallel_loop3A_540 = vector.broadcast %parallel_loop3A_539 : i32 to vector<16xi32>
        %parallel_loop3A_541 = arith.constant 0 : i32
        %parallel_loop3A_542 = arith.constant 0 : i32
        %parallel_loop3A_543 = tpu.memref_slice %arg6[%rem3A_355, %parallel_loop3A_541, %parallel_loop3A_542] : memref<4x512x32xf32, #tpu.memory_space<vmem>> -> memref<1x512x32xf32, #tpu.memory_space<vmem>>
        %parallel_loop3A_544 = tpu.memref_squeeze %parallel_loop3A_543 : memref<1x512x32xf32, #tpu.memory_space<vmem>> -> memref<512x32xf32, #tpu.memory_space<vmem>>
        %parallel_loop3A_545 = tpu.vector_load_idx %parallel_loop3A_544[%parallel_loop3A_478, %parallel_loop3A_540] : memref<512x32xf32, #tpu.memory_space<vmem>>[vector<16xi32>, vector<16xi32>], vector<16xf32>,
        %parallel_loop3A_546 = arith.constant 1 : i32
        %parallel_loop3A_547 = arith.constant 0 : i32
        %parallel_loop3A_548 = arith.constant 2 : i32
        %parallel_loop3A_549 = arith.index_cast %parallel_loop3A_546 : i32 to index
        %parallel_loop3A_550 = arith.index_cast %parallel_loop3A_547 : i32 to index
        %parallel_loop3A_551 = arith.index_cast %parallel_loop3A_502 : i32 to index
        %parallel_loop3A_552 = arith.index_cast %parallel_loop3A_548 : i32 to index
        %parallel_loop3A_553 = arith.index_cast %parallel_loop3A_506 : i32 to index
        %parallel_loop3A_554 = tpu.vector_load %arg7[%parallel_loop3A_549, %parallel_loop3A_550, %parallel_loop3A_551, %parallel_loop3A_552, %parallel_loop3A_553] {strides = array<i32>} : memref<2x4x4x8x128xf32, #tpu.memory_space<vmem>>, vector<16xf32>,
        tpu.vector_store %arg7[%parallel_loop3A_549, %parallel_loop3A_550, %parallel_loop3A_551, %parallel_loop3A_552, %parallel_loop3A_553], %parallel_loop3A_545 {strides = array<i32>} : memref<2x4x4x8x128xf32, #tpu.memory_space<vmem>>, vector<16xf32>,
        %parallel_loop3A_555 = arith.constant 3 : i32
        %parallel_loop3A_556 = vector.broadcast %parallel_loop3A_555 : i32 to vector<16xi32>
        %parallel_loop3A_557 = arith.constant 0 : i32
        %parallel_loop3A_558 = arith.constant 0 : i32
        %parallel_loop3A_559 = tpu.memref_slice %arg6[%rem3A_355, %parallel_loop3A_557, %parallel_loop3A_558] : memref<4x512x32xf32, #tpu.memory_space<vmem>> -> memref<1x512x32xf32, #tpu.memory_space<vmem>>
        %parallel_loop3A_560 = tpu.memref_squeeze %parallel_loop3A_559 : memref<1x512x32xf32, #tpu.memory_space<vmem>> -> memref<512x32xf32, #tpu.memory_space<vmem>>
        %parallel_loop3A_561 = tpu.vector_load_idx %parallel_loop3A_560[%parallel_loop3A_478, %parallel_loop3A_556] : memref<512x32xf32, #tpu.memory_space<vmem>>[vector<16xi32>, vector<16xi32>], vector<16xf32>,
        %parallel_loop3A_562 = arith.constant 1 : i32
        %parallel_loop3A_563 = arith.constant 0 : i32
        %parallel_loop3A_564 = arith.constant 3 : i32
        %parallel_loop3A_565 = arith.index_cast %parallel_loop3A_562 : i32 to index
        %parallel_loop3A_566 = arith.index_cast %parallel_loop3A_563 : i32 to index
        %parallel_loop3A_567 = arith.index_cast %parallel_loop3A_502 : i32 to index
        %parallel_loop3A_568 = arith.index_cast %parallel_loop3A_564 : i32 to index
        %parallel_loop3A_569 = arith.index_cast %parallel_loop3A_506 : i32 to index
        %parallel_loop3A_570 = tpu.vector_load %arg7[%parallel_loop3A_565, %parallel_loop3A_566, %parallel_loop3A_567, %parallel_loop3A_568, %parallel_loop3A_569] {strides = array<i32>} : memref<2x4x4x8x128xf32, #tpu.memory_space<vmem>>, vector<16xf32>,
        tpu.vector_store %arg7[%parallel_loop3A_565, %parallel_loop3A_566, %parallel_loop3A_567, %parallel_loop3A_568, %parallel_loop3A_569], %parallel_loop3A_561 {strides = array<i32>} : memref<2x4x4x8x128xf32, #tpu.memory_space<vmem>>, vector<16xf32>,
        %parallel_loop3A_571 = arith.constant 4 : i32
        %parallel_loop3A_572 = vector.broadcast %parallel_loop3A_571 : i32 to vector<16xi32>
        %parallel_loop3A_573 = arith.constant 0 : i32
        %parallel_loop3A_574 = arith.constant 0 : i32
        %parallel_loop3A_575 = tpu.memref_slice %arg6[%rem3A_355, %parallel_loop3A_573, %parallel_loop3A_574] : memref<4x512x32xf32, #tpu.memory_space<vmem>> -> memref<1x512x32xf32, #tpu.memory_space<vmem>>
        %parallel_loop3A_576 = tpu.memref_squeeze %parallel_loop3A_575 : memref<1x512x32xf32, #tpu.memory_space<vmem>> -> memref<512x32xf32, #tpu.memory_space<vmem>>
        %parallel_loop3A_577 = tpu.vector_load_idx %parallel_loop3A_576[%parallel_loop3A_478, %parallel_loop3A_572] : memref<512x32xf32, #tpu.memory_space<vmem>>[vector<16xi32>, vector<16xi32>], vector<16xf32>,
        %parallel_loop3A_578 = arith.constant 1 : i32
        %parallel_loop3A_579 = arith.constant 0 : i32
        %parallel_loop3A_580 = arith.constant 4 : i32
        %parallel_loop3A_581 = arith.index_cast %parallel_loop3A_578 : i32 to index
        %parallel_loop3A_582 = arith.index_cast %parallel_loop3A_579 : i32 to index
        %parallel_loop3A_583 = arith.index_cast %parallel_loop3A_502 : i32 to index
        %parallel_loop3A_584 = arith.index_cast %parallel_loop3A_580 : i32 to index
        %parallel_loop3A_585 = arith.index_cast %parallel_loop3A_506 : i32 to index
        %parallel_loop3A_586 = tpu.vector_load %arg7[%parallel_loop3A_581, %parallel_loop3A_582, %parallel_loop3A_583, %parallel_loop3A_584, %parallel_loop3A_585] {strides = array<i32>} : memref<2x4x4x8x128xf32, #tpu.memory_space<vmem>>, vector<16xf32>,
        tpu.vector_store %arg7[%parallel_loop3A_581, %parallel_loop3A_582, %parallel_loop3A_583, %parallel_loop3A_584, %parallel_loop3A_585], %parallel_loop3A_577 {strides = array<i32>} : memref<2x4x4x8x128xf32, #tpu.memory_space<vmem>>, vector<16xf32>,
        %parallel_loop3A_587 = arith.constant 5 : i32
        %parallel_loop3A_588 = vector.broadcast %parallel_loop3A_587 : i32 to vector<16xi32>
        %parallel_loop3A_589 = arith.constant 0 : i32
        %parallel_loop3A_590 = arith.constant 0 : i32
        %parallel_loop3A_591 = tpu.memref_slice %arg6[%rem3A_355, %parallel_loop3A_589, %parallel_loop3A_590] : memref<4x512x32xf32, #tpu.memory_space<vmem>> -> memref<1x512x32xf32, #tpu.memory_space<vmem>>
        %parallel_loop3A_592 = tpu.memref_squeeze %parallel_loop3A_591 : memref<1x512x32xf32, #tpu.memory_space<vmem>> -> memref<512x32xf32, #tpu.memory_space<vmem>>
        %parallel_loop3A_593 = tpu.vector_load_idx %parallel_loop3A_592[%parallel_loop3A_478, %parallel_loop3A_588] : memref<512x32xf32, #tpu.memory_space<vmem>>[vector<16xi32>, vector<16xi32>], vector<16xf32>,
        %parallel_loop3A_594 = arith.constant 1 : i32
        %parallel_loop3A_595 = arith.constant 0 : i32
        %parallel_loop3A_596 = arith.constant 5 : i32
        %parallel_loop3A_597 = arith.index_cast %parallel_loop3A_594 : i32 to index
        %parallel_loop3A_598 = arith.index_cast %parallel_loop3A_595 : i32 to index
        %parallel_loop3A_599 = arith.index_cast %parallel_loop3A_502 : i32 to index
        %parallel_loop3A_600 = arith.index_cast %parallel_loop3A_596 : i32 to index
        %parallel_loop3A_601 = arith.index_cast %parallel_loop3A_506 : i32 to index
        %parallel_loop3A_602 = tpu.vector_load %arg7[%parallel_loop3A_597, %parallel_loop3A_598, %parallel_loop3A_599, %parallel_loop3A_600, %parallel_loop3A_601] {strides = array<i32>} : memref<2x4x4x8x128xf32, #tpu.memory_space<vmem>>, vector<16xf32>,
        tpu.vector_store %arg7[%parallel_loop3A_597, %parallel_loop3A_598, %parallel_loop3A_599, %parallel_loop3A_600, %parallel_loop3A_601], %parallel_loop3A_593 {strides = array<i32>} : memref<2x4x4x8x128xf32, #tpu.memory_space<vmem>>, vector<16xf32>,
        %parallel_loop3A_603 = arith.constant 6 : i32
        %parallel_loop3A_604 = vector.broadcast %parallel_loop3A_603 : i32 to vector<16xi32>
        %parallel_loop3A_605 = arith.constant 0 : i32
        %parallel_loop3A_606 = arith.constant 0 : i32
        %parallel_loop3A_607 = tpu.memref_slice %arg6[%rem3A_355, %parallel_loop3A_605, %parallel_loop3A_606] : memref<4x512x32xf32, #tpu.memory_space<vmem>> -> memref<1x512x32xf32, #tpu.memory_space<vmem>>
        %parallel_loop3A_608 = tpu.memref_squeeze %parallel_loop3A_607 : memref<1x512x32xf32, #tpu.memory_space<vmem>> -> memref<512x32xf32, #tpu.memory_space<vmem>>
        %parallel_loop3A_609 = tpu.vector_load_idx %parallel_loop3A_608[%parallel_loop3A_478, %parallel_loop3A_604] : memref<512x32xf32, #tpu.memory_space<vmem>>[vector<16xi32>, vector<16xi32>], vector<16xf32>,
        %parallel_loop3A_610 = arith.constant 1 : i32
        %parallel_loop3A_611 = arith.constant 0 : i32
        %parallel_loop3A_612 = arith.constant 6 : i32
        %parallel_loop3A_613 = arith.index_cast %parallel_loop3A_610 : i32 to index
        %parallel_loop3A_614 = arith.index_cast %parallel_loop3A_611 : i32 to index
        %parallel_loop3A_615 = arith.index_cast %parallel_loop3A_502 : i32 to index
        %parallel_loop3A_616 = arith.index_cast %parallel_loop3A_612 : i32 to index
        %parallel_loop3A_617 = arith.index_cast %parallel_loop3A_506 : i32 to index
        %parallel_loop3A_618 = tpu.vector_load %arg7[%parallel_loop3A_613, %parallel_loop3A_614, %parallel_loop3A_615, %parallel_loop3A_616, %parallel_loop3A_617] {strides = array<i32>} : memref<2x4x4x8x128xf32, #tpu.memory_space<vmem>>, vector<16xf32>,
        tpu.vector_store %arg7[%parallel_loop3A_613, %parallel_loop3A_614, %parallel_loop3A_615, %parallel_loop3A_616, %parallel_loop3A_617], %parallel_loop3A_609 {strides = array<i32>} : memref<2x4x4x8x128xf32, #tpu.memory_space<vmem>>, vector<16xf32>,
        %parallel_loop3A_619 = arith.constant 7 : i32
        %parallel_loop3A_620 = vector.broadcast %parallel_loop3A_619 : i32 to vector<16xi32>
        %parallel_loop3A_621 = arith.constant 0 : i32
        %parallel_loop3A_622 = arith.constant 0 : i32
        %parallel_loop3A_623 = tpu.memref_slice %arg6[%rem3A_355, %parallel_loop3A_621, %parallel_loop3A_622] : memref<4x512x32xf32, #tpu.memory_space<vmem>> -> memref<1x512x32xf32, #tpu.memory_space<vmem>>
        %parallel_loop3A_624 = tpu.memref_squeeze %parallel_loop3A_623 : memref<1x512x32xf32, #tpu.memory_space<vmem>> -> memref<512x32xf32, #tpu.memory_space<vmem>>
        %parallel_loop3A_625 = tpu.vector_load_idx %parallel_loop3A_624[%parallel_loop3A_478, %parallel_loop3A_620] : memref<512x32xf32, #tpu.memory_space<vmem>>[vector<16xi32>, vector<16xi32>], vector<16xf32>,
        %parallel_loop3A_626 = arith.constant 1 : i32
        %parallel_loop3A_627 = arith.constant 0 : i32
        %parallel_loop3A_628 = arith.constant 7 : i32
        %parallel_loop3A_629 = arith.index_cast %parallel_loop3A_626 : i32 to index
        %parallel_loop3A_630 = arith.index_cast %parallel_loop3A_627 : i32 to index
        %parallel_loop3A_631 = arith.index_cast %parallel_loop3A_502 : i32 to index
        %parallel_loop3A_632 = arith.index_cast %parallel_loop3A_628 : i32 to index
        %parallel_loop3A_633 = arith.index_cast %parallel_loop3A_506 : i32 to index
        %parallel_loop3A_634 = tpu.vector_load %arg7[%parallel_loop3A_629, %parallel_loop3A_630, %parallel_loop3A_631, %parallel_loop3A_632, %parallel_loop3A_633] {strides = array<i32>} : memref<2x4x4x8x128xf32, #tpu.memory_space<vmem>>, vector<16xf32>,
        tpu.vector_store %arg7[%parallel_loop3A_629, %parallel_loop3A_630, %parallel_loop3A_631, %parallel_loop3A_632, %parallel_loop3A_633], %parallel_loop3A_625 {strides = array<i32>} : memref<2x4x4x8x128xf32, #tpu.memory_space<vmem>>, vector<16xf32>,
        %parallel_loop3A_635 = arith.constant 8 : i32
        %parallel_loop3A_636 = vector.broadcast %parallel_loop3A_635 : i32 to vector<16xi32>
        %parallel_loop3A_637 = arith.constant 0 : i32
        %parallel_loop3A_638 = arith.constant 0 : i32
        %parallel_loop3A_639 = tpu.memref_slice %arg6[%rem3A_355, %parallel_loop3A_637, %parallel_loop3A_638] : memref<4x512x32xf32, #tpu.memory_space<vmem>> -> memref<1x512x32xf32, #tpu.memory_space<vmem>>
        %parallel_loop3A_640 = tpu.memref_squeeze %parallel_loop3A_639 : memref<1x512x32xf32, #tpu.memory_space<vmem>> -> memref<512x32xf32, #tpu.memory_space<vmem>>
        %parallel_loop3A_641 = tpu.vector_load_idx %parallel_loop3A_640[%parallel_loop3A_478, %parallel_loop3A_636] : memref<512x32xf32, #tpu.memory_space<vmem>>[vector<16xi32>, vector<16xi32>], vector<16xf32>,
        %parallel_loop3A_642 = arith.constant 1 : i32
        %parallel_loop3A_643 = arith.constant 1 : i32
        %parallel_loop3A_644 = arith.constant 0 : i32
        %parallel_loop3A_645 = arith.index_cast %parallel_loop3A_642 : i32 to index
        %parallel_loop3A_646 = arith.index_cast %parallel_loop3A_643 : i32 to index
        %parallel_loop3A_647 = arith.index_cast %parallel_loop3A_502 : i32 to index
        %parallel_loop3A_648 = arith.index_cast %parallel_loop3A_644 : i32 to index
        %parallel_loop3A_649 = arith.index_cast %parallel_loop3A_506 : i32 to index
        %parallel_loop3A_650 = tpu.vector_load %arg7[%parallel_loop3A_645, %parallel_loop3A_646, %parallel_loop3A_647, %parallel_loop3A_648, %parallel_loop3A_649] {strides = array<i32>} : memref<2x4x4x8x128xf32, #tpu.memory_space<vmem>>, vector<16xf32>,
        tpu.vector_store %arg7[%parallel_loop3A_645, %parallel_loop3A_646, %parallel_loop3A_647, %parallel_loop3A_648, %parallel_loop3A_649], %parallel_loop3A_641 {strides = array<i32>} : memref<2x4x4x8x128xf32, #tpu.memory_space<vmem>>, vector<16xf32>,
        %parallel_loop3A_651 = arith.constant 9 : i32
        %parallel_loop3A_652 = vector.broadcast %parallel_loop3A_651 : i32 to vector<16xi32>
        %parallel_loop3A_653 = arith.constant 0 : i32
        %parallel_loop3A_654 = arith.constant 0 : i32
        %parallel_loop3A_655 = tpu.memref_slice %arg6[%rem3A_355, %parallel_loop3A_653, %parallel_loop3A_654] : memref<4x512x32xf32, #tpu.memory_space<vmem>> -> memref<1x512x32xf32, #tpu.memory_space<vmem>>
        %parallel_loop3A_656 = tpu.memref_squeeze %parallel_loop3A_655 : memref<1x512x32xf32, #tpu.memory_space<vmem>> -> memref<512x32xf32, #tpu.memory_space<vmem>>
        %parallel_loop3A_657 = tpu.vector_load_idx %parallel_loop3A_656[%parallel_loop3A_478, %parallel_loop3A_652] : memref<512x32xf32, #tpu.memory_space<vmem>>[vector<16xi32>, vector<16xi32>], vector<16xf32>,
        %parallel_loop3A_658 = arith.constant 1 : i32
        %parallel_loop3A_659 = arith.constant 1 : i32
        %parallel_loop3A_660 = arith.constant 1 : i32
        %parallel_loop3A_661 = arith.index_cast %parallel_loop3A_658 : i32 to index
        %parallel_loop3A_662 = arith.index_cast %parallel_loop3A_659 : i32 to index
        %parallel_loop3A_663 = arith.index_cast %parallel_loop3A_502 : i32 to index
        %parallel_loop3A_664 = arith.index_cast %parallel_loop3A_660 : i32 to index
        %parallel_loop3A_665 = arith.index_cast %parallel_loop3A_506 : i32 to index
        %parallel_loop3A_666 = tpu.vector_load %arg7[%parallel_loop3A_661, %parallel_loop3A_662, %parallel_loop3A_663, %parallel_loop3A_664, %parallel_loop3A_665] {strides = array<i32>} : memref<2x4x4x8x128xf32, #tpu.memory_space<vmem>>, vector<16xf32>,
        tpu.vector_store %arg7[%parallel_loop3A_661, %parallel_loop3A_662, %parallel_loop3A_663, %parallel_loop3A_664, %parallel_loop3A_665], %parallel_loop3A_657 {strides = array<i32>} : memref<2x4x4x8x128xf32, #tpu.memory_space<vmem>>, vector<16xf32>,
        %parallel_loop3A_667 = arith.constant 10 : i32
        %parallel_loop3A_668 = vector.broadcast %parallel_loop3A_667 : i32 to vector<16xi32>
        %parallel_loop3A_669 = arith.constant 0 : i32
        %parallel_loop3A_670 = arith.constant 0 : i32
        %parallel_loop3A_671 = tpu.memref_slice %arg6[%rem3A_355, %parallel_loop3A_669, %parallel_loop3A_670] : memref<4x512x32xf32, #tpu.memory_space<vmem>> -> memref<1x512x32xf32, #tpu.memory_space<vmem>>
        %parallel_loop3A_672 = tpu.memref_squeeze %parallel_loop3A_671 : memref<1x512x32xf32, #tpu.memory_space<vmem>> -> memref<512x32xf32, #tpu.memory_space<vmem>>
        %parallel_loop3A_673 = tpu.vector_load_idx %parallel_loop3A_672[%parallel_loop3A_478, %parallel_loop3A_668] : memref<512x32xf32, #tpu.memory_space<vmem>>[vector<16xi32>, vector<16xi32>], vector<16xf32>,
        %parallel_loop3A_674 = arith.constant 1 : i32
        %parallel_loop3A_675 = arith.constant 1 : i32
        %parallel_loop3A_676 = arith.constant 2 : i32
        %parallel_loop3A_677 = arith.index_cast %parallel_loop3A_674 : i32 to index
        %parallel_loop3A_678 = arith.index_cast %parallel_loop3A_675 : i32 to index
        %parallel_loop3A_679 = arith.index_cast %parallel_loop3A_502 : i32 to index
        %parallel_loop3A_680 = arith.index_cast %parallel_loop3A_676 : i32 to index
        %parallel_loop3A_681 = arith.index_cast %parallel_loop3A_506 : i32 to index
        %parallel_loop3A_682 = tpu.vector_load %arg7[%parallel_loop3A_677, %parallel_loop3A_678, %parallel_loop3A_679, %parallel_loop3A_680, %parallel_loop3A_681] {strides = array<i32>} : memref<2x4x4x8x128xf32, #tpu.memory_space<vmem>>, vector<16xf32>,
        tpu.vector_store %arg7[%parallel_loop3A_677, %parallel_loop3A_678, %parallel_loop3A_679, %parallel_loop3A_680, %parallel_loop3A_681], %parallel_loop3A_673 {strides = array<i32>} : memref<2x4x4x8x128xf32, #tpu.memory_space<vmem>>, vector<16xf32>,
        %parallel_loop3A_683 = arith.constant 11 : i32
        %parallel_loop3A_684 = vector.broadcast %parallel_loop3A_683 : i32 to vector<16xi32>
        %parallel_loop3A_685 = arith.constant 0 : i32
        %parallel_loop3A_686 = arith.constant 0 : i32
        %parallel_loop3A_687 = tpu.memref_slice %arg6[%rem3A_355, %parallel_loop3A_685, %parallel_loop3A_686] : memref<4x512x32xf32, #tpu.memory_space<vmem>> -> memref<1x512x32xf32, #tpu.memory_space<vmem>>
        %parallel_loop3A_688 = tpu.memref_squeeze %parallel_loop3A_687 : memref<1x512x32xf32, #tpu.memory_space<vmem>> -> memref<512x32xf32, #tpu.memory_space<vmem>>
        %parallel_loop3A_689 = tpu.vector_load_idx %parallel_loop3A_688[%parallel_loop3A_478, %parallel_loop3A_684] : memref<512x32xf32, #tpu.memory_space<vmem>>[vector<16xi32>, vector<16xi32>], vector<16xf32>,
        %parallel_loop3A_690 = arith.constant 1 : i32
        %parallel_loop3A_691 = arith.constant 1 : i32
        %parallel_loop3A_692 = arith.constant 3 : i32
        %parallel_loop3A_693 = arith.index_cast %parallel_loop3A_690 : i32 to index
        %parallel_loop3A_694 = arith.index_cast %parallel_loop3A_691 : i32 to index
        %parallel_loop3A_695 = arith.index_cast %parallel_loop3A_502 : i32 to index
        %parallel_loop3A_696 = arith.index_cast %parallel_loop3A_692 : i32 to index
        %parallel_loop3A_697 = arith.index_cast %parallel_loop3A_506 : i32 to index
        %parallel_loop3A_698 = tpu.vector_load %arg7[%parallel_loop3A_693, %parallel_loop3A_694, %parallel_loop3A_695, %parallel_loop3A_696, %parallel_loop3A_697] {strides = array<i32>} : memref<2x4x4x8x128xf32, #tpu.memory_space<vmem>>, vector<16xf32>,
        tpu.vector_store %arg7[%parallel_loop3A_693, %parallel_loop3A_694, %parallel_loop3A_695, %parallel_loop3A_696, %parallel_loop3A_697], %parallel_loop3A_689 {strides = array<i32>} : memref<2x4x4x8x128xf32, #tpu.memory_space<vmem>>, vector<16xf32>,
        %parallel_loop3A_699 = arith.constant 12 : i32
        %parallel_loop3A_700 = vector.broadcast %parallel_loop3A_699 : i32 to vector<16xi32>
        %parallel_loop3A_701 = arith.constant 0 : i32
        %parallel_loop3A_702 = arith.constant 0 : i32
        %parallel_loop3A_703 = tpu.memref_slice %arg6[%rem3A_355, %parallel_loop3A_701, %parallel_loop3A_702] : memref<4x512x32xf32, #tpu.memory_space<vmem>> -> memref<1x512x32xf32, #tpu.memory_space<vmem>>
        %parallel_loop3A_704 = tpu.memref_squeeze %parallel_loop3A_703 : memref<1x512x32xf32, #tpu.memory_space<vmem>> -> memref<512x32xf32, #tpu.memory_space<vmem>>
        %parallel_loop3A_705 = tpu.vector_load_idx %parallel_loop3A_704[%parallel_loop3A_478, %parallel_loop3A_700] : memref<512x32xf32, #tpu.memory_space<vmem>>[vector<16xi32>, vector<16xi32>], vector<16xf32>,
        %parallel_loop3A_706 = arith.constant 1 : i32
        %parallel_loop3A_707 = arith.constant 1 : i32
        %parallel_loop3A_708 = arith.constant 4 : i32
        %parallel_loop3A_709 = arith.index_cast %parallel_loop3A_706 : i32 to index
        %parallel_loop3A_710 = arith.index_cast %parallel_loop3A_707 : i32 to index
        %parallel_loop3A_711 = arith.index_cast %parallel_loop3A_502 : i32 to index
        %parallel_loop3A_712 = arith.index_cast %parallel_loop3A_708 : i32 to index
        %parallel_loop3A_713 = arith.index_cast %parallel_loop3A_506 : i32 to index
        %parallel_loop3A_714 = tpu.vector_load %arg7[%parallel_loop3A_709, %parallel_loop3A_710, %parallel_loop3A_711, %parallel_loop3A_712, %parallel_loop3A_713] {strides = array<i32>} : memref<2x4x4x8x128xf32, #tpu.memory_space<vmem>>, vector<16xf32>,
        tpu.vector_store %arg7[%parallel_loop3A_709, %parallel_loop3A_710, %parallel_loop3A_711, %parallel_loop3A_712, %parallel_loop3A_713], %parallel_loop3A_705 {strides = array<i32>} : memref<2x4x4x8x128xf32, #tpu.memory_space<vmem>>, vector<16xf32>,
        %parallel_loop3A_715 = arith.constant 13 : i32
        %parallel_loop3A_716 = vector.broadcast %parallel_loop3A_715 : i32 to vector<16xi32>
        %parallel_loop3A_717 = arith.constant 0 : i32
        %parallel_loop3A_718 = arith.constant 0 : i32
        %parallel_loop3A_719 = tpu.memref_slice %arg6[%rem3A_355, %parallel_loop3A_717, %parallel_loop3A_718] : memref<4x512x32xf32, #tpu.memory_space<vmem>> -> memref<1x512x32xf32, #tpu.memory_space<vmem>>
        %parallel_loop3A_720 = tpu.memref_squeeze %parallel_loop3A_719 : memref<1x512x32xf32, #tpu.memory_space<vmem>> -> memref<512x32xf32, #tpu.memory_space<vmem>>
        %parallel_loop3A_721 = tpu.vector_load_idx %parallel_loop3A_720[%parallel_loop3A_478, %parallel_loop3A_716] : memref<512x32xf32, #tpu.memory_space<vmem>>[vector<16xi32>, vector<16xi32>], vector<16xf32>,
        %parallel_loop3A_722 = arith.constant 1 : i32
        %parallel_loop3A_723 = arith.constant 1 : i32
        %parallel_loop3A_724 = arith.constant 5 : i32
        %parallel_loop3A_725 = arith.index_cast %parallel_loop3A_722 : i32 to index
        %parallel_loop3A_726 = arith.index_cast %parallel_loop3A_723 : i32 to index
        %parallel_loop3A_727 = arith.index_cast %parallel_loop3A_502 : i32 to index
        %parallel_loop3A_728 = arith.index_cast %parallel_loop3A_724 : i32 to index
        %parallel_loop3A_729 = arith.index_cast %parallel_loop3A_506 : i32 to index
        %parallel_loop3A_730 = tpu.vector_load %arg7[%parallel_loop3A_725, %parallel_loop3A_726, %parallel_loop3A_727, %parallel_loop3A_728, %parallel_loop3A_729] {strides = array<i32>} : memref<2x4x4x8x128xf32, #tpu.memory_space<vmem>>, vector<16xf32>,
        tpu.vector_store %arg7[%parallel_loop3A_725, %parallel_loop3A_726, %parallel_loop3A_727, %parallel_loop3A_728, %parallel_loop3A_729], %parallel_loop3A_721 {strides = array<i32>} : memref<2x4x4x8x128xf32, #tpu.memory_space<vmem>>, vector<16xf32>,
        %parallel_loop3A_731 = arith.constant 14 : i32
        %parallel_loop3A_732 = vector.broadcast %parallel_loop3A_731 : i32 to vector<16xi32>
        %parallel_loop3A_733 = arith.constant 0 : i32
        %parallel_loop3A_734 = arith.constant 0 : i32
        %parallel_loop3A_735 = tpu.memref_slice %arg6[%rem3A_355, %parallel_loop3A_733, %parallel_loop3A_734] : memref<4x512x32xf32, #tpu.memory_space<vmem>> -> memref<1x512x32xf32, #tpu.memory_space<vmem>>
        %parallel_loop3A_736 = tpu.memref_squeeze %parallel_loop3A_735 : memref<1x512x32xf32, #tpu.memory_space<vmem>> -> memref<512x32xf32, #tpu.memory_space<vmem>>
        %parallel_loop3A_737 = tpu.vector_load_idx %parallel_loop3A_736[%parallel_loop3A_478, %parallel_loop3A_732] : memref<512x32xf32, #tpu.memory_space<vmem>>[vector<16xi32>, vector<16xi32>], vector<16xf32>,
        %parallel_loop3A_738 = arith.constant 1 : i32
        %parallel_loop3A_739 = arith.constant 1 : i32
        %parallel_loop3A_740 = arith.constant 6 : i32
        %parallel_loop3A_741 = arith.index_cast %parallel_loop3A_738 : i32 to index
        %parallel_loop3A_742 = arith.index_cast %parallel_loop3A_739 : i32 to index
        %parallel_loop3A_743 = arith.index_cast %parallel_loop3A_502 : i32 to index
        %parallel_loop3A_744 = arith.index_cast %parallel_loop3A_740 : i32 to index
        %parallel_loop3A_745 = arith.index_cast %parallel_loop3A_506 : i32 to index
        %parallel_loop3A_746 = tpu.vector_load %arg7[%parallel_loop3A_741, %parallel_loop3A_742, %parallel_loop3A_743, %parallel_loop3A_744, %parallel_loop3A_745] {strides = array<i32>} : memref<2x4x4x8x128xf32, #tpu.memory_space<vmem>>, vector<16xf32>,
        tpu.vector_store %arg7[%parallel_loop3A_741, %parallel_loop3A_742, %parallel_loop3A_743, %parallel_loop3A_744, %parallel_loop3A_745], %parallel_loop3A_737 {strides = array<i32>} : memref<2x4x4x8x128xf32, #tpu.memory_space<vmem>>, vector<16xf32>,
        %parallel_loop3A_747 = arith.constant 15 : i32
        %parallel_loop3A_748 = vector.broadcast %parallel_loop3A_747 : i32 to vector<16xi32>
        %parallel_loop3A_749 = arith.constant 0 : i32
        %parallel_loop3A_750 = arith.constant 0 : i32
        %parallel_loop3A_751 = tpu.memref_slice %arg6[%rem3A_355, %parallel_loop3A_749, %parallel_loop3A_750] : memref<4x512x32xf32, #tpu.memory_space<vmem>> -> memref<1x512x32xf32, #tpu.memory_space<vmem>>
        %parallel_loop3A_752 = tpu.memref_squeeze %parallel_loop3A_751 : memref<1x512x32xf32, #tpu.memory_space<vmem>> -> memref<512x32xf32, #tpu.memory_space<vmem>>
        %parallel_loop3A_753 = tpu.vector_load_idx %parallel_loop3A_752[%parallel_loop3A_478, %parallel_loop3A_748] : memref<512x32xf32, #tpu.memory_space<vmem>>[vector<16xi32>, vector<16xi32>], vector<16xf32>,
        %parallel_loop3A_754 = arith.constant 1 : i32
        %parallel_loop3A_755 = arith.constant 1 : i32
        %parallel_loop3A_756 = arith.constant 7 : i32
        %parallel_loop3A_757 = arith.index_cast %parallel_loop3A_754 : i32 to index
        %parallel_loop3A_758 = arith.index_cast %parallel_loop3A_755 : i32 to index
        %parallel_loop3A_759 = arith.index_cast %parallel_loop3A_502 : i32 to index
        %parallel_loop3A_760 = arith.index_cast %parallel_loop3A_756 : i32 to index
        %parallel_loop3A_761 = arith.index_cast %parallel_loop3A_506 : i32 to index
        %parallel_loop3A_762 = tpu.vector_load %arg7[%parallel_loop3A_757, %parallel_loop3A_758, %parallel_loop3A_759, %parallel_loop3A_760, %parallel_loop3A_761] {strides = array<i32>} : memref<2x4x4x8x128xf32, #tpu.memory_space<vmem>>, vector<16xf32>,
        tpu.vector_store %arg7[%parallel_loop3A_757, %parallel_loop3A_758, %parallel_loop3A_759, %parallel_loop3A_760, %parallel_loop3A_761], %parallel_loop3A_753 {strides = array<i32>} : memref<2x4x4x8x128xf32, #tpu.memory_space<vmem>>, vector<16xf32>,
        %parallel_loop3A_763 = arith.constant 16 : i32
        %parallel_loop3A_764 = vector.broadcast %parallel_loop3A_763 : i32 to vector<16xi32>
        %parallel_loop3A_765 = arith.constant 0 : i32
        %parallel_loop3A_766 = arith.constant 0 : i32
        %parallel_loop3A_767 = tpu.memref_slice %arg6[%rem3A_355, %parallel_loop3A_765, %parallel_loop3A_766] : memref<4x512x32xf32, #tpu.memory_space<vmem>> -> memref<1x512x32xf32, #tpu.memory_space<vmem>>
        %parallel_loop3A_768 = tpu.memref_squeeze %parallel_loop3A_767 : memref<1x512x32xf32, #tpu.memory_space<vmem>> -> memref<512x32xf32, #tpu.memory_space<vmem>>
        %parallel_loop3A_769 = tpu.vector_load_idx %parallel_loop3A_768[%parallel_loop3A_478, %parallel_loop3A_764] : memref<512x32xf32, #tpu.memory_space<vmem>>[vector<16xi32>, vector<16xi32>], vector<16xf32>,
        %parallel_loop3A_770 = arith.constant 1 : i32
        %parallel_loop3A_771 = arith.constant 2 : i32
        %parallel_loop3A_772 = arith.constant 0 : i32
        %parallel_loop3A_773 = arith.index_cast %parallel_loop3A_770 : i32 to index
        %parallel_loop3A_774 = arith.index_cast %parallel_loop3A_771 : i32 to index
        %parallel_loop3A_775 = arith.index_cast %parallel_loop3A_502 : i32 to index
        %parallel_loop3A_776 = arith.index_cast %parallel_loop3A_772 : i32 to index
        %parallel_loop3A_777 = arith.index_cast %parallel_loop3A_506 : i32 to index
        %parallel_loop3A_778 = tpu.vector_load %arg7[%parallel_loop3A_773, %parallel_loop3A_774, %parallel_loop3A_775, %parallel_loop3A_776, %parallel_loop3A_777] {strides = array<i32>} : memref<2x4x4x8x128xf32, #tpu.memory_space<vmem>>, vector<16xf32>,
        tpu.vector_store %arg7[%parallel_loop3A_773, %parallel_loop3A_774, %parallel_loop3A_775, %parallel_loop3A_776, %parallel_loop3A_777], %parallel_loop3A_769 {strides = array<i32>} : memref<2x4x4x8x128xf32, #tpu.memory_space<vmem>>, vector<16xf32>,
        %parallel_loop3A_779 = arith.constant 17 : i32
        %parallel_loop3A_780 = vector.broadcast %parallel_loop3A_779 : i32 to vector<16xi32>
        %parallel_loop3A_781 = arith.constant 0 : i32
        %parallel_loop3A_782 = arith.constant 0 : i32
        %parallel_loop3A_783 = tpu.memref_slice %arg6[%rem3A_355, %parallel_loop3A_781, %parallel_loop3A_782] : memref<4x512x32xf32, #tpu.memory_space<vmem>> -> memref<1x512x32xf32, #tpu.memory_space<vmem>>
        %parallel_loop3A_784 = tpu.memref_squeeze %parallel_loop3A_783 : memref<1x512x32xf32, #tpu.memory_space<vmem>> -> memref<512x32xf32, #tpu.memory_space<vmem>>
        %parallel_loop3A_785 = tpu.vector_load_idx %parallel_loop3A_784[%parallel_loop3A_478, %parallel_loop3A_780] : memref<512x32xf32, #tpu.memory_space<vmem>>[vector<16xi32>, vector<16xi32>], vector<16xf32>,
        %parallel_loop3A_786 = arith.constant 1 : i32
        %parallel_loop3A_787 = arith.constant 2 : i32
        %parallel_loop3A_788 = arith.constant 1 : i32
        %parallel_loop3A_789 = arith.index_cast %parallel_loop3A_786 : i32 to index
        %parallel_loop3A_790 = arith.index_cast %parallel_loop3A_787 : i32 to index
        %parallel_loop3A_791 = arith.index_cast %parallel_loop3A_502 : i32 to index
        %parallel_loop3A_792 = arith.index_cast %parallel_loop3A_788 : i32 to index
        %parallel_loop3A_793 = arith.index_cast %parallel_loop3A_506 : i32 to index
        %parallel_loop3A_794 = tpu.vector_load %arg7[%parallel_loop3A_789, %parallel_loop3A_790, %parallel_loop3A_791, %parallel_loop3A_792, %parallel_loop3A_793] {strides = array<i32>} : memref<2x4x4x8x128xf32, #tpu.memory_space<vmem>>, vector<16xf32>,
        tpu.vector_store %arg7[%parallel_loop3A_789, %parallel_loop3A_790, %parallel_loop3A_791, %parallel_loop3A_792, %parallel_loop3A_793], %parallel_loop3A_785 {strides = array<i32>} : memref<2x4x4x8x128xf32, #tpu.memory_space<vmem>>, vector<16xf32>,
        %parallel_loop3A_795 = arith.constant 18 : i32
        %parallel_loop3A_796 = vector.broadcast %parallel_loop3A_795 : i32 to vector<16xi32>
        %parallel_loop3A_797 = arith.constant 0 : i32
        %parallel_loop3A_798 = arith.constant 0 : i32
        %parallel_loop3A_799 = tpu.memref_slice %arg6[%rem3A_355, %parallel_loop3A_797, %parallel_loop3A_798] : memref<4x512x32xf32, #tpu.memory_space<vmem>> -> memref<1x512x32xf32, #tpu.memory_space<vmem>>
        %parallel_loop3A_800 = tpu.memref_squeeze %parallel_loop3A_799 : memref<1x512x32xf32, #tpu.memory_space<vmem>> -> memref<512x32xf32, #tpu.memory_space<vmem>>
        %parallel_loop3A_801 = tpu.vector_load_idx %parallel_loop3A_800[%parallel_loop3A_478, %parallel_loop3A_796] : memref<512x32xf32, #tpu.memory_space<vmem>>[vector<16xi32>, vector<16xi32>], vector<16xf32>,
        %parallel_loop3A_802 = arith.constant 1 : i32
        %parallel_loop3A_803 = arith.constant 2 : i32
        %parallel_loop3A_804 = arith.constant 2 : i32
        %parallel_loop3A_805 = arith.index_cast %parallel_loop3A_802 : i32 to index
        %parallel_loop3A_806 = arith.index_cast %parallel_loop3A_803 : i32 to index
        %parallel_loop3A_807 = arith.index_cast %parallel_loop3A_502 : i32 to index
        %parallel_loop3A_808 = arith.index_cast %parallel_loop3A_804 : i32 to index
        %parallel_loop3A_809 = arith.index_cast %parallel_loop3A_506 : i32 to index
        %parallel_loop3A_810 = tpu.vector_load %arg7[%parallel_loop3A_805, %parallel_loop3A_806, %parallel_loop3A_807, %parallel_loop3A_808, %parallel_loop3A_809] {strides = array<i32>} : memref<2x4x4x8x128xf32, #tpu.memory_space<vmem>>, vector<16xf32>,
        tpu.vector_store %arg7[%parallel_loop3A_805, %parallel_loop3A_806, %parallel_loop3A_807, %parallel_loop3A_808, %parallel_loop3A_809], %parallel_loop3A_801 {strides = array<i32>} : memref<2x4x4x8x128xf32, #tpu.memory_space<vmem>>, vector<16xf32>,
        %parallel_loop3A_811 = arith.constant 19 : i32
        %parallel_loop3A_812 = vector.broadcast %parallel_loop3A_811 : i32 to vector<16xi32>
        %parallel_loop3A_813 = arith.constant 0 : i32
        %parallel_loop3A_814 = arith.constant 0 : i32
        %parallel_loop3A_815 = tpu.memref_slice %arg6[%rem3A_355, %parallel_loop3A_813, %parallel_loop3A_814] : memref<4x512x32xf32, #tpu.memory_space<vmem>> -> memref<1x512x32xf32, #tpu.memory_space<vmem>>
        %parallel_loop3A_816 = tpu.memref_squeeze %parallel_loop3A_815 : memref<1x512x32xf32, #tpu.memory_space<vmem>> -> memref<512x32xf32, #tpu.memory_space<vmem>>
        %parallel_loop3A_817 = tpu.vector_load_idx %parallel_loop3A_816[%parallel_loop3A_478, %parallel_loop3A_812] : memref<512x32xf32, #tpu.memory_space<vmem>>[vector<16xi32>, vector<16xi32>], vector<16xf32>,
        %parallel_loop3A_818 = arith.constant 1 : i32
        %parallel_loop3A_819 = arith.constant 2 : i32
        %parallel_loop3A_820 = arith.constant 3 : i32
        %parallel_loop3A_821 = arith.index_cast %parallel_loop3A_818 : i32 to index
        %parallel_loop3A_822 = arith.index_cast %parallel_loop3A_819 : i32 to index
        %parallel_loop3A_823 = arith.index_cast %parallel_loop3A_502 : i32 to index
        %parallel_loop3A_824 = arith.index_cast %parallel_loop3A_820 : i32 to index
        %parallel_loop3A_825 = arith.index_cast %parallel_loop3A_506 : i32 to index
        %parallel_loop3A_826 = tpu.vector_load %arg7[%parallel_loop3A_821, %parallel_loop3A_822, %parallel_loop3A_823, %parallel_loop3A_824, %parallel_loop3A_825] {strides = array<i32>} : memref<2x4x4x8x128xf32, #tpu.memory_space<vmem>>, vector<16xf32>,
        tpu.vector_store %arg7[%parallel_loop3A_821, %parallel_loop3A_822, %parallel_loop3A_823, %parallel_loop3A_824, %parallel_loop3A_825], %parallel_loop3A_817 {strides = array<i32>} : memref<2x4x4x8x128xf32, #tpu.memory_space<vmem>>, vector<16xf32>,
        %parallel_loop3A_827 = arith.constant 20 : i32
        %parallel_loop3A_828 = vector.broadcast %parallel_loop3A_827 : i32 to vector<16xi32>
        %parallel_loop3A_829 = arith.constant 0 : i32
        %parallel_loop3A_830 = arith.constant 0 : i32
        %parallel_loop3A_831 = tpu.memref_slice %arg6[%rem3A_355, %parallel_loop3A_829, %parallel_loop3A_830] : memref<4x512x32xf32, #tpu.memory_space<vmem>> -> memref<1x512x32xf32, #tpu.memory_space<vmem>>
        %parallel_loop3A_832 = tpu.memref_squeeze %parallel_loop3A_831 : memref<1x512x32xf32, #tpu.memory_space<vmem>> -> memref<512x32xf32, #tpu.memory_space<vmem>>
        %parallel_loop3A_833 = tpu.vector_load_idx %parallel_loop3A_832[%parallel_loop3A_478, %parallel_loop3A_828] : memref<512x32xf32, #tpu.memory_space<vmem>>[vector<16xi32>, vector<16xi32>], vector<16xf32>,
        %parallel_loop3A_834 = arith.constant 1 : i32
        %parallel_loop3A_835 = arith.constant 2 : i32
        %parallel_loop3A_836 = arith.constant 4 : i32
        %parallel_loop3A_837 = arith.index_cast %parallel_loop3A_834 : i32 to index
        %parallel_loop3A_838 = arith.index_cast %parallel_loop3A_835 : i32 to index
        %parallel_loop3A_839 = arith.index_cast %parallel_loop3A_502 : i32 to index
        %parallel_loop3A_840 = arith.index_cast %parallel_loop3A_836 : i32 to index
        %parallel_loop3A_841 = arith.index_cast %parallel_loop3A_506 : i32 to index
        %parallel_loop3A_842 = tpu.vector_load %arg7[%parallel_loop3A_837, %parallel_loop3A_838, %parallel_loop3A_839, %parallel_loop3A_840, %parallel_loop3A_841] {strides = array<i32>} : memref<2x4x4x8x128xf32, #tpu.memory_space<vmem>>, vector<16xf32>,
        tpu.vector_store %arg7[%parallel_loop3A_837, %parallel_loop3A_838, %parallel_loop3A_839, %parallel_loop3A_840, %parallel_loop3A_841], %parallel_loop3A_833 {strides = array<i32>} : memref<2x4x4x8x128xf32, #tpu.memory_space<vmem>>, vector<16xf32>,
        %parallel_loop3A_843 = arith.constant 21 : i32
        %parallel_loop3A_844 = vector.broadcast %parallel_loop3A_843 : i32 to vector<16xi32>
        %parallel_loop3A_845 = arith.constant 0 : i32
        %parallel_loop3A_846 = arith.constant 0 : i32
        %parallel_loop3A_847 = tpu.memref_slice %arg6[%rem3A_355, %parallel_loop3A_845, %parallel_loop3A_846] : memref<4x512x32xf32, #tpu.memory_space<vmem>> -> memref<1x512x32xf32, #tpu.memory_space<vmem>>
        %parallel_loop3A_848 = tpu.memref_squeeze %parallel_loop3A_847 : memref<1x512x32xf32, #tpu.memory_space<vmem>> -> memref<512x32xf32, #tpu.memory_space<vmem>>
        %parallel_loop3A_849 = tpu.vector_load_idx %parallel_loop3A_848[%parallel_loop3A_478, %parallel_loop3A_844] : memref<512x32xf32, #tpu.memory_space<vmem>>[vector<16xi32>, vector<16xi32>], vector<16xf32>,
        %parallel_loop3A_850 = arith.constant 1 : i32
        %parallel_loop3A_851 = arith.constant 2 : i32
        %parallel_loop3A_852 = arith.constant 5 : i32
        %parallel_loop3A_853 = arith.index_cast %parallel_loop3A_850 : i32 to index
        %parallel_loop3A_854 = arith.index_cast %parallel_loop3A_851 : i32 to index
        %parallel_loop3A_855 = arith.index_cast %parallel_loop3A_502 : i32 to index
        %parallel_loop3A_856 = arith.index_cast %parallel_loop3A_852 : i32 to index
        %parallel_loop3A_857 = arith.index_cast %parallel_loop3A_506 : i32 to index
        %parallel_loop3A_858 = tpu.vector_load %arg7[%parallel_loop3A_853, %parallel_loop3A_854, %parallel_loop3A_855, %parallel_loop3A_856, %parallel_loop3A_857] {strides = array<i32>} : memref<2x4x4x8x128xf32, #tpu.memory_space<vmem>>, vector<16xf32>,
        tpu.vector_store %arg7[%parallel_loop3A_853, %parallel_loop3A_854, %parallel_loop3A_855, %parallel_loop3A_856, %parallel_loop3A_857], %parallel_loop3A_849 {strides = array<i32>} : memref<2x4x4x8x128xf32, #tpu.memory_space<vmem>>, vector<16xf32>,
        %parallel_loop3A_859 = arith.constant 22 : i32
        %parallel_loop3A_860 = vector.broadcast %parallel_loop3A_859 : i32 to vector<16xi32>
        %parallel_loop3A_861 = arith.constant 0 : i32
        %parallel_loop3A_862 = arith.constant 0 : i32
        %parallel_loop3A_863 = tpu.memref_slice %arg6[%rem3A_355, %parallel_loop3A_861, %parallel_loop3A_862] : memref<4x512x32xf32, #tpu.memory_space<vmem>> -> memref<1x512x32xf32, #tpu.memory_space<vmem>>
        %parallel_loop3A_864 = tpu.memref_squeeze %parallel_loop3A_863 : memref<1x512x32xf32, #tpu.memory_space<vmem>> -> memref<512x32xf32, #tpu.memory_space<vmem>>
        %parallel_loop3A_865 = tpu.vector_load_idx %parallel_loop3A_864[%parallel_loop3A_478, %parallel_loop3A_860] : memref<512x32xf32, #tpu.memory_space<vmem>>[vector<16xi32>, vector<16xi32>], vector<16xf32>,
        %parallel_loop3A_866 = arith.constant 1 : i32
        %parallel_loop3A_867 = arith.constant 2 : i32
        %parallel_loop3A_868 = arith.constant 6 : i32
        %parallel_loop3A_869 = arith.index_cast %parallel_loop3A_866 : i32 to index
        %parallel_loop3A_870 = arith.index_cast %parallel_loop3A_867 : i32 to index
        %parallel_loop3A_871 = arith.index_cast %parallel_loop3A_502 : i32 to index
        %parallel_loop3A_872 = arith.index_cast %parallel_loop3A_868 : i32 to index
        %parallel_loop3A_873 = arith.index_cast %parallel_loop3A_506 : i32 to index
        %parallel_loop3A_874 = tpu.vector_load %arg7[%parallel_loop3A_869, %parallel_loop3A_870, %parallel_loop3A_871, %parallel_loop3A_872, %parallel_loop3A_873] {strides = array<i32>} : memref<2x4x4x8x128xf32, #tpu.memory_space<vmem>>, vector<16xf32>,
        tpu.vector_store %arg7[%parallel_loop3A_869, %parallel_loop3A_870, %parallel_loop3A_871, %parallel_loop3A_872, %parallel_loop3A_873], %parallel_loop3A_865 {strides = array<i32>} : memref<2x4x4x8x128xf32, #tpu.memory_space<vmem>>, vector<16xf32>,
        %parallel_loop3A_875 = arith.constant 23 : i32
        %parallel_loop3A_876 = vector.broadcast %parallel_loop3A_875 : i32 to vector<16xi32>
        %parallel_loop3A_877 = arith.constant 0 : i32
        %parallel_loop3A_878 = arith.constant 0 : i32
        %parallel_loop3A_879 = tpu.memref_slice %arg6[%rem3A_355, %parallel_loop3A_877, %parallel_loop3A_878] : memref<4x512x32xf32, #tpu.memory_space<vmem>> -> memref<1x512x32xf32, #tpu.memory_space<vmem>>
        %parallel_loop3A_880 = tpu.memref_squeeze %parallel_loop3A_879 : memref<1x512x32xf32, #tpu.memory_space<vmem>> -> memref<512x32xf32, #tpu.memory_space<vmem>>
        %parallel_loop3A_881 = tpu.vector_load_idx %parallel_loop3A_880[%parallel_loop3A_478, %parallel_loop3A_876] : memref<512x32xf32, #tpu.memory_space<vmem>>[vector<16xi32>, vector<16xi32>], vector<16xf32>,
        %parallel_loop3A_882 = arith.constant 1 : i32
        %parallel_loop3A_883 = arith.constant 2 : i32
        %parallel_loop3A_884 = arith.constant 7 : i32
        %parallel_loop3A_885 = arith.index_cast %parallel_loop3A_882 : i32 to index
        %parallel_loop3A_886 = arith.index_cast %parallel_loop3A_883 : i32 to index
        %parallel_loop3A_887 = arith.index_cast %parallel_loop3A_502 : i32 to index
        %parallel_loop3A_888 = arith.index_cast %parallel_loop3A_884 : i32 to index
        %parallel_loop3A_889 = arith.index_cast %parallel_loop3A_506 : i32 to index
        %parallel_loop3A_890 = tpu.vector_load %arg7[%parallel_loop3A_885, %parallel_loop3A_886, %parallel_loop3A_887, %parallel_loop3A_888, %parallel_loop3A_889] {strides = array<i32>} : memref<2x4x4x8x128xf32, #tpu.memory_space<vmem>>, vector<16xf32>,
        tpu.vector_store %arg7[%parallel_loop3A_885, %parallel_loop3A_886, %parallel_loop3A_887, %parallel_loop3A_888, %parallel_loop3A_889], %parallel_loop3A_881 {strides = array<i32>} : memref<2x4x4x8x128xf32, #tpu.memory_space<vmem>>, vector<16xf32>,
        %parallel_loop3A_891 = arith.constant 24 : i32
        %parallel_loop3A_892 = vector.broadcast %parallel_loop3A_891 : i32 to vector<16xi32>
        %parallel_loop3A_893 = arith.constant 0 : i32
        %parallel_loop3A_894 = arith.constant 0 : i32
        %parallel_loop3A_895 = tpu.memref_slice %arg6[%rem3A_355, %parallel_loop3A_893, %parallel_loop3A_894] : memref<4x512x32xf32, #tpu.memory_space<vmem>> -> memref<1x512x32xf32, #tpu.memory_space<vmem>>
        %parallel_loop3A_896 = tpu.memref_squeeze %parallel_loop3A_895 : memref<1x512x32xf32, #tpu.memory_space<vmem>> -> memref<512x32xf32, #tpu.memory_space<vmem>>
        %parallel_loop3A_897 = tpu.vector_load_idx %parallel_loop3A_896[%parallel_loop3A_478, %parallel_loop3A_892] : memref<512x32xf32, #tpu.memory_space<vmem>>[vector<16xi32>, vector<16xi32>], vector<16xf32>,
        %parallel_loop3A_898 = arith.constant 1 : i32
        %parallel_loop3A_899 = arith.constant 3 : i32
        %parallel_loop3A_900 = arith.constant 0 : i32
        %parallel_loop3A_901 = arith.index_cast %parallel_loop3A_898 : i32 to index
        %parallel_loop3A_902 = arith.index_cast %parallel_loop3A_899 : i32 to index
        %parallel_loop3A_903 = arith.index_cast %parallel_loop3A_502 : i32 to index
        %parallel_loop3A_904 = arith.index_cast %parallel_loop3A_900 : i32 to index
        %parallel_loop3A_905 = arith.index_cast %parallel_loop3A_506 : i32 to index
        %parallel_loop3A_906 = tpu.vector_load %arg7[%parallel_loop3A_901, %parallel_loop3A_902, %parallel_loop3A_903, %parallel_loop3A_904, %parallel_loop3A_905] {strides = array<i32>} : memref<2x4x4x8x128xf32, #tpu.memory_space<vmem>>, vector<16xf32>,
        tpu.vector_store %arg7[%parallel_loop3A_901, %parallel_loop3A_902, %parallel_loop3A_903, %parallel_loop3A_904, %parallel_loop3A_905], %parallel_loop3A_897 {strides = array<i32>} : memref<2x4x4x8x128xf32, #tpu.memory_space<vmem>>, vector<16xf32>,
        %parallel_loop3A_907 = arith.constant 25 : i32
        %parallel_loop3A_908 = vector.broadcast %parallel_loop3A_907 : i32 to vector<16xi32>
        %parallel_loop3A_909 = arith.constant 0 : i32
        %parallel_loop3A_910 = arith.constant 0 : i32
        %parallel_loop3A_911 = tpu.memref_slice %arg6[%rem3A_355, %parallel_loop3A_909, %parallel_loop3A_910] : memref<4x512x32xf32, #tpu.memory_space<vmem>> -> memref<1x512x32xf32, #tpu.memory_space<vmem>>
        %parallel_loop3A_912 = tpu.memref_squeeze %parallel_loop3A_911 : memref<1x512x32xf32, #tpu.memory_space<vmem>> -> memref<512x32xf32, #tpu.memory_space<vmem>>
        %parallel_loop3A_913 = tpu.vector_load_idx %parallel_loop3A_912[%parallel_loop3A_478, %parallel_loop3A_908] : memref<512x32xf32, #tpu.memory_space<vmem>>[vector<16xi32>, vector<16xi32>], vector<16xf32>,
        %parallel_loop3A_914 = arith.constant 1 : i32
        %parallel_loop3A_915 = arith.constant 3 : i32
        %parallel_loop3A_916 = arith.constant 1 : i32
        %parallel_loop3A_917 = arith.index_cast %parallel_loop3A_914 : i32 to index
        %parallel_loop3A_918 = arith.index_cast %parallel_loop3A_915 : i32 to index
        %parallel_loop3A_919 = arith.index_cast %parallel_loop3A_502 : i32 to index
        %parallel_loop3A_920 = arith.index_cast %parallel_loop3A_916 : i32 to index
        %parallel_loop3A_921 = arith.index_cast %parallel_loop3A_506 : i32 to index
        %parallel_loop3A_922 = tpu.vector_load %arg7[%parallel_loop3A_917, %parallel_loop3A_918, %parallel_loop3A_919, %parallel_loop3A_920, %parallel_loop3A_921] {strides = array<i32>} : memref<2x4x4x8x128xf32, #tpu.memory_space<vmem>>, vector<16xf32>,
        tpu.vector_store %arg7[%parallel_loop3A_917, %parallel_loop3A_918, %parallel_loop3A_919, %parallel_loop3A_920, %parallel_loop3A_921], %parallel_loop3A_913 {strides = array<i32>} : memref<2x4x4x8x128xf32, #tpu.memory_space<vmem>>, vector<16xf32>,
        %parallel_loop3A_923 = arith.constant 26 : i32
        %parallel_loop3A_924 = vector.broadcast %parallel_loop3A_923 : i32 to vector<16xi32>
        %parallel_loop3A_925 = arith.constant 0 : i32
        %parallel_loop3A_926 = arith.constant 0 : i32
        %parallel_loop3A_927 = tpu.memref_slice %arg6[%rem3A_355, %parallel_loop3A_925, %parallel_loop3A_926] : memref<4x512x32xf32, #tpu.memory_space<vmem>> -> memref<1x512x32xf32, #tpu.memory_space<vmem>>
        %parallel_loop3A_928 = tpu.memref_squeeze %parallel_loop3A_927 : memref<1x512x32xf32, #tpu.memory_space<vmem>> -> memref<512x32xf32, #tpu.memory_space<vmem>>
        %parallel_loop3A_929 = tpu.vector_load_idx %parallel_loop3A_928[%parallel_loop3A_478, %parallel_loop3A_924] : memref<512x32xf32, #tpu.memory_space<vmem>>[vector<16xi32>, vector<16xi32>], vector<16xf32>,
        %parallel_loop3A_930 = arith.constant 1 : i32
        %parallel_loop3A_931 = arith.constant 3 : i32
        %parallel_loop3A_932 = arith.constant 2 : i32
        %parallel_loop3A_933 = arith.index_cast %parallel_loop3A_930 : i32 to index
        %parallel_loop3A_934 = arith.index_cast %parallel_loop3A_931 : i32 to index
        %parallel_loop3A_935 = arith.index_cast %parallel_loop3A_502 : i32 to index
        %parallel_loop3A_936 = arith.index_cast %parallel_loop3A_932 : i32 to index
        %parallel_loop3A_937 = arith.index_cast %parallel_loop3A_506 : i32 to index
        %parallel_loop3A_938 = tpu.vector_load %arg7[%parallel_loop3A_933, %parallel_loop3A_934, %parallel_loop3A_935, %parallel_loop3A_936, %parallel_loop3A_937] {strides = array<i32>} : memref<2x4x4x8x128xf32, #tpu.memory_space<vmem>>, vector<16xf32>,
        tpu.vector_store %arg7[%parallel_loop3A_933, %parallel_loop3A_934, %parallel_loop3A_935, %parallel_loop3A_936, %parallel_loop3A_937], %parallel_loop3A_929 {strides = array<i32>} : memref<2x4x4x8x128xf32, #tpu.memory_space<vmem>>, vector<16xf32>,
        %parallel_loop3A_939 = arith.constant 27 : i32
        %parallel_loop3A_940 = vector.broadcast %parallel_loop3A_939 : i32 to vector<16xi32>
        %parallel_loop3A_941 = arith.constant 0 : i32
        %parallel_loop3A_942 = arith.constant 0 : i32
        %parallel_loop3A_943 = tpu.memref_slice %arg6[%rem3A_355, %parallel_loop3A_941, %parallel_loop3A_942] : memref<4x512x32xf32, #tpu.memory_space<vmem>> -> memref<1x512x32xf32, #tpu.memory_space<vmem>>
        %parallel_loop3A_944 = tpu.memref_squeeze %parallel_loop3A_943 : memref<1x512x32xf32, #tpu.memory_space<vmem>> -> memref<512x32xf32, #tpu.memory_space<vmem>>
        %parallel_loop3A_945 = tpu.vector_load_idx %parallel_loop3A_944[%parallel_loop3A_478, %parallel_loop3A_940] : memref<512x32xf32, #tpu.memory_space<vmem>>[vector<16xi32>, vector<16xi32>], vector<16xf32>,
        %parallel_loop3A_946 = arith.constant 1 : i32
        %parallel_loop3A_947 = arith.constant 3 : i32
        %parallel_loop3A_948 = arith.constant 3 : i32
        %parallel_loop3A_949 = arith.index_cast %parallel_loop3A_946 : i32 to index
        %parallel_loop3A_950 = arith.index_cast %parallel_loop3A_947 : i32 to index
        %parallel_loop3A_951 = arith.index_cast %parallel_loop3A_502 : i32 to index
        %parallel_loop3A_952 = arith.index_cast %parallel_loop3A_948 : i32 to index
        %parallel_loop3A_953 = arith.index_cast %parallel_loop3A_506 : i32 to index
        %parallel_loop3A_954 = tpu.vector_load %arg7[%parallel_loop3A_949, %parallel_loop3A_950, %parallel_loop3A_951, %parallel_loop3A_952, %parallel_loop3A_953] {strides = array<i32>} : memref<2x4x4x8x128xf32, #tpu.memory_space<vmem>>, vector<16xf32>,
        tpu.vector_store %arg7[%parallel_loop3A_949, %parallel_loop3A_950, %parallel_loop3A_951, %parallel_loop3A_952, %parallel_loop3A_953], %parallel_loop3A_945 {strides = array<i32>} : memref<2x4x4x8x128xf32, #tpu.memory_space<vmem>>, vector<16xf32>,
        %parallel_loop3A_955 = arith.constant 28 : i32
        %parallel_loop3A_956 = vector.broadcast %parallel_loop3A_955 : i32 to vector<16xi32>
        %parallel_loop3A_957 = arith.constant 0 : i32
        %parallel_loop3A_958 = arith.constant 0 : i32
        %parallel_loop3A_959 = tpu.memref_slice %arg6[%rem3A_355, %parallel_loop3A_957, %parallel_loop3A_958] : memref<4x512x32xf32, #tpu.memory_space<vmem>> -> memref<1x512x32xf32, #tpu.memory_space<vmem>>
        %parallel_loop3A_960 = tpu.memref_squeeze %parallel_loop3A_959 : memref<1x512x32xf32, #tpu.memory_space<vmem>> -> memref<512x32xf32, #tpu.memory_space<vmem>>
        %parallel_loop3A_961 = tpu.vector_load_idx %parallel_loop3A_960[%parallel_loop3A_478, %parallel_loop3A_956] : memref<512x32xf32, #tpu.memory_space<vmem>>[vector<16xi32>, vector<16xi32>], vector<16xf32>,
        %parallel_loop3A_962 = arith.constant 1 : i32
        %parallel_loop3A_963 = arith.constant 3 : i32
        %parallel_loop3A_964 = arith.constant 4 : i32
        %parallel_loop3A_965 = arith.index_cast %parallel_loop3A_962 : i32 to index
        %parallel_loop3A_966 = arith.index_cast %parallel_loop3A_963 : i32 to index
        %parallel_loop3A_967 = arith.index_cast %parallel_loop3A_502 : i32 to index
        %parallel_loop3A_968 = arith.index_cast %parallel_loop3A_964 : i32 to index
        %parallel_loop3A_969 = arith.index_cast %parallel_loop3A_506 : i32 to index
        %parallel_loop3A_970 = tpu.vector_load %arg7[%parallel_loop3A_965, %parallel_loop3A_966, %parallel_loop3A_967, %parallel_loop3A_968, %parallel_loop3A_969] {strides = array<i32>} : memref<2x4x4x8x128xf32, #tpu.memory_space<vmem>>, vector<16xf32>,
        tpu.vector_store %arg7[%parallel_loop3A_965, %parallel_loop3A_966, %parallel_loop3A_967, %parallel_loop3A_968, %parallel_loop3A_969], %parallel_loop3A_961 {strides = array<i32>} : memref<2x4x4x8x128xf32, #tpu.memory_space<vmem>>, vector<16xf32>,
        %parallel_loop3A_971 = arith.constant 29 : i32
        %parallel_loop3A_972 = vector.broadcast %parallel_loop3A_971 : i32 to vector<16xi32>
        %parallel_loop3A_973 = arith.constant 0 : i32
        %parallel_loop3A_974 = arith.constant 0 : i32
        %parallel_loop3A_975 = tpu.memref_slice %arg6[%rem3A_355, %parallel_loop3A_973, %parallel_loop3A_974] : memref<4x512x32xf32, #tpu.memory_space<vmem>> -> memref<1x512x32xf32, #tpu.memory_space<vmem>>
        %parallel_loop3A_976 = tpu.memref_squeeze %parallel_loop3A_975 : memref<1x512x32xf32, #tpu.memory_space<vmem>> -> memref<512x32xf32, #tpu.memory_space<vmem>>
        %parallel_loop3A_977 = tpu.vector_load_idx %parallel_loop3A_976[%parallel_loop3A_478, %parallel_loop3A_972] : memref<512x32xf32, #tpu.memory_space<vmem>>[vector<16xi32>, vector<16xi32>], vector<16xf32>,
        %parallel_loop3A_978 = arith.constant 1 : i32
        %parallel_loop3A_979 = arith.constant 3 : i32
        %parallel_loop3A_980 = arith.constant 5 : i32
        %parallel_loop3A_981 = arith.index_cast %parallel_loop3A_978 : i32 to index
        %parallel_loop3A_982 = arith.index_cast %parallel_loop3A_979 : i32 to index
        %parallel_loop3A_983 = arith.index_cast %parallel_loop3A_502 : i32 to index
        %parallel_loop3A_984 = arith.index_cast %parallel_loop3A_980 : i32 to index
        %parallel_loop3A_985 = arith.index_cast %parallel_loop3A_506 : i32 to index
        %parallel_loop3A_986 = tpu.vector_load %arg7[%parallel_loop3A_981, %parallel_loop3A_982, %parallel_loop3A_983, %parallel_loop3A_984, %parallel_loop3A_985] {strides = array<i32>} : memref<2x4x4x8x128xf32, #tpu.memory_space<vmem>>, vector<16xf32>,
        tpu.vector_store %arg7[%parallel_loop3A_981, %parallel_loop3A_982, %parallel_loop3A_983, %parallel_loop3A_984, %parallel_loop3A_985], %parallel_loop3A_977 {strides = array<i32>} : memref<2x4x4x8x128xf32, #tpu.memory_space<vmem>>, vector<16xf32>,
        %parallel_loop3A_987 = arith.constant 30 : i32
        %parallel_loop3A_988 = vector.broadcast %parallel_loop3A_987 : i32 to vector<16xi32>
        %parallel_loop3A_989 = arith.constant 0 : i32
        %parallel_loop3A_990 = arith.constant 0 : i32
        %parallel_loop3A_991 = tpu.memref_slice %arg6[%rem3A_355, %parallel_loop3A_989, %parallel_loop3A_990] : memref<4x512x32xf32, #tpu.memory_space<vmem>> -> memref<1x512x32xf32, #tpu.memory_space<vmem>>
        %parallel_loop3A_992 = tpu.memref_squeeze %parallel_loop3A_991 : memref<1x512x32xf32, #tpu.memory_space<vmem>> -> memref<512x32xf32, #tpu.memory_space<vmem>>
        %parallel_loop3A_993 = tpu.vector_load_idx %parallel_loop3A_992[%parallel_loop3A_478, %parallel_loop3A_988] : memref<512x32xf32, #tpu.memory_space<vmem>>[vector<16xi32>, vector<16xi32>], vector<16xf32>,
        %parallel_loop3A_994 = arith.constant 1 : i32
        %parallel_loop3A_995 = arith.constant 3 : i32
        %parallel_loop3A_996 = arith.constant 6 : i32
        %parallel_loop3A_997 = arith.index_cast %parallel_loop3A_994 : i32 to index
        %parallel_loop3A_998 = arith.index_cast %parallel_loop3A_995 : i32 to index
        %parallel_loop3A_999 = arith.index_cast %parallel_loop3A_502 : i32 to index
        %parallel_loop3A_1000 = arith.index_cast %parallel_loop3A_996 : i32 to index
        %parallel_loop3A_1001 = arith.index_cast %parallel_loop3A_506 : i32 to index
        %parallel_loop3A_1002 = tpu.vector_load %arg7[%parallel_loop3A_997, %parallel_loop3A_998, %parallel_loop3A_999, %parallel_loop3A_1000, %parallel_loop3A_1001] {strides = array<i32>} : memref<2x4x4x8x128xf32, #tpu.memory_space<vmem>>, vector<16xf32>,
        tpu.vector_store %arg7[%parallel_loop3A_997, %parallel_loop3A_998, %parallel_loop3A_999, %parallel_loop3A_1000, %parallel_loop3A_1001], %parallel_loop3A_993 {strides = array<i32>} : memref<2x4x4x8x128xf32, #tpu.memory_space<vmem>>, vector<16xf32>,
        %parallel_loop3A_1003 = arith.constant 31 : i32
        %parallel_loop3A_1004 = vector.broadcast %parallel_loop3A_1003 : i32 to vector<16xi32>
        %parallel_loop3A_1005 = arith.constant 0 : i32
        %parallel_loop3A_1006 = arith.constant 0 : i32
        %parallel_loop3A_1007 = tpu.memref_slice %arg6[%rem3A_355, %parallel_loop3A_1005, %parallel_loop3A_1006] : memref<4x512x32xf32, #tpu.memory_space<vmem>> -> memref<1x512x32xf32, #tpu.memory_space<vmem>>
        %parallel_loop3A_1008 = tpu.memref_squeeze %parallel_loop3A_1007 : memref<1x512x32xf32, #tpu.memory_space<vmem>> -> memref<512x32xf32, #tpu.memory_space<vmem>>
        %parallel_loop3A_1009 = tpu.vector_load_idx %parallel_loop3A_1008[%parallel_loop3A_478, %parallel_loop3A_1004] : memref<512x32xf32, #tpu.memory_space<vmem>>[vector<16xi32>, vector<16xi32>], vector<16xf32>,
        %parallel_loop3A_1010 = arith.constant 1 : i32
        %parallel_loop3A_1011 = arith.constant 3 : i32
        %parallel_loop3A_1012 = arith.constant 7 : i32
        %parallel_loop3A_1013 = arith.index_cast %parallel_loop3A_1010 : i32 to index
        %parallel_loop3A_1014 = arith.index_cast %parallel_loop3A_1011 : i32 to index
        %parallel_loop3A_1015 = arith.index_cast %parallel_loop3A_502 : i32 to index
        %parallel_loop3A_1016 = arith.index_cast %parallel_loop3A_1012 : i32 to index
        %parallel_loop3A_1017 = arith.index_cast %parallel_loop3A_506 : i32 to index
        %parallel_loop3A_1018 = tpu.vector_load %arg7[%parallel_loop3A_1013, %parallel_loop3A_1014, %parallel_loop3A_1015, %parallel_loop3A_1016, %parallel_loop3A_1017] {strides = array<i32>} : memref<2x4x4x8x128xf32, #tpu.memory_space<vmem>>, vector<16xf32>,
        tpu.vector_store %arg7[%parallel_loop3A_1013, %parallel_loop3A_1014, %parallel_loop3A_1015, %parallel_loop3A_1016, %parallel_loop3A_1017], %parallel_loop3A_1009 {strides = array<i32>} : memref<2x4x4x8x128xf32, #tpu.memory_space<vmem>>, vector<16xf32>,
      } {sc.loop_unroll_factor = 2 : i64, sc.parallel_access}
      %mul3A_382 = arith.constant 4 : i32
      %mul3A_383 = arith.muli %add3A, %mul3A_382 : i32
      %dma_start3A_384 = arith.constant 1 : i32
      %dma_start3A_385 = arith.constant 0 : i32
      %dma_start3A_386 = arith.constant 0 : i32
      %dma_start3A_387 = arith.constant 0 : i32
      %dma_start3A_388 = arith.constant 0 : i32
      %dma_start3A_389 = arith.constant 0 : i32
      %dma_start3A_390 = tpu.memref_slice %arg7[%dma_start3A_384, %dma_start3A_385, %dma_start3A_387, %dma_start3A_388, %dma_start3A_389] : memref<2x4x4x8x128xf32, #tpu.memory_space<vmem>> -> memref<1x1x4x8x128xf32, #tpu.memory_space<vmem>>
      %dma_start3A_391 = tpu.memref_squeeze %dma_start3A_390 : memref<1x1x4x8x128xf32, #tpu.memory_space<vmem>> -> memref<4x8x128xf32, #tpu.memory_space<vmem>>
      %dma_start3A_392 = arith.constant 0 : i32
      %dma_start3A_393 = arith.constant 0 : i32
      %dma_start3A_394 = tpu.memref_slice %arg4[%add3A_353, %dma_start3A_386, %mul3A_383, %dma_start3A_392, %dma_start3A_393] : memref<50x4x128x8x128xf32, #tpu.memory_space<hbm>> -> memref<1x1x4x8x128xf32, #tpu.memory_space<hbm>>
      %dma_start3A_395 = tpu.memref_squeeze %dma_start3A_394 : memref<1x1x4x8x128xf32, #tpu.memory_space<hbm>> -> memref<4x8x128xf32, #tpu.memory_space<hbm>>
      %dma_start3A_396 = arith.constant 0 : i32
      %dma_start3A_397 = arith.constant 0 : i32
      %dma_start3A_398 = tpu.memref_slice %arg4[%add3A_353, %dma_start3A_386, %mul3A_383, %dma_start3A_396, %dma_start3A_397] : memref<50x4x128x8x128xf32, #tpu.memory_space<hbm>> -> memref<1x1x4x8x128xf32, #tpu.memory_space<hbm>>
      %dma_start3A_399 = tpu.memref_squeeze %dma_start3A_398 : memref<1x1x4x8x128xf32, #tpu.memory_space<hbm>> -> memref<4x8x128xf32, #tpu.memory_space<hbm>>
      %dma_start3A_400 = arith.constant 0 : i32
      %dma_start3A_401 = arith.constant 0 : i32
      %dma_start3A_402 = arith.constant 0 : i32
      %dma_start3A_403 = tpu.memref_slice %arg7[%dma_start3A_384, %dma_start3A_385, %dma_start3A_400, %dma_start3A_401, %dma_start3A_402] : memref<2x4x4x8x128xf32, #tpu.memory_space<vmem>> -> memref<1x1x4x8x128xf32, #tpu.memory_space<vmem>>
      %dma_start3A_404 = tpu.memref_squeeze %dma_start3A_403 : memref<1x1x4x8x128xf32, #tpu.memory_space<vmem>> -> memref<4x8x128xf32, #tpu.memory_space<vmem>>
      tpu.enqueue_dma source(%dma_start3A_404 : memref<4x8x128xf32, #tpu.memory_space<vmem>>) target(%dma_start3A_399 : memref<4x8x128xf32, #tpu.memory_space<hbm>>) target_semaphore(%arg9 : memref<!tpu.dma_semaphore, #tpu.memory_space<semaphore_mem>>)
      %mul3A_405 = arith.constant 4 : i32
      %mul3A_406 = arith.muli %add3A, %mul3A_405 : i32
      %dma_start3A_407 = arith.constant 1 : i32
      %dma_start3A_408 = arith.constant 1 : i32
      %dma_start3A_409 = arith.constant 1 : i32
      %dma_start3A_410 = arith.constant 0 : i32
      %dma_start3A_411 = arith.constant 0 : i32
      %dma_start3A_412 = arith.constant 0 : i32
      %dma_start3A_413 = tpu.memref_slice %arg7[%dma_start3A_407, %dma_start3A_408, %dma_start3A_410, %dma_start3A_411, %dma_start3A_412] : memref<2x4x4x8x128xf32, #tpu.memory_space<vmem>> -> memref<1x1x4x8x128xf32, #tpu.memory_space<vmem>>
      %dma_start3A_414 = tpu.memref_squeeze %dma_start3A_413 : memref<1x1x4x8x128xf32, #tpu.memory_space<vmem>> -> memref<4x8x128xf32, #tpu.memory_space<vmem>>
      %dma_start3A_415 = arith.constant 0 : i32
      %dma_start3A_416 = arith.constant 0 : i32
      %dma_start3A_417 = tpu.memref_slice %arg4[%add3A_353, %dma_start3A_409, %mul3A_406, %dma_start3A_415, %dma_start3A_416] : memref<50x4x128x8x128xf32, #tpu.memory_space<hbm>> -> memref<1x1x4x8x128xf32, #tpu.memory_space<hbm>>
      %dma_start3A_418 = tpu.memref_squeeze %dma_start3A_417 : memref<1x1x4x8x128xf32, #tpu.memory_space<hbm>> -> memref<4x8x128xf32, #tpu.memory_space<hbm>>
      %dma_start3A_419 = arith.constant 0 : i32
      %dma_start3A_420 = arith.constant 0 : i32
      %dma_start3A_421 = tpu.memref_slice %arg4[%add3A_353, %dma_start3A_409, %mul3A_406, %dma_start3A_419, %dma_start3A_420] : memref<50x4x128x8x128xf32, #tpu.memory_space<hbm>> -> memref<1x1x4x8x128xf32, #tpu.memory_space<hbm>>
      %dma_start3A_422 = tpu.memref_squeeze %dma_start3A_421 : memref<1x1x4x8x128xf32, #tpu.memory_space<hbm>> -> memref<4x8x128xf32, #tpu.memory_space<hbm>>
      %dma_start3A_423 = arith.constant 0 : i32
      %dma_start3A_424 = arith.constant 0 : i32
      %dma_start3A_425 = arith.constant 0 : i32
      %dma_start3A_426 = tpu.memref_slice %arg7[%dma_start3A_407, %dma_start3A_408, %dma_start3A_423, %dma_start3A_424, %dma_start3A_425] : memref<2x4x4x8x128xf32, #tpu.memory_space<vmem>> -> memref<1x1x4x8x128xf32, #tpu.memory_space<vmem>>
      %dma_start3A_427 = tpu.memref_squeeze %dma_start3A_426 : memref<1x1x4x8x128xf32, #tpu.memory_space<vmem>> -> memref<4x8x128xf32, #tpu.memory_space<vmem>>
      tpu.enqueue_dma source(%dma_start3A_427 : memref<4x8x128xf32, #tpu.memory_space<vmem>>) target(%dma_start3A_422 : memref<4x8x128xf32, #tpu.memory_space<hbm>>) target_semaphore(%arg9 : memref<!tpu.dma_semaphore, #tpu.memory_space<semaphore_mem>>)
      %mul3A_428 = arith.constant 4 : i32
      %mul3A_429 = arith.muli %add3A, %mul3A_428 : i32
      %dma_start3A_430 = arith.constant 1 : i32
      %dma_start3A_431 = arith.constant 2 : i32
      %dma_start3A_432 = arith.constant 2 : i32
      %dma_start3A_433 = arith.constant 0 : i32
      %dma_start3A_434 = arith.constant 0 : i32
      %dma_start3A_435 = arith.constant 0 : i32
      %dma_start3A_436 = tpu.memref_slice %arg7[%dma_start3A_430, %dma_start3A_431, %dma_start3A_433, %dma_start3A_434, %dma_start3A_435] : memref<2x4x4x8x128xf32, #tpu.memory_space<vmem>> -> memref<1x1x4x8x128xf32, #tpu.memory_space<vmem>>
      %dma_start3A_437 = tpu.memref_squeeze %dma_start3A_436 : memref<1x1x4x8x128xf32, #tpu.memory_space<vmem>> -> memref<4x8x128xf32, #tpu.memory_space<vmem>>
      %dma_start3A_438 = arith.constant 0 : i32
      %dma_start3A_439 = arith.constant 0 : i32
      %dma_start3A_440 = tpu.memref_slice %arg4[%add3A_353, %dma_start3A_432, %mul3A_429, %dma_start3A_438, %dma_start3A_439] : memref<50x4x128x8x128xf32, #tpu.memory_space<hbm>> -> memref<1x1x4x8x128xf32, #tpu.memory_space<hbm>>
      %dma_start3A_441 = tpu.memref_squeeze %dma_start3A_440 : memref<1x1x4x8x128xf32, #tpu.memory_space<hbm>> -> memref<4x8x128xf32, #tpu.memory_space<hbm>>
      %dma_start3A_442 = arith.constant 0 : i32
      %dma_start3A_443 = arith.constant 0 : i32
      %dma_start3A_444 = tpu.memref_slice %arg4[%add3A_353, %dma_start3A_432, %mul3A_429, %dma_start3A_442, %dma_start3A_443] : memref<50x4x128x8x128xf32, #tpu.memory_space<hbm>> -> memref<1x1x4x8x128xf32, #tpu.memory_space<hbm>>
      %dma_start3A_445 = tpu.memref_squeeze %dma_start3A_444 : memref<1x1x4x8x128xf32, #tpu.memory_space<hbm>> -> memref<4x8x128xf32, #tpu.memory_space<hbm>>
      %dma_start3A_446 = arith.constant 0 : i32
      %dma_start3A_447 = arith.constant 0 : i32
      %dma_start3A_448 = arith.constant 0 : i32
      %dma_start3A_449 = tpu.memref_slice %arg7[%dma_start3A_430, %dma_start3A_431, %dma_start3A_446, %dma_start3A_447, %dma_start3A_448] : memref<2x4x4x8x128xf32, #tpu.memory_space<vmem>> -> memref<1x1x4x8x128xf32, #tpu.memory_space<vmem>>
      %dma_start3A_450 = tpu.memref_squeeze %dma_start3A_449 : memref<1x1x4x8x128xf32, #tpu.memory_space<vmem>> -> memref<4x8x128xf32, #tpu.memory_space<vmem>>
      tpu.enqueue_dma source(%dma_start3A_450 : memref<4x8x128xf32, #tpu.memory_space<vmem>>) target(%dma_start3A_445 : memref<4x8x128xf32, #tpu.memory_space<hbm>>) target_semaphore(%arg9 : memref<!tpu.dma_semaphore, #tpu.memory_space<semaphore_mem>>)
      %mul3A_451 = arith.constant 4 : i32
      %mul3A_452 = arith.muli %add3A, %mul3A_451 : i32
      %dma_start3A_453 = arith.constant 1 : i32
      %dma_start3A_454 = arith.constant 3 : i32
      %dma_start3A_455 = arith.constant 3 : i32
      %dma_start3A_456 = arith.constant 0 : i32
      %dma_start3A_457 = arith.constant 0 : i32
      %dma_start3A_458 = arith.constant 0 : i32
      %dma_start3A_459 = tpu.memref_slice %arg7[%dma_start3A_453, %dma_start3A_454, %dma_start3A_456, %dma_start3A_457, %dma_start3A_458] : memref<2x4x4x8x128xf32, #tpu.memory_space<vmem>> -> memref<1x1x4x8x128xf32, #tpu.memory_space<vmem>>
      %dma_start3A_460 = tpu.memref_squeeze %dma_start3A_459 : memref<1x1x4x8x128xf32, #tpu.memory_space<vmem>> -> memref<4x8x128xf32, #tpu.memory_space<vmem>>
      %dma_start3A_461 = arith.constant 0 : i32
      %dma_start3A_462 = arith.constant 0 : i32
      %dma_start3A_463 = tpu.memref_slice %arg4[%add3A_353, %dma_start3A_455, %mul3A_452, %dma_start3A_461, %dma_start3A_462] : memref<50x4x128x8x128xf32, #tpu.memory_space<hbm>> -> memref<1x1x4x8x128xf32, #tpu.memory_space<hbm>>
      %dma_start3A_464 = tpu.memref_squeeze %dma_start3A_463 : memref<1x1x4x8x128xf32, #tpu.memory_space<hbm>> -> memref<4x8x128xf32, #tpu.memory_space<hbm>>
      %dma_start3A_465 = arith.constant 0 : i32
      %dma_start3A_466 = arith.constant 0 : i32
      %dma_start3A_467 = tpu.memref_slice %arg4[%add3A_353, %dma_start3A_455, %mul3A_452, %dma_start3A_465, %dma_start3A_466] : memref<50x4x128x8x128xf32, #tpu.memory_space<hbm>> -> memref<1x1x4x8x128xf32, #tpu.memory_space<hbm>>
      %dma_start3A_468 = tpu.memref_squeeze %dma_start3A_467 : memref<1x1x4x8x128xf32, #tpu.memory_space<hbm>> -> memref<4x8x128xf32, #tpu.memory_space<hbm>>
      %dma_start3A_469 = arith.constant 0 : i32
      %dma_start3A_470 = arith.constant 0 : i32
      %dma_start3A_471 = arith.constant 0 : i32
      %dma_start3A_472 = tpu.memref_slice %arg7[%dma_start3A_453, %dma_start3A_454, %dma_start3A_469, %dma_start3A_470, %dma_start3A_471] : memref<2x4x4x8x128xf32, #tpu.memory_space<vmem>> -> memref<1x1x4x8x128xf32, #tpu.memory_space<vmem>>
      %dma_start3A_473 = tpu.memref_squeeze %dma_start3A_472 : memref<1x1x4x8x128xf32, #tpu.memory_space<vmem>> -> memref<4x8x128xf32, #tpu.memory_space<vmem>>
      tpu.enqueue_dma source(%dma_start3A_473 : memref<4x8x128xf32, #tpu.memory_space<vmem>>) target(%dma_start3A_468 : memref<4x8x128xf32, #tpu.memory_space<hbm>>) target_semaphore(%arg9 : memref<!tpu.dma_semaphore, #tpu.memory_space<semaphore_mem>>)
    }
    %scan3A_42 = arith.constant 25 : i32
    %mul3A_43 = arith.constant 4 : i32
    %mul3A_44 = arith.muli %add3A, %mul3A_43 : i32
    %dma_wait3A = arith.constant 0 : i32
    %dma_wait3A_45 = arith.constant 0 : i32
    %dma_wait3A_46 = arith.constant 48 : i32
    %dma_wait3A_47 = arith.constant 0 : i32
    %dma_wait3A_48 = arith.constant 0 : i32
    %dma_wait3A_49 = arith.constant 0 : i32
    %dma_wait3A_50 = arith.constant 0 : i32
    %dma_wait3A_51 = tpu.memref_slice %arg7[%dma_wait3A, %dma_wait3A_45, %dma_wait3A_48, %dma_wait3A_49, %dma_wait3A_50] : memref<2x4x4x8x128xf32, #tpu.memory_space<vmem>> -> memref<1x1x4x8x128xf32, #tpu.memory_space<vmem>>
    %dma_wait3A_52 = tpu.memref_squeeze %dma_wait3A_51 : memref<1x1x4x8x128xf32, #tpu.memory_space<vmem>> -> memref<4x8x128xf32, #tpu.memory_space<vmem>>
    %dma_wait3A_53 = arith.constant 0 : i32
    %dma_wait3A_54 = arith.constant 0 : i32
    %dma_wait3A_55 = tpu.memref_slice %arg4[%dma_wait3A_46, %dma_wait3A_47, %mul3A_44, %dma_wait3A_53, %dma_wait3A_54] : memref<50x4x128x8x128xf32, #tpu.memory_space<hbm>> -> memref<1x1x4x8x128xf32, #tpu.memory_space<hbm>>
    %dma_wait3A_56 = tpu.memref_squeeze %dma_wait3A_55 : memref<1x1x4x8x128xf32, #tpu.memory_space<hbm>> -> memref<4x8x128xf32, #tpu.memory_space<hbm>>
    %dma_wait3A_57 = arith.constant 0 : i32
    %dma_wait3A_58 = arith.constant 0 : i32
    %dma_wait3A_59 = tpu.memref_slice %arg4[%dma_wait3A_46, %dma_wait3A_47, %mul3A_44, %dma_wait3A_57, %dma_wait3A_58] : memref<50x4x128x8x128xf32, #tpu.memory_space<hbm>> -> memref<1x1x4x8x128xf32, #tpu.memory_space<hbm>>
    %dma_wait3A_60 = tpu.memref_squeeze %dma_wait3A_59 : memref<1x1x4x8x128xf32, #tpu.memory_space<hbm>> -> memref<4x8x128xf32, #tpu.memory_space<hbm>>
    %dma_wait3A_61 = arith.constant 0 : i32
    %dma_wait3A_62 = arith.constant 0 : i32
    %dma_wait3A_63 = arith.constant 0 : i32
    %dma_wait3A_64 = tpu.memref_slice %arg7[%dma_wait3A, %dma_wait3A_45, %dma_wait3A_61, %dma_wait3A_62, %dma_wait3A_63] : memref<2x4x4x8x128xf32, #tpu.memory_space<vmem>> -> memref<1x1x4x8x128xf32, #tpu.memory_space<vmem>>
    %dma_wait3A_65 = tpu.memref_squeeze %dma_wait3A_64 : memref<1x1x4x8x128xf32, #tpu.memory_space<vmem>> -> memref<4x8x128xf32, #tpu.memory_space<vmem>>
    tpu.wait_dma2 semaphore(%arg9 : memref<!tpu.dma_semaphore, #tpu.memory_space<semaphore_mem>>) src(%dma_wait3A_65 : memref<4x8x128xf32, #tpu.memory_space<vmem>>) dst(%dma_wait3A_60 : memref<4x8x128xf32, #tpu.memory_space<hbm>>)
    %mul3A_66 = arith.constant 4 : i32
    %mul3A_67 = arith.muli %add3A, %mul3A_66 : i32
    %dma_wait3A_68 = arith.constant 1 : i32
    %dma_wait3A_69 = arith.constant 0 : i32
    %dma_wait3A_70 = arith.constant 49 : i32
    %dma_wait3A_71 = arith.constant 0 : i32
    %dma_wait3A_72 = arith.constant 0 : i32
    %dma_wait3A_73 = arith.constant 0 : i32
    %dma_wait3A_74 = arith.constant 0 : i32
    %dma_wait3A_75 = tpu.memref_slice %arg7[%dma_wait3A_68, %dma_wait3A_69, %dma_wait3A_72, %dma_wait3A_73, %dma_wait3A_74] : memref<2x4x4x8x128xf32, #tpu.memory_space<vmem>> -> memref<1x1x4x8x128xf32, #tpu.memory_space<vmem>>
    %dma_wait3A_76 = tpu.memref_squeeze %dma_wait3A_75 : memref<1x1x4x8x128xf32, #tpu.memory_space<vmem>> -> memref<4x8x128xf32, #tpu.memory_space<vmem>>
    %dma_wait3A_77 = arith.constant 0 : i32
    %dma_wait3A_78 = arith.constant 0 : i32
    %dma_wait3A_79 = tpu.memref_slice %arg4[%dma_wait3A_70, %dma_wait3A_71, %mul3A_67, %dma_wait3A_77, %dma_wait3A_78] : memref<50x4x128x8x128xf32, #tpu.memory_space<hbm>> -> memref<1x1x4x8x128xf32, #tpu.memory_space<hbm>>
    %dma_wait3A_80 = tpu.memref_squeeze %dma_wait3A_79 : memref<1x1x4x8x128xf32, #tpu.memory_space<hbm>> -> memref<4x8x128xf32, #tpu.memory_space<hbm>>
    %dma_wait3A_81 = arith.constant 0 : i32
    %dma_wait3A_82 = arith.constant 0 : i32
    %dma_wait3A_83 = tpu.memref_slice %arg4[%dma_wait3A_70, %dma_wait3A_71, %mul3A_67, %dma_wait3A_81, %dma_wait3A_82] : memref<50x4x128x8x128xf32, #tpu.memory_space<hbm>> -> memref<1x1x4x8x128xf32, #tpu.memory_space<hbm>>
    %dma_wait3A_84 = tpu.memref_squeeze %dma_wait3A_83 : memref<1x1x4x8x128xf32, #tpu.memory_space<hbm>> -> memref<4x8x128xf32, #tpu.memory_space<hbm>>
    %dma_wait3A_85 = arith.constant 0 : i32
    %dma_wait3A_86 = arith.constant 0 : i32
    %dma_wait3A_87 = arith.constant 0 : i32
    %dma_wait3A_88 = tpu.memref_slice %arg7[%dma_wait3A_68, %dma_wait3A_69, %dma_wait3A_85, %dma_wait3A_86, %dma_wait3A_87] : memref<2x4x4x8x128xf32, #tpu.memory_space<vmem>> -> memref<1x1x4x8x128xf32, #tpu.memory_space<vmem>>
    %dma_wait3A_89 = tpu.memref_squeeze %dma_wait3A_88 : memref<1x1x4x8x128xf32, #tpu.memory_space<vmem>> -> memref<4x8x128xf32, #tpu.memory_space<vmem>>
    tpu.wait_dma2 semaphore(%arg9 : memref<!tpu.dma_semaphore, #tpu.memory_space<semaphore_mem>>) src(%dma_wait3A_89 : memref<4x8x128xf32, #tpu.memory_space<vmem>>) dst(%dma_wait3A_84 : memref<4x8x128xf32, #tpu.memory_space<hbm>>)
    %mul3A_90 = arith.constant 4 : i32
    %mul3A_91 = arith.muli %add3A, %mul3A_90 : i32
    %dma_wait3A_92 = arith.constant 0 : i32
    %dma_wait3A_93 = arith.constant 1 : i32
    %dma_wait3A_94 = arith.constant 48 : i32
    %dma_wait3A_95 = arith.constant 1 : i32
    %dma_wait3A_96 = arith.constant 0 : i32
    %dma_wait3A_97 = arith.constant 0 : i32
    %dma_wait3A_98 = arith.constant 0 : i32
    %dma_wait3A_99 = tpu.memref_slice %arg7[%dma_wait3A_92, %dma_wait3A_93, %dma_wait3A_96, %dma_wait3A_97, %dma_wait3A_98] : memref<2x4x4x8x128xf32, #tpu.memory_space<vmem>> -> memref<1x1x4x8x128xf32, #tpu.memory_space<vmem>>
    %dma_wait3A_100 = tpu.memref_squeeze %dma_wait3A_99 : memref<1x1x4x8x128xf32, #tpu.memory_space<vmem>> -> memref<4x8x128xf32, #tpu.memory_space<vmem>>
    %dma_wait3A_101 = arith.constant 0 : i32
    %dma_wait3A_102 = arith.constant 0 : i32
    %dma_wait3A_103 = tpu.memref_slice %arg4[%dma_wait3A_94, %dma_wait3A_95, %mul3A_91, %dma_wait3A_101, %dma_wait3A_102] : memref<50x4x128x8x128xf32, #tpu.memory_space<hbm>> -> memref<1x1x4x8x128xf32, #tpu.memory_space<hbm>>
    %dma_wait3A_104 = tpu.memref_squeeze %dma_wait3A_103 : memref<1x1x4x8x128xf32, #tpu.memory_space<hbm>> -> memref<4x8x128xf32, #tpu.memory_space<hbm>>
    %dma_wait3A_105 = arith.constant 0 : i32
    %dma_wait3A_106 = arith.constant 0 : i32
    %dma_wait3A_107 = tpu.memref_slice %arg4[%dma_wait3A_94, %dma_wait3A_95, %mul3A_91, %dma_wait3A_105, %dma_wait3A_106] : memref<50x4x128x8x128xf32, #tpu.memory_space<hbm>> -> memref<1x1x4x8x128xf32, #tpu.memory_space<hbm>>
    %dma_wait3A_108 = tpu.memref_squeeze %dma_wait3A_107 : memref<1x1x4x8x128xf32, #tpu.memory_space<hbm>> -> memref<4x8x128xf32, #tpu.memory_space<hbm>>
    %dma_wait3A_109 = arith.constant 0 : i32
    %dma_wait3A_110 = arith.constant 0 : i32
    %dma_wait3A_111 = arith.constant 0 : i32
    %dma_wait3A_112 = tpu.memref_slice %arg7[%dma_wait3A_92, %dma_wait3A_93, %dma_wait3A_109, %dma_wait3A_110, %dma_wait3A_111] : memref<2x4x4x8x128xf32, #tpu.memory_space<vmem>> -> memref<1x1x4x8x128xf32, #tpu.memory_space<vmem>>
    %dma_wait3A_113 = tpu.memref_squeeze %dma_wait3A_112 : memref<1x1x4x8x128xf32, #tpu.memory_space<vmem>> -> memref<4x8x128xf32, #tpu.memory_space<vmem>>
    tpu.wait_dma2 semaphore(%arg9 : memref<!tpu.dma_semaphore, #tpu.memory_space<semaphore_mem>>) src(%dma_wait3A_113 : memref<4x8x128xf32, #tpu.memory_space<vmem>>) dst(%dma_wait3A_108 : memref<4x8x128xf32, #tpu.memory_space<hbm>>)
    %mul3A_114 = arith.constant 4 : i32
    %mul3A_115 = arith.muli %add3A, %mul3A_114 : i32
    %dma_wait3A_116 = arith.constant 1 : i32
    %dma_wait3A_117 = arith.constant 1 : i32
    %dma_wait3A_118 = arith.constant 49 : i32
    %dma_wait3A_119 = arith.constant 1 : i32
    %dma_wait3A_120 = arith.constant 0 : i32
    %dma_wait3A_121 = arith.constant 0 : i32
    %dma_wait3A_122 = arith.constant 0 : i32
    %dma_wait3A_123 = tpu.memref_slice %arg7[%dma_wait3A_116, %dma_wait3A_117, %dma_wait3A_120, %dma_wait3A_121, %dma_wait3A_122] : memref<2x4x4x8x128xf32, #tpu.memory_space<vmem>> -> memref<1x1x4x8x128xf32, #tpu.memory_space<vmem>>
    %dma_wait3A_124 = tpu.memref_squeeze %dma_wait3A_123 : memref<1x1x4x8x128xf32, #tpu.memory_space<vmem>> -> memref<4x8x128xf32, #tpu.memory_space<vmem>>
    %dma_wait3A_125 = arith.constant 0 : i32
    %dma_wait3A_126 = arith.constant 0 : i32
    %dma_wait3A_127 = tpu.memref_slice %arg4[%dma_wait3A_118, %dma_wait3A_119, %mul3A_115, %dma_wait3A_125, %dma_wait3A_126] : memref<50x4x128x8x128xf32, #tpu.memory_space<hbm>> -> memref<1x1x4x8x128xf32, #tpu.memory_space<hbm>>
    %dma_wait3A_128 = tpu.memref_squeeze %dma_wait3A_127 : memref<1x1x4x8x128xf32, #tpu.memory_space<hbm>> -> memref<4x8x128xf32, #tpu.memory_space<hbm>>
    %dma_wait3A_129 = arith.constant 0 : i32
    %dma_wait3A_130 = arith.constant 0 : i32
    %dma_wait3A_131 = tpu.memref_slice %arg4[%dma_wait3A_118, %dma_wait3A_119, %mul3A_115, %dma_wait3A_129, %dma_wait3A_130] : memref<50x4x128x8x128xf32, #tpu.memory_space<hbm>> -> memref<1x1x4x8x128xf32, #tpu.memory_space<hbm>>
    %dma_wait3A_132 = tpu.memref_squeeze %dma_wait3A_131 : memref<1x1x4x8x128xf32, #tpu.memory_space<hbm>> -> memref<4x8x128xf32, #tpu.memory_space<hbm>>
    %dma_wait3A_133 = arith.constant 0 : i32
    %dma_wait3A_134 = arith.constant 0 : i32
    %dma_wait3A_135 = arith.constant 0 : i32
    %dma_wait3A_136 = tpu.memref_slice %arg7[%dma_wait3A_116, %dma_wait3A_117, %dma_wait3A_133, %dma_wait3A_134, %dma_wait3A_135] : memref<2x4x4x8x128xf32, #tpu.memory_space<vmem>> -> memref<1x1x4x8x128xf32, #tpu.memory_space<vmem>>
    %dma_wait3A_137 = tpu.memref_squeeze %dma_wait3A_136 : memref<1x1x4x8x128xf32, #tpu.memory_space<vmem>> -> memref<4x8x128xf32, #tpu.memory_space<vmem>>
    tpu.wait_dma2 semaphore(%arg9 : memref<!tpu.dma_semaphore, #tpu.memory_space<semaphore_mem>>) src(%dma_wait3A_137 : memref<4x8x128xf32, #tpu.memory_space<vmem>>) dst(%dma_wait3A_132 : memref<4x8x128xf32, #tpu.memory_space<hbm>>)
    %mul3A_138 = arith.constant 4 : i32
    %mul3A_139 = arith.muli %add3A, %mul3A_138 : i32
    %dma_wait3A_140 = arith.constant 0 : i32
    %dma_wait3A_141 = arith.constant 2 : i32
    %dma_wait3A_142 = arith.constant 48 : i32
    %dma_wait3A_143 = arith.constant 2 : i32
    %dma_wait3A_144 = arith.constant 0 : i32
    %dma_wait3A_145 = arith.constant 0 : i32
    %dma_wait3A_146 = arith.constant 0 : i32
    %dma_wait3A_147 = tpu.memref_slice %arg7[%dma_wait3A_140, %dma_wait3A_141, %dma_wait3A_144, %dma_wait3A_145, %dma_wait3A_146] : memref<2x4x4x8x128xf32, #tpu.memory_space<vmem>> -> memref<1x1x4x8x128xf32, #tpu.memory_space<vmem>>
    %dma_wait3A_148 = tpu.memref_squeeze %dma_wait3A_147 : memref<1x1x4x8x128xf32, #tpu.memory_space<vmem>> -> memref<4x8x128xf32, #tpu.memory_space<vmem>>
    %dma_wait3A_149 = arith.constant 0 : i32
    %dma_wait3A_150 = arith.constant 0 : i32
    %dma_wait3A_151 = tpu.memref_slice %arg4[%dma_wait3A_142, %dma_wait3A_143, %mul3A_139, %dma_wait3A_149, %dma_wait3A_150] : memref<50x4x128x8x128xf32, #tpu.memory_space<hbm>> -> memref<1x1x4x8x128xf32, #tpu.memory_space<hbm>>
    %dma_wait3A_152 = tpu.memref_squeeze %dma_wait3A_151 : memref<1x1x4x8x128xf32, #tpu.memory_space<hbm>> -> memref<4x8x128xf32, #tpu.memory_space<hbm>>
    %dma_wait3A_153 = arith.constant 0 : i32
    %dma_wait3A_154 = arith.constant 0 : i32
    %dma_wait3A_155 = tpu.memref_slice %arg4[%dma_wait3A_142, %dma_wait3A_143, %mul3A_139, %dma_wait3A_153, %dma_wait3A_154] : memref<50x4x128x8x128xf32, #tpu.memory_space<hbm>> -> memref<1x1x4x8x128xf32, #tpu.memory_space<hbm>>
    %dma_wait3A_156 = tpu.memref_squeeze %dma_wait3A_155 : memref<1x1x4x8x128xf32, #tpu.memory_space<hbm>> -> memref<4x8x128xf32, #tpu.memory_space<hbm>>
    %dma_wait3A_157 = arith.constant 0 : i32
    %dma_wait3A_158 = arith.constant 0 : i32
    %dma_wait3A_159 = arith.constant 0 : i32
    %dma_wait3A_160 = tpu.memref_slice %arg7[%dma_wait3A_140, %dma_wait3A_141, %dma_wait3A_157, %dma_wait3A_158, %dma_wait3A_159] : memref<2x4x4x8x128xf32, #tpu.memory_space<vmem>> -> memref<1x1x4x8x128xf32, #tpu.memory_space<vmem>>
    %dma_wait3A_161 = tpu.memref_squeeze %dma_wait3A_160 : memref<1x1x4x8x128xf32, #tpu.memory_space<vmem>> -> memref<4x8x128xf32, #tpu.memory_space<vmem>>
    tpu.wait_dma2 semaphore(%arg9 : memref<!tpu.dma_semaphore, #tpu.memory_space<semaphore_mem>>) src(%dma_wait3A_161 : memref<4x8x128xf32, #tpu.memory_space<vmem>>) dst(%dma_wait3A_156 : memref<4x8x128xf32, #tpu.memory_space<hbm>>)
    %mul3A_162 = arith.constant 4 : i32
    %mul3A_163 = arith.muli %add3A, %mul3A_162 : i32
    %dma_wait3A_164 = arith.constant 1 : i32
    %dma_wait3A_165 = arith.constant 2 : i32
    %dma_wait3A_166 = arith.constant 49 : i32
    %dma_wait3A_167 = arith.constant 2 : i32
    %dma_wait3A_168 = arith.constant 0 : i32
    %dma_wait3A_169 = arith.constant 0 : i32
    %dma_wait3A_170 = arith.constant 0 : i32
    %dma_wait3A_171 = tpu.memref_slice %arg7[%dma_wait3A_164, %dma_wait3A_165, %dma_wait3A_168, %dma_wait3A_169, %dma_wait3A_170] : memref<2x4x4x8x128xf32, #tpu.memory_space<vmem>> -> memref<1x1x4x8x128xf32, #tpu.memory_space<vmem>>
    %dma_wait3A_172 = tpu.memref_squeeze %dma_wait3A_171 : memref<1x1x4x8x128xf32, #tpu.memory_space<vmem>> -> memref<4x8x128xf32, #tpu.memory_space<vmem>>
    %dma_wait3A_173 = arith.constant 0 : i32
    %dma_wait3A_174 = arith.constant 0 : i32
    %dma_wait3A_175 = tpu.memref_slice %arg4[%dma_wait3A_166, %dma_wait3A_167, %mul3A_163, %dma_wait3A_173, %dma_wait3A_174] : memref<50x4x128x8x128xf32, #tpu.memory_space<hbm>> -> memref<1x1x4x8x128xf32, #tpu.memory_space<hbm>>
    %dma_wait3A_176 = tpu.memref_squeeze %dma_wait3A_175 : memref<1x1x4x8x128xf32, #tpu.memory_space<hbm>> -> memref<4x8x128xf32, #tpu.memory_space<hbm>>
    %dma_wait3A_177 = arith.constant 0 : i32
    %dma_wait3A_178 = arith.constant 0 : i32
    %dma_wait3A_179 = tpu.memref_slice %arg4[%dma_wait3A_166, %dma_wait3A_167, %mul3A_163, %dma_wait3A_177, %dma_wait3A_178] : memref<50x4x128x8x128xf32, #tpu.memory_space<hbm>> -> memref<1x1x4x8x128xf32, #tpu.memory_space<hbm>>
    %dma_wait3A_180 = tpu.memref_squeeze %dma_wait3A_179 : memref<1x1x4x8x128xf32, #tpu.memory_space<hbm>> -> memref<4x8x128xf32, #tpu.memory_space<hbm>>
    %dma_wait3A_181 = arith.constant 0 : i32
    %dma_wait3A_182 = arith.constant 0 : i32
    %dma_wait3A_183 = arith.constant 0 : i32
    %dma_wait3A_184 = tpu.memref_slice %arg7[%dma_wait3A_164, %dma_wait3A_165, %dma_wait3A_181, %dma_wait3A_182, %dma_wait3A_183] : memref<2x4x4x8x128xf32, #tpu.memory_space<vmem>> -> memref<1x1x4x8x128xf32, #tpu.memory_space<vmem>>
    %dma_wait3A_185 = tpu.memref_squeeze %dma_wait3A_184 : memref<1x1x4x8x128xf32, #tpu.memory_space<vmem>> -> memref<4x8x128xf32, #tpu.memory_space<vmem>>
    tpu.wait_dma2 semaphore(%arg9 : memref<!tpu.dma_semaphore, #tpu.memory_space<semaphore_mem>>) src(%dma_wait3A_185 : memref<4x8x128xf32, #tpu.memory_space<vmem>>) dst(%dma_wait3A_180 : memref<4x8x128xf32, #tpu.memory_space<hbm>>)
    %mul3A_186 = arith.constant 4 : i32
    %mul3A_187 = arith.muli %add3A, %mul3A_186 : i32
    %dma_wait3A_188 = arith.constant 0 : i32
    %dma_wait3A_189 = arith.constant 3 : i32
    %dma_wait3A_190 = arith.constant 48 : i32
    %dma_wait3A_191 = arith.constant 3 : i32
    %dma_wait3A_192 = arith.constant 0 : i32
    %dma_wait3A_193 = arith.constant 0 : i32
    %dma_wait3A_194 = arith.constant 0 : i32
    %dma_wait3A_195 = tpu.memref_slice %arg7[%dma_wait3A_188, %dma_wait3A_189, %dma_wait3A_192, %dma_wait3A_193, %dma_wait3A_194] : memref<2x4x4x8x128xf32, #tpu.memory_space<vmem>> -> memref<1x1x4x8x128xf32, #tpu.memory_space<vmem>>
    %dma_wait3A_196 = tpu.memref_squeeze %dma_wait3A_195 : memref<1x1x4x8x128xf32, #tpu.memory_space<vmem>> -> memref<4x8x128xf32, #tpu.memory_space<vmem>>
    %dma_wait3A_197 = arith.constant 0 : i32
    %dma_wait3A_198 = arith.constant 0 : i32
    %dma_wait3A_199 = tpu.memref_slice %arg4[%dma_wait3A_190, %dma_wait3A_191, %mul3A_187, %dma_wait3A_197, %dma_wait3A_198] : memref<50x4x128x8x128xf32, #tpu.memory_space<hbm>> -> memref<1x1x4x8x128xf32, #tpu.memory_space<hbm>>
    %dma_wait3A_200 = tpu.memref_squeeze %dma_wait3A_199 : memref<1x1x4x8x128xf32, #tpu.memory_space<hbm>> -> memref<4x8x128xf32, #tpu.memory_space<hbm>>
    %dma_wait3A_201 = arith.constant 0 : i32
    %dma_wait3A_202 = arith.constant 0 : i32
    %dma_wait3A_203 = tpu.memref_slice %arg4[%dma_wait3A_190, %dma_wait3A_191, %mul3A_187, %dma_wait3A_201, %dma_wait3A_202] : memref<50x4x128x8x128xf32, #tpu.memory_space<hbm>> -> memref<1x1x4x8x128xf32, #tpu.memory_space<hbm>>
    %dma_wait3A_204 = tpu.memref_squeeze %dma_wait3A_203 : memref<1x1x4x8x128xf32, #tpu.memory_space<hbm>> -> memref<4x8x128xf32, #tpu.memory_space<hbm>>
    %dma_wait3A_205 = arith.constant 0 : i32
    %dma_wait3A_206 = arith.constant 0 : i32
    %dma_wait3A_207 = arith.constant 0 : i32
    %dma_wait3A_208 = tpu.memref_slice %arg7[%dma_wait3A_188, %dma_wait3A_189, %dma_wait3A_205, %dma_wait3A_206, %dma_wait3A_207] : memref<2x4x4x8x128xf32, #tpu.memory_space<vmem>> -> memref<1x1x4x8x128xf32, #tpu.memory_space<vmem>>
    %dma_wait3A_209 = tpu.memref_squeeze %dma_wait3A_208 : memref<1x1x4x8x128xf32, #tpu.memory_space<vmem>> -> memref<4x8x128xf32, #tpu.memory_space<vmem>>
    tpu.wait_dma2 semaphore(%arg9 : memref<!tpu.dma_semaphore, #tpu.memory_space<semaphore_mem>>) src(%dma_wait3A_209 : memref<4x8x128xf32, #tpu.memory_space<vmem>>) dst(%dma_wait3A_204 : memref<4x8x128xf32, #tpu.memory_space<hbm>>)
    %mul3A_210 = arith.constant 4 : i32
    %mul3A_211 = arith.muli %add3A, %mul3A_210 : i32
    %dma_wait3A_212 = arith.constant 1 : i32
    %dma_wait3A_213 = arith.constant 3 : i32
    %dma_wait3A_214 = arith.constant 49 : i32
    %dma_wait3A_215 = arith.constant 3 : i32
    %dma_wait3A_216 = arith.constant 0 : i32
    %dma_wait3A_217 = arith.constant 0 : i32
    %dma_wait3A_218 = arith.constant 0 : i32
    %dma_wait3A_219 = tpu.memref_slice %arg7[%dma_wait3A_212, %dma_wait3A_213, %dma_wait3A_216, %dma_wait3A_217, %dma_wait3A_218] : memref<2x4x4x8x128xf32, #tpu.memory_space<vmem>> -> memref<1x1x4x8x128xf32, #tpu.memory_space<vmem>>
    %dma_wait3A_220 = tpu.memref_squeeze %dma_wait3A_219 : memref<1x1x4x8x128xf32, #tpu.memory_space<vmem>> -> memref<4x8x128xf32, #tpu.memory_space<vmem>>
    %dma_wait3A_221 = arith.constant 0 : i32
    %dma_wait3A_222 = arith.constant 0 : i32
    %dma_wait3A_223 = tpu.memref_slice %arg4[%dma_wait3A_214, %dma_wait3A_215, %mul3A_211, %dma_wait3A_221, %dma_wait3A_222] : memref<50x4x128x8x128xf32, #tpu.memory_space<hbm>> -> memref<1x1x4x8x128xf32, #tpu.memory_space<hbm>>
    %dma_wait3A_224 = tpu.memref_squeeze %dma_wait3A_223 : memref<1x1x4x8x128xf32, #tpu.memory_space<hbm>> -> memref<4x8x128xf32, #tpu.memory_space<hbm>>
    %dma_wait3A_225 = arith.constant 0 : i32
    %dma_wait3A_226 = arith.constant 0 : i32
    %dma_wait3A_227 = tpu.memref_slice %arg4[%dma_wait3A_214, %dma_wait3A_215, %mul3A_211, %dma_wait3A_225, %dma_wait3A_226] : memref<50x4x128x8x128xf32, #tpu.memory_space<hbm>> -> memref<1x1x4x8x128xf32, #tpu.memory_space<hbm>>
    %dma_wait3A_228 = tpu.memref_squeeze %dma_wait3A_227 : memref<1x1x4x8x128xf32, #tpu.memory_space<hbm>> -> memref<4x8x128xf32, #tpu.memory_space<hbm>>
    %dma_wait3A_229 = arith.constant 0 : i32
    %dma_wait3A_230 = arith.constant 0 : i32
    %dma_wait3A_231 = arith.constant 0 : i32
    %dma_wait3A_232 = tpu.memref_slice %arg7[%dma_wait3A_212, %dma_wait3A_213, %dma_wait3A_229, %dma_wait3A_230, %dma_wait3A_231] : memref<2x4x4x8x128xf32, #tpu.memory_space<vmem>> -> memref<1x1x4x8x128xf32, #tpu.memory_space<vmem>>
    %dma_wait3A_233 = tpu.memref_squeeze %dma_wait3A_232 : memref<1x1x4x8x128xf32, #tpu.memory_space<vmem>> -> memref<4x8x128xf32, #tpu.memory_space<vmem>>
    tpu.wait_dma2 semaphore(%arg9 : memref<!tpu.dma_semaphore, #tpu.memory_space<semaphore_mem>>) src(%dma_wait3A_233 : memref<4x8x128xf32, #tpu.memory_space<vmem>>) dst(%dma_wait3A_228 : memref<4x8x128xf32, #tpu.memory_space<hbm>>)
    return
  }
}

#map = affine_map<(d0, d1) -> (0, 0)>
module attributes {stable_mosaic.version = 14 : i64} {
  func.func @k(%arg0: i32, %arg1: i32, %arg2: memref<32x1000000xf32, #tpu.memory_space<hbm>>, %arg3: memref<16x128xf32, #tpu.memory_space<hbm>>, %arg4: memref<250000x128xf32, #tpu.memory_space<hbm>>, %arg5: memref<3x32x512xf32, #tpu.memory_space<vmem>>, %arg6: memref<3x128x128xf32, #tpu.memory_space<vmem>>, %arg7: memref<!tpu.dma_semaphore, #tpu.memory_space<semaphore_mem>>, %arg8: memref<!tpu.dma_semaphore, #tpu.memory_space<semaphore_mem>>) attributes {dimension_semantics = [#tpu.dimension_semantics<core_parallel>, #tpu.dimension_semantics<subcore_parallel>], iteration_bounds = array<i64: 2, 16>, scalar_prefetch = 0 : i64, scratch_operands = 4 : i64, tpu.core_type = #tpu.core_type<sc_vector_subcore>, window_params = [{transform_indices = #map}, {transform_indices = #map}, {transform_indices = #map}]} {
    %mul3A = arith.constant 2 : i32
    %mul3A_0 = arith.muli %arg1, %mul3A : i32
    %add3A = arith.addi %mul3A_0, %arg0 : i32
    %iota3A = tpu.iota {dimensions = array<i32: 0>} : vector<16xi32>
    %sub3A = arith.constant 1952 : i32
    %sub3A_1 = arith.subi %sub3A, %add3A : i32
    %jit3A = arith.constant 32 : i32
    %div3A = arith.divsi %sub3A_1, %jit3A : i32
    %sign3A = arith.constant 0 : i32
    %sign3A_2 = arith.cmpi sgt, %sub3A_1, %sign3A : i32
    %sign3A_3 = arith.extui %sign3A_2 : i1 to i32
    %sign3A_4 = arith.constant 0 : i32
    %sign3A_5 = arith.cmpi slt, %sub3A_1, %sign3A_4 : i32
    %sign3A_6 = arith.extui %sign3A_5 : i1 to i32
    %sign3A_7 = arith.subi %sign3A_3, %sign3A_6 : i32
    %sign3A_8 = arith.constant 0 : i32
    %sign3A_9 = arith.cmpi sgt, %jit3A, %sign3A_8 : i32
    %sign3A_10 = arith.extui %sign3A_9 : i1 to i32
    %sign3A_11 = arith.constant 0 : i32
    %sign3A_12 = arith.cmpi slt, %jit3A, %sign3A_11 : i32
    %sign3A_13 = arith.extui %sign3A_12 : i1 to i32
    %sign3A_14 = arith.subi %sign3A_10, %sign3A_13 : i32
    %ne3A = arith.cmpi ne, %sign3A_7, %sign3A_14 : i32
    %rem3A = arith.remsi %sub3A_1, %jit3A : i32
    %ne3A_15 = arith.constant 0 : i32
    %ne3A_16 = arith.cmpi ne, %rem3A, %ne3A_15 : i32
    %and3A = arith.andi %ne3A, %ne3A_16 : i1
    %sub3A_17 = arith.constant 1 : i32
    %sub3A_18 = arith.subi %div3A, %sub3A_17 : i32
    %select_n3A = arith.select %and3A, %sub3A_18, %div3A : i32
    %add3A_19 = arith.constant 1 : i32
    %add3A_20 = arith.addi %select_n3A, %add3A_19 : i32
    %mul3A_21 = arith.constant 512 : i32
    %mul3A_22 = arith.muli %add3A, %mul3A_21 : i32
    %dma_start3A = arith.constant 0 : i32
    %dma_start3A_23 = arith.constant 0 : i32
    %dma_start3A_24 = arith.constant 0 : i32
    %dma_start3A_25 = tpu.memref_slice %arg5[%dma_start3A, %dma_start3A_23, %dma_start3A_24] : memref<3x32x512xf32, #tpu.memory_space<vmem>> -> memref<1x32x512xf32, #tpu.memory_space<vmem>>
    %dma_start3A_26 = tpu.memref_squeeze %dma_start3A_25 : memref<1x32x512xf32, #tpu.memory_space<vmem>> -> memref<32x512xf32, #tpu.memory_space<vmem>>
    %dma_start3A_27 = arith.constant 0 : i32
    %dma_start3A_28 = tpu.memref_slice %arg2[%dma_start3A_27, %mul3A_22] : memref<32x1000000xf32, #tpu.memory_space<hbm>> -> memref<32x512xf32, #tpu.memory_space<hbm>>
    %dma_start3A_29 = arith.constant 0 : i32
    %dma_start3A_30 = arith.constant 0 : i32
    %dma_start3A_31 = tpu.memref_slice %arg5[%dma_start3A, %dma_start3A_29, %dma_start3A_30] : memref<3x32x512xf32, #tpu.memory_space<vmem>> -> memref<1x32x512xf32, #tpu.memory_space<vmem>>
    %dma_start3A_32 = tpu.memref_squeeze %dma_start3A_31 : memref<1x32x512xf32, #tpu.memory_space<vmem>> -> memref<32x512xf32, #tpu.memory_space<vmem>>
    %dma_start3A_33 = arith.constant 0 : i32
    %dma_start3A_34 = tpu.memref_slice %arg2[%dma_start3A_33, %mul3A_22] : memref<32x1000000xf32, #tpu.memory_space<hbm>> -> memref<32x512xf32, #tpu.memory_space<hbm>>
    tpu.enqueue_dma source(%dma_start3A_34 : memref<32x512xf32, #tpu.memory_space<hbm>>) target(%dma_start3A_32 : memref<32x512xf32, #tpu.memory_space<vmem>>) target_semaphore(%arg7 : memref<!tpu.dma_semaphore, #tpu.memory_space<semaphore_mem>>)
    %ge3A = arith.constant 2 : i32
    %ge3A_35 = arith.cmpi sge, %add3A_20, %ge3A : i32
    %convert_element_type3A = arith.extui %ge3A_35 : i1 to i32
    %cond3A = arith.constant 0 : i32
    %cond3A_36 = arith.cmpi ne, %convert_element_type3A, %cond3A : i32
    scf.if %cond3A_36 {
      %add3A_94 = arith.constant 32 : i32
      %add3A_95 = arith.addi %add3A, %add3A_94 : i32
      %mul3A_96 = arith.constant 512 : i32
      %mul3A_97 = arith.muli %add3A_95, %mul3A_96 : i32
      %dma_start3A_98 = arith.constant 1 : i32
      %dma_start3A_99 = arith.constant 0 : i32
      %dma_start3A_100 = arith.constant 0 : i32
      %dma_start3A_101 = tpu.memref_slice %arg5[%dma_start3A_98, %dma_start3A_99, %dma_start3A_100] : memref<3x32x512xf32, #tpu.memory_space<vmem>> -> memref<1x32x512xf32, #tpu.memory_space<vmem>>
      %dma_start3A_102 = tpu.memref_squeeze %dma_start3A_101 : memref<1x32x512xf32, #tpu.memory_space<vmem>> -> memref<32x512xf32, #tpu.memory_space<vmem>>
      %dma_start3A_103 = arith.constant 0 : i32
      %dma_start3A_104 = tpu.memref_slice %arg2[%dma_start3A_103, %mul3A_97] : memref<32x1000000xf32, #tpu.memory_space<hbm>> -> memref<32x512xf32, #tpu.memory_space<hbm>>
      %dma_start3A_105 = arith.constant 0 : i32
      %dma_start3A_106 = arith.constant 0 : i32
      %dma_start3A_107 = tpu.memref_slice %arg5[%dma_start3A_98, %dma_start3A_105, %dma_start3A_106] : memref<3x32x512xf32, #tpu.memory_space<vmem>> -> memref<1x32x512xf32, #tpu.memory_space<vmem>>
      %dma_start3A_108 = tpu.memref_squeeze %dma_start3A_107 : memref<1x32x512xf32, #tpu.memory_space<vmem>> -> memref<32x512xf32, #tpu.memory_space<vmem>>
      %dma_start3A_109 = arith.constant 0 : i32
      %dma_start3A_110 = tpu.memref_slice %arg2[%dma_start3A_109, %mul3A_97] : memref<32x1000000xf32, #tpu.memory_space<hbm>> -> memref<32x512xf32, #tpu.memory_space<hbm>>
      tpu.enqueue_dma source(%dma_start3A_110 : memref<32x512xf32, #tpu.memory_space<hbm>>) target(%dma_start3A_108 : memref<32x512xf32, #tpu.memory_space<vmem>>) target_semaphore(%arg7 : memref<!tpu.dma_semaphore, #tpu.memory_space<semaphore_mem>>)
    } else {
    }
    %while3A = arith.constant 0 : i32
    %while3A_37 = arith.constant 0 : i32
    %while3A_38 = arith.subi %add3A_20, %while3A_37 : i32
    %while3A_39 = arith.addi %while3A_37, %while3A_38 : i32
    %while3A_40 = arith.constant 1 : i32
    %while3A_41 = arith.divsi %while3A_38, %while3A_40 : i32
    %while3A_42 = arith.muli %while3A_41, %while3A_40 : i32
    %while3A_43 = arith.addi %while3A_37, %while3A_42 : i32
    %while3A_44 = arith.constant 1 : i32
    scf.for %while3A_94 = %while3A_37 to %while3A_43 step %while3A_44  : i32 {
      %mul3A_95 = arith.constant 32 : i32
      %mul3A_96 = arith.muli %while3A_94, %mul3A_95 : i32
      %add3A_97 = arith.addi %add3A, %mul3A_96 : i32
      %rem3A_98 = arith.constant 3 : i32
      %rem3A_99 = arith.remsi %while3A_94, %rem3A_98 : i32
      %mul3A_100 = arith.constant 512 : i32
      %mul3A_101 = arith.muli %add3A_97, %mul3A_100 : i32
      %dma_wait3A_102 = arith.constant 0 : i32
      %dma_wait3A_103 = arith.constant 0 : i32
      %dma_wait3A_104 = tpu.memref_slice %arg5[%rem3A_99, %dma_wait3A_102, %dma_wait3A_103] : memref<3x32x512xf32, #tpu.memory_space<vmem>> -> memref<1x32x512xf32, #tpu.memory_space<vmem>>
      %dma_wait3A_105 = tpu.memref_squeeze %dma_wait3A_104 : memref<1x32x512xf32, #tpu.memory_space<vmem>> -> memref<32x512xf32, #tpu.memory_space<vmem>>
      %dma_wait3A_106 = arith.constant 0 : i32
      %dma_wait3A_107 = tpu.memref_slice %arg2[%dma_wait3A_106, %mul3A_101] : memref<32x1000000xf32, #tpu.memory_space<hbm>> -> memref<32x512xf32, #tpu.memory_space<hbm>>
      %dma_wait3A_108 = arith.constant 0 : i32
      %dma_wait3A_109 = arith.constant 0 : i32
      %dma_wait3A_110 = tpu.memref_slice %arg5[%rem3A_99, %dma_wait3A_108, %dma_wait3A_109] : memref<3x32x512xf32, #tpu.memory_space<vmem>> -> memref<1x32x512xf32, #tpu.memory_space<vmem>>
      %dma_wait3A_111 = tpu.memref_squeeze %dma_wait3A_110 : memref<1x32x512xf32, #tpu.memory_space<vmem>> -> memref<32x512xf32, #tpu.memory_space<vmem>>
      %dma_wait3A_112 = arith.constant 0 : i32
      %dma_wait3A_113 = tpu.memref_slice %arg2[%dma_wait3A_112, %mul3A_101] : memref<32x1000000xf32, #tpu.memory_space<hbm>> -> memref<32x512xf32, #tpu.memory_space<hbm>>
      tpu.wait_dma2 semaphore(%arg7 : memref<!tpu.dma_semaphore, #tpu.memory_space<semaphore_mem>>) src(%dma_wait3A_113 : memref<32x512xf32, #tpu.memory_space<hbm>>) dst(%dma_wait3A_111 : memref<32x512xf32, #tpu.memory_space<vmem>>)
      %sub3A_114 = arith.constant 2 : i32
      %sub3A_115 = arith.subi %add3A_20, %sub3A_114 : i32
      %lt3A = arith.cmpi slt, %while3A_94, %sub3A_115 : i32
      %convert_element_type3A_116 = arith.extui %lt3A : i1 to i32
      %cond3A_117 = arith.constant 0 : i32
      %cond3A_118 = arith.cmpi ne, %convert_element_type3A_116, %cond3A_117 : i32
      scf.if %cond3A_118 {
        %add3A_140 = arith.constant 64 : i32
        %add3A_141 = arith.addi %add3A_97, %add3A_140 : i32
        %add3A_142 = arith.constant 2 : i32
        %add3A_143 = arith.addi %while3A_94, %add3A_142 : i32
        %rem3A_144 = arith.constant 3 : i32
        %rem3A_145 = arith.remsi %add3A_143, %rem3A_144 : i32
        %mul3A_146 = arith.constant 512 : i32
        %mul3A_147 = arith.muli %add3A_141, %mul3A_146 : i32
        %dma_start3A_148 = arith.constant 0 : i32
        %dma_start3A_149 = arith.constant 0 : i32
        %dma_start3A_150 = tpu.memref_slice %arg5[%rem3A_145, %dma_start3A_148, %dma_start3A_149] : memref<3x32x512xf32, #tpu.memory_space<vmem>> -> memref<1x32x512xf32, #tpu.memory_space<vmem>>
        %dma_start3A_151 = tpu.memref_squeeze %dma_start3A_150 : memref<1x32x512xf32, #tpu.memory_space<vmem>> -> memref<32x512xf32, #tpu.memory_space<vmem>>
        %dma_start3A_152 = arith.constant 0 : i32
        %dma_start3A_153 = tpu.memref_slice %arg2[%dma_start3A_152, %mul3A_147] : memref<32x1000000xf32, #tpu.memory_space<hbm>> -> memref<32x512xf32, #tpu.memory_space<hbm>>
        %dma_start3A_154 = arith.constant 0 : i32
        %dma_start3A_155 = arith.constant 0 : i32
        %dma_start3A_156 = tpu.memref_slice %arg5[%rem3A_145, %dma_start3A_154, %dma_start3A_155] : memref<3x32x512xf32, #tpu.memory_space<vmem>> -> memref<1x32x512xf32, #tpu.memory_space<vmem>>
        %dma_start3A_157 = tpu.memref_squeeze %dma_start3A_156 : memref<1x32x512xf32, #tpu.memory_space<vmem>> -> memref<32x512xf32, #tpu.memory_space<vmem>>
        %dma_start3A_158 = arith.constant 0 : i32
        %dma_start3A_159 = tpu.memref_slice %arg2[%dma_start3A_158, %mul3A_147] : memref<32x1000000xf32, #tpu.memory_space<hbm>> -> memref<32x512xf32, #tpu.memory_space<hbm>>
        tpu.enqueue_dma source(%dma_start3A_159 : memref<32x512xf32, #tpu.memory_space<hbm>>) target(%dma_start3A_157 : memref<32x512xf32, #tpu.memory_space<vmem>>) target_semaphore(%arg7 : memref<!tpu.dma_semaphore, #tpu.memory_space<semaphore_mem>>)
      } else {
      }
      %ge3A_119 = arith.constant 3 : i32
      %ge3A_120 = arith.cmpi sge, %while3A_94, %ge3A_119 : i32
      %convert_element_type3A_121 = arith.extui %ge3A_120 : i1 to i32
      %cond3A_122 = arith.constant 0 : i32
      %cond3A_123 = arith.cmpi ne, %convert_element_type3A_121, %cond3A_122 : i32
      scf.if %cond3A_123 {
        %dma_wait3A_140 = arith.constant 0 : i32
        %dma_wait3A_141 = arith.constant 0 : i32
        %dma_wait3A_142 = tpu.memref_slice %arg6[%rem3A_99, %dma_wait3A_140, %dma_wait3A_141] : memref<3x128x128xf32, #tpu.memory_space<vmem>> -> memref<1x128x128xf32, #tpu.memory_space<vmem>>
        %dma_wait3A_143 = tpu.memref_squeeze %dma_wait3A_142 : memref<1x128x128xf32, #tpu.memory_space<vmem>> -> memref<128x128xf32, #tpu.memory_space<vmem>>
        %dma_wait3A_144 = arith.constant 0 : i32
        %dma_wait3A_145 = arith.constant 0 : i32
        %dma_wait3A_146 = tpu.memref_slice %arg4[%dma_wait3A_144, %dma_wait3A_145] : memref<250000x128xf32, #tpu.memory_space<hbm>> -> memref<128x128xf32, #tpu.memory_space<hbm>>
        %dma_wait3A_147 = arith.constant 0 : i32
        %dma_wait3A_148 = arith.constant 0 : i32
        %dma_wait3A_149 = tpu.memref_slice %arg4[%dma_wait3A_147, %dma_wait3A_148] : memref<250000x128xf32, #tpu.memory_space<hbm>> -> memref<128x128xf32, #tpu.memory_space<hbm>>
        %dma_wait3A_150 = arith.constant 0 : i32
        %dma_wait3A_151 = arith.constant 0 : i32
        %dma_wait3A_152 = tpu.memref_slice %arg6[%rem3A_99, %dma_wait3A_150, %dma_wait3A_151] : memref<3x128x128xf32, #tpu.memory_space<vmem>> -> memref<1x128x128xf32, #tpu.memory_space<vmem>>
        %dma_wait3A_153 = tpu.memref_squeeze %dma_wait3A_152 : memref<1x128x128xf32, #tpu.memory_space<vmem>> -> memref<128x128xf32, #tpu.memory_space<vmem>>
        tpu.wait_dma2 semaphore(%arg8 : memref<!tpu.dma_semaphore, #tpu.memory_space<semaphore_mem>>) src(%dma_wait3A_153 : memref<128x128xf32, #tpu.memory_space<vmem>>) dst(%dma_wait3A_149 : memref<128x128xf32, #tpu.memory_space<hbm>>)
      } else {
      }
      %parallel_loop3A = arith.constant 0 : i32
      %parallel_loop3A_124 = arith.constant 128 : i32
      %parallel_loop3A_125 = arith.constant 1 : i32
      scf.for %parallel_loop3A_140 = %parallel_loop3A to %parallel_loop3A_124 step %parallel_loop3A_125  : i32 {
        %parallel_loop3A_141 = arith.constant 0 : i32
        %parallel_loop3A_142 = vector.broadcast %parallel_loop3A_141 : i32 to vector<16xi32>
        %parallel_loop3A_143 = arith.addi %parallel_loop3A_142, %iota3A : vector<16xi32>
        %parallel_loop3A_144 = arith.constant 0 : i32
        %parallel_loop3A_145 = vector.broadcast %parallel_loop3A_144 : i32 to vector<16xi32>
        %parallel_loop3A_146 = arith.constant 4 : i32
        %parallel_loop3A_147 = arith.muli %parallel_loop3A_146, %parallel_loop3A_140 : i32
        %parallel_loop3A_148 = arith.constant 0 : i32
        %parallel_loop3A_149 = arith.addi %parallel_loop3A_147, %parallel_loop3A_148 : i32
        %parallel_loop3A_150 = vector.broadcast %parallel_loop3A_149 : i32 to vector<16xi32>
        %parallel_loop3A_151 = arith.addi %parallel_loop3A_145, %parallel_loop3A_150 : vector<16xi32>
        %parallel_loop3A_152 = arith.constant 0 : i32
        %parallel_loop3A_153 = arith.constant 0 : i32
        %parallel_loop3A_154 = tpu.memref_slice %arg5[%rem3A_99, %parallel_loop3A_152, %parallel_loop3A_153] : memref<3x32x512xf32, #tpu.memory_space<vmem>> -> memref<1x32x512xf32, #tpu.memory_space<vmem>>
        %parallel_loop3A_155 = tpu.memref_squeeze %parallel_loop3A_154 : memref<1x32x512xf32, #tpu.memory_space<vmem>> -> memref<32x512xf32, #tpu.memory_space<vmem>>
        %parallel_loop3A_156 = tpu.vector_load_idx %parallel_loop3A_155[%parallel_loop3A_143, %parallel_loop3A_151] : memref<32x512xf32, #tpu.memory_space<vmem>>[vector<16xi32>, vector<16xi32>], vector<16xf32>,
        %parallel_loop3A_157 = arith.index_cast %rem3A_99 : i32 to index
        %parallel_loop3A_158 = arith.index_cast %parallel_loop3A_140 : i32 to index
        %parallel_loop3A_159 = arith.constant 0 : index
        %parallel_loop3A_160 = tpu.vector_load %arg6[%parallel_loop3A_157, %parallel_loop3A_158, %parallel_loop3A_159] {strides = array<i32>} : memref<3x128x128xf32, #tpu.memory_space<vmem>>, vector<16xf32>,
        tpu.vector_store %arg6[%parallel_loop3A_157, %parallel_loop3A_158, %parallel_loop3A_159], %parallel_loop3A_156 {strides = array<i32>} : memref<3x128x128xf32, #tpu.memory_space<vmem>>, vector<16xf32>,
        %parallel_loop3A_161 = arith.constant 16 : i32
        %parallel_loop3A_162 = vector.broadcast %parallel_loop3A_161 : i32 to vector<16xi32>
        %parallel_loop3A_163 = arith.addi %parallel_loop3A_162, %iota3A : vector<16xi32>
        %parallel_loop3A_164 = arith.constant 0 : i32
        %parallel_loop3A_165 = vector.broadcast %parallel_loop3A_164 : i32 to vector<16xi32>
        %parallel_loop3A_166 = arith.constant 4 : i32
        %parallel_loop3A_167 = arith.muli %parallel_loop3A_166, %parallel_loop3A_140 : i32
        %parallel_loop3A_168 = arith.constant 0 : i32
        %parallel_loop3A_169 = arith.addi %parallel_loop3A_167, %parallel_loop3A_168 : i32
        %parallel_loop3A_170 = vector.broadcast %parallel_loop3A_169 : i32 to vector<16xi32>
        %parallel_loop3A_171 = arith.addi %parallel_loop3A_165, %parallel_loop3A_170 : vector<16xi32>
        %parallel_loop3A_172 = arith.constant 0 : i32
        %parallel_loop3A_173 = arith.constant 0 : i32
        %parallel_loop3A_174 = tpu.memref_slice %arg5[%rem3A_99, %parallel_loop3A_172, %parallel_loop3A_173] : memref<3x32x512xf32, #tpu.memory_space<vmem>> -> memref<1x32x512xf32, #tpu.memory_space<vmem>>
        %parallel_loop3A_175 = tpu.memref_squeeze %parallel_loop3A_174 : memref<1x32x512xf32, #tpu.memory_space<vmem>> -> memref<32x512xf32, #tpu.memory_space<vmem>>
        %parallel_loop3A_176 = tpu.vector_load_idx %parallel_loop3A_175[%parallel_loop3A_163, %parallel_loop3A_171] : memref<32x512xf32, #tpu.memory_space<vmem>>[vector<16xi32>, vector<16xi32>], vector<16xf32>,
        %parallel_loop3A_177 = arith.index_cast %rem3A_99 : i32 to index
        %parallel_loop3A_178 = arith.index_cast %parallel_loop3A_140 : i32 to index
        %parallel_loop3A_179 = arith.constant 16 : index
        %parallel_loop3A_180 = tpu.vector_load %arg6[%parallel_loop3A_177, %parallel_loop3A_178, %parallel_loop3A_179] {strides = array<i32>} : memref<3x128x128xf32, #tpu.memory_space<vmem>>, vector<16xf32>,
        tpu.vector_store %arg6[%parallel_loop3A_177, %parallel_loop3A_178, %parallel_loop3A_179], %parallel_loop3A_176 {strides = array<i32>} : memref<3x128x128xf32, #tpu.memory_space<vmem>>, vector<16xf32>,
        %parallel_loop3A_181 = arith.constant 0 : i32
        %parallel_loop3A_182 = vector.broadcast %parallel_loop3A_181 : i32 to vector<16xi32>
        %parallel_loop3A_183 = arith.addi %parallel_loop3A_182, %iota3A : vector<16xi32>
        %parallel_loop3A_184 = arith.constant 0 : i32
        %parallel_loop3A_185 = vector.broadcast %parallel_loop3A_184 : i32 to vector<16xi32>
        %parallel_loop3A_186 = arith.constant 4 : i32
        %parallel_loop3A_187 = arith.muli %parallel_loop3A_186, %parallel_loop3A_140 : i32
        %parallel_loop3A_188 = arith.constant 1 : i32
        %parallel_loop3A_189 = arith.addi %parallel_loop3A_187, %parallel_loop3A_188 : i32
        %parallel_loop3A_190 = vector.broadcast %parallel_loop3A_189 : i32 to vector<16xi32>
        %parallel_loop3A_191 = arith.addi %parallel_loop3A_185, %parallel_loop3A_190 : vector<16xi32>
        %parallel_loop3A_192 = arith.constant 0 : i32
        %parallel_loop3A_193 = arith.constant 0 : i32
        %parallel_loop3A_194 = tpu.memref_slice %arg5[%rem3A_99, %parallel_loop3A_192, %parallel_loop3A_193] : memref<3x32x512xf32, #tpu.memory_space<vmem>> -> memref<1x32x512xf32, #tpu.memory_space<vmem>>
        %parallel_loop3A_195 = tpu.memref_squeeze %parallel_loop3A_194 : memref<1x32x512xf32, #tpu.memory_space<vmem>> -> memref<32x512xf32, #tpu.memory_space<vmem>>
        %parallel_loop3A_196 = tpu.vector_load_idx %parallel_loop3A_195[%parallel_loop3A_183, %parallel_loop3A_191] : memref<32x512xf32, #tpu.memory_space<vmem>>[vector<16xi32>, vector<16xi32>], vector<16xf32>,
        %parallel_loop3A_197 = arith.index_cast %rem3A_99 : i32 to index
        %parallel_loop3A_198 = arith.index_cast %parallel_loop3A_140 : i32 to index
        %parallel_loop3A_199 = arith.constant 32 : index
        %parallel_loop3A_200 = tpu.vector_load %arg6[%parallel_loop3A_197, %parallel_loop3A_198, %parallel_loop3A_199] {strides = array<i32>} : memref<3x128x128xf32, #tpu.memory_space<vmem>>, vector<16xf32>,
        tpu.vector_store %arg6[%parallel_loop3A_197, %parallel_loop3A_198, %parallel_loop3A_199], %parallel_loop3A_196 {strides = array<i32>} : memref<3x128x128xf32, #tpu.memory_space<vmem>>, vector<16xf32>,
        %parallel_loop3A_201 = arith.constant 16 : i32
        %parallel_loop3A_202 = vector.broadcast %parallel_loop3A_201 : i32 to vector<16xi32>
        %parallel_loop3A_203 = arith.addi %parallel_loop3A_202, %iota3A : vector<16xi32>
        %parallel_loop3A_204 = arith.constant 0 : i32
        %parallel_loop3A_205 = vector.broadcast %parallel_loop3A_204 : i32 to vector<16xi32>
        %parallel_loop3A_206 = arith.constant 4 : i32
        %parallel_loop3A_207 = arith.muli %parallel_loop3A_206, %parallel_loop3A_140 : i32
        %parallel_loop3A_208 = arith.constant 1 : i32
        %parallel_loop3A_209 = arith.addi %parallel_loop3A_207, %parallel_loop3A_208 : i32
        %parallel_loop3A_210 = vector.broadcast %parallel_loop3A_209 : i32 to vector<16xi32>
        %parallel_loop3A_211 = arith.addi %parallel_loop3A_205, %parallel_loop3A_210 : vector<16xi32>
        %parallel_loop3A_212 = arith.constant 0 : i32
        %parallel_loop3A_213 = arith.constant 0 : i32
        %parallel_loop3A_214 = tpu.memref_slice %arg5[%rem3A_99, %parallel_loop3A_212, %parallel_loop3A_213] : memref<3x32x512xf32, #tpu.memory_space<vmem>> -> memref<1x32x512xf32, #tpu.memory_space<vmem>>
        %parallel_loop3A_215 = tpu.memref_squeeze %parallel_loop3A_214 : memref<1x32x512xf32, #tpu.memory_space<vmem>> -> memref<32x512xf32, #tpu.memory_space<vmem>>
        %parallel_loop3A_216 = tpu.vector_load_idx %parallel_loop3A_215[%parallel_loop3A_203, %parallel_loop3A_211] : memref<32x512xf32, #tpu.memory_space<vmem>>[vector<16xi32>, vector<16xi32>], vector<16xf32>,
        %parallel_loop3A_217 = arith.index_cast %rem3A_99 : i32 to index
        %parallel_loop3A_218 = arith.index_cast %parallel_loop3A_140 : i32 to index
        %parallel_loop3A_219 = arith.constant 48 : index
        %parallel_loop3A_220 = tpu.vector_load %arg6[%parallel_loop3A_217, %parallel_loop3A_218, %parallel_loop3A_219] {strides = array<i32>} : memref<3x128x128xf32, #tpu.memory_space<vmem>>, vector<16xf32>,
        tpu.vector_store %arg6[%parallel_loop3A_217, %parallel_loop3A_218, %parallel_loop3A_219], %parallel_loop3A_216 {strides = array<i32>} : memref<3x128x128xf32, #tpu.memory_space<vmem>>, vector<16xf32>,
        %parallel_loop3A_221 = arith.constant 0 : i32
        %parallel_loop3A_222 = vector.broadcast %parallel_loop3A_221 : i32 to vector<16xi32>
        %parallel_loop3A_223 = arith.addi %parallel_loop3A_222, %iota3A : vector<16xi32>
        %parallel_loop3A_224 = arith.constant 0 : i32
        %parallel_loop3A_225 = vector.broadcast %parallel_loop3A_224 : i32 to vector<16xi32>
        %parallel_loop3A_226 = arith.constant 4 : i32
        %parallel_loop3A_227 = arith.muli %parallel_loop3A_226, %parallel_loop3A_140 : i32
        %parallel_loop3A_228 = arith.constant 2 : i32
        %parallel_loop3A_229 = arith.addi %parallel_loop3A_227, %parallel_loop3A_228 : i32
        %parallel_loop3A_230 = vector.broadcast %parallel_loop3A_229 : i32 to vector<16xi32>
        %parallel_loop3A_231 = arith.addi %parallel_loop3A_225, %parallel_loop3A_230 : vector<16xi32>
        %parallel_loop3A_232 = arith.constant 0 : i32
        %parallel_loop3A_233 = arith.constant 0 : i32
        %parallel_loop3A_234 = tpu.memref_slice %arg5[%rem3A_99, %parallel_loop3A_232, %parallel_loop3A_233] : memref<3x32x512xf32, #tpu.memory_space<vmem>> -> memref<1x32x512xf32, #tpu.memory_space<vmem>>
        %parallel_loop3A_235 = tpu.memref_squeeze %parallel_loop3A_234 : memref<1x32x512xf32, #tpu.memory_space<vmem>> -> memref<32x512xf32, #tpu.memory_space<vmem>>
        %parallel_loop3A_236 = tpu.vector_load_idx %parallel_loop3A_235[%parallel_loop3A_223, %parallel_loop3A_231] : memref<32x512xf32, #tpu.memory_space<vmem>>[vector<16xi32>, vector<16xi32>], vector<16xf32>,
        %parallel_loop3A_237 = arith.index_cast %rem3A_99 : i32 to index
        %parallel_loop3A_238 = arith.index_cast %parallel_loop3A_140 : i32 to index
        %parallel_loop3A_239 = arith.constant 64 : index
        %parallel_loop3A_240 = tpu.vector_load %arg6[%parallel_loop3A_237, %parallel_loop3A_238, %parallel_loop3A_239] {strides = array<i32>} : memref<3x128x128xf32, #tpu.memory_space<vmem>>, vector<16xf32>,
        tpu.vector_store %arg6[%parallel_loop3A_237, %parallel_loop3A_238, %parallel_loop3A_239], %parallel_loop3A_236 {strides = array<i32>} : memref<3x128x128xf32, #tpu.memory_space<vmem>>, vector<16xf32>,
        %parallel_loop3A_241 = arith.constant 16 : i32
        %parallel_loop3A_242 = vector.broadcast %parallel_loop3A_241 : i32 to vector<16xi32>
        %parallel_loop3A_243 = arith.addi %parallel_loop3A_242, %iota3A : vector<16xi32>
        %parallel_loop3A_244 = arith.constant 0 : i32
        %parallel_loop3A_245 = vector.broadcast %parallel_loop3A_244 : i32 to vector<16xi32>
        %parallel_loop3A_246 = arith.constant 4 : i32
        %parallel_loop3A_247 = arith.muli %parallel_loop3A_246, %parallel_loop3A_140 : i32
        %parallel_loop3A_248 = arith.constant 2 : i32
        %parallel_loop3A_249 = arith.addi %parallel_loop3A_247, %parallel_loop3A_248 : i32
        %parallel_loop3A_250 = vector.broadcast %parallel_loop3A_249 : i32 to vector<16xi32>
        %parallel_loop3A_251 = arith.addi %parallel_loop3A_245, %parallel_loop3A_250 : vector<16xi32>
        %parallel_loop3A_252 = arith.constant 0 : i32
        %parallel_loop3A_253 = arith.constant 0 : i32
        %parallel_loop3A_254 = tpu.memref_slice %arg5[%rem3A_99, %parallel_loop3A_252, %parallel_loop3A_253] : memref<3x32x512xf32, #tpu.memory_space<vmem>> -> memref<1x32x512xf32, #tpu.memory_space<vmem>>
        %parallel_loop3A_255 = tpu.memref_squeeze %parallel_loop3A_254 : memref<1x32x512xf32, #tpu.memory_space<vmem>> -> memref<32x512xf32, #tpu.memory_space<vmem>>
        %parallel_loop3A_256 = tpu.vector_load_idx %parallel_loop3A_255[%parallel_loop3A_243, %parallel_loop3A_251] : memref<32x512xf32, #tpu.memory_space<vmem>>[vector<16xi32>, vector<16xi32>], vector<16xf32>,
        %parallel_loop3A_257 = arith.index_cast %rem3A_99 : i32 to index
        %parallel_loop3A_258 = arith.index_cast %parallel_loop3A_140 : i32 to index
        %parallel_loop3A_259 = arith.constant 80 : index
        %parallel_loop3A_260 = tpu.vector_load %arg6[%parallel_loop3A_257, %parallel_loop3A_258, %parallel_loop3A_259] {strides = array<i32>} : memref<3x128x128xf32, #tpu.memory_space<vmem>>, vector<16xf32>,
        tpu.vector_store %arg6[%parallel_loop3A_257, %parallel_loop3A_258, %parallel_loop3A_259], %parallel_loop3A_256 {strides = array<i32>} : memref<3x128x128xf32, #tpu.memory_space<vmem>>, vector<16xf32>,
        %parallel_loop3A_261 = arith.constant 0 : i32
        %parallel_loop3A_262 = vector.broadcast %parallel_loop3A_261 : i32 to vector<16xi32>
        %parallel_loop3A_263 = arith.addi %parallel_loop3A_262, %iota3A : vector<16xi32>
        %parallel_loop3A_264 = arith.constant 0 : i32
        %parallel_loop3A_265 = vector.broadcast %parallel_loop3A_264 : i32 to vector<16xi32>
        %parallel_loop3A_266 = arith.constant 4 : i32
        %parallel_loop3A_267 = arith.muli %parallel_loop3A_266, %parallel_loop3A_140 : i32
        %parallel_loop3A_268 = arith.constant 3 : i32
        %parallel_loop3A_269 = arith.addi %parallel_loop3A_267, %parallel_loop3A_268 : i32
        %parallel_loop3A_270 = vector.broadcast %parallel_loop3A_269 : i32 to vector<16xi32>
        %parallel_loop3A_271 = arith.addi %parallel_loop3A_265, %parallel_loop3A_270 : vector<16xi32>
        %parallel_loop3A_272 = arith.constant 0 : i32
        %parallel_loop3A_273 = arith.constant 0 : i32
        %parallel_loop3A_274 = tpu.memref_slice %arg5[%rem3A_99, %parallel_loop3A_272, %parallel_loop3A_273] : memref<3x32x512xf32, #tpu.memory_space<vmem>> -> memref<1x32x512xf32, #tpu.memory_space<vmem>>
        %parallel_loop3A_275 = tpu.memref_squeeze %parallel_loop3A_274 : memref<1x32x512xf32, #tpu.memory_space<vmem>> -> memref<32x512xf32, #tpu.memory_space<vmem>>
        %parallel_loop3A_276 = tpu.vector_load_idx %parallel_loop3A_275[%parallel_loop3A_263, %parallel_loop3A_271] : memref<32x512xf32, #tpu.memory_space<vmem>>[vector<16xi32>, vector<16xi32>], vector<16xf32>,
        %parallel_loop3A_277 = arith.index_cast %rem3A_99 : i32 to index
        %parallel_loop3A_278 = arith.index_cast %parallel_loop3A_140 : i32 to index
        %parallel_loop3A_279 = arith.constant 96 : index
        %parallel_loop3A_280 = tpu.vector_load %arg6[%parallel_loop3A_277, %parallel_loop3A_278, %parallel_loop3A_279] {strides = array<i32>} : memref<3x128x128xf32, #tpu.memory_space<vmem>>, vector<16xf32>,
        tpu.vector_store %arg6[%parallel_loop3A_277, %parallel_loop3A_278, %parallel_loop3A_279], %parallel_loop3A_276 {strides = array<i32>} : memref<3x128x128xf32, #tpu.memory_space<vmem>>, vector<16xf32>,
        %parallel_loop3A_281 = arith.constant 16 : i32
        %parallel_loop3A_282 = vector.broadcast %parallel_loop3A_281 : i32 to vector<16xi32>
        %parallel_loop3A_283 = arith.addi %parallel_loop3A_282, %iota3A : vector<16xi32>
        %parallel_loop3A_284 = arith.constant 0 : i32
        %parallel_loop3A_285 = vector.broadcast %parallel_loop3A_284 : i32 to vector<16xi32>
        %parallel_loop3A_286 = arith.constant 4 : i32
        %parallel_loop3A_287 = arith.muli %parallel_loop3A_286, %parallel_loop3A_140 : i32
        %parallel_loop3A_288 = arith.constant 3 : i32
        %parallel_loop3A_289 = arith.addi %parallel_loop3A_287, %parallel_loop3A_288 : i32
        %parallel_loop3A_290 = vector.broadcast %parallel_loop3A_289 : i32 to vector<16xi32>
        %parallel_loop3A_291 = arith.addi %parallel_loop3A_285, %parallel_loop3A_290 : vector<16xi32>
        %parallel_loop3A_292 = arith.constant 0 : i32
        %parallel_loop3A_293 = arith.constant 0 : i32
        %parallel_loop3A_294 = tpu.memref_slice %arg5[%rem3A_99, %parallel_loop3A_292, %parallel_loop3A_293] : memref<3x32x512xf32, #tpu.memory_space<vmem>> -> memref<1x32x512xf32, #tpu.memory_space<vmem>>
        %parallel_loop3A_295 = tpu.memref_squeeze %parallel_loop3A_294 : memref<1x32x512xf32, #tpu.memory_space<vmem>> -> memref<32x512xf32, #tpu.memory_space<vmem>>
        %parallel_loop3A_296 = tpu.vector_load_idx %parallel_loop3A_295[%parallel_loop3A_283, %parallel_loop3A_291] : memref<32x512xf32, #tpu.memory_space<vmem>>[vector<16xi32>, vector<16xi32>], vector<16xf32>,
        %parallel_loop3A_297 = arith.index_cast %rem3A_99 : i32 to index
        %parallel_loop3A_298 = arith.index_cast %parallel_loop3A_140 : i32 to index
        %parallel_loop3A_299 = arith.constant 112 : index
        %parallel_loop3A_300 = tpu.vector_load %arg6[%parallel_loop3A_297, %parallel_loop3A_298, %parallel_loop3A_299] {strides = array<i32>} : memref<3x128x128xf32, #tpu.memory_space<vmem>>, vector<16xf32>,
        tpu.vector_store %arg6[%parallel_loop3A_297, %parallel_loop3A_298, %parallel_loop3A_299], %parallel_loop3A_296 {strides = array<i32>} : memref<3x128x128xf32, #tpu.memory_space<vmem>>, vector<16xf32>,
      } {sc.loop_unroll_factor = 2 : i64, sc.parallel_access}
      %mul3A_126 = arith.constant 128 : i32
      %mul3A_127 = arith.muli %add3A_97, %mul3A_126 : i32
      %dma_start3A_128 = arith.constant 0 : i32
      %dma_start3A_129 = arith.constant 0 : i32
      %dma_start3A_130 = tpu.memref_slice %arg6[%rem3A_99, %dma_start3A_128, %dma_start3A_129] : memref<3x128x128xf32, #tpu.memory_space<vmem>> -> memref<1x128x128xf32, #tpu.memory_space<vmem>>
      %dma_start3A_131 = tpu.memref_squeeze %dma_start3A_130 : memref<1x128x128xf32, #tpu.memory_space<vmem>> -> memref<128x128xf32, #tpu.memory_space<vmem>>
      %dma_start3A_132 = arith.constant 0 : i32
      %dma_start3A_133 = tpu.memref_slice %arg4[%mul3A_127, %dma_start3A_132] : memref<250000x128xf32, #tpu.memory_space<hbm>> -> memref<128x128xf32, #tpu.memory_space<hbm>>
      %dma_start3A_134 = arith.constant 0 : i32
      %dma_start3A_135 = tpu.memref_slice %arg4[%mul3A_127, %dma_start3A_134] : memref<250000x128xf32, #tpu.memory_space<hbm>> -> memref<128x128xf32, #tpu.memory_space<hbm>>
      %dma_start3A_136 = arith.constant 0 : i32
      %dma_start3A_137 = arith.constant 0 : i32
      %dma_start3A_138 = tpu.memref_slice %arg6[%rem3A_99, %dma_start3A_136, %dma_start3A_137] : memref<3x128x128xf32, #tpu.memory_space<vmem>> -> memref<1x128x128xf32, #tpu.memory_space<vmem>>
      %dma_start3A_139 = tpu.memref_squeeze %dma_start3A_138 : memref<1x128x128xf32, #tpu.memory_space<vmem>> -> memref<128x128xf32, #tpu.memory_space<vmem>>
      tpu.enqueue_dma source(%dma_start3A_139 : memref<128x128xf32, #tpu.memory_space<vmem>>) target(%dma_start3A_135 : memref<128x128xf32, #tpu.memory_space<hbm>>) target_semaphore(%arg8 : memref<!tpu.dma_semaphore, #tpu.memory_space<semaphore_mem>>)
    }
    %while3A_45 = arith.constant 1 : i32
    scf.for %while3A_94 = %while3A_43 to %while3A_39 step %while3A_45  : i32 {
      %mul3A_95 = arith.constant 32 : i32
      %mul3A_96 = arith.muli %while3A_94, %mul3A_95 : i32
      %add3A_97 = arith.addi %add3A, %mul3A_96 : i32
      %rem3A_98 = arith.constant 3 : i32
      %rem3A_99 = arith.remsi %while3A_94, %rem3A_98 : i32
      %mul3A_100 = arith.constant 512 : i32
      %mul3A_101 = arith.muli %add3A_97, %mul3A_100 : i32
      %dma_wait3A_102 = arith.constant 0 : i32
      %dma_wait3A_103 = arith.constant 0 : i32
      %dma_wait3A_104 = tpu.memref_slice %arg5[%rem3A_99, %dma_wait3A_102, %dma_wait3A_103] : memref<3x32x512xf32, #tpu.memory_space<vmem>> -> memref<1x32x512xf32, #tpu.memory_space<vmem>>
      %dma_wait3A_105 = tpu.memref_squeeze %dma_wait3A_104 : memref<1x32x512xf32, #tpu.memory_space<vmem>> -> memref<32x512xf32, #tpu.memory_space<vmem>>
      %dma_wait3A_106 = arith.constant 0 : i32
      %dma_wait3A_107 = tpu.memref_slice %arg2[%dma_wait3A_106, %mul3A_101] : memref<32x1000000xf32, #tpu.memory_space<hbm>> -> memref<32x512xf32, #tpu.memory_space<hbm>>
      %dma_wait3A_108 = arith.constant 0 : i32
      %dma_wait3A_109 = arith.constant 0 : i32
      %dma_wait3A_110 = tpu.memref_slice %arg5[%rem3A_99, %dma_wait3A_108, %dma_wait3A_109] : memref<3x32x512xf32, #tpu.memory_space<vmem>> -> memref<1x32x512xf32, #tpu.memory_space<vmem>>
      %dma_wait3A_111 = tpu.memref_squeeze %dma_wait3A_110 : memref<1x32x512xf32, #tpu.memory_space<vmem>> -> memref<32x512xf32, #tpu.memory_space<vmem>>
      %dma_wait3A_112 = arith.constant 0 : i32
      %dma_wait3A_113 = tpu.memref_slice %arg2[%dma_wait3A_112, %mul3A_101] : memref<32x1000000xf32, #tpu.memory_space<hbm>> -> memref<32x512xf32, #tpu.memory_space<hbm>>
      tpu.wait_dma2 semaphore(%arg7 : memref<!tpu.dma_semaphore, #tpu.memory_space<semaphore_mem>>) src(%dma_wait3A_113 : memref<32x512xf32, #tpu.memory_space<hbm>>) dst(%dma_wait3A_111 : memref<32x512xf32, #tpu.memory_space<vmem>>)
      %sub3A_114 = arith.constant 2 : i32
      %sub3A_115 = arith.subi %add3A_20, %sub3A_114 : i32
      %lt3A = arith.cmpi slt, %while3A_94, %sub3A_115 : i32
      %convert_element_type3A_116 = arith.extui %lt3A : i1 to i32
      %cond3A_117 = arith.constant 0 : i32
      %cond3A_118 = arith.cmpi ne, %convert_element_type3A_116, %cond3A_117 : i32
      scf.if %cond3A_118 {
        %add3A_140 = arith.constant 64 : i32
        %add3A_141 = arith.addi %add3A_97, %add3A_140 : i32
        %add3A_142 = arith.constant 2 : i32
        %add3A_143 = arith.addi %while3A_94, %add3A_142 : i32
        %rem3A_144 = arith.constant 3 : i32
        %rem3A_145 = arith.remsi %add3A_143, %rem3A_144 : i32
        %mul3A_146 = arith.constant 512 : i32
        %mul3A_147 = arith.muli %add3A_141, %mul3A_146 : i32
        %dma_start3A_148 = arith.constant 0 : i32
        %dma_start3A_149 = arith.constant 0 : i32
        %dma_start3A_150 = tpu.memref_slice %arg5[%rem3A_145, %dma_start3A_148, %dma_start3A_149] : memref<3x32x512xf32, #tpu.memory_space<vmem>> -> memref<1x32x512xf32, #tpu.memory_space<vmem>>
        %dma_start3A_151 = tpu.memref_squeeze %dma_start3A_150 : memref<1x32x512xf32, #tpu.memory_space<vmem>> -> memref<32x512xf32, #tpu.memory_space<vmem>>
        %dma_start3A_152 = arith.constant 0 : i32
        %dma_start3A_153 = tpu.memref_slice %arg2[%dma_start3A_152, %mul3A_147] : memref<32x1000000xf32, #tpu.memory_space<hbm>> -> memref<32x512xf32, #tpu.memory_space<hbm>>
        %dma_start3A_154 = arith.constant 0 : i32
        %dma_start3A_155 = arith.constant 0 : i32
        %dma_start3A_156 = tpu.memref_slice %arg5[%rem3A_145, %dma_start3A_154, %dma_start3A_155] : memref<3x32x512xf32, #tpu.memory_space<vmem>> -> memref<1x32x512xf32, #tpu.memory_space<vmem>>
        %dma_start3A_157 = tpu.memref_squeeze %dma_start3A_156 : memref<1x32x512xf32, #tpu.memory_space<vmem>> -> memref<32x512xf32, #tpu.memory_space<vmem>>
        %dma_start3A_158 = arith.constant 0 : i32
        %dma_start3A_159 = tpu.memref_slice %arg2[%dma_start3A_158, %mul3A_147] : memref<32x1000000xf32, #tpu.memory_space<hbm>> -> memref<32x512xf32, #tpu.memory_space<hbm>>
        tpu.enqueue_dma source(%dma_start3A_159 : memref<32x512xf32, #tpu.memory_space<hbm>>) target(%dma_start3A_157 : memref<32x512xf32, #tpu.memory_space<vmem>>) target_semaphore(%arg7 : memref<!tpu.dma_semaphore, #tpu.memory_space<semaphore_mem>>)
      } else {
      }
      %ge3A_119 = arith.constant 3 : i32
      %ge3A_120 = arith.cmpi sge, %while3A_94, %ge3A_119 : i32
      %convert_element_type3A_121 = arith.extui %ge3A_120 : i1 to i32
      %cond3A_122 = arith.constant 0 : i32
      %cond3A_123 = arith.cmpi ne, %convert_element_type3A_121, %cond3A_122 : i32
      scf.if %cond3A_123 {
        %dma_wait3A_140 = arith.constant 0 : i32
        %dma_wait3A_141 = arith.constant 0 : i32
        %dma_wait3A_142 = tpu.memref_slice %arg6[%rem3A_99, %dma_wait3A_140, %dma_wait3A_141] : memref<3x128x128xf32, #tpu.memory_space<vmem>> -> memref<1x128x128xf32, #tpu.memory_space<vmem>>
        %dma_wait3A_143 = tpu.memref_squeeze %dma_wait3A_142 : memref<1x128x128xf32, #tpu.memory_space<vmem>> -> memref<128x128xf32, #tpu.memory_space<vmem>>
        %dma_wait3A_144 = arith.constant 0 : i32
        %dma_wait3A_145 = arith.constant 0 : i32
        %dma_wait3A_146 = tpu.memref_slice %arg4[%dma_wait3A_144, %dma_wait3A_145] : memref<250000x128xf32, #tpu.memory_space<hbm>> -> memref<128x128xf32, #tpu.memory_space<hbm>>
        %dma_wait3A_147 = arith.constant 0 : i32
        %dma_wait3A_148 = arith.constant 0 : i32
        %dma_wait3A_149 = tpu.memref_slice %arg4[%dma_wait3A_147, %dma_wait3A_148] : memref<250000x128xf32, #tpu.memory_space<hbm>> -> memref<128x128xf32, #tpu.memory_space<hbm>>
        %dma_wait3A_150 = arith.constant 0 : i32
        %dma_wait3A_151 = arith.constant 0 : i32
        %dma_wait3A_152 = tpu.memref_slice %arg6[%rem3A_99, %dma_wait3A_150, %dma_wait3A_151] : memref<3x128x128xf32, #tpu.memory_space<vmem>> -> memref<1x128x128xf32, #tpu.memory_space<vmem>>
        %dma_wait3A_153 = tpu.memref_squeeze %dma_wait3A_152 : memref<1x128x128xf32, #tpu.memory_space<vmem>> -> memref<128x128xf32, #tpu.memory_space<vmem>>
        tpu.wait_dma2 semaphore(%arg8 : memref<!tpu.dma_semaphore, #tpu.memory_space<semaphore_mem>>) src(%dma_wait3A_153 : memref<128x128xf32, #tpu.memory_space<vmem>>) dst(%dma_wait3A_149 : memref<128x128xf32, #tpu.memory_space<hbm>>)
      } else {
      }
      %parallel_loop3A = arith.constant 0 : i32
      %parallel_loop3A_124 = arith.constant 128 : i32
      %parallel_loop3A_125 = arith.constant 1 : i32
      scf.for %parallel_loop3A_140 = %parallel_loop3A to %parallel_loop3A_124 step %parallel_loop3A_125  : i32 {
        %parallel_loop3A_141 = arith.constant 0 : i32
        %parallel_loop3A_142 = vector.broadcast %parallel_loop3A_141 : i32 to vector<16xi32>
        %parallel_loop3A_143 = arith.addi %parallel_loop3A_142, %iota3A : vector<16xi32>
        %parallel_loop3A_144 = arith.constant 0 : i32
        %parallel_loop3A_145 = vector.broadcast %parallel_loop3A_144 : i32 to vector<16xi32>
        %parallel_loop3A_146 = arith.constant 4 : i32
        %parallel_loop3A_147 = arith.muli %parallel_loop3A_146, %parallel_loop3A_140 : i32
        %parallel_loop3A_148 = arith.constant 0 : i32
        %parallel_loop3A_149 = arith.addi %parallel_loop3A_147, %parallel_loop3A_148 : i32
        %parallel_loop3A_150 = vector.broadcast %parallel_loop3A_149 : i32 to vector<16xi32>
        %parallel_loop3A_151 = arith.addi %parallel_loop3A_145, %parallel_loop3A_150 : vector<16xi32>
        %parallel_loop3A_152 = arith.constant 0 : i32
        %parallel_loop3A_153 = arith.constant 0 : i32
        %parallel_loop3A_154 = tpu.memref_slice %arg5[%rem3A_99, %parallel_loop3A_152, %parallel_loop3A_153] : memref<3x32x512xf32, #tpu.memory_space<vmem>> -> memref<1x32x512xf32, #tpu.memory_space<vmem>>
        %parallel_loop3A_155 = tpu.memref_squeeze %parallel_loop3A_154 : memref<1x32x512xf32, #tpu.memory_space<vmem>> -> memref<32x512xf32, #tpu.memory_space<vmem>>
        %parallel_loop3A_156 = tpu.vector_load_idx %parallel_loop3A_155[%parallel_loop3A_143, %parallel_loop3A_151] : memref<32x512xf32, #tpu.memory_space<vmem>>[vector<16xi32>, vector<16xi32>], vector<16xf32>,
        %parallel_loop3A_157 = arith.index_cast %rem3A_99 : i32 to index
        %parallel_loop3A_158 = arith.index_cast %parallel_loop3A_140 : i32 to index
        %parallel_loop3A_159 = arith.constant 0 : index
        %parallel_loop3A_160 = tpu.vector_load %arg6[%parallel_loop3A_157, %parallel_loop3A_158, %parallel_loop3A_159] {strides = array<i32>} : memref<3x128x128xf32, #tpu.memory_space<vmem>>, vector<16xf32>,
        tpu.vector_store %arg6[%parallel_loop3A_157, %parallel_loop3A_158, %parallel_loop3A_159], %parallel_loop3A_156 {strides = array<i32>} : memref<3x128x128xf32, #tpu.memory_space<vmem>>, vector<16xf32>,
        %parallel_loop3A_161 = arith.constant 16 : i32
        %parallel_loop3A_162 = vector.broadcast %parallel_loop3A_161 : i32 to vector<16xi32>
        %parallel_loop3A_163 = arith.addi %parallel_loop3A_162, %iota3A : vector<16xi32>
        %parallel_loop3A_164 = arith.constant 0 : i32
        %parallel_loop3A_165 = vector.broadcast %parallel_loop3A_164 : i32 to vector<16xi32>
        %parallel_loop3A_166 = arith.constant 4 : i32
        %parallel_loop3A_167 = arith.muli %parallel_loop3A_166, %parallel_loop3A_140 : i32
        %parallel_loop3A_168 = arith.constant 0 : i32
        %parallel_loop3A_169 = arith.addi %parallel_loop3A_167, %parallel_loop3A_168 : i32
        %parallel_loop3A_170 = vector.broadcast %parallel_loop3A_169 : i32 to vector<16xi32>
        %parallel_loop3A_171 = arith.addi %parallel_loop3A_165, %parallel_loop3A_170 : vector<16xi32>
        %parallel_loop3A_172 = arith.constant 0 : i32
        %parallel_loop3A_173 = arith.constant 0 : i32
        %parallel_loop3A_174 = tpu.memref_slice %arg5[%rem3A_99, %parallel_loop3A_172, %parallel_loop3A_173] : memref<3x32x512xf32, #tpu.memory_space<vmem>> -> memref<1x32x512xf32, #tpu.memory_space<vmem>>
        %parallel_loop3A_175 = tpu.memref_squeeze %parallel_loop3A_174 : memref<1x32x512xf32, #tpu.memory_space<vmem>> -> memref<32x512xf32, #tpu.memory_space<vmem>>
        %parallel_loop3A_176 = tpu.vector_load_idx %parallel_loop3A_175[%parallel_loop3A_163, %parallel_loop3A_171] : memref<32x512xf32, #tpu.memory_space<vmem>>[vector<16xi32>, vector<16xi32>], vector<16xf32>,
        %parallel_loop3A_177 = arith.index_cast %rem3A_99 : i32 to index
        %parallel_loop3A_178 = arith.index_cast %parallel_loop3A_140 : i32 to index
        %parallel_loop3A_179 = arith.constant 16 : index
        %parallel_loop3A_180 = tpu.vector_load %arg6[%parallel_loop3A_177, %parallel_loop3A_178, %parallel_loop3A_179] {strides = array<i32>} : memref<3x128x128xf32, #tpu.memory_space<vmem>>, vector<16xf32>,
        tpu.vector_store %arg6[%parallel_loop3A_177, %parallel_loop3A_178, %parallel_loop3A_179], %parallel_loop3A_176 {strides = array<i32>} : memref<3x128x128xf32, #tpu.memory_space<vmem>>, vector<16xf32>,
        %parallel_loop3A_181 = arith.constant 0 : i32
        %parallel_loop3A_182 = vector.broadcast %parallel_loop3A_181 : i32 to vector<16xi32>
        %parallel_loop3A_183 = arith.addi %parallel_loop3A_182, %iota3A : vector<16xi32>
        %parallel_loop3A_184 = arith.constant 0 : i32
        %parallel_loop3A_185 = vector.broadcast %parallel_loop3A_184 : i32 to vector<16xi32>
        %parallel_loop3A_186 = arith.constant 4 : i32
        %parallel_loop3A_187 = arith.muli %parallel_loop3A_186, %parallel_loop3A_140 : i32
        %parallel_loop3A_188 = arith.constant 1 : i32
        %parallel_loop3A_189 = arith.addi %parallel_loop3A_187, %parallel_loop3A_188 : i32
        %parallel_loop3A_190 = vector.broadcast %parallel_loop3A_189 : i32 to vector<16xi32>
        %parallel_loop3A_191 = arith.addi %parallel_loop3A_185, %parallel_loop3A_190 : vector<16xi32>
        %parallel_loop3A_192 = arith.constant 0 : i32
        %parallel_loop3A_193 = arith.constant 0 : i32
        %parallel_loop3A_194 = tpu.memref_slice %arg5[%rem3A_99, %parallel_loop3A_192, %parallel_loop3A_193] : memref<3x32x512xf32, #tpu.memory_space<vmem>> -> memref<1x32x512xf32, #tpu.memory_space<vmem>>
        %parallel_loop3A_195 = tpu.memref_squeeze %parallel_loop3A_194 : memref<1x32x512xf32, #tpu.memory_space<vmem>> -> memref<32x512xf32, #tpu.memory_space<vmem>>
        %parallel_loop3A_196 = tpu.vector_load_idx %parallel_loop3A_195[%parallel_loop3A_183, %parallel_loop3A_191] : memref<32x512xf32, #tpu.memory_space<vmem>>[vector<16xi32>, vector<16xi32>], vector<16xf32>,
        %parallel_loop3A_197 = arith.index_cast %rem3A_99 : i32 to index
        %parallel_loop3A_198 = arith.index_cast %parallel_loop3A_140 : i32 to index
        %parallel_loop3A_199 = arith.constant 32 : index
        %parallel_loop3A_200 = tpu.vector_load %arg6[%parallel_loop3A_197, %parallel_loop3A_198, %parallel_loop3A_199] {strides = array<i32>} : memref<3x128x128xf32, #tpu.memory_space<vmem>>, vector<16xf32>,
        tpu.vector_store %arg6[%parallel_loop3A_197, %parallel_loop3A_198, %parallel_loop3A_199], %parallel_loop3A_196 {strides = array<i32>} : memref<3x128x128xf32, #tpu.memory_space<vmem>>, vector<16xf32>,
        %parallel_loop3A_201 = arith.constant 16 : i32
        %parallel_loop3A_202 = vector.broadcast %parallel_loop3A_201 : i32 to vector<16xi32>
        %parallel_loop3A_203 = arith.addi %parallel_loop3A_202, %iota3A : vector<16xi32>
        %parallel_loop3A_204 = arith.constant 0 : i32
        %parallel_loop3A_205 = vector.broadcast %parallel_loop3A_204 : i32 to vector<16xi32>
        %parallel_loop3A_206 = arith.constant 4 : i32
        %parallel_loop3A_207 = arith.muli %parallel_loop3A_206, %parallel_loop3A_140 : i32
        %parallel_loop3A_208 = arith.constant 1 : i32
        %parallel_loop3A_209 = arith.addi %parallel_loop3A_207, %parallel_loop3A_208 : i32
        %parallel_loop3A_210 = vector.broadcast %parallel_loop3A_209 : i32 to vector<16xi32>
        %parallel_loop3A_211 = arith.addi %parallel_loop3A_205, %parallel_loop3A_210 : vector<16xi32>
        %parallel_loop3A_212 = arith.constant 0 : i32
        %parallel_loop3A_213 = arith.constant 0 : i32
        %parallel_loop3A_214 = tpu.memref_slice %arg5[%rem3A_99, %parallel_loop3A_212, %parallel_loop3A_213] : memref<3x32x512xf32, #tpu.memory_space<vmem>> -> memref<1x32x512xf32, #tpu.memory_space<vmem>>
        %parallel_loop3A_215 = tpu.memref_squeeze %parallel_loop3A_214 : memref<1x32x512xf32, #tpu.memory_space<vmem>> -> memref<32x512xf32, #tpu.memory_space<vmem>>
        %parallel_loop3A_216 = tpu.vector_load_idx %parallel_loop3A_215[%parallel_loop3A_203, %parallel_loop3A_211] : memref<32x512xf32, #tpu.memory_space<vmem>>[vector<16xi32>, vector<16xi32>], vector<16xf32>,
        %parallel_loop3A_217 = arith.index_cast %rem3A_99 : i32 to index
        %parallel_loop3A_218 = arith.index_cast %parallel_loop3A_140 : i32 to index
        %parallel_loop3A_219 = arith.constant 48 : index
        %parallel_loop3A_220 = tpu.vector_load %arg6[%parallel_loop3A_217, %parallel_loop3A_218, %parallel_loop3A_219] {strides = array<i32>} : memref<3x128x128xf32, #tpu.memory_space<vmem>>, vector<16xf32>,
        tpu.vector_store %arg6[%parallel_loop3A_217, %parallel_loop3A_218, %parallel_loop3A_219], %parallel_loop3A_216 {strides = array<i32>} : memref<3x128x128xf32, #tpu.memory_space<vmem>>, vector<16xf32>,
        %parallel_loop3A_221 = arith.constant 0 : i32
        %parallel_loop3A_222 = vector.broadcast %parallel_loop3A_221 : i32 to vector<16xi32>
        %parallel_loop3A_223 = arith.addi %parallel_loop3A_222, %iota3A : vector<16xi32>
        %parallel_loop3A_224 = arith.constant 0 : i32
        %parallel_loop3A_225 = vector.broadcast %parallel_loop3A_224 : i32 to vector<16xi32>
        %parallel_loop3A_226 = arith.constant 4 : i32
        %parallel_loop3A_227 = arith.muli %parallel_loop3A_226, %parallel_loop3A_140 : i32
        %parallel_loop3A_228 = arith.constant 2 : i32
        %parallel_loop3A_229 = arith.addi %parallel_loop3A_227, %parallel_loop3A_228 : i32
        %parallel_loop3A_230 = vector.broadcast %parallel_loop3A_229 : i32 to vector<16xi32>
        %parallel_loop3A_231 = arith.addi %parallel_loop3A_225, %parallel_loop3A_230 : vector<16xi32>
        %parallel_loop3A_232 = arith.constant 0 : i32
        %parallel_loop3A_233 = arith.constant 0 : i32
        %parallel_loop3A_234 = tpu.memref_slice %arg5[%rem3A_99, %parallel_loop3A_232, %parallel_loop3A_233] : memref<3x32x512xf32, #tpu.memory_space<vmem>> -> memref<1x32x512xf32, #tpu.memory_space<vmem>>
        %parallel_loop3A_235 = tpu.memref_squeeze %parallel_loop3A_234 : memref<1x32x512xf32, #tpu.memory_space<vmem>> -> memref<32x512xf32, #tpu.memory_space<vmem>>
        %parallel_loop3A_236 = tpu.vector_load_idx %parallel_loop3A_235[%parallel_loop3A_223, %parallel_loop3A_231] : memref<32x512xf32, #tpu.memory_space<vmem>>[vector<16xi32>, vector<16xi32>], vector<16xf32>,
        %parallel_loop3A_237 = arith.index_cast %rem3A_99 : i32 to index
        %parallel_loop3A_238 = arith.index_cast %parallel_loop3A_140 : i32 to index
        %parallel_loop3A_239 = arith.constant 64 : index
        %parallel_loop3A_240 = tpu.vector_load %arg6[%parallel_loop3A_237, %parallel_loop3A_238, %parallel_loop3A_239] {strides = array<i32>} : memref<3x128x128xf32, #tpu.memory_space<vmem>>, vector<16xf32>,
        tpu.vector_store %arg6[%parallel_loop3A_237, %parallel_loop3A_238, %parallel_loop3A_239], %parallel_loop3A_236 {strides = array<i32>} : memref<3x128x128xf32, #tpu.memory_space<vmem>>, vector<16xf32>,
        %parallel_loop3A_241 = arith.constant 16 : i32
        %parallel_loop3A_242 = vector.broadcast %parallel_loop3A_241 : i32 to vector<16xi32>
        %parallel_loop3A_243 = arith.addi %parallel_loop3A_242, %iota3A : vector<16xi32>
        %parallel_loop3A_244 = arith.constant 0 : i32
        %parallel_loop3A_245 = vector.broadcast %parallel_loop3A_244 : i32 to vector<16xi32>
        %parallel_loop3A_246 = arith.constant 4 : i32
        %parallel_loop3A_247 = arith.muli %parallel_loop3A_246, %parallel_loop3A_140 : i32
        %parallel_loop3A_248 = arith.constant 2 : i32
        %parallel_loop3A_249 = arith.addi %parallel_loop3A_247, %parallel_loop3A_248 : i32
        %parallel_loop3A_250 = vector.broadcast %parallel_loop3A_249 : i32 to vector<16xi32>
        %parallel_loop3A_251 = arith.addi %parallel_loop3A_245, %parallel_loop3A_250 : vector<16xi32>
        %parallel_loop3A_252 = arith.constant 0 : i32
        %parallel_loop3A_253 = arith.constant 0 : i32
        %parallel_loop3A_254 = tpu.memref_slice %arg5[%rem3A_99, %parallel_loop3A_252, %parallel_loop3A_253] : memref<3x32x512xf32, #tpu.memory_space<vmem>> -> memref<1x32x512xf32, #tpu.memory_space<vmem>>
        %parallel_loop3A_255 = tpu.memref_squeeze %parallel_loop3A_254 : memref<1x32x512xf32, #tpu.memory_space<vmem>> -> memref<32x512xf32, #tpu.memory_space<vmem>>
        %parallel_loop3A_256 = tpu.vector_load_idx %parallel_loop3A_255[%parallel_loop3A_243, %parallel_loop3A_251] : memref<32x512xf32, #tpu.memory_space<vmem>>[vector<16xi32>, vector<16xi32>], vector<16xf32>,
        %parallel_loop3A_257 = arith.index_cast %rem3A_99 : i32 to index
        %parallel_loop3A_258 = arith.index_cast %parallel_loop3A_140 : i32 to index
        %parallel_loop3A_259 = arith.constant 80 : index
        %parallel_loop3A_260 = tpu.vector_load %arg6[%parallel_loop3A_257, %parallel_loop3A_258, %parallel_loop3A_259] {strides = array<i32>} : memref<3x128x128xf32, #tpu.memory_space<vmem>>, vector<16xf32>,
        tpu.vector_store %arg6[%parallel_loop3A_257, %parallel_loop3A_258, %parallel_loop3A_259], %parallel_loop3A_256 {strides = array<i32>} : memref<3x128x128xf32, #tpu.memory_space<vmem>>, vector<16xf32>,
        %parallel_loop3A_261 = arith.constant 0 : i32
        %parallel_loop3A_262 = vector.broadcast %parallel_loop3A_261 : i32 to vector<16xi32>
        %parallel_loop3A_263 = arith.addi %parallel_loop3A_262, %iota3A : vector<16xi32>
        %parallel_loop3A_264 = arith.constant 0 : i32
        %parallel_loop3A_265 = vector.broadcast %parallel_loop3A_264 : i32 to vector<16xi32>
        %parallel_loop3A_266 = arith.constant 4 : i32
        %parallel_loop3A_267 = arith.muli %parallel_loop3A_266, %parallel_loop3A_140 : i32
        %parallel_loop3A_268 = arith.constant 3 : i32
        %parallel_loop3A_269 = arith.addi %parallel_loop3A_267, %parallel_loop3A_268 : i32
        %parallel_loop3A_270 = vector.broadcast %parallel_loop3A_269 : i32 to vector<16xi32>
        %parallel_loop3A_271 = arith.addi %parallel_loop3A_265, %parallel_loop3A_270 : vector<16xi32>
        %parallel_loop3A_272 = arith.constant 0 : i32
        %parallel_loop3A_273 = arith.constant 0 : i32
        %parallel_loop3A_274 = tpu.memref_slice %arg5[%rem3A_99, %parallel_loop3A_272, %parallel_loop3A_273] : memref<3x32x512xf32, #tpu.memory_space<vmem>> -> memref<1x32x512xf32, #tpu.memory_space<vmem>>
        %parallel_loop3A_275 = tpu.memref_squeeze %parallel_loop3A_274 : memref<1x32x512xf32, #tpu.memory_space<vmem>> -> memref<32x512xf32, #tpu.memory_space<vmem>>
        %parallel_loop3A_276 = tpu.vector_load_idx %parallel_loop3A_275[%parallel_loop3A_263, %parallel_loop3A_271] : memref<32x512xf32, #tpu.memory_space<vmem>>[vector<16xi32>, vector<16xi32>], vector<16xf32>,
        %parallel_loop3A_277 = arith.index_cast %rem3A_99 : i32 to index
        %parallel_loop3A_278 = arith.index_cast %parallel_loop3A_140 : i32 to index
        %parallel_loop3A_279 = arith.constant 96 : index
        %parallel_loop3A_280 = tpu.vector_load %arg6[%parallel_loop3A_277, %parallel_loop3A_278, %parallel_loop3A_279] {strides = array<i32>} : memref<3x128x128xf32, #tpu.memory_space<vmem>>, vector<16xf32>,
        tpu.vector_store %arg6[%parallel_loop3A_277, %parallel_loop3A_278, %parallel_loop3A_279], %parallel_loop3A_276 {strides = array<i32>} : memref<3x128x128xf32, #tpu.memory_space<vmem>>, vector<16xf32>,
        %parallel_loop3A_281 = arith.constant 16 : i32
        %parallel_loop3A_282 = vector.broadcast %parallel_loop3A_281 : i32 to vector<16xi32>
        %parallel_loop3A_283 = arith.addi %parallel_loop3A_282, %iota3A : vector<16xi32>
        %parallel_loop3A_284 = arith.constant 0 : i32
        %parallel_loop3A_285 = vector.broadcast %parallel_loop3A_284 : i32 to vector<16xi32>
        %parallel_loop3A_286 = arith.constant 4 : i32
        %parallel_loop3A_287 = arith.muli %parallel_loop3A_286, %parallel_loop3A_140 : i32
        %parallel_loop3A_288 = arith.constant 3 : i32
        %parallel_loop3A_289 = arith.addi %parallel_loop3A_287, %parallel_loop3A_288 : i32
        %parallel_loop3A_290 = vector.broadcast %parallel_loop3A_289 : i32 to vector<16xi32>
        %parallel_loop3A_291 = arith.addi %parallel_loop3A_285, %parallel_loop3A_290 : vector<16xi32>
        %parallel_loop3A_292 = arith.constant 0 : i32
        %parallel_loop3A_293 = arith.constant 0 : i32
        %parallel_loop3A_294 = tpu.memref_slice %arg5[%rem3A_99, %parallel_loop3A_292, %parallel_loop3A_293] : memref<3x32x512xf32, #tpu.memory_space<vmem>> -> memref<1x32x512xf32, #tpu.memory_space<vmem>>
        %parallel_loop3A_295 = tpu.memref_squeeze %parallel_loop3A_294 : memref<1x32x512xf32, #tpu.memory_space<vmem>> -> memref<32x512xf32, #tpu.memory_space<vmem>>
        %parallel_loop3A_296 = tpu.vector_load_idx %parallel_loop3A_295[%parallel_loop3A_283, %parallel_loop3A_291] : memref<32x512xf32, #tpu.memory_space<vmem>>[vector<16xi32>, vector<16xi32>], vector<16xf32>,
        %parallel_loop3A_297 = arith.index_cast %rem3A_99 : i32 to index
        %parallel_loop3A_298 = arith.index_cast %parallel_loop3A_140 : i32 to index
        %parallel_loop3A_299 = arith.constant 112 : index
        %parallel_loop3A_300 = tpu.vector_load %arg6[%parallel_loop3A_297, %parallel_loop3A_298, %parallel_loop3A_299] {strides = array<i32>} : memref<3x128x128xf32, #tpu.memory_space<vmem>>, vector<16xf32>,
        tpu.vector_store %arg6[%parallel_loop3A_297, %parallel_loop3A_298, %parallel_loop3A_299], %parallel_loop3A_296 {strides = array<i32>} : memref<3x128x128xf32, #tpu.memory_space<vmem>>, vector<16xf32>,
      } {sc.loop_unroll_factor = 2 : i64, sc.parallel_access}
      %mul3A_126 = arith.constant 128 : i32
      %mul3A_127 = arith.muli %add3A_97, %mul3A_126 : i32
      %dma_start3A_128 = arith.constant 0 : i32
      %dma_start3A_129 = arith.constant 0 : i32
      %dma_start3A_130 = tpu.memref_slice %arg6[%rem3A_99, %dma_start3A_128, %dma_start3A_129] : memref<3x128x128xf32, #tpu.memory_space<vmem>> -> memref<1x128x128xf32, #tpu.memory_space<vmem>>
      %dma_start3A_131 = tpu.memref_squeeze %dma_start3A_130 : memref<1x128x128xf32, #tpu.memory_space<vmem>> -> memref<128x128xf32, #tpu.memory_space<vmem>>
      %dma_start3A_132 = arith.constant 0 : i32
      %dma_start3A_133 = tpu.memref_slice %arg4[%mul3A_127, %dma_start3A_132] : memref<250000x128xf32, #tpu.memory_space<hbm>> -> memref<128x128xf32, #tpu.memory_space<hbm>>
      %dma_start3A_134 = arith.constant 0 : i32
      %dma_start3A_135 = tpu.memref_slice %arg4[%mul3A_127, %dma_start3A_134] : memref<250000x128xf32, #tpu.memory_space<hbm>> -> memref<128x128xf32, #tpu.memory_space<hbm>>
      %dma_start3A_136 = arith.constant 0 : i32
      %dma_start3A_137 = arith.constant 0 : i32
      %dma_start3A_138 = tpu.memref_slice %arg6[%rem3A_99, %dma_start3A_136, %dma_start3A_137] : memref<3x128x128xf32, #tpu.memory_space<vmem>> -> memref<1x128x128xf32, #tpu.memory_space<vmem>>
      %dma_start3A_139 = tpu.memref_squeeze %dma_start3A_138 : memref<1x128x128xf32, #tpu.memory_space<vmem>> -> memref<128x128xf32, #tpu.memory_space<vmem>>
      tpu.enqueue_dma source(%dma_start3A_139 : memref<128x128xf32, #tpu.memory_space<vmem>>) target(%dma_start3A_135 : memref<128x128xf32, #tpu.memory_space<hbm>>) target_semaphore(%arg8 : memref<!tpu.dma_semaphore, #tpu.memory_space<semaphore_mem>>)
    }
    %dma_wait3A = arith.constant 0 : i32
    %dma_wait3A_46 = arith.constant 0 : i32
    %dma_wait3A_47 = arith.constant 0 : i32
    %dma_wait3A_48 = tpu.memref_slice %arg6[%dma_wait3A, %dma_wait3A_46, %dma_wait3A_47] : memref<3x128x128xf32, #tpu.memory_space<vmem>> -> memref<1x128x128xf32, #tpu.memory_space<vmem>>
    %dma_wait3A_49 = tpu.memref_squeeze %dma_wait3A_48 : memref<1x128x128xf32, #tpu.memory_space<vmem>> -> memref<128x128xf32, #tpu.memory_space<vmem>>
    %dma_wait3A_50 = arith.constant 0 : i32
    %dma_wait3A_51 = arith.constant 0 : i32
    %dma_wait3A_52 = tpu.memref_slice %arg4[%dma_wait3A_50, %dma_wait3A_51] : memref<250000x128xf32, #tpu.memory_space<hbm>> -> memref<128x128xf32, #tpu.memory_space<hbm>>
    %dma_wait3A_53 = arith.constant 0 : i32
    %dma_wait3A_54 = arith.constant 0 : i32
    %dma_wait3A_55 = tpu.memref_slice %arg4[%dma_wait3A_53, %dma_wait3A_54] : memref<250000x128xf32, #tpu.memory_space<hbm>> -> memref<128x128xf32, #tpu.memory_space<hbm>>
    %dma_wait3A_56 = arith.constant 0 : i32
    %dma_wait3A_57 = arith.constant 0 : i32
    %dma_wait3A_58 = tpu.memref_slice %arg6[%dma_wait3A, %dma_wait3A_56, %dma_wait3A_57] : memref<3x128x128xf32, #tpu.memory_space<vmem>> -> memref<1x128x128xf32, #tpu.memory_space<vmem>>
    %dma_wait3A_59 = tpu.memref_squeeze %dma_wait3A_58 : memref<1x128x128xf32, #tpu.memory_space<vmem>> -> memref<128x128xf32, #tpu.memory_space<vmem>>
    tpu.wait_dma2 semaphore(%arg8 : memref<!tpu.dma_semaphore, #tpu.memory_space<semaphore_mem>>) src(%dma_wait3A_59 : memref<128x128xf32, #tpu.memory_space<vmem>>) dst(%dma_wait3A_55 : memref<128x128xf32, #tpu.memory_space<hbm>>)
    %dma_wait3A_60 = arith.constant 1 : i32
    %dma_wait3A_61 = arith.constant 0 : i32
    %dma_wait3A_62 = arith.constant 0 : i32
    %dma_wait3A_63 = tpu.memref_slice %arg6[%dma_wait3A_60, %dma_wait3A_61, %dma_wait3A_62] : memref<3x128x128xf32, #tpu.memory_space<vmem>> -> memref<1x128x128xf32, #tpu.memory_space<vmem>>
    %dma_wait3A_64 = tpu.memref_squeeze %dma_wait3A_63 : memref<1x128x128xf32, #tpu.memory_space<vmem>> -> memref<128x128xf32, #tpu.memory_space<vmem>>
    %dma_wait3A_65 = arith.constant 0 : i32
    %dma_wait3A_66 = arith.constant 0 : i32
    %dma_wait3A_67 = tpu.memref_slice %arg4[%dma_wait3A_65, %dma_wait3A_66] : memref<250000x128xf32, #tpu.memory_space<hbm>> -> memref<128x128xf32, #tpu.memory_space<hbm>>
    %dma_wait3A_68 = arith.constant 0 : i32
    %dma_wait3A_69 = arith.constant 0 : i32
    %dma_wait3A_70 = tpu.memref_slice %arg4[%dma_wait3A_68, %dma_wait3A_69] : memref<250000x128xf32, #tpu.memory_space<hbm>> -> memref<128x128xf32, #tpu.memory_space<hbm>>
    %dma_wait3A_71 = arith.constant 0 : i32
    %dma_wait3A_72 = arith.constant 0 : i32
    %dma_wait3A_73 = tpu.memref_slice %arg6[%dma_wait3A_60, %dma_wait3A_71, %dma_wait3A_72] : memref<3x128x128xf32, #tpu.memory_space<vmem>> -> memref<1x128x128xf32, #tpu.memory_space<vmem>>
    %dma_wait3A_74 = tpu.memref_squeeze %dma_wait3A_73 : memref<1x128x128xf32, #tpu.memory_space<vmem>> -> memref<128x128xf32, #tpu.memory_space<vmem>>
    tpu.wait_dma2 semaphore(%arg8 : memref<!tpu.dma_semaphore, #tpu.memory_space<semaphore_mem>>) src(%dma_wait3A_74 : memref<128x128xf32, #tpu.memory_space<vmem>>) dst(%dma_wait3A_70 : memref<128x128xf32, #tpu.memory_space<hbm>>)
    %dma_wait3A_75 = arith.constant 2 : i32
    %dma_wait3A_76 = arith.constant 0 : i32
    %dma_wait3A_77 = arith.constant 0 : i32
    %dma_wait3A_78 = tpu.memref_slice %arg6[%dma_wait3A_75, %dma_wait3A_76, %dma_wait3A_77] : memref<3x128x128xf32, #tpu.memory_space<vmem>> -> memref<1x128x128xf32, #tpu.memory_space<vmem>>
    %dma_wait3A_79 = tpu.memref_squeeze %dma_wait3A_78 : memref<1x128x128xf32, #tpu.memory_space<vmem>> -> memref<128x128xf32, #tpu.memory_space<vmem>>
    %dma_wait3A_80 = arith.constant 0 : i32
    %dma_wait3A_81 = arith.constant 0 : i32
    %dma_wait3A_82 = tpu.memref_slice %arg4[%dma_wait3A_80, %dma_wait3A_81] : memref<250000x128xf32, #tpu.memory_space<hbm>> -> memref<128x128xf32, #tpu.memory_space<hbm>>
    %dma_wait3A_83 = arith.constant 0 : i32
    %dma_wait3A_84 = arith.constant 0 : i32
    %dma_wait3A_85 = tpu.memref_slice %arg4[%dma_wait3A_83, %dma_wait3A_84] : memref<250000x128xf32, #tpu.memory_space<hbm>> -> memref<128x128xf32, #tpu.memory_space<hbm>>
    %dma_wait3A_86 = arith.constant 0 : i32
    %dma_wait3A_87 = arith.constant 0 : i32
    %dma_wait3A_88 = tpu.memref_slice %arg6[%dma_wait3A_75, %dma_wait3A_86, %dma_wait3A_87] : memref<3x128x128xf32, #tpu.memory_space<vmem>> -> memref<1x128x128xf32, #tpu.memory_space<vmem>>
    %dma_wait3A_89 = tpu.memref_squeeze %dma_wait3A_88 : memref<1x128x128xf32, #tpu.memory_space<vmem>> -> memref<128x128xf32, #tpu.memory_space<vmem>>
    tpu.wait_dma2 semaphore(%arg8 : memref<!tpu.dma_semaphore, #tpu.memory_space<semaphore_mem>>) src(%dma_wait3A_89 : memref<128x128xf32, #tpu.memory_space<vmem>>) dst(%dma_wait3A_85 : memref<128x128xf32, #tpu.memory_space<hbm>>)
    %eq3A = arith.constant 0 : i32
    %eq3A_90 = arith.cmpi eq, %add3A, %eq3A : i32
    %convert_element_type3A_91 = arith.extui %eq3A_90 : i1 to i32
    %cond3A_92 = arith.constant 0 : i32
    %cond3A_93 = arith.cmpi ne, %convert_element_type3A_91, %cond3A_92 : i32
    scf.if %cond3A_93 {
      %run_scoped3A = arith.constant 0 : i32
      "tpu.region"() ({
        %run_scoped3A_95 = tpu.sem_alloc : memref<!tpu.dma_semaphore, #tpu.memory_space<semaphore_mem>>
        %dma_start3A_96 = arith.constant 0 : i32
        %dma_start3A_97 = arith.constant 0 : i32
        %dma_start3A_98 = tpu.memref_slice %arg6[%run_scoped3A, %dma_start3A_96, %dma_start3A_97] : memref<3x128x128xf32, #tpu.memory_space<vmem>> -> memref<1x16x128xf32, #tpu.memory_space<vmem>>
        %dma_start3A_99 = tpu.memref_squeeze %dma_start3A_98 : memref<1x16x128xf32, #tpu.memory_space<vmem>> -> memref<16x128xf32, #tpu.memory_space<vmem>>
        %dma_start3A_100 = arith.constant 0 : i32
        %dma_start3A_101 = arith.constant 0 : i32
        %dma_start3A_102 = tpu.memref_slice %arg6[%run_scoped3A, %dma_start3A_100, %dma_start3A_101] : memref<3x128x128xf32, #tpu.memory_space<vmem>> -> memref<1x16x128xf32, #tpu.memory_space<vmem>>
        %dma_start3A_103 = tpu.memref_squeeze %dma_start3A_102 : memref<1x16x128xf32, #tpu.memory_space<vmem>> -> memref<16x128xf32, #tpu.memory_space<vmem>>
        tpu.enqueue_dma source(%arg3 : memref<16x128xf32, #tpu.memory_space<hbm>>) target(%dma_start3A_103 : memref<16x128xf32, #tpu.memory_space<vmem>>) target_semaphore(%run_scoped3A_95 : memref<!tpu.dma_semaphore, #tpu.memory_space<semaphore_mem>>)
        %dma_wait3A_104 = arith.constant 0 : i32
        %dma_wait3A_105 = arith.constant 0 : i32
        %dma_wait3A_106 = tpu.memref_slice %arg6[%run_scoped3A, %dma_wait3A_104, %dma_wait3A_105] : memref<3x128x128xf32, #tpu.memory_space<vmem>> -> memref<1x16x128xf32, #tpu.memory_space<vmem>>
        %dma_wait3A_107 = tpu.memref_squeeze %dma_wait3A_106 : memref<1x16x128xf32, #tpu.memory_space<vmem>> -> memref<16x128xf32, #tpu.memory_space<vmem>>
        %dma_wait3A_108 = arith.constant 0 : i32
        %dma_wait3A_109 = arith.constant 0 : i32
        %dma_wait3A_110 = tpu.memref_slice %arg6[%run_scoped3A, %dma_wait3A_108, %dma_wait3A_109] : memref<3x128x128xf32, #tpu.memory_space<vmem>> -> memref<1x16x128xf32, #tpu.memory_space<vmem>>
        %dma_wait3A_111 = tpu.memref_squeeze %dma_wait3A_110 : memref<1x16x128xf32, #tpu.memory_space<vmem>> -> memref<16x128xf32, #tpu.memory_space<vmem>>
        tpu.wait_dma2 semaphore(%run_scoped3A_95 : memref<!tpu.dma_semaphore, #tpu.memory_space<semaphore_mem>>) src(%arg3 : memref<16x128xf32, #tpu.memory_space<hbm>>) dst(%dma_wait3A_111 : memref<16x128xf32, #tpu.memory_space<vmem>>)
        tpu.yield
      }) : () -> ()
      %run_scoped3A_94 = arith.constant 0 : i32
      "tpu.region"() ({
        %run_scoped3A_95 = tpu.sem_alloc : memref<!tpu.dma_semaphore, #tpu.memory_space<semaphore_mem>>
        %dma_start3A_96 = arith.constant 0 : i32
        %dma_start3A_97 = arith.constant 0 : i32
        %dma_start3A_98 = tpu.memref_slice %arg6[%run_scoped3A_94, %dma_start3A_96, %dma_start3A_97] : memref<3x128x128xf32, #tpu.memory_space<vmem>> -> memref<1x16x128xf32, #tpu.memory_space<vmem>>
        %dma_start3A_99 = tpu.memref_squeeze %dma_start3A_98 : memref<1x16x128xf32, #tpu.memory_space<vmem>> -> memref<16x128xf32, #tpu.memory_space<vmem>>
        %dma_start3A_100 = arith.constant 249984 : i32
        %dma_start3A_101 = arith.constant 0 : i32
        %dma_start3A_102 = tpu.memref_slice %arg4[%dma_start3A_100, %dma_start3A_101] : memref<250000x128xf32, #tpu.memory_space<hbm>> -> memref<16x128xf32, #tpu.memory_space<hbm>>
        %dma_start3A_103 = arith.constant 249984 : i32
        %dma_start3A_104 = arith.constant 0 : i32
        %dma_start3A_105 = tpu.memref_slice %arg4[%dma_start3A_103, %dma_start3A_104] : memref<250000x128xf32, #tpu.memory_space<hbm>> -> memref<16x128xf32, #tpu.memory_space<hbm>>
        %dma_start3A_106 = arith.constant 0 : i32
        %dma_start3A_107 = arith.constant 0 : i32
        %dma_start3A_108 = tpu.memref_slice %arg6[%run_scoped3A_94, %dma_start3A_106, %dma_start3A_107] : memref<3x128x128xf32, #tpu.memory_space<vmem>> -> memref<1x16x128xf32, #tpu.memory_space<vmem>>
        %dma_start3A_109 = tpu.memref_squeeze %dma_start3A_108 : memref<1x16x128xf32, #tpu.memory_space<vmem>> -> memref<16x128xf32, #tpu.memory_space<vmem>>
        tpu.enqueue_dma source(%dma_start3A_109 : memref<16x128xf32, #tpu.memory_space<vmem>>) target(%dma_start3A_105 : memref<16x128xf32, #tpu.memory_space<hbm>>) target_semaphore(%run_scoped3A_95 : memref<!tpu.dma_semaphore, #tpu.memory_space<semaphore_mem>>)
        %dma_wait3A_110 = arith.constant 0 : i32
        %dma_wait3A_111 = arith.constant 0 : i32
        %dma_wait3A_112 = tpu.memref_slice %arg6[%run_scoped3A_94, %dma_wait3A_110, %dma_wait3A_111] : memref<3x128x128xf32, #tpu.memory_space<vmem>> -> memref<1x16x128xf32, #tpu.memory_space<vmem>>
        %dma_wait3A_113 = tpu.memref_squeeze %dma_wait3A_112 : memref<1x16x128xf32, #tpu.memory_space<vmem>> -> memref<16x128xf32, #tpu.memory_space<vmem>>
        %dma_wait3A_114 = arith.constant 249984 : i32
        %dma_wait3A_115 = arith.constant 0 : i32
        %dma_wait3A_116 = tpu.memref_slice %arg4[%dma_wait3A_114, %dma_wait3A_115] : memref<250000x128xf32, #tpu.memory_space<hbm>> -> memref<16x128xf32, #tpu.memory_space<hbm>>
        %dma_wait3A_117 = arith.constant 249984 : i32
        %dma_wait3A_118 = arith.constant 0 : i32
        %dma_wait3A_119 = tpu.memref_slice %arg4[%dma_wait3A_117, %dma_wait3A_118] : memref<250000x128xf32, #tpu.memory_space<hbm>> -> memref<16x128xf32, #tpu.memory_space<hbm>>
        %dma_wait3A_120 = arith.constant 0 : i32
        %dma_wait3A_121 = arith.constant 0 : i32
        %dma_wait3A_122 = tpu.memref_slice %arg6[%run_scoped3A_94, %dma_wait3A_120, %dma_wait3A_121] : memref<3x128x128xf32, #tpu.memory_space<vmem>> -> memref<1x16x128xf32, #tpu.memory_space<vmem>>
        %dma_wait3A_123 = tpu.memref_squeeze %dma_wait3A_122 : memref<1x16x128xf32, #tpu.memory_space<vmem>> -> memref<16x128xf32, #tpu.memory_space<vmem>>
        tpu.wait_dma2 semaphore(%run_scoped3A_95 : memref<!tpu.dma_semaphore, #tpu.memory_space<semaphore_mem>>) src(%dma_wait3A_123 : memref<16x128xf32, #tpu.memory_space<vmem>>) dst(%dma_wait3A_119 : memref<16x128xf32, #tpu.memory_space<hbm>>)
        tpu.yield
      }) : () -> ()
    } else {
    }
    return
  }
}

</mosaic_0001>

<sc_bundles>
// kernel: _impl.4.cloned.1.call-start
scs
__scs_entry_jumppad:
0x0: {  	(pc) =	sbr.rel $0x88, $3  }
0x1: {  	(tag) =	ssettag $0x0;
	lr =	simm.s32 $0x1  }
0x2: {  	[smem:$0x3F9F] =	sst lr;
	_ =	strace $0xD0000000  }
0x3: {  	_ = 	snop  }
0x4: {  	_ = 	snop  }
0x5: {  	_ = 	snop  }
0x6: {  	_ = 	snop  }
0x7: {  	_ = 	snop  }
__scs_overlays_trampoline_lowered:
0x8: {  	[smem:$0x3FAE] =	sst s0  }
0x9: {  	[smem:$0x3FAF] =	sst s1  }
0xa: {  	[smem:$0x3FB0] =	sst s2  }
0xb: {  	[smem:$0x3FB1] =	sst s3  }
0xc: {  	[smem:$0x3FB2] =	sst s4  }
0xd: {  	[smem:$0x3FB3] =	sst s5  }
0xe: {  	[smem:$0x3FB4] =	sst s6  }
0xf: {  	[smem:$0x3FB5] =	sst s7  }
0x10: {  	[smem:$0x3FB6] =	sst s8  }
0x11: {  	[smem:$0x3FB7] =	sst s9;
	s0 =	simm.s32 @!p0 $0x0  }
0x12: {  	s1 =	sld [smem:$0x3F9D];
	s0 =	simm.s32 @p0 $0x1  }
0x13: {  	[smem:$0x3FB8] =	sst s0;
	s0 =	simm.s32 @!p1 $0x0  }
0x14: {  	s2 =	sld [smem:$0x3F9C];
	s0 =	simm.s32 @p1 $0x1  }
0x15: {  	[smem:$0x3FB9] =	sst s0;
	s0 =	simm.s32 @!p2 $0x0  }
0x16: {  	s3 =	sld [smem:$0x3FDB];
	s0 =	simm.s32 @p2 $0x1  }
0x17: {  	s4 =	simm.s32 $0x1BF5;
	[smem:$0x3FBB] =	sst s0  }
0x18: {  	s0 =	sld [smem:$0x3F9E];
	_ =	swait.ge [sflag:s4], $0x0  }
0x19: {  	s7 =	sld [smem:$0x3F9F]  }
0x1a: {  	s8 =	sadd.s32 $0xFFFFE003, lr  }
0x1b: {  	s9 =	sadd.s32 $0xFFFFFEF7, lr;
	s5 =	simm.s32 $0xFFFFFFFF;
	p2 =	slt.u32 s8, $0xFFFFF086  }
0x1c: {  	p1 =	slt.u32 s9, $0xF7A;
	s5 =	simm.s32 @!p2 $0x0  }
0x1d: {  	s5 =	simm.s32 @p1 $0x1;
	p0 =	seq.s32 s7, s2  }
0x1e: {  	s7 =	smul.u32 @!p0 $0xF7A, s2;
	p2 =	seq.s32 @!p0 s5, $0x0  }
0x1f: {  	s9 =	smul.u32 $0xF7A, s1;
	s8 =	simm.s32 @!p0 $0x1BF5;
	p2 =	por !p2, p0  }
0x20: {  	[sflag:s8] =	ssyncset.s32 @!p0 $0xFFFFF086;
	s6 =	sadd.s32 @!p0 s3, s7;
	s7 =	simm.s32 @!p0 $0x108  }
0x21: {  	s3 =	sadd.s32 s3, s9;
	s6 =	sadd.s32 @!p0 $0x88, s6;
	s7 =	simm.s32 @p2 $0x1082  }
0x22: {  	[simem:s7], [sflag:s8] =	dma.local @!p0 [hbm:s6], $0xF7A  }
0x23: {  	s9 =	sor.u32 $0xD0000000, s2;
	s6 =	simm.s32 $0x108;
	_ =	swait.ge @!p0 [sflag:s8], $0x0  }
0x24: {  	s3 =	sadd.s32 $0x88, s3;
	s6 =	simm.s32 @!p1 $0x1082;
	[sflag:s4] =	ssyncset.s32 $0xFFFFF086  }
0x25: {  	[simem:s6], [sflag:s4] =	dma.local [hbm:s3], $0xF7A  }
0x26: {  	[smem:$0x3F9F] =	sst s1;
	(tag) =	ssettag s2;
	_ =	strace s9  }
0x27: {  	s1 =	sld [smem:$0x3FAF]  }
0x28: {  	s2 =	sld [smem:$0x3FB0]  }
0x29: {  	s4 =	sld [smem:$0x3FB2]  }
0x2a: {  	p0 =	seq.s32 s5, $0x0;
	s5 =	sld [smem:$0x3FB3]  }
0x2b: {  	s6 =	sld [smem:$0x3FB4]  }
0x2c: {  	s7 =	sld [smem:$0x3FB5]  }
0x2d: {  	s3 =	simm.s32 $0x108;
	s8 =	sld [smem:$0x3FB6]  }
0x2e: {  	s3 =	simm.s32 @!p0 $0x1082;
	s9 =	sld [smem:$0x3FB7]  }
0x2f: {  	lr =	sadd.s32 s0, s3;
	s0 =	sld [smem:$0x3FAE]  }
0x30: {  	s3 =	sld [smem:$0x3FB1]  }
0x31: {  	[smem:$0x3FBA] =	sst s10  }
0x32: {  	s10 =	sld [smem:$0x3FB8];
	_ =	sdelay $0x3  }
0x33: {  	p0 =	seq.s32 s10, $0x1;
	s10 =	sld [smem:$0x3FBA];
	_ =	sdelay $0x3  }
0x34: {  	[smem:$0x3FBA] =	sst s10  }
0x35: {  	s10 =	sld [smem:$0x3FB9];
	_ =	sdelay $0x3  }
0x36: {  	p1 =	seq.s32 s10, $0x1;
	s10 =	sld [smem:$0x3FBA];
	_ =	sdelay $0x3  }
0x37: {  	[smem:$0x3FBA] =	sst s10  }
0x38: {  	s10 =	sld [smem:$0x3FBB]  }
0x39: {  	_ = 	snop;
	(pc) =	sbr.ind lr, $3  }
0x3a: {  	_ = 	snop  }
0x3b: {  	_ = 	snop  }
0x3c: {  	p2 =	seq.s32 s10, $0x1;
	s10 =	sld [smem:$0x3FBA]  }
0x3d: {  	_ =	shalt  }
0x3e: {  	_ =	shalt  }
0x3f: {  	_ =	shalt  }
0x40: {  	_ =	shalt  }
0x41: {  	_ =	shalt  }
0x42: {  	_ =	shalt  }
0x43: {  	_ =	shalt  }
0x44: {  	_ =	shalt  }
0x45: {  	_ =	shalt  }
0x46: {  	_ =	shalt  }
0x47: {  	_ =	shalt  }
0x48: {  	_ =	shalt  }
0x49: {  	_ =	shalt  }
0x4a: {  	_ =	shalt  }
0x4b: {  	_ =	shalt  }
0x4c: {  	_ =	shalt  }
0x4d: {  	_ =	shalt  }
0x4e: {  	_ =	shalt  }
0x4f: {  	_ =	shalt  }
0x50: {  	_ =	shalt  }
0x51: {  	_ =	shalt  }
0x52: {  	_ =	shalt  }
0x53: {  	_ =	shalt  }
0x54: {  	_ =	shalt  }
0x55: {  	_ =	shalt  }
0x56: {  	_ =	shalt  }
0x57: {  	_ =	shalt  }
0x58: {  	_ =	shalt  }
0x59: {  	_ =	shalt  }
0x5a: {  	_ =	shalt  }
0x5b: {  	_ =	shalt  }
0x5c: {  	_ =	shalt  }
0x5d: {  	_ =	shalt  }
0x5e: {  	_ =	shalt  }
0x5f: {  	_ =	shalt  }
0x60: {  	_ =	shalt  }
0x61: {  	_ =	shalt  }
0x62: {  	_ =	shalt  }
0x63: {  	_ =	shalt  }
0x64: {  	_ =	shalt  }
0x65: {  	_ =	shalt  }
0x66: {  	_ =	shalt  }
0x67: {  	_ =	shalt  }
0x68: {  	_ =	shalt  }
0x69: {  	_ =	shalt  }
0x6a: {  	_ =	shalt  }
0x6b: {  	_ =	shalt  }
0x6c: {  	_ =	shalt  }
0x6d: {  	_ =	shalt  }
0x6e: {  	_ =	shalt  }
0x6f: {  	_ =	shalt  }
0x70: {  	_ =	shalt  }
0x71: {  	_ =	shalt  }
0x72: {  	_ =	shalt  }
0x73: {  	_ =	shalt  }
0x74: {  	_ =	shalt  }
0x75: {  	_ =	shalt  }
0x76: {  	_ =	shalt  }
0x77: {  	_ =	shalt  }
0x78: {  	_ =	shalt  }
0x79: {  	_ =	shalt  }
0x7a: {  	_ =	shalt  }
0x7b: {  	_ =	shalt  }
0x7c: {  	_ =	shalt  }
0x7d: {  	_ =	shalt  }
0x7e: {  	_ =	shalt  }
0x7f: {  	_ =	shalt  }
0x80: {  	_ =	shalt  }
0x81: {  	_ =	shalt  }
0x82: {  	_ =	shalt  }
0x83: {  	_ =	shalt  }
0x84: {  	_ =	shalt  }
0x85: {  	_ =	shalt  }
0x86: {  	_ =	shalt  }
0x87: {  	_ =	shalt  }
.Lfunc_end0:
.L_simem_size_0:
called_computation_lowered:
.L_overlay_start_0:
0x88: {  	s2 =	sld [smem:$0x3FD9]  }
0x89: {  	s3 =	sld [smem:$0x3FFE];
	_ =	sdelay $0x1  }
0x8a: {  	s1 =	srdreg.scid  }
0x8b: {  	s0 =	sand.u32 $0x1, s1  }
0x8c: {  	s17 =	sshll.u32 s0, $0xA;
	s2 =	sadd.s32 s3, s2  }
0x8d: {  	s2 =	sadd.s32 s2, s17  }
0x8e: {  	[smem:$0x3FC6] =	sst s2  }
0x8f: {  	_ = 	snop  }
0x90: {  	s2 =	sld [smem:$0x3FC8]  }
0x91: {  	s18 =	sld [smem:$0x3FD0];
	(tm) =	ssettm $0x1  }
0x92: {  	s4 =	sld [smem:$0x3FFB];
	_ =	sdelay $0x3  }
0x93: {  	_ =	strace s4  }
0x94: {  	s4 =	sld [smem:$0x3FFC];
	_ =	sdelay $0x3  }
0x95: {  	_ =	strace s4  }
0x96: {  	s4 =	sld [smem:$0x3FFD];
	_ =	sdelay $0x3  }
0x97: {  	_ =	strace s4  }
0x98: {  	_ =	strace $0x8FFFFFFF  }
0x99: {  	s19 =	sld [smem:$0x3FDB];
	_ =	sdelay $0x1  }
0x9a: {  	s5 =	simm.s32 $_scs_section_size  }
0x9b: {  	s6 =	simm.s32 $_size__tile_overlayer_lowered;
	s7 =	simm.s32 $_tile_overlayer_lowered  }
0x9c: {  	s22 =	simm.s32 $0x1BFF;
	s21 =	sshll.u32 s7, $0x1;
	s4 =	sadd.s32 s5, s19  }
0x9d: {  	s8 =	simm.s32 $0x0;
	s20 =	sshll.u32 s6, $0x1;
	s6 =	sadd.s32 s21, s4  }
0x9e: {  	[timem:s8], [sflag:s22] =	dma.local [hbm:s6], s20  }
0x9f: {  	_ =	swait.ge [sflag:s22], s20  }
0xa0: {  	s5 =	ssub.s32 $0x0, s20;
	[sflag:s22] =	ssyncset.done $0x0  }
0xa1: {  	[sflag:s22] =	ssyncadd.s32 s5;
	_ =	sdelay $0x1  }
0xa2: {  	s23 =	simm.s32 $0x1B8B  }
0xa3: {  	_ =	swait.ge [sflag:s23], $0x1  }
0xa4: {  	[sflag:s23] =	ssyncset.done $0x0  }
0xa5: {  	s25 =	simm.s32 $0x1B8E;
	s24 =	sld [smem:$0x3FFE];
	[sflag:s23] =	ssyncadd.s32 $0xFFFFFFFF  }
0xa6: {  	s26 =	simm.s32 $execute0_lowered;
	[smem:$0x3FD2] =	sst s25  }
0xa7: {  	s6 =	sshll.u32 s26, $0x1;
	_ =	strace $0x80000046;
	[dreg:$0x1] =	wrdreg $0xFFFFFFFF  }
0xa8: {  	s28 =	simm.s32 $_size_execute0_lowered;
	s4 =	sadd.s32 s4, s6;
	[dreg:$0x0] =	wrdreg $0x0  }
0xa9: {  	s6 =	sshll.u32 s28, $0x1;
	[dreg:$0x2] =	wrdreg s4  }
0xaa: {  	[dreg:$0x3] =	wrdreg s6  }
0xab: {  	[dreg:$0x4] =	wrdreg $0xC0  }
0xac: {  	_ =	task [dreg:s8], $0x5FFFF  }
0xad: {  	[dreg:$0x1] =	wrdreg $0xFFFFFFFF  }
0xae: {  	[dreg:$0x0] =	wrdreg $0x60  }
0xaf: {  	[dreg:$0x2] =	wrdreg s2  }
0xb0: {  	[dreg:$0x3] =	wrdreg s18  }
0xb1: {  	[dreg:$0x4] =	wrdreg s24  }
0xb2: {  	[dreg:$0x5] =	wrdreg $0x9  }
0xb3: {  	_ =	task.clear_ibuf [dreg:s8], $0x6FFFF;
	_ =	strace $0x90000046  }
0xb4: {  	s29 =	simm.s32 $0x9;
	_ =	strace $0x80000048  }
0xb5: {  	_ =	swait.ge [sflag:s29], $0x1  }
0xb6: {  	[sflag:s29] =	ssyncadd.s32 $0xFFFFFFFF  }
0xb7: {  	_ =	strace $0x90000048  }
0xb8: {  	_ =	sfence  }
0xb9: {  	s30 =	sld [smem:$0x0];
	_ =	sdelay $0x2  }
0xba: {  	s31 =	sshll.u32 s1, $0xD;
	s1 =	sshrl.u32 s1, $0x2  }
0xbb: {  	s3 =	sand.u32 $0x4000, s31;
	s1 =	sadd.s32 s1, s30  }
0xbc: {  	s0 =	sor.u32 s3, s0;
	s1 =	sshll.u32 s1, $0x11  }
0xbd: {  	s0 =	sor.u32 s1, s0  }
0xbe: {  	s0 =	sadd.s32 $0x8F2B, s0  }
0xbf: {  	[sflag:s0] =	ssyncadd.remote.s32 $0x1  }
0xc0: {  	_ =	sfence.sel $0xFFFF  }
0xc1: {  	[dreg:$0x0] =	wrdreg $0xFFFFFFFF;
	(pc) =	sbr.abs _section_cstart, $3  }
0xc2: {  	[dreg:$0x1] =	wrdreg $0xFFFFFFFF  }
0xc3: {  	_ =	task.clear_ibuf [dreg:s8], $0x2FFFF;
	_ =	strace $0x9FFFFFFF  }
0xc4: {  	(tm) =	ssettm $0x7FFFFFFF  }
0xc5: {  	_ =	shalt  }
tec
execute0_lowered:
.L_overlay_start_1:
0x0: {  	(tag) =	ssettag $0x1  }
0x1: {  	v0 =	vimm.s32 $0x1380;
	vm0 =	vcmask $0x300;
	v1 =	vimm.s32 $0x3380  }
0x2: {  	vm1 =	vcmask $0x704;
	v0 =	vsel vm0, $0x0, v0;
	v1 =	vsel vm0, $0x2000, v1  }
0x3: {  	vm15 =	vcmask $0xB08;
	v0 =	vsel vm1, $0x80, v0;
	v1 =	vsel vm1, $0x2080, v1  }
0x4: {  	vm4 =	vcmask $0xF0C;
	v0 =	vsel vm15, $0x100, v0;
	v1 =	vsel vm15, $0x2100, v1  }
0x5: {  	vm5 =	vcmask $0x1310;
	v0 =	vsel vm4, $0x180, v0;
	v1 =	vsel vm4, $0x2180, v1  }
0x6: {  	vm6 =	vcmask $0x1714;
	v0 =	vsel vm5, $0x200, v0;
	v1 =	vsel vm5, $0x2200, v1  }
0x7: {  	s0 =	rddreg [dreg:$0x0];
	vm7 =	vcmask $0x1B18;
	v0 =	vsel vm6, $0x280, v0;
	v1 =	vsel vm6, $0x2280, v1  }
0x8: {  	s2 =	rddreg [dreg:$0x2];
	s4 =	simm.s32 $0x0;
	vm8 =	vcmask $0x1F1C;
	v0 =	vsel vm7, $0x300, v0;
	v1 =	vsel vm7, $0x2300, v1  }
0x9: {  	s3 =	srdreg.scid;
	s1 =	stileid.u32;
	vm9 =	vcmask $0x2320;
	s14 =	simm.s32 $0x7A1400;
	v0 =	vsel vm8, $0x380, v0;
	v1 =	vsel vm8, $0x2380, v1  }
0xa: {  	vm10 =	vcmask $0x2724;
	s16 =	simm.s32 $0x1;
	s17 =	simm.s32 $0x2;
	s18 =	simm.s32 $0x0;
	v0 =	vsel vm9, $0x1000, v0;
	v1 =	vsel vm9, $0x3000, v1  }
0xb: {  	vm11 =	vcmask $0x2B28;
	[smem:$0x7FF] =	sst s4;
	s3 =	sand.u32 $0x1, s3;
	s6 =	sshll.u32 s1, $0x1;
	v0 =	vsel vm10, $0x1080, v0;
	v1 =	vsel vm10, $0x3080, v1  }
0xc: {  	vm12 =	vcmask $0x2F2C;
	s5 =	sadd.s32 $0xA00, s2;
	s11 =	sadd.s32 $0x3D1200, s2;
	s6 =	sor.u32 s3, s6;
	v0 =	vsel vm11, $0x1100, v0;
	v1 =	vsel vm11, $0x3100, v1  }
0xd: {  	vm13 =	vcmask $0x3330;
	_ =	strace $0x80000047;
	s3 =	ssub.s32 $0x2, s3;
	s7 =	ssub.s32 $0x7A0, s6;
	v0 =	vsel vm12, $0x1180, v0;
	v1 =	vsel vm12, $0x3180, v1  }
0xe: {  	vm14 =	vcmask $0x3734;
	s8 =	sshll.u32 s6, $0x9;
	s9 =	sshrl.u32 s3, $0x1;
	p0 =	sne.s32 s6, $0x0;
	v0 =	vsel vm13, $0x1200, v0;
	v1 =	vsel vm13, $0x3200, v1  }
0xf: {  	vm15 =	vcmask $0x3B38;
	s7 =	sshrl.u32 s7, $0x5;
	s8 =	sadd.s32 s0, s8;
	s3 =	ssub.s32 s3, s9;
	v0 =	vsel vm14, $0x1280, v0;
	v1 =	vsel vm14, $0x3280, v1  }
0x10: {  	s9 =	sadd.s32 $0x4000, s8;
	s10 =	sadd.s32 $0xFFFFFFFF, s7;
	s12 =	smax.u32 s3, $0x1;
	v0 =	vsel vm15, $0x1300, v0;
	v1 =	vsel vm15, $0x3300, v1  }
.LBB2_1:
0x11: {  	s1 =	simm.s32 $0x1000  }
0x12: {  	[tilespmem:s4], [sflag:$0x1] =	stream.strided.gather [hbm4b:s8+s1], $0x4000, s14, s1, $0x38;
	[tilespmem:$0x18000] =	vst v63  }
0x13: {  	s2 =	simm.s32 $0x4000;
	s19 =	simm.s32 $0xC0F0;
	s20 =	simm.s32 $0x0  }
0x14: {  	[tilespmem:s2], [sflag:$0x1] =	stream.strided.gather [hbm4b:s9+s1], $0x4000, s14, s1, $0x38;
	[tilespmem:$0x18000] =	vst v63  }
.LBB2_2:
0x15: {  	p1 =	sge.u32 s20, s10  }
0x16: {  	s3 =	sadd.s32 @!p1 $0x2, s20  }
0x17: {  	s21 =	smulhi.u32 @!p1 $0xAAAAAAAB, s3  }
0x18: {  	s2 =	smulhi.u32 $0xAAAAAAAB, s20;
	s22 =	sshll.u32 s20, $0x5;
	_ =	swait.ge [sflag:s16], $0x4000  }
0x19: {  	s15 =	simm.s32 $0x4;
	s25 =	simm.s32 $0x0;
	s23 =	sshrl.u32 @!p1 s21, $0x1  }
0x1a: {  	[sflag:s16] =	ssyncset.done $0x0;
	s21 =	sor.u32 s6, s22;
	s22 =	smul.u32 @!p1 $0x3, s23  }
0x1b: {  	s26 =	simm.s32 @!p1 $0x7A1400;
	v3 =	vmov s25;
	s25 =	simm.s32 $0x2;
	s24 =	sshll.u32 @!p1 s21, $0xC  }
0x1c: {  	v2 =	vmov s15;
	s2 =	sshrl.u32 s2, $0x1;
	s3 =	ssub.s32 @!p1 s3, s22;
	s22 =	sadd.s32 @!p1 $0x40000, s24  }
0x1d: {  	[sflag:s16] =	ssyncadd.s32 $0xFFFFC000;
	v4 =	vshll.u32 v2, $0x3;
	v5 =	vshll.u32 v3, $0x3;
	v9 =	vmov s25;
	s25 =	simm.s32 $0x6;
	s22 =	sshrl.u32 @!p1 s22, $0x3  }
0x1e: {  	v2 =	vand.u32 $0x7C, v2;
	v3 =	vand.u32 $0x78, v3;
	v4 =	vand.u32 $0xC00, v4;
	s24 =	simm.s32 @!p1 $0x1000;
	s3 =	sshll.u32 @!p1 s3, $0xE;
	s22 =	sadd.s32 @!p1 s0, s22  }
0x1f: {  	v5 =	vand.u32 $0xC00, v5;
	v20 =	vmov s25;
	v4 =	vor.u32 v2, v4;
	[tilespmem:s3], [sflag:$0x1] =	stream.strided.gather @!p1 [hbm4b:s22+s24], $0x4000, s26, s24, $0x38;
	[tilespmem:$0x18000] =	vst v63  }
0x20: {  	s13 =	smul.u32 $0xFFFD0000, s2;
	v3 =	vor.u32 v3, v5;
	v21 =	vshll.u32 v20, $0x3;
	v5 =	vor.u32 v0, v4;
	s22 =	simm.s32 $0x1;
	p1 =	slt.u32 s20, $0x3  }
0x21: {  	s2 =	smul.u32 $0x3, s2;
	v20 =	vand.u32 $0x7E, v20;
	v7 =	vor.u32 v0, v3;
	v6 =	vmov s22;
	s3 =	simm.s32 @!p1 $0x2  }
0x22: {  	v3 =	vor.u32 v1, v3;
	v4 =	vor.u32 v1, v4;
	v8 =	vshll.u32 v6, $0x3;
	_ =	swait.ge @!p1 [sflag:s3], $0x4000  }
0x23: {  	s2 =	ssub.s32 s20, s2;
	v21 =	vand.u32 $0x7FFFFC00, v21;
	s24 =	sshra.s32 s13, $0x2;
	v6 =	vand.u32 $0x79, v6;
	v8 =	vand.u32 $0xC00, v8;
	[sflag:s3] =	ssyncset.done @!p1 $0x0  }
0x24: {  	v2 =	vmov s24;
	s22 =	sshll.u32 s2, $0xE;
	v6 =	vor.u32 v6, v8;
	v8 =	vshll.u32 v9, $0x3;
	[sflag:s3] =	ssyncadd.s32 @!p1 $0xFFFFC000  }
0x25: {  	s26 =	simm.s32 $0x3;
	v9 =	vand.u32 $0x7A, v9;
	v12 =	vor.u32 v0, v6;
	v8 =	vand.u32 $0xC00, v8;
	v10 =	vld.idx.msk [tilespmem:v5+s22+$0x0], $0xffff  }
0x26: {  	s1 =	simm.s32 $0x5;
	v13 =	vor.u32 v1, v6;
	v5 =	vor.u32 v9, v8;
	v8 =	vmov s26  }
0x27: {  	v9 =	vmov s1;
	v6 =	vor.u32 v0, v5;
	v5 =	vor.u32 v1, v5  }
0x28: {  	v11 =	vshll.u32 v8, $0x3;
	v14 =	vshll.u32 v9, $0x3;
	v9 =	vand.u32 $0x7D, v9  }
0x29: {  	s13 =	simm.s32 $0x8;
	v8 =	vand.u32 $0x7B, v8;
	v11 =	vand.u32 $0xC00, v11;
	v14 =	vand.u32 $0x7FFFFC00, v14  }
0x2a: {  	s15 =	simm.s32 $0xC;
	v7 =	vld.idx.msk [tilespmem:v7+s22+$0x0], $0xffff;
	v9 =	vor.u32 v9, v14;
	v14 =	vmov s13;
	v8 =	vor.u32 v8, v11;
	[tilespmem:v2+s19+$0xFFFFFF90 ss:$0x1] =	vst.idx.msk $0xffff, v10  }
0x2b: {  	v10 =	vmov s15;
	v11 =	vshll.u32 v14, $0x3;
	v15 =	vadd.s32 v0, v9;
	v4 =	vld.idx.msk [tilespmem:v4+s22+$0x0], $0xffff  }
0x2c: {  	v14 =	vand.u32 $0x78, v14;
	v9 =	vadd.s32 v1, v9;
	v16 =	vshll.u32 v10, $0x3  }
0x2d: {  	s23 =	simm.s32 $0x9;
	v11 =	vand.u32 $0xC00, v11;
	v17 =	vand.u32 $0x7C, v10;
	v16 =	vand.u32 $0xC00, v16  }
0x2e: {  	v11 =	vor.u32 v14, v11;
	v14 =	vmov s23;
	v16 =	vor.u32 v17, v16  }
0x2f: {  	[tilespmem:v2+s19+$0xFFFFFF10 ss:$0x1] =	vst.idx.msk $0xffff, v7;
	v18 =	vor.u32 v0, v11;
	v19 =	vor.u32 v1, v11;
	v11 =	vshll.u32 v14, $0x3  }
0x30: {  	s24 =	simm.s32 $0xA;
	v3 =	vld.idx.msk [tilespmem:v3+s22+$0x0], $0xffff;
	v17 =	vor.u32 v0, v16;
	v11 =	vand.u32 $0xC00, v11;
	[tilespmem:v2+s19+$0xFFFFFFA0 ss:$0x1] =	vst.idx.msk $0xffff, v4;
	v4 =	vand.u32 $0x79, v14  }
0x31: {  	v10 =	vor.u32 v0, v8;
	v14 =	vmov s24;
	v4 =	vor.u32 v4, v11  }
0x32: {  	s1 =	simm.s32 $0xD;
	v15 =	vld.idx.msk [tilespmem:v15+s22+$0x0], $0xffff;
	v11 =	vshll.u32 v14, $0x3;
	v7 =	vor.u32 v0, v4;
	v22 =	vor.u32 v1, v4  }
0x33: {  	v4 =	vand.u32 $0x7A, v14;
	v14 =	vor.u32 v20, v21;
	v21 =	vmov s1  }
0x34: {  	s26 =	simm.s32 $0xB;
	v16 =	vor.u32 v1, v16;
	v11 =	vand.u32 $0xC00, v11;
	v18 =	vld.idx.msk [tilespmem:v18+s22+$0x0], $0xffff;
	v23 =	vshll.u32 v21, $0x3  }
0x35: {  	[tilespmem:v2+s19+$0xFFFFFF20 ss:$0x1] =	vst.idx.msk $0xffff, v3;
	v20 =	vmov s26;
	v17 =	vld.idx.msk [tilespmem:v17+s22+$0x0], $0xffff;
	v21 =	vand.u32 $0x7D, v21;
	v23 =	vand.u32 $0x7FFFFC00, v23  }
0x36: {  	v4 =	vor.u32 v4, v11;
	v24 =	vshll.u32 v20, $0x3;
	v21 =	vor.u32 v21, v23;
	v23 =	vld.idx.msk [tilespmem:v12+s22+$0x0], $0xffff  }
0x37: {  	v20 =	vand.u32 $0x7B, v20;
	v11 =	vor.u32 v0, v4;
	v3 =	vand.u32 $0xC00, v24;
	[tilespmem:v2+s19+$0xFFFFFFB0 ss:$0x1] =	vst.idx.msk $0xffff, v15  }
0x38: {  	s13 =	simm.s32 $0x10;
	s23 =	sadd.s32 $0x100, s19;
	v12 =	vor.u32 v1, v4;
	v20 =	vor.u32 v20, v3;
	v3 =	vor.u32 v1, v8;
	v9 =	vld.idx.msk [tilespmem:v9+s22+$0x0], $0xffff  }
0x39: {  	v8 =	vmov s13;
	v15 =	vadd.s32 v0, v14;
	v24 =	vadd.s32 v0, v21;
	[tilespmem:v2+s23+$0xFFFFFF10 ss:$0x1] =	vst.idx.msk $0xffff, v18  }
0x3a: {  	s15 =	simm.s32 $0x14;
	v4 =	vor.u32 v0, v20;
	v18 =	vshll.u32 v8, $0x3;
	[tilespmem:v2+s23+$0xFFFFFF90 ss:$0x1] =	vst.idx.msk $0xffff, v17;
	v19 =	vld.idx.msk [tilespmem:v19+s22+$0x0], $0xffff  }
0x3b: {  	s25 =	simm.s32 $0x7;
	v8 =	vand.u32 $0x78, v8;
	v17 =	vmov s15;
	v18 =	vand.u32 $0xC00, v18;
	v16 =	vld.idx.msk [tilespmem:v16+s22+$0x0], $0xffff;
	[tilespmem:v2+s19+$0xFFFFFF30 ss:$0x1] =	vst.idx.msk $0xffff, v23  }
0x3c: {  	v25 =	vshll.u32 v17, $0x3;
	v8 =	vor.u32 v8, v18;
	v23 =	vmov s25;
	v13 =	vld.idx.msk [tilespmem:v13+s22+$0x0], $0xffff  }
0x3d: {  	[tilespmem:v2+s19+$0xFFFFFFC0 ss:$0x1] =	vst.idx.msk $0xffff, v9;
	v9 =	vadd.s32 v1, v14;
	v14 =	vand.u32 $0x7C, v17;
	v17 =	vand.u32 $0xC00, v25  }
0x3e: {  	s24 =	simm.s32 $0x11;
	v26 =	vor.u32 v1, v8;
	v25 =	vor.u32 v0, v8;
	v15 =	vld.idx.msk [tilespmem:v15+s22+$0x0], $0xffff;
	v14 =	vor.u32 v14, v17  }
0x3f: {  	v8 =	vshll.u32 v23, $0x3;
	v17 =	vmov s24;
	[tilespmem:v2+s23+$0xFFFFFF20 ss:$0x1] =	vst.idx.msk $0xffff, v19;
	v18 =	vor.u32 v0, v14  }
0x40: {  	s1 =	simm.s32 $0xE;
	v8 =	vand.u32 $0x7FFFFC00, v8;
	[tilespmem:v2+s23+$0xFFFFFFA0 ss:$0x1] =	vst.idx.msk $0xffff, v16;
	v16 =	vadd.s32 v1, v21;
	v21 =	vand.u32 $0x7F, v23;
	v7 =	vld.idx.msk [tilespmem:v7+s22+$0x0], $0xffff  }
0x41: {  	v19 =	vand.u32 $0x79, v17;
	v17 =	vshll.u32 v17, $0x3;
	[tilespmem:v2+s19+$0xFFFFFF40 ss:$0x1] =	vst.idx.msk $0xffff, v13;
	v13 =	vmov s1  }
0x42: {  	s26 =	simm.s32 $0x12;
	v14 =	vor.u32 v1, v14;
	v23 =	vld.idx.msk [tilespmem:v24+s22+$0x0], $0xffff;
	v27 =	vshll.u32 v13, $0x3;
	v13 =	vand.u32 $0x7E, v13  }
0x43: {  	v6 =	vld.idx.msk [tilespmem:v6+s22+$0x0], $0xffff;
	[tilespmem:v2+s19+$0xFFFFFFD0 ss:$0x1] =	vst.idx.msk $0xffff, v15;
	v15 =	vor.u32 v21, v8;
	v8 =	vand.u32 $0xC00, v17;
	v17 =	vmov s26  }
0x44: {  	v27 =	vand.u32 $0x7FFFFC00, v27;
	v9 =	vld.idx.msk [tilespmem:v9+s22+$0x0], $0xffff;
	v21 =	vadd.s32 v0, v15;
	v8 =	vor.u32 v19, v8  }
0x45: {  	v19 =	vshll.u32 v17, $0x3;
	v18 =	vld.idx.msk [tilespmem:v18+s22+$0x0], $0xffff;
	v13 =	vor.u32 v13, v27;
	[tilespmem:v2+s23+$0xFFFFFF30 ss:$0x1] =	vst.idx.msk $0xffff, v7  }
0x46: {  	v24 =	vor.u32 v0, v8;
	v28 =	vor.u32 v1, v8;
	v8 =	vand.u32 $0x7A, v17;
	v17 =	vld.idx.msk [tilespmem:v25+s22+$0x0], $0xffff  }
0x47: {  	s3 =	simm.s32 $0x13;
	s13 =	simm.s32 $0x15;
	v15 =	vadd.s32 v1, v15;
	v19 =	vand.u32 $0xC00, v19;
	[tilespmem:v2+s23+$0xFFFFFFB0 ss:$0x1] =	vst.idx.msk $0xffff, v23;
	v22 =	vld.idx.msk [tilespmem:v22+s22+$0x0], $0xffff  }
0x48: {  	v23 =	vmov s3;
	v25 =	vmov s13;
	v19 =	vor.u32 v8, v19;
	v16 =	vld.idx.msk [tilespmem:v16+s22+$0x0], $0xffff;
	[tilespmem:v2+s19+$0xFFFFFF50 ss:$0x1] =	vst.idx.msk $0xffff, v6  }
0x49: {  	s24 =	sadd.s32 $0x100, s23;
	v27 =	vshll.u32 v25, $0x3;
	v8 =	vor.u32 v0, v19;
	v7 =	vor.u32 v1, v19;
	[tilespmem:v2+s19+$0xFFFFFFE0 ss:$0x1] =	vst.idx.msk $0xffff, v9  }
0x4a: {  	v19 =	vshll.u32 v23, $0x3;
	v6 =	vand.u32 $0x7D, v25;
	v9 =	vadd.s32 v0, v13;
	[tilespmem:v2+s24+$0xFFFFFF90 ss:$0x1] =	vst.idx.msk $0xffff, v18;
	v18 =	vld.idx.msk [tilespmem:v5+s22+$0x0], $0xffff  }
0x4b: {  	v25 =	vand.u32 $0x7FFFFC00, v27;
	v5 =	vand.u32 $0xC00, v19;
	v19 =	vand.u32 $0x7B, v23;
	v21 =	vld.idx.msk [tilespmem:v21+s22+$0x0], $0xffff  }
0x4c: {  	s25 =	simm.s32 $0x1C;
	v23 =	vor.u32 v6, v25;
	v13 =	vadd.s32 v1, v13;
	v14 =	vld.idx.msk [tilespmem:v14+s22+$0x0], $0xffff;
	[tilespmem:v2+s23+$0xFFFFFF40 ss:$0x1] =	vst.idx.msk $0xffff, v22  }
0x4d: {  	[tilespmem:v2+s24+$0xFFFFFF10 ss:$0x1] =	vst.idx.msk $0xffff, v17;
	v6 =	vor.u32 v19, v5;
	v17 =	vadd.s32 v0, v23;
	v19 =	vmov s25;
	v11 =	vld.idx.msk [tilespmem:v11+s22+$0x0], $0xffff  }
0x4e: {  	s15 =	simm.s32 $0x18;
	v5 =	vor.u32 v1, v20;
	[tilespmem:v2+s23+$0xFFFFFFC0 ss:$0x1] =	vst.idx.msk $0xffff, v16;
	v25 =	vshll.u32 v19, $0x3;
	v26 =	vld.idx.msk [tilespmem:v26+s22+$0x0], $0xffff  }
0x4f: {  	v16 =	vmov s15;
	v19 =	vand.u32 $0x7C, v19;
	v22 =	vand.u32 $0xC00, v25;
	v20 =	vld.idx.msk [tilespmem:v9+s22+$0x0], $0xffff;
	[tilespmem:v2+s19+$0xFFFFFF60 ss:$0x1] =	vst.idx.msk $0xffff, v18  }
0x50: {  	s26 =	simm.s32 $0x19;
	v19 =	vor.u32 v19, v22;
	v9 =	vor.u32 v0, v6;
	[tilespmem:v2+s19+$0xFFFFFFF0 ss:$0x1] =	vst.idx.msk $0xffff, v21;
	v21 =	vshll.u32 v16, $0x3  }
0x51: {  	s15 =	simm.s32 $0x16;
	v18 =	vmov s26;
	v16 =	vand.u32 $0x78, v16;
	[tilespmem:v2+s24+$0xFFFFFFA0 ss:$0x1] =	vst.idx.msk $0xffff, v14;
	v21 =	vand.u32 $0xC00, v21  }
0x52: {  	s1 =	simm.s32 $0xF;
	v29 =	vor.u32 v1, v19;
	v17 =	vld.idx.msk [tilespmem:v17+s22+$0x0], $0xffff;
	[tilespmem:v2+s23+$0xFFFFFF50 ss:$0x1] =	vst.idx.msk $0xffff, v11;
	v11 =	vmov s15;
	v14 =	vor.u32 v16, v21  }
0x53: {  	v15 =	vld.idx.msk [tilespmem:v15+s22+$0x0], $0xffff;
	[tilespmem:v2+s24+$0xFFFFFF20 ss:$0x1] =	vst.idx.msk $0xffff, v26;
	v16 =	vmov s1;
	v21 =	vor.u32 v0, v19;
	v22 =	vor.u32 v0, v14  }
0x54: {  	v24 =	vld.idx.msk [tilespmem:v24+s22+$0x0], $0xffff;
	v25 =	vshll.u32 v16, $0x3;
	v16 =	vand.u32 $0x7F, v16;
	[tilespmem:v2+s23+$0xFFFFFFD0 ss:$0x1] =	vst.idx.msk $0xffff, v20;
	v20 =	vadd.s32 v1, v23  }
0x55: {  	v23 =	vand.u32 $0x7FFFFC00, v25;
	v25 =	vld.idx.msk [tilespmem:v13+s22+$0x0], $0xffff;
	v13 =	vand.u32 $0x79, v18;
	v18 =	vshll.u32 v18, $0x3  }
0x56: {  	s13 =	simm.s32 $0x1A;
	v27 =	vor.u32 v1, v14;
	v23 =	vor.u32 v16, v23;
	v16 =	vand.u32 $0xC00, v18  }
0x57: {  	v10 =	vld.idx.msk [tilespmem:v10+s22+$0x0], $0xffff;
	v18 =	vmov s13;
	v26 =	vadd.s32 v0, v23;
	[tilespmem:v2+s24+$0xFFFFFFB0 ss:$0x1] =	vst.idx.msk $0xffff, v17;
	v17 =	vand.u32 $0x7E, v11  }
0x58: {  	[tilespmem:v2+s19+$0x0 ss:$0x1] =	vst.idx.msk $0xffff, v15;
	v14 =	vor.u32 v13, v16;
	v15 =	vshll.u32 v18, $0x3;
	v21 =	vld.idx.msk [tilespmem:v21+s22+$0x0], $0xffff;
	v16 =	vshll.u32 v11, $0x3  }
0x59: {  	[tilespmem:v2+s24+$0xFFFFFF30 ss:$0x1] =	vst.idx.msk $0xffff, v24;
	v13 =	vor.u32 v0, v14;
	v15 =	vand.u32 $0xC00, v15;
	v22 =	vld.idx.msk [tilespmem:v22+s22+$0x0], $0xffff;
	v16 =	vand.u32 $0x7FFFFC00, v16  }
0x5a: {  	s26 =	simm.s32 $0x1D;
	v11 =	vor.u32 v1, v14;
	v14 =	vand.u32 $0x7A, v18;
	v30 =	vld.idx.msk [tilespmem:v20+s22+$0x0], $0xffff;
	v16 =	vor.u32 v17, v16  }
0x5b: {  	s25 =	simm.s32 $0x1B;
	v18 =	vld.idx.msk [tilespmem:v28+s22+$0x0], $0xffff;
	v15 =	vor.u32 v14, v15;
	v20 =	vmov s26;
	[tilespmem:v2+s23+$0xFFFFFFE0 ss:$0x1] =	vst.idx.msk $0xffff, v25;
	v19 =	vadd.s32 v0, v16  }
0x5c: {  	[tilespmem:v2+s19+$0xFFFFFF70 ss:$0x1] =	vst.idx.msk $0xffff, v10;
	v25 =	vmov s25;
	v17 =	vor.u32 v0, v15;
	s25 =	sadd.s32 $0x100, s24;
	v10 =	vor.u32 v1, v15;
	v14 =	vld.idx.msk [tilespmem:v26+s22+$0x0], $0xffff  }
0x5d: {  	v15 =	vld.idx.msk [tilespmem:v12+s22+$0x0], $0xffff;
	v12 =	vadd.s32 v1, v23;
	[tilespmem:v2+s25+$0xFFFFFF90 ss:$0x1] =	vst.idx.msk $0xffff, v21;
	v21 =	vshll.u32 v20, $0x3  }
0x5e: {  	s30 =	simm.s32 $0x17;
	s29 =	simm.s32 $0x1F;
	s31 =	simm.s32 $0x6;
	v24 =	vshll.u32 v25, $0x3;
	v26 =	vand.u32 $0x7D, v20;
	[tilespmem:v2+s25+$0xFFFFFF10 ss:$0x1] =	vst.idx.msk $0xffff, v22;
	v22 =	vld.idx.msk [tilespmem:v29+s22+$0x0], $0xffff;
	v21 =	vand.u32 $0x7FFFFC00, v21  }
0x5f: {  	s28 =	smov.u32 s19;
	s2 =	simm.s32 $0x27;
	s26 =	sadd.s32 $0xC000, s22;
	v23 =	vand.u32 $0x7B, v25;
	v20 =	vand.u32 $0xC00, v24;
	v24 =	vld.idx.msk [tilespmem:v27+s22+$0x0], $0xffff;
	v21 =	vor.u32 v26, v21;
	[tilespmem:v2+s24+$0xFFFFFFC0 ss:$0x1] =	vst.idx.msk $0xffff, v30  }
.LBB2_3:
0x60: {  	s3 =	sadd.s32 $0xFFFFFFF9, s2;
	s1 =	sadd.s32 $0xFFFFFFFD, s2;
	s31 =	sadd.s32 $0x2, s31;
	v25 =	vadd.s32 v0, v21;
	v26 =	vor.u32 v1, v6;
	v6 =	vor.u32 v23, v20;
	v19 =	vld.idx.msk [tilespmem:v19+s22+$0x0], $0xffff  }
0x61: {  	s15 =	sadd.s32 $0xFFFFFFFA, s2;
	s13 =	sadd.s32 $0xFFFFFFFB, s2;
	v20 =	vmov s3;
	v23 =	vmov s1;
	p1 =	slt.u32 s31, $0x7E;
	v27 =	vor.u32 v0, v6;
	[tilespmem:v2+s23+$0xFFFFFFF0 ss:$0x1] =	vst.idx.msk $0xffff, v14;
	v14 =	vld.idx.msk [tilespmem:v3+s22+$0x0], $0xffff;
	v3 =	vmovc v5;
	v5 =	vmovc v26  }
0x62: {  	v16 =	vadd.s32 v1, v16;
	s3 =	sadd.s32 $0xFFFFFFFC, s2;
	v26 =	vshll.u32 v20, $0x3;
	v28 =	vshll.u32 v23, $0x3;
	[tilespmem:v2+s24+$0xFFFFFF40 ss:$0x1] =	vst.idx.msk $0xffff, v18;
	v12 =	vld.idx.msk [tilespmem:v12+s22+$0x0], $0xffff  }
0x63: {  	v23 =	vand.u32 $0x7C, v23;
	v18 =	vand.u32 $0xC00, v26;
	v26 =	vand.u32 $0xC00, v28;
	v28 =	vld.idx.msk [tilespmem:v8+s22+$0x0], $0xffff;
	[tilespmem:v2+s23+$0xFFFFFF60 ss:$0x1] =	vst.idx.msk $0xffff, v15;
	v8 =	vmovc v17  }
0x64: {  	v15 =	vand.u32 $0x78, v20;
	v17 =	vmov s15;
	v20 =	vor.u32 v23, v26;
	[tilespmem:v2+s25+$0xFFFFFFA0 ss:$0x1] =	vst.idx.msk $0xffff, v22;
	v22 =	vld.idx.msk [tilespmem:v4+s22+$0x0], $0xffff;
	v4 =	vmovc v9  }
0x65: {  	v9 =	vor.u32 v15, v18;
	v23 =	vmov s30;
	s30 =	smov.u32 s29;
	s29 =	smov.u32 s2;
	v15 =	vor.u32 v0, v20;
	[tilespmem:v2+s25+$0xFFFFFF20 ss:$0x1] =	vst.idx.msk $0xffff, v24;
	v18 =	vld.idx.msk [tilespmem:v25+s22+$0x0], $0xffff  }
0x66: {  	v24 =	vor.u32 v0, v9;
	v25 =	vor.u32 v1, v9;
	v9 =	vshll.u32 v23, $0x3;
	[tilespmem:v2+s24+$0xFFFFFFD0 ss:$0x1] =	vst.idx.msk $0xffff, v19  }
0x67: {  	v19 =	vadd.s32 v1, v21;
	v29 =	vand.u32 $0x7FFFFC00, v9;
	v21 =	vld.idx.msk [tilespmem:v16+s22+$0x0], $0xffff;
	v16 =	vand.u32 $0x7F, v23;
	[tilespmem:v2+s28+$0xFFFFFF80 ss:$0x1] =	vst.idx.msk $0xffff, v14;
	s28 =	smov.u32 s23;
	s23 =	smov.u32 s24;
	s24 =	smov.u32 s25  }
0x68: {  	v14 =	vand.u32 $0x79, v17;
	v17 =	vshll.u32 v17, $0x3;
	v23 =	vld.idx.msk [tilespmem:v13+s22+$0x0], $0xffff;
	v26 =	vor.u32 v16, v29;
	[tilespmem:v2+s28+$0x0 ss:$0x1] =	vst.idx.msk $0xffff, v12  }
0x69: {  	s1 =	sadd.s32 $0xFFFFFFFF, s30;
	v12 =	vand.u32 $0xC00, v17;
	v16 =	vmov s13;
	v9 =	vmovc v27;
	[tilespmem:v2+s23+$0xFFFFFF50 ss:$0x1] =	vst.idx.msk $0xffff, v28;
	v17 =	vadd.s32 v0, v26  }
0x6a: {  	v27 =	vmov s1;
	v12 =	vor.u32 v14, v12;
	v14 =	vshll.u32 v16, $0x3;
	v15 =	vld.idx.msk [tilespmem:v15+s22+$0x0], $0xffff;
	[tilespmem:v2+s28+$0xFFFFFF70 ss:$0x1] =	vst.idx.msk $0xffff, v22  }
0x6b: {  	v13 =	vor.u32 v0, v12;
	v14 =	vand.u32 $0xC00, v14;
	v22 =	vld.idx.msk [tilespmem:v24+s22+$0x0], $0xffff;
	[tilespmem:v2+s25+$0xFFFFFFB0 ss:$0x1] =	vst.idx.msk $0xffff, v18;
	v18 =	vshll.u32 v27, $0x3  }
0x6c: {  	v24 =	vor.u32 v1, v20;
	v28 =	vld.idx.msk [tilespmem:v19+s22+$0x0], $0xffff;
	v19 =	vand.u32 $0x7E, v27;
	v18 =	vand.u32 $0x7FFFFC00, v18  }
0x6d: {  	v12 =	vor.u32 v1, v12;
	v20 =	vand.u32 $0x7A, v16;
	v16 =	vor.u32 v19, v18;
	[tilespmem:v2+s23+$0xFFFFFFE0 ss:$0x1] =	vst.idx.msk $0xffff, v21  }
.Ltmp0:
0x6e: {  	s1 =	sadd.s32 $0xFFFFFFFE, s2;
	v18 =	vor.u32 v20, v14;
	v21 =	vmov s3;
	[tilespmem:v2+s25+$0xFFFFFF30 ss:$0x1] =	vst.idx.msk $0xffff, v23;
	v19 =	vadd.s32 v0, v16;
	v14 =	vld.idx.msk [tilespmem:v17+s22+$0x0], $0xffff;
	(pc) =	sbr.rel @p1 .LBB2_3-.Ltmp0, $4  }
0x6f: {  	v17 =	vor.u32 v0, v18;
	v27 =	vor.u32 v1, v18;
	v23 =	vmov s1;
	s25 =	sadd.s32 $0x100, s25;
	v18 =	vld.idx.msk [tilespmem:v11+s22+$0x0], $0xffff;
	v11 =	vmovc v12  }
0x70: {  	v20 =	vshll.u32 v21, $0x3;
	v29 =	vshll.u32 v23, $0x3;
	v12 =	vadd.s32 v1, v26;
	[tilespmem:v2+s25+$0xFFFFFF90 ss:$0x1] =	vst.idx.msk $0xffff, v15;
	v15 =	vld.idx.msk [tilespmem:v7+s22+$0x0], $0xffff  }
0x71: {  	v20 =	vand.u32 $0xC00, v20;
	v26 =	vand.u32 $0x7D, v23;
	v29 =	vand.u32 $0x7FFFFC00, v29;
	v7 =	vmovc v10;
	[tilespmem:v2+s25+$0xFFFFFF10 ss:$0x1] =	vst.idx.msk $0xffff, v22;
	v22 =	vld.idx.msk [tilespmem:v24+s22+$0x0], $0xffff  }
0x72: {  	s2 =	sadd.s32 $0x8, s2;
	v23 =	vand.u32 $0x7B, v21;
	v10 =	vmov v27;
	v21 =	vor.u32 v26, v29;
	v24 =	vld.idx.msk [tilespmem:v25+s22+$0x0], $0xffff;
	[tilespmem:v2+s24+$0xFFFFFFC0 ss:$0x1] =	vst.idx.msk $0xffff, v28  }
0x73: {  	v25 =	vadd.s32 v0, v21;
	_ =	sdelay $0x3  }
0x74: {  	[tilespmem:v2+s25+$0xFFFFFFA0 ss:$0x1] =	vst.idx.msk $0xffff, v22  }
0x75: {  	[tilespmem:v2+s25+$0xFFFFFF20 ss:$0x1] =	vst.idx.msk $0xffff, v24;
	v22 =	vld.idx.msk [tilespmem:v25+s22+$0x0], $0xffff  }
0x76: {  	v42 =	vadd.s32 v1, v21;
	v13 =	vld.idx.msk [tilespmem:v13+s22+$0x0], $0xffff  }
0x77: {  	s1 =	sadd.s32 $0xFFFFFFFF, s29  }
0x78: {  	v43 =	vmov s1  }
0x79: {  	v44 =	vshll.u32 v43, $0x3  }
0x7a: {  	v45 =	vand.u32 $0x7E, v43;
	v46 =	vand.u32 $0x7FFFFC00, v44;
	[tilespmem:v2+s25+$0xFFFFFFB0 ss:$0x1] =	vst.idx.msk $0xffff, v22  }
0x7b: {  	v22 =	vor.u32 v45, v46;
	[tilespmem:v2+s25+$0xFFFFFF30 ss:$0x1] =	vst.idx.msk $0xffff, v13;
	v21 =	vld.idx.msk [tilespmem:v42+s22+$0x0], $0xffff  }
0x7c: {  	v47 =	vadd.s32 v0, v22;
	v11 =	vld.idx.msk [tilespmem:v11+s22+$0x0], $0xffff;
	_ =	sdelay $0x1  }
0x7d: {  	[tilespmem:v2+s24+$0xFFFFFF40 ss:$0x1] =	vst.idx.msk $0xffff, v18  }
0x7e: {  	v8 =	vld.idx.msk [tilespmem:v8+s22+$0x0], $0xffff  }
0x7f: {  	v19 =	vld.idx.msk [tilespmem:v19+s22+$0x0], $0xffff;
	[tilespmem:v2+s25+$0xFFFFFFC0 ss:$0x1] =	vst.idx.msk $0xffff, v21  }
0x80: {  	v16 =	vadd.s32 v1, v16;
	[tilespmem:v2+s25+$0xFFFFFF40 ss:$0x1] =	vst.idx.msk $0xffff, v11;
	v13 =	vld.idx.msk [tilespmem:v47+s22+$0x0], $0xffff  }
0x81: {  	v49 =	vadd.s32 v1, v22;
	v17 =	vld.idx.msk [tilespmem:v17+s22+$0x0], $0xffff  }
0x82: {  	v48 =	vmov s30  }
0x83: {  	v52 =	vmov s29;
	v50 =	vshll.u32 v48, $0x3;
	[tilespmem:v2+s24+$0xFFFFFF50 ss:$0x1] =	vst.idx.msk $0xffff, v8  }
0x84: {  	v53 =	vshll.u32 v52, $0x3;
	v51 =	vand.u32 $0x7FFFFC00, v50;
	[tilespmem:v2+s24+$0xFFFFFFD0 ss:$0x1] =	vst.idx.msk $0xffff, v19;
	v7 =	vld.idx.msk [tilespmem:v7+s22+$0x0], $0xffff;
	v11 =	vand.u32 $0x7F, v48  }
0x85: {  	v54 =	vand.u32 $0x7F, v52;
	v16 =	vld.idx.msk [tilespmem:v16+s22+$0x0], $0xffff;
	v8 =	vand.u32 $0x7FFFFC00, v53;
	v11 =	vor.u32 v11, v51;
	[tilespmem:v2+s25+$0xFFFFFFD0 ss:$0x1] =	vst.idx.msk $0xffff, v13  }
0x86: {  	v8 =	vor.u32 v54, v8;
	v19 =	vadd.s32 v0, v11;
	[tilespmem:v2+s25+$0xFFFFFF50 ss:$0x1] =	vst.idx.msk $0xffff, v17;
	v18 =	vld.idx.msk [tilespmem:v49+s22+$0x0], $0xffff  }
0x87: {  	v55 =	vor.u32 v23, v20;
	[tilespmem:v2+s23+$0xFFFFFFF0 ss:$0x1] =	vst.idx.msk $0xffff, v14;
	v56 =	vadd.s32 v0, v8;
	v10 =	vld.idx.msk [tilespmem:v10+s22+$0x0], $0xffff  }
0x88: {  	v3 =	vld.idx.msk [tilespmem:v3+s22+$0x0], $0xffff;
	v57 =	vor.u32 v0, v55;
	[tilespmem:v2+s23+$0xFFFFFF60 ss:$0x1] =	vst.idx.msk $0xffff, v15  }
0x89: {  	v4 =	vld.idx.msk [tilespmem:v4+s22+$0x0], $0xffff;
	[tilespmem:v2+s24+$0xFFFFFF60 ss:$0x1] =	vst.idx.msk $0xffff, v7  }
0x8a: {  	[tilespmem:v2+s24+$0xFFFFFFE0 ss:$0x1] =	vst.idx.msk $0xffff, v16;
	v9 =	vld.idx.msk [tilespmem:v9+s22+$0x0], $0xffff  }
0x8b: {  	v6 =	vor.u32 v1, v6;
	v58 =	vld.idx.msk [tilespmem:v19+s22+$0x0], $0xffff;
	[tilespmem:v2+s25+$0xFFFFFFE0 ss:$0x1] =	vst.idx.msk $0xffff, v18  }
0x8c: {  	v59 =	vadd.s32 v1, v11;
	[tilespmem:v2+s25+$0xFFFFFF60 ss:$0x1] =	vst.idx.msk $0xffff, v10;
	v60 =	vld.idx.msk [tilespmem:v56+s22+$0x0], $0xffff  }
0x8d: {  	[tilespmem:v2+s28+$0xFFFFFF80 ss:$0x1] =	vst.idx.msk $0xffff, v3;
	v3 =	vadd.s32 v1, v8;
	v61 =	vld.idx.msk [tilespmem:v57+s22+$0x0], $0xffff  }
0x8e: {  	v62 =	vld.idx.msk [tilespmem:v12+s22+$0x0], $0xffff;
	v63 =	vor.u32 v1, v55;
	[tilespmem:v2+s23+$0xFFFFFF70 ss:$0x1] =	vst.idx.msk $0xffff, v4  }
0x8f: {  	v5 =	vld.idx.msk [tilespmem:v5+s22+$0x0], $0xffff;
	[tilespmem:v2+s24+$0xFFFFFF70 ss:$0x1] =	vst.idx.msk $0xffff, v9  }
0x90: {  	v6 =	vld.idx.msk [tilespmem:v6+s22+$0x0], $0xffff;
	[tilespmem:v2+s24+$0xFFFFFFF0 ss:$0x1] =	vst.idx.msk $0xffff, v58  }
0x91: {  	v7 =	vld.idx.msk [tilespmem:v59+s22+$0x0], $0xffff;
	[tilespmem:v2+s25+$0xFFFFFFF0 ss:$0x1] =	vst.idx.msk $0xffff, v60  }
0x92: {  	[tilespmem:v2+s25+$0xFFFFFF70 ss:$0x1] =	vst.idx.msk $0xffff, v61;
	v3 =	vld.idx.msk [tilespmem:v3+s22+$0x0], $0xffff  }
0x93: {  	[tilespmem:v2+s23+$0x0 ss:$0x1] =	vst.idx.msk $0xffff, v62;
	v4 =	vld.idx.msk [tilespmem:v63+s22+$0x0], $0xffff  }
0x94: {  	p1 =	sne.s32 s20, s7;
	[tilespmem:v2+s23+$0xFFFFFF80 ss:$0x1] =	vst.idx.msk $0xffff, v5  }
.Ltmp1:
0x95: {  	[tilespmem:v2+s24+$0xFFFFFF80 ss:$0x1] =	vst.idx.msk $0xffff, v6;
	(pc) =	sbr.rel @p1 .LBB2_2-.Ltmp1, $4  }
0x96: {  	s30 =	sshll.u32 s21, $0xB;
	[tilespmem:v2+s24+$0x0 ss:$0x1] =	vst.idx.msk $0xffff, v7  }
0x97: {  	s31 =	sadd.s32 $0x1, s20;
	s1 =	sand.u32 $0x1FFFF800, s30;
	[tilespmem:v2+s25+$0x0 ss:$0x1] =	vst.idx.msk $0xffff, v3  }
0x98: {  	s19 =	sadd.s32 $0x4000, s19;
	s20 =	smov.u32 s31;
	s1 =	sadd.s32 s5, s1;
	[tilespmem:v2+s25+$0xFFFFFF80 ss:$0x1] =	vst.idx.msk $0xffff, v4  }
0x99: {  	[hbm4b:s1+s4] =	stream.linear.scatter [tilespmem:s26], [sflag:$0x2], $0x4000, $0x38;
	[tilespmem:$0x18000] =	vst v63  }
0x9a: {  	_ =	swait.ge [sflag:s17], $0x4000  }
0x9b: {  	[sflag:s17] =	ssyncset.done $0x0  }
0x9c: {  	[sflag:s17] =	ssyncadd.s32 $0xFFFFC000  }
0x9d: {  	_ =	swait.ge [sflag:s17], $0x4000  }
0x9e: {  	[sflag:s17] =	ssyncset.done $0x0  }
0x9f: {  	[sflag:s17] =	ssyncadd.s32 $0xFFFFC000  }
0xa0: {  	_ =	swait.ge [sflag:s17], $0x4000  }
0xa1: {  	[sflag:s17] =	ssyncset.done $0x0  }
0xa2: {  	[sflag:s17] =	ssyncadd.s32 $0xFFFFC000  }
0xa3: {  	s1 =	simm.s32 @!p0 $0x0;
	s2 =	simm.s32 @!p0 $0xC000;
	s3 =	rddreg [dreg:$0x1]  }
0xa4: {  	[tilespmem:s2], [sflag:$0x3] =	stream.linear.gather @!p0 [hbm4b:s3+s1], $0x800, $0x38;
	[tilespmem:$0x18000] =	vst v63  }
0xa5: {  	s3 =	simm.s32 @!p0 $0x3  }
0xa6: {  	s18 =	sadd.s32 $0x1, s18;
	_ =	swait.ge @!p0 [sflag:s3], $0x800  }
0xa7: {  	p1 =	sne.s32 s18, s12;
	[sflag:s3] =	ssyncset.done @!p0 $0x0  }
.Ltmp2:
0xa8: {  	[sflag:s3] =	ssyncadd.s32 @!p0 $0xFFFFF800;
	(pc) =	sbr.rel @p1 .LBB2_1-.Ltmp2, $4  }
0xa9: {  	[hbm4b:s11+s1] =	stream.linear.scatter @!p0 [tilespmem:s2], [sflag:$0x3], $0x800, $0x38;
	[tilespmem:$0x18000] =	vst v63  }
0xaa: {  	_ =	swait.ge @!p0 [sflag:s3], $0x800  }
0xab: {  	[sflag:s3] =	ssyncset.done @!p0 $0x0  }
0xac: {  	[sflag:s3] =	ssyncadd.s32 @!p0 $0xFFFFF800  }
0xad: {  	_ =	sfence.sel $0x180000  }
0xae: {  	[bflag:$0x0] =	sbarrier.arrive $0xFFFF  }
0xaf: {  	_ =	strace $0x90000047  }
0xb0: {  	s0 =	stileid.u32;
	[bflag:$0x2] =	sbarrier.arrive $0xFFFF  }
0xb1: {  	p0 =	sne.s32 s0, $0x0;
	s0 =	rddreg [dreg:$0x3]  }
0xb2: {  	s0 =	sadd.s32 @!p0 $0x100000, s0  }
0xb3: {  	[sflag:s0] =	ssyncadd.tile.s32 @!p0 $0x1;
	_ =	shalt  }
.Lfunc_end2:
_tile_overlayer_lowered:
.L_overlay_start_2:
0xb4: {  	(tag) =	ssettag $0x2  }
0xb5: {  	s0 =	rddreg [dreg:$0x0];
	s2 =	stileid.u32  }
0xb6: {  	s1 =	rddreg [dreg:$0x1];
	p0 =	sne.s32 s2, $0x0  }
0xb7: {  	s3 =	rddreg [dreg:$0x2];
	[bflag:$0x3] =	sbarrier.arrive $0xFFFF;
	s2 =	simm.s32 @!p0 $0x1C03  }
0xb8: {  	[timem:s3], [sflag:s2] =	dma.local @!p0 [hbm:s0], s1  }
0xb9: {  	s0 =	simm.s32 @!p0 $0x3  }
0xba: {  	_ =	swait.ge @!p0 [sflag:s0], s1  }
0xbb: {  	s1 =	ssub.s32 @!p0 $0x0, s1;
	[sflag:s0] =	ssyncset.done @!p0 $0x0  }
0xbc: {  	[sflag:s0] =	ssyncadd.s32 @!p0 s1  }
0xbd: {  	[bflag:$0x3] =	sbarrier.arrive $0xFFFF  }
0xbe: {  	_ =	shalt  }

// kernel: _impl.7.cloned.1.call-start
scs
__scs_entry_jumppad:
0x0: {  	(pc) =	sbr.rel $0x88, $3  }
0x1: {  	(tag) =	ssettag $0x0;
	lr =	simm.s32 $0x1  }
0x2: {  	[smem:$0x3F9F] =	sst lr;
	_ =	strace $0xD0000000  }
0x3: {  	_ = 	snop  }
0x4: {  	_ = 	snop  }
0x5: {  	_ = 	snop  }
0x6: {  	_ = 	snop  }
0x7: {  	_ = 	snop  }
__scs_overlays_trampoline_lowered:
0x8: {  	[smem:$0x3FAE] =	sst s0  }
0x9: {  	[smem:$0x3FAF] =	sst s1  }
0xa: {  	[smem:$0x3FB0] =	sst s2  }
0xb: {  	[smem:$0x3FB1] =	sst s3  }
0xc: {  	[smem:$0x3FB2] =	sst s4  }
0xd: {  	[smem:$0x3FB3] =	sst s5  }
0xe: {  	[smem:$0x3FB4] =	sst s6  }
0xf: {  	[smem:$0x3FB5] =	sst s7  }
0x10: {  	[smem:$0x3FB6] =	sst s8  }
0x11: {  	[smem:$0x3FB7] =	sst s9;
	s0 =	simm.s32 @!p0 $0x0  }
0x12: {  	s1 =	sld [smem:$0x3F9D];
	s0 =	simm.s32 @p0 $0x1  }
0x13: {  	[smem:$0x3FB8] =	sst s0;
	s0 =	simm.s32 @!p1 $0x0  }
0x14: {  	s2 =	sld [smem:$0x3F9C];
	s0 =	simm.s32 @p1 $0x1  }
0x15: {  	[smem:$0x3FB9] =	sst s0;
	s0 =	simm.s32 @!p2 $0x0  }
0x16: {  	s3 =	sld [smem:$0x3FDB];
	s0 =	simm.s32 @p2 $0x1  }
0x17: {  	s4 =	simm.s32 $0x1BF5;
	[smem:$0x3FBB] =	sst s0  }
0x18: {  	s0 =	sld [smem:$0x3F9E];
	_ =	swait.ge [sflag:s4], $0x0  }
0x19: {  	s7 =	sld [smem:$0x3F9F]  }
0x1a: {  	s8 =	sadd.s32 $0xFFFFE003, lr  }
0x1b: {  	s9 =	sadd.s32 $0xFFFFFEF7, lr;
	s5 =	simm.s32 $0xFFFFFFFF;
	p2 =	slt.u32 s8, $0xFFFFF086  }
0x1c: {  	p1 =	slt.u32 s9, $0xF7A;
	s5 =	simm.s32 @!p2 $0x0  }
0x1d: {  	s5 =	simm.s32 @p1 $0x1;
	p0 =	seq.s32 s7, s2  }
0x1e: {  	s7 =	smul.u32 @!p0 $0xF7A, s2;
	p2 =	seq.s32 @!p0 s5, $0x0  }
0x1f: {  	s9 =	smul.u32 $0xF7A, s1;
	s8 =	simm.s32 @!p0 $0x1BF5;
	p2 =	por !p2, p0  }
0x20: {  	[sflag:s8] =	ssyncset.s32 @!p0 $0xFFFFF086;
	s6 =	sadd.s32 @!p0 s3, s7;
	s7 =	simm.s32 @!p0 $0x108  }
0x21: {  	s3 =	sadd.s32 s3, s9;
	s6 =	sadd.s32 @!p0 $0x88, s6;
	s7 =	simm.s32 @p2 $0x1082  }
0x22: {  	[simem:s7], [sflag:s8] =	dma.local @!p0 [hbm:s6], $0xF7A  }
0x23: {  	s9 =	sor.u32 $0xD0000000, s2;
	s6 =	simm.s32 $0x108;
	_ =	swait.ge @!p0 [sflag:s8], $0x0  }
0x24: {  	s3 =	sadd.s32 $0x88, s3;
	s6 =	simm.s32 @!p1 $0x1082;
	[sflag:s4] =	ssyncset.s32 $0xFFFFF086  }
0x25: {  	[simem:s6], [sflag:s4] =	dma.local [hbm:s3], $0xF7A  }
0x26: {  	[smem:$0x3F9F] =	sst s1;
	(tag) =	ssettag s2;
	_ =	strace s9  }
0x27: {  	s1 =	sld [smem:$0x3FAF]  }
0x28: {  	s2 =	sld [smem:$0x3FB0]  }
0x29: {  	s4 =	sld [smem:$0x3FB2]  }
0x2a: {  	p0 =	seq.s32 s5, $0x0;
	s5 =	sld [smem:$0x3FB3]  }
0x2b: {  	s6 =	sld [smem:$0x3FB4]  }
0x2c: {  	s7 =	sld [smem:$0x3FB5]  }
0x2d: {  	s3 =	simm.s32 $0x108;
	s8 =	sld [smem:$0x3FB6]  }
0x2e: {  	s3 =	simm.s32 @!p0 $0x1082;
	s9 =	sld [smem:$0x3FB7]  }
0x2f: {  	lr =	sadd.s32 s0, s3;
	s0 =	sld [smem:$0x3FAE]  }
0x30: {  	s3 =	sld [smem:$0x3FB1]  }
0x31: {  	[smem:$0x3FBA] =	sst s10  }
0x32: {  	s10 =	sld [smem:$0x3FB8];
	_ =	sdelay $0x3  }
0x33: {  	p0 =	seq.s32 s10, $0x1;
	s10 =	sld [smem:$0x3FBA];
	_ =	sdelay $0x3  }
0x34: {  	[smem:$0x3FBA] =	sst s10  }
0x35: {  	s10 =	sld [smem:$0x3FB9];
	_ =	sdelay $0x3  }
0x36: {  	p1 =	seq.s32 s10, $0x1;
	s10 =	sld [smem:$0x3FBA];
	_ =	sdelay $0x3  }
0x37: {  	[smem:$0x3FBA] =	sst s10  }
0x38: {  	s10 =	sld [smem:$0x3FBB]  }
0x39: {  	_ = 	snop;
	(pc) =	sbr.ind lr, $3  }
0x3a: {  	_ = 	snop  }
0x3b: {  	_ = 	snop  }
0x3c: {  	p2 =	seq.s32 s10, $0x1;
	s10 =	sld [smem:$0x3FBA]  }
0x3d: {  	_ =	shalt  }
0x3e: {  	_ =	shalt  }
0x3f: {  	_ =	shalt  }
0x40: {  	_ =	shalt  }
0x41: {  	_ =	shalt  }
0x42: {  	_ =	shalt  }
0x43: {  	_ =	shalt  }
0x44: {  	_ =	shalt  }
0x45: {  	_ =	shalt  }
0x46: {  	_ =	shalt  }
0x47: {  	_ =	shalt  }
0x48: {  	_ =	shalt  }
0x49: {  	_ =	shalt  }
0x4a: {  	_ =	shalt  }
0x4b: {  	_ =	shalt  }
0x4c: {  	_ =	shalt  }
0x4d: {  	_ =	shalt  }
0x4e: {  	_ =	shalt  }
0x4f: {  	_ =	shalt  }
0x50: {  	_ =	shalt  }
0x51: {  	_ =	shalt  }
0x52: {  	_ =	shalt  }
0x53: {  	_ =	shalt  }
0x54: {  	_ =	shalt  }
0x55: {  	_ =	shalt  }
0x56: {  	_ =	shalt  }
0x57: {  	_ =	shalt  }
0x58: {  	_ =	shalt  }
0x59: {  	_ =	shalt  }
0x5a: {  	_ =	shalt  }
0x5b: {  	_ =	shalt  }
0x5c: {  	_ =	shalt  }
0x5d: {  	_ =	shalt  }
0x5e: {  	_ =	shalt  }
0x5f: {  	_ =	shalt  }
0x60: {  	_ =	shalt  }
0x61: {  	_ =	shalt  }
0x62: {  	_ =	shalt  }
0x63: {  	_ =	shalt  }
0x64: {  	_ =	shalt  }
0x65: {  	_ =	shalt  }
0x66: {  	_ =	shalt  }
0x67: {  	_ =	shalt  }
0x68: {  	_ =	shalt  }
0x69: {  	_ =	shalt  }
0x6a: {  	_ =	shalt  }
0x6b: {  	_ =	shalt  }
0x6c: {  	_ =	shalt  }
0x6d: {  	_ =	shalt  }
0x6e: {  	_ =	shalt  }
0x6f: {  	_ =	shalt  }
0x70: {  	_ =	shalt  }
0x71: {  	_ =	shalt  }
0x72: {  	_ =	shalt  }
0x73: {  	_ =	shalt  }
0x74: {  	_ =	shalt  }
0x75: {  	_ =	shalt  }
0x76: {  	_ =	shalt  }
0x77: {  	_ =	shalt  }
0x78: {  	_ =	shalt  }
0x79: {  	_ =	shalt  }
0x7a: {  	_ =	shalt  }
0x7b: {  	_ =	shalt  }
0x7c: {  	_ =	shalt  }
0x7d: {  	_ =	shalt  }
0x7e: {  	_ =	shalt  }
0x7f: {  	_ =	shalt  }
0x80: {  	_ =	shalt  }
0x81: {  	_ =	shalt  }
0x82: {  	_ =	shalt  }
0x83: {  	_ =	shalt  }
0x84: {  	_ =	shalt  }
0x85: {  	_ =	shalt  }
0x86: {  	_ =	shalt  }
0x87: {  	_ =	shalt  }
.Lfunc_end0:
.L_simem_size_0:
called_computation.1_lowered:
.L_overlay_start_0:
0x88: {  	s2 =	sld [smem:$0x3FD9]  }
0x89: {  	s3 =	sld [smem:$0x3FFE];
	_ =	sdelay $0x1  }
0x8a: {  	s1 =	srdreg.scid  }
0x8b: {  	s0 =	sand.u32 $0x1, s1  }
0x8c: {  	s17 =	sshll.u32 s0, $0xA;
	s2 =	sadd.s32 s3, s2  }
0x8d: {  	s2 =	sadd.s32 s2, s17  }
0x8e: {  	[smem:$0x3FC6] =	sst s2  }
0x8f: {  	_ = 	snop  }
0x90: {  	s2 =	sld [smem:$0x3FD0];
	(tm) =	ssettm $0x1  }
0x91: {  	s18 =	sld [smem:$0x3FFB];
	_ =	sdelay $0x3  }
0x92: {  	_ =	strace s18  }
0x93: {  	s3 =	sld [smem:$0x3FFC];
	_ =	sdelay $0x3  }
0x94: {  	_ =	strace s3  }
0x95: {  	s3 =	sld [smem:$0x3FFD];
	_ =	sdelay $0x3  }
0x96: {  	_ =	strace s3  }
0x97: {  	_ =	strace $0x8FFFFFFF  }
0x98: {  	s19 =	sld [smem:$0x3FDB];
	_ =	sdelay $0x1  }
0x99: {  	s4 =	simm.s32 $_scs_section_size  }
0x9a: {  	s5 =	simm.s32 $_size__tile_overlayer_lowered;
	s6 =	simm.s32 $_tile_overlayer_lowered  }
0x9b: {  	s22 =	simm.s32 $0x1BFF;
	s21 =	sshll.u32 s6, $0x1;
	s3 =	sadd.s32 s4, s19  }
0x9c: {  	s7 =	simm.s32 $0x0;
	s20 =	sshll.u32 s5, $0x1;
	s5 =	sadd.s32 s21, s3  }
0x9d: {  	[timem:s7], [sflag:s22] =	dma.local [hbm:s5], s20  }
0x9e: {  	_ =	swait.ge [sflag:s22], s20  }
0x9f: {  	s4 =	ssub.s32 $0x0, s20;
	[sflag:s22] =	ssyncset.done $0x0  }
0xa0: {  	[sflag:s22] =	ssyncadd.s32 s4;
	_ =	sdelay $0x1  }
0xa1: {  	s23 =	simm.s32 $0x1B8B  }
0xa2: {  	_ =	swait.ge [sflag:s23], $0x1  }
0xa3: {  	[sflag:s23] =	ssyncset.done $0x0  }
0xa4: {  	s25 =	simm.s32 $0x1B8E;
	s24 =	sld [smem:$0x3FFE];
	[sflag:s23] =	ssyncadd.s32 $0xFFFFFFFF  }
0xa5: {  	s26 =	simm.s32 $execute0_lowered;
	[smem:$0x3FD2] =	sst s25  }
0xa6: {  	s5 =	sshll.u32 s26, $0x1;
	_ =	strace $0x80000049;
	[dreg:$0x1] =	wrdreg $0xFFFFFFFF  }
0xa7: {  	s28 =	simm.s32 $_size_execute0_lowered;
	s3 =	sadd.s32 s3, s5;
	[dreg:$0x0] =	wrdreg $0x0  }
0xa8: {  	s5 =	sshll.u32 s28, $0x1;
	[dreg:$0x2] =	wrdreg s3  }
0xa9: {  	[dreg:$0x3] =	wrdreg s5  }
0xaa: {  	[dreg:$0x4] =	wrdreg $0xC0  }
0xab: {  	_ =	task [dreg:s7], $0x5FFFF  }
0xac: {  	[dreg:$0x1] =	wrdreg $0xFFFFFFFF  }
0xad: {  	[dreg:$0x0] =	wrdreg $0x60  }
0xae: {  	[dreg:$0x2] =	wrdreg s24  }
0xaf: {  	[dreg:$0x3] =	wrdreg s2  }
0xb0: {  	[dreg:$0x4] =	wrdreg $0x9  }
0xb1: {  	_ =	task.clear_ibuf [dreg:s7], $0x5FFFF;
	_ =	strace $0x90000049  }
0xb2: {  	s29 =	simm.s32 $0x9;
	_ =	strace $0x8000004B  }
0xb3: {  	_ =	swait.ge [sflag:s29], $0x1  }
0xb4: {  	[sflag:s29] =	ssyncadd.s32 $0xFFFFFFFF  }
0xb5: {  	_ =	strace $0x9000004B  }
0xb6: {  	_ =	sfence  }
0xb7: {  	s30 =	sld [smem:$0x0];
	_ =	sdelay $0x2  }
0xb8: {  	s31 =	sshll.u32 s1, $0xD;
	s1 =	sshrl.u32 s1, $0x2  }
0xb9: {  	s3 =	sand.u32 $0x4000, s31;
	s1 =	sadd.s32 s1, s30  }
0xba: {  	s0 =	sor.u32 s3, s0;
	s1 =	sshll.u32 s1, $0x11  }
0xbb: {  	s0 =	sor.u32 s1, s0  }
0xbc: {  	s0 =	sadd.s32 $0x8F2B, s0  }
0xbd: {  	[sflag:s0] =	ssyncadd.remote.s32 $0x1  }
0xbe: {  	_ =	sfence.sel $0xFFFF  }
0xbf: {  	[dreg:$0x0] =	wrdreg $0xFFFFFFFF;
	(pc) =	sbr.abs _section_cstart, $3  }
0xc0: {  	[dreg:$0x1] =	wrdreg $0xFFFFFFFF  }
0xc1: {  	_ =	task.clear_ibuf [dreg:s7], $0x2FFFF;
	_ =	strace $0x9FFFFFFF  }
0xc2: {  	(tm) =	ssettm $0x7FFFFFFF  }
0xc3: {  	_ =	shalt  }
tec
execute0_lowered:
.L_overlay_start_1:
0x0: {  	(tag) =	ssettag $0x1  }
0x1: {  	s0 =	rddreg [dreg:$0x0]  }
0x2: {  	s7 =	rddreg [dreg:$0x1]  }
0x3: {  	s1 =	srdreg.scid;
	s2 =	stileid.u32  }
0x4: {  	s3 =	simm.s32 $0x0;
	s18 =	simm.s32 $0x1;
	s1 =	sand.u32 $0x1, s1  }
0x5: {  	s2 =	sshll.u32 s2, $0x1;
	[smem:$0x7FF] =	sst s3;
	s29 =	sadd.s32 $0x4000, s7  }
0x6: {  	s30 =	sadd.s32 $0x8000, s7;
	_ =	strace $0x8000004A;
	[dreg:$0x5] =	wrdreg s29  }
0x7: {  	s31 =	sadd.s32 $0xC000, s7;
	s2 =	sor.u32 s1, s2;
	[dreg:$0x6] =	wrdreg s30  }
0x8: {  	s1 =	ssub.s32 $0x2, s1;
	[dreg:$0x7] =	wrdreg s31;
	s4 =	sshll.u32 s2, $0x6  }
0x9: {  	v0 =	vlaneseq.u32;
	s5 =	sshrl.u32 s1, $0x1;
	s26 =	sshll.u32 s2, $0xC;
	s6 =	sadd.s32 s4, s0  }
0xa: {  	v0 =	vmul.u32 $0x20, v0;
	s24 =	ssub.s32 s1, s5;
	[dreg:$0x4] =	wrdreg s26;
	s25 =	sadd.s32 $0x3D1400, s6  }
0xb: {  	s4 =	sadd.s32 $0xA00, s0;
	s0 =	smax.u32 s24, $0x1;
	[dreg:$0x3] =	wrdreg s25  }
0xc: {  	s28 =	simm.s32 $0x2;
	[tilespmem:$0x1FFF0] =	vst v0;
	s1 =	simm.s32 $0x0;
	[dreg:$0x8] =	wrdreg s0  }
.LBB2_1:
0xd: {  	[dreg:$0x9] =	wrdreg s1  }
0xe: {  	s0 =	rddreg [dreg:$0x3]  }
0xf: {  	s23 =	simm.s32 $0x200;
	s2 =	simm.s32 $0x4000;
	s24 =	simm.s32 $0x3  }
0x10: {  	[tilespmem:s3], [sflag:$0x3] =	stream.strided.gather [hbm4b:s0+s23], $0x6400, s2, s23, $0x38;
	[tilespmem:$0x1E400] =	vst v63  }
0x11: {  	_ =	swait.ge [sflag:s24], $0x6400  }
0x12: {  	[sflag:s24] =	ssyncset.done $0x0  }
0x13: {  	s25 =	simm.s32 $0x6400;
	[sflag:s24] =	ssyncadd.s32 $0xFFFF9C00  }
0x14: {  	[tilespmem:s25], [sflag:$0x1] =	stream.indirect.gather [hbm4b:s4+s23], $0x20, s3, s23, $0xb8;
	[tilespmem:$0x1E400] =	vst v63  }
0x15: {  	s26 =	simm.s32 $0xA400  }
0x16: {  	[tilespmem:s26], [sflag:$0x1] =	stream.indirect.gather [hbm4b:s4+s23], $0x20, s23, s23, $0xb8;
	[tilespmem:$0x1E400] =	vst v63  }
0x17: {  	s29 =	simm.s32 $0x400;
	s31 =	simm.s32 $0xE400;
	s30 =	simm.s32 $0x0  }
0x18: {  	[tilespmem:s31], [sflag:$0x1] =	stream.indirect.gather [hbm4b:s4+s23], $0x20, s29, s23, $0xb8;
	[tilespmem:$0x1E400] =	vst v63  }
.LBB2_2:
0x19: {  	p0 =	seq.s32 s30, $0x18  }
0x1a: {  	p1 =	seq.s32 @!p0 s30, $0x0  }
0x1b: {  	s31 =	sshll.u32 s30, $0x1;
	p1 =	por p0, !p1  }
.Ltmp0:
0x1c: {  	_ =	swait.ge [sflag:s18], $0x4000;
	s0 =	sadd.s32 @!p0 $0x3, s31;
	(pc) =	sbr.rel @!p1 .LBB2_3-.Ltmp0, $4  }
0x1d: {  	[sflag:s18] =	ssyncset.done $0x0;
	s1 =	sshll.u32 @!p0 s0, $0xE  }
0x1e: {  	s2 =	simm.s32 @!p0 $0x200;
	s0 =	sshll.u32 @!p0 s0, $0x9;
	s1 =	sand.u32 @!p0 $0xC000, s1  }
0x1f: {  	[sflag:s18] =	ssyncadd.s32 $0xFFFFC000;
	s0 =	sand.u32 @!p0 $0x3FFFFE00, s0;
	s1 =	sadd.s32 @!p0 $0x6400, s1  }
0x20: {  	[tilespmem:s1], [sflag:$0x1] =	stream.indirect.gather @!p0 [hbm4b:s4+s2], $0x20, s0, s2, $0xb8;
	[tilespmem:$0x1E400] =	vst v63  }
0x21: {  	_ =	swait.ge [sflag:s28], $0x1000  }
0x22: {  	[sflag:s28] =	ssyncset.done $0x0  }
0x23: {  	[sflag:s28] =	ssyncadd.s32 $0xFFFFF000  }
0x24: {  	_ =	swait.ge [sflag:s28], $0x1000  }
0x25: {  	[sflag:s28] =	ssyncset.done $0x0  }
0x26: {  	[sflag:s28] =	ssyncadd.s32 $0xFFFFF000  }
0x27: {  	_ =	swait.ge [sflag:s28], $0x1000  }
.Ltmp1:
0x28: {  	[sflag:s28] =	ssyncset.done $0x0;
	(pc) =	sbr.rel .LBB2_5-.Ltmp1, $4  }
0x29: {  	[sflag:s28] =	ssyncadd.s32 $0xFFFFF000  }
0x2a: {  	_ =	swait.ge [sflag:s28], $0x1000  }
0x2b: {  	[sflag:s28] =	ssyncset.done $0x0  }
0x2c: {  	p0 =	por $0x0, $0x0;
	[sflag:s28] =	ssyncadd.s32 $0xFFFFF000  }
.LBB2_3:
0x2d: {  	p0 =	por @!p0 $0x1, $0x1  }
.LBB2_5:
0x2e: {  	v19 =	vld [tilespmem:$0x1FFF0];
	_ =	sdelay $0x1  }
0x2f: {  	s1 =	simm.s32 $0x0  }
0x30: {  	v0 =	vmov s1  }
0x31: {  	v0 =	vshll.u32 v0, $0x5  }
0x32: {  	v5 =	vor.u32 v19, v0;
	_ =	sdelay $0x1  }
0x33: {  	s0 =	sshll.u32 s30, $0xF;
	s2 =	simm.s32 $0x10  }
0x34: {  	s0 =	sand.u32 $0x8000, s0;
	v0 =	vmov s2  }
0x35: {  	s0 =	sor.u32 $0x6400, s0;
	v0 =	vshll.u32 v0, $0x5  }
0x36: {  	v4 =	vor.u32 v19, v0;
	v0 =	vld.idx.msk [tilespmem:v5+s0+$0x0], $0xffff  }
0x37: {  	s5 =	simm.s32 $0x0;
	v1 =	vor.u32 $0x1, v5  }
0x38: {  	s20 =	sand.u32 $0xC00, s5  }
0x39: {  	s19 =	sand.u32 $0x60, s1;
	s26 =	sadd.s32 $0x16400, s20  }
0x3a: {  	s6 =	sor.u32 s19, s26  }
0x3b: {  	v2 =	vld.idx.msk [tilespmem:v4+s0+$0x0], $0xffff;
	[tilespmem:s6+$0x0] =	vst v0  }
0x3c: {  	v0 =	vor.u32 $0x1, v4;
	v1 =	vld.idx.msk [tilespmem:v1+s0+$0x0], $0xffff  }
0x3d: {  	v3 =	vor.u32 $0x2, v5  }
0x3e: {  	s11 =	sand.u32 $0x70, s2  }
0x3f: {  	s7 =	sadd.s32 $0x16480, s20;
	s1 =	sor.u32 s11, s26  }
0x40: {  	s8 =	sor.u32 s19, s7;
	[tilespmem:s1+$0x0] =	vst v2  }
0x41: {  	v0 =	vld.idx.msk [tilespmem:v0+s0+$0x0], $0xffff;
	[tilespmem:s8+$0x0] =	vst v1  }
0x42: {  	v1 =	vor.u32 $0x2, v4;
	v2 =	vld.idx.msk [tilespmem:v3+s0+$0x0], $0xffff  }
0x43: {  	v3 =	vor.u32 $0x3, v5;
	_ =	sdelay $0x1  }
0x44: {  	s10 =	sadd.s32 $0x16500, s20;
	s9 =	sor.u32 s11, s7  }
0x45: {  	s12 =	sor.u32 s19, s10;
	[tilespmem:s9+$0x0] =	vst v0  }
0x46: {  	v0 =	vld.idx.msk [tilespmem:v1+s0+$0x0], $0xffff;
	[tilespmem:s12+$0x0] =	vst v2  }
0x47: {  	v1 =	vor.u32 $0x3, v4;
	v2 =	vld.idx.msk [tilespmem:v3+s0+$0x0], $0xffff  }
0x48: {  	v3 =	vor.u32 $0x4, v5;
	_ =	sdelay $0x1  }
0x49: {  	s14 =	sadd.s32 $0x16580, s20;
	s13 =	sor.u32 s11, s10  }
0x4a: {  	s15 =	sor.u32 s19, s14;
	[tilespmem:s13+$0x0] =	vst v0  }
0x4b: {  	v0 =	vld.idx.msk [tilespmem:v1+s0+$0x0], $0xffff;
	[tilespmem:s15+$0x0] =	vst v2  }
0x4c: {  	v1 =	vor.u32 $0x4, v4;
	v2 =	vld.idx.msk [tilespmem:v3+s0+$0x0], $0xffff  }
0x4d: {  	v3 =	vor.u32 $0x5, v5;
	_ =	sdelay $0x1  }
0x4e: {  	s17 =	sadd.s32 $0x16600, s20;
	s16 =	sor.u32 s11, s14  }
0x4f: {  	s21 =	sor.u32 s19, s17;
	[tilespmem:s16+$0x0] =	vst v0  }
0x50: {  	v0 =	vld.idx.msk [tilespmem:v1+s0+$0x0], $0xffff;
	[tilespmem:s21+$0x0] =	vst v2  }
0x51: {  	v1 =	vor.u32 $0x5, v4;
	v2 =	vld.idx.msk [tilespmem:v3+s0+$0x0], $0xffff  }
0x52: {  	v3 =	vor.u32 $0x6, v5;
	_ =	sdelay $0x1  }
0x53: {  	s23 =	sadd.s32 $0x16680, s20;
	s22 =	sor.u32 s11, s17  }
0x54: {  	s24 =	sor.u32 s19, s23;
	[tilespmem:s22+$0x0] =	vst v0  }
0x55: {  	v0 =	vld.idx.msk [tilespmem:v1+s0+$0x0], $0xffff;
	[tilespmem:s24+$0x0] =	vst v2  }
0x56: {  	v1 =	vor.u32 $0x6, v4;
	v2 =	vld.idx.msk [tilespmem:v3+s0+$0x0], $0xffff  }
0x57: {  	v3 =	vor.u32 $0x7, v5;
	_ =	sdelay $0x1  }
0x58: {  	s25 =	sor.u32 s11, s23;
	s26 =	sadd.s32 $0x16700, s20  }
0x59: {  	s5 =	sor.u32 s19, s26;
	[tilespmem:s25+$0x0] =	vst v0  }
0x5a: {  	v0 =	vld.idx.msk [tilespmem:v1+s0+$0x0], $0xffff;
	[tilespmem:s5+$0x0] =	vst v2  }
0x5b: {  	v1 =	vor.u32 $0x7, v4;
	v2 =	vld.idx.msk [tilespmem:v3+s0+$0x0], $0xffff  }
0x5c: {  	v3 =	vor.u32 $0x8, v5;
	_ =	sdelay $0x1  }
0x5d: {  	s7 =	sadd.s32 $0x16780, s20;
	s6 =	sor.u32 s11, s26  }
0x5e: {  	s8 =	sor.u32 s19, s7;
	[tilespmem:s6+$0x0] =	vst v0  }
0x5f: {  	s9 =	simm.s32 $0x20;
	v0 =	vld.idx.msk [tilespmem:v1+s0+$0x0], $0xffff;
	[tilespmem:s8+$0x0] =	vst v2  }
0x60: {  	v1 =	vmov s9;
	v2 =	vor.u32 $0x8, v4;
	v3 =	vld.idx.msk [tilespmem:v3+s0+$0x0], $0xffff  }
0x61: {  	v7 =	vor.u32 $0x9, v5;
	v1 =	vshll.u32 v1, $0x5  }
0x62: {  	s10 =	simm.s32 $0x30;
	v1 =	vor.u32 v19, v1  }
0x63: {  	v6 =	vmov s10;
	s12 =	sor.u32 s11, s7;
	s13 =	sadd.s32 $0x17400, s20  }
0x64: {  	s14 =	sor.u32 s19, s13;
	[tilespmem:s12+$0x0] =	vst v0;
	v0 =	vshll.u32 v6, $0x5  }
0x65: {  	v2 =	vld.idx.msk [tilespmem:v2+s0+$0x0], $0xffff;
	v6 =	vor.u32 v19, v0;
	[tilespmem:s14+$0x0] =	vst v3  }
0x66: {  	v0 =	vor.u32 $0x9, v4;
	v3 =	vld.idx.msk [tilespmem:v7+s0+$0x0], $0xffff  }
0x67: {  	v8 =	vor.u32 $0xA, v5;
	v7 =	vld.idx.msk [tilespmem:v1+s0+$0x0], $0xffff  }
0x68: {  	s15 =	simm.s32 $0x100;
	v9 =	vor.u32 $0x1, v1  }
0x69: {  	s2 =	sor.u32 s11, s13;
	s13 =	sadd.s32 $0x17480, s20;
	s1 =	sand.u32 $0xC00, s15  }
0x6a: {  	s17 =	sor.u32 s19, s13;
	s16 =	sadd.s32 $0x16400, s1;
	s14 =	sand.u32 $0x60, s9;
	[tilespmem:s2+$0x0] =	vst v2;
	v2 =	vld.idx.msk [tilespmem:v6+s0+$0x0], $0xffff  }
0x6b: {  	v10 =	vor.u32 $0x1, v6;
	s12 =	sor.u32 s14, s16;
	v0 =	vld.idx.msk [tilespmem:v0+s0+$0x0], $0xffff;
	[tilespmem:s17+$0x0] =	vst v3  }
0x6c: {  	v3 =	vor.u32 $0xA, v4;
	[tilespmem:s12+$0x0] =	vst v7;
	v7 =	vld.idx.msk [tilespmem:v8+s0+$0x0], $0xffff  }
0x6d: {  	s12 =	sand.u32 $0x70, s10;
	v8 =	vld.idx.msk [tilespmem:v9+s0+$0x0], $0xffff;
	v9 =	vor.u32 $0xB, v5  }
0x6e: {  	v11 =	vor.u32 $0x2, v1;
	s2 =	sor.u32 s12, s16  }
0x6f: {  	s21 =	sor.u32 s11, s13;
	s22 =	sadd.s32 $0x17500, s20;
	[tilespmem:s2+$0x0] =	vst v2  }
0x70: {  	s23 =	sadd.s32 $0x16480, s1;
	s24 =	sor.u32 s19, s22;
	v2 =	vld.idx.msk [tilespmem:v10+s0+$0x0], $0xffff;
	[tilespmem:s21+$0x0] =	vst v0  }
0x71: {  	s25 =	sor.u32 s14, s23;
	v0 =	vor.u32 $0x2, v6;
	v3 =	vld.idx.msk [tilespmem:v3+s0+$0x0], $0xffff;
	[tilespmem:s24+$0x0] =	vst v7  }
0x72: {  	v7 =	vor.u32 $0xB, v4;
	[tilespmem:s25+$0x0] =	vst v8;
	v8 =	vld.idx.msk [tilespmem:v9+s0+$0x0], $0xffff  }
0x73: {  	v10 =	vor.u32 $0xC, v5;
	v9 =	vld.idx.msk [tilespmem:v11+s0+$0x0], $0xffff  }
0x74: {  	s5 =	sor.u32 s12, s23;
	v11 =	vor.u32 $0x3, v1  }
0x75: {  	s26 =	sadd.s32 $0x17580, s20;
	s2 =	sor.u32 s11, s22;
	[tilespmem:s5+$0x0] =	vst v2  }
0x76: {  	s7 =	sor.u32 s19, s26;
	s6 =	sadd.s32 $0x16500, s1;
	v0 =	vld.idx.msk [tilespmem:v0+s0+$0x0], $0xffff;
	[tilespmem:s2+$0x0] =	vst v3  }
0x77: {  	s8 =	sor.u32 s14, s6;
	v2 =	vor.u32 $0x3, v6;
	v3 =	vld.idx.msk [tilespmem:v7+s0+$0x0], $0xffff;
	[tilespmem:s7+$0x0] =	vst v8  }
0x78: {  	v7 =	vor.u32 $0xC, v4;
	[tilespmem:s8+$0x0] =	vst v9;
	v8 =	vld.idx.msk [tilespmem:v10+s0+$0x0], $0xffff  }
0x79: {  	v9 =	vld.idx.msk [tilespmem:v11+s0+$0x0], $0xffff;
	v10 =	vor.u32 $0xD, v5  }
0x7a: {  	s2 =	sor.u32 s12, s6;
	v11 =	vor.u32 $0x4, v1  }
0x7b: {  	s9 =	sadd.s32 $0x17600, s20;
	s5 =	sor.u32 s11, s26;
	[tilespmem:s2+$0x0] =	vst v0  }
0x7c: {  	s15 =	sadd.s32 $0x16580, s1;
	s16 =	sor.u32 s19, s9;
	v0 =	vld.idx.msk [tilespmem:v2+s0+$0x0], $0xffff;
	[tilespmem:s5+$0x0] =	vst v3  }
0x7d: {  	s17 =	sor.u32 s14, s15;
	v2 =	vor.u32 $0x4, v6;
	v3 =	vld.idx.msk [tilespmem:v7+s0+$0x0], $0xffff;
	[tilespmem:s16+$0x0] =	vst v8  }
0x7e: {  	v7 =	vor.u32 $0xD, v4;
	[tilespmem:s17+$0x0] =	vst v9;
	v8 =	vld.idx.msk [tilespmem:v10+s0+$0x0], $0xffff  }
0x7f: {  	v9 =	vld.idx.msk [tilespmem:v11+s0+$0x0], $0xffff;
	v10 =	vor.u32 $0xE, v5  }
0x80: {  	s5 =	sor.u32 s12, s15;
	v11 =	vor.u32 $0x5, v1  }
0x81: {  	s21 =	sadd.s32 $0x17680, s20;
	s2 =	sor.u32 s11, s9;
	[tilespmem:s5+$0x0] =	vst v0  }
0x82: {  	s22 =	sadd.s32 $0x16600, s1;
	s23 =	sor.u32 s19, s21;
	v0 =	vld.idx.msk [tilespmem:v2+s0+$0x0], $0xffff;
	[tilespmem:s2+$0x0] =	vst v3  }
0x83: {  	s24 =	sor.u32 s14, s22;
	v2 =	vor.u32 $0x5, v6;
	v3 =	vld.idx.msk [tilespmem:v7+s0+$0x0], $0xffff;
	[tilespmem:s23+$0x0] =	vst v8  }
0x84: {  	v7 =	vor.u32 $0xE, v4;
	[tilespmem:s24+$0x0] =	vst v9;
	v8 =	vld.idx.msk [tilespmem:v10+s0+$0x0], $0xffff  }
0x85: {  	v9 =	vld.idx.msk [tilespmem:v11+s0+$0x0], $0xffff;
	v10 =	vor.u32 $0xF, v5  }
0x86: {  	s2 =	sor.u32 s12, s22;
	v11 =	vor.u32 $0x6, v1  }
0x87: {  	s25 =	sadd.s32 $0x17700, s20;
	s5 =	sor.u32 s11, s21;
	[tilespmem:s2+$0x0] =	vst v0  }
0x88: {  	s26 =	sadd.s32 $0x16680, s1;
	s6 =	sor.u32 s19, s25;
	v0 =	vld.idx.msk [tilespmem:v2+s0+$0x0], $0xffff;
	[tilespmem:s5+$0x0] =	vst v3  }
0x89: {  	s7 =	sor.u32 s14, s26;
	v2 =	vor.u32 $0x6, v6;
	v3 =	vld.idx.msk [tilespmem:v7+s0+$0x0], $0xffff;
	[tilespmem:s6+$0x0] =	vst v8  }
0x8a: {  	v7 =	vor.u32 $0xF, v4;
	[tilespmem:s7+$0x0] =	vst v9;
	v8 =	vld.idx.msk [tilespmem:v10+s0+$0x0], $0xffff  }
0x8b: {  	v9 =	vld.idx.msk [tilespmem:v11+s0+$0x0], $0xffff;
	v10 =	vor.u32 $0x10, v5  }
0x8c: {  	s5 =	sor.u32 s12, s26;
	v11 =	vor.u32 $0x7, v1  }
0x8d: {  	s8 =	sadd.s32 $0x17780, s20;
	s2 =	sor.u32 s11, s25;
	[tilespmem:s5+$0x0] =	vst v0  }
0x8e: {  	s13 =	sor.u32 s19, s8;
	s9 =	sadd.s32 $0x16700, s1;
	v0 =	vld.idx.msk [tilespmem:v2+s0+$0x0], $0xffff;
	[tilespmem:s2+$0x0] =	vst v3  }
0x8f: {  	s15 =	sor.u32 s14, s9;
	v2 =	vor.u32 $0x7, v6;
	v3 =	vld.idx.msk [tilespmem:v7+s0+$0x0], $0xffff;
	[tilespmem:s13+$0x0] =	vst v8  }
0x90: {  	v7 =	vor.u32 $0x10, v4;
	[tilespmem:s15+$0x0] =	vst v9;
	v8 =	vld.idx.msk [tilespmem:v10+s0+$0x0], $0xffff  }
0x91: {  	v9 =	vld.idx.msk [tilespmem:v11+s0+$0x0], $0xffff;
	v10 =	vor.u32 $0x11, v5  }
0x92: {  	s2 =	sor.u32 s12, s9;
	v11 =	vor.u32 $0x8, v1  }
0x93: {  	s16 =	sadd.s32 $0x18400, s20;
	s5 =	sor.u32 s11, s8;
	[tilespmem:s2+$0x0] =	vst v0  }
0x94: {  	s17 =	sadd.s32 $0x16780, s1;
	s21 =	sor.u32 s19, s16;
	v0 =	vld.idx.msk [tilespmem:v2+s0+$0x0], $0xffff;
	[tilespmem:s5+$0x0] =	vst v3  }
0x95: {  	s22 =	sor.u32 s14, s17;
	v3 =	vor.u32 $0x8, v6;
	v7 =	vld.idx.msk [tilespmem:v7+s0+$0x0], $0xffff;
	[tilespmem:s21+$0x0] =	vst v8  }
0x96: {  	s23 =	simm.s32 $0x40;
	v8 =	vor.u32 $0x11, v4;
	[tilespmem:s22+$0x0] =	vst v9;
	v9 =	vld.idx.msk [tilespmem:v10+s0+$0x0], $0xffff  }
0x97: {  	s24 =	simm.s32 $0x50;
	v2 =	vmov s23;
	v10 =	vld.idx.msk [tilespmem:v11+s0+$0x0], $0xffff;
	v11 =	vor.u32 $0x12, v5  }
0x98: {  	v14 =	vor.u32 $0x9, v1;
	v12 =	vmov s24;
	s5 =	sor.u32 s12, s17;
	v2 =	vshll.u32 v2, $0x5  }
0x99: {  	s25 =	sadd.s32 $0x18480, s20;
	s2 =	sor.u32 s11, s16;
	v2 =	vor.u32 v19, v2;
	[tilespmem:s5+$0x0] =	vst v0;
	v0 =	vshll.u32 v12, $0x5  }
0x9a: {  	s26 =	sadd.s32 $0x17400, s1;
	s15 =	sor.u32 s19, s25;
	v3 =	vld.idx.msk [tilespmem:v3+s0+$0x0], $0xffff;
	[tilespmem:s2+$0x0] =	vst v7;
	v13 =	vor.u32 v19, v0  }
0x9b: {  	s16 =	sor.u32 s14, s26;
	v0 =	vor.u32 $0x9, v6;
	v7 =	vld.idx.msk [tilespmem:v8+s0+$0x0], $0xffff;
	[tilespmem:s15+$0x0] =	vst v9  }
0x9c: {  	v8 =	vor.u32 $0x12, v4;
	[tilespmem:s16+$0x0] =	vst v10;
	v9 =	vld.idx.msk [tilespmem:v11+s0+$0x0], $0xffff  }
0x9d: {  	v10 =	vld.idx.msk [tilespmem:v14+s0+$0x0], $0xffff;
	v11 =	vor.u32 $0x13, v5  }
0x9e: {  	s2 =	sor.u32 s12, s26;
	v12 =	vld.idx.msk [tilespmem:v2+s0+$0x0], $0xffff;
	v14 =	vor.u32 $0xA, v1  }
0x9f: {  	s6 =	simm.s32 $0x200;
	s21 =	sadd.s32 $0x18500, s20;
	v15 =	vor.u32 $0x1, v2;
	s5 =	sor.u32 s11, s25;
	[tilespmem:s2+$0x0] =	vst v3;
	v3 =	vld.idx.msk [tilespmem:v13+s0+$0x0], $0xffff  }
0xa0: {  	s7 =	sadd.s32 $0x17480, s1;
	s8 =	sor.u32 s19, s21;
	v16 =	vor.u32 $0x1, v13;
	s15 =	sand.u32 $0xC00, s6;
	[tilespmem:s5+$0x0] =	vst v7;
	v0 =	vld.idx.msk [tilespmem:v0+s0+$0x0], $0xffff  }
0xa1: {  	s22 =	sor.u32 s14, s7;
	s16 =	sand.u32 $0x60, s23;
	s9 =	sadd.s32 $0x16400, s15;
	v7 =	vor.u32 $0xA, v6;
	v8 =	vld.idx.msk [tilespmem:v8+s0+$0x0], $0xffff;
	[tilespmem:s8+$0x0] =	vst v9  }
0xa2: {  	s17 =	sand.u32 $0x70, s24;
	s13 =	sor.u32 s16, s9;
	v9 =	vor.u32 $0x13, v4;
	[tilespmem:s22+$0x0] =	vst v10;
	v10 =	vld.idx.msk [tilespmem:v11+s0+$0x0], $0xffff  }
0xa3: {  	s10 =	sor.u32 s17, s9;
	[tilespmem:s13+$0x0] =	vst v12;
	v12 =	vor.u32 $0x14, v5;
	v11 =	vld.idx.msk [tilespmem:v14+s0+$0x0], $0xffff  }
0xa4: {  	s2 =	sor.u32 s12, s7;
	v14 =	vld.idx.msk [tilespmem:v15+s0+$0x0], $0xffff;
	[tilespmem:s10+$0x0] =	vst v3;
	v3 =	vor.u32 $0xB, v1  }
0xa5: {  	s23 =	sadd.s32 $0x18580, s20;
	s22 =	sor.u32 s11, s21;
	v15 =	vld.idx.msk [tilespmem:v16+s0+$0x0], $0xffff;
	[tilespmem:s2+$0x0] =	vst v0;
	v0 =	vor.u32 $0x2, v2  }
0xa6: {  	s24 =	sadd.s32 $0x17500, s1;
	s25 =	sor.u32 s19, s23;
	v16 =	vor.u32 $0x2, v13;
	v7 =	vld.idx.msk [tilespmem:v7+s0+$0x0], $0xffff;
	[tilespmem:s22+$0x0] =	vst v8  }
0xa7: {  	s6 =	sor.u32 s14, s24;
	s26 =	sadd.s32 $0x16480, s15;
	v8 =	vor.u32 $0xB, v6;
	v9 =	vld.idx.msk [tilespmem:v9+s0+$0x0], $0xffff;
	[tilespmem:s25+$0x0] =	vst v10  }
0xa8: {  	s7 =	sor.u32 s16, s26;
	v10 =	vor.u32 $0x14, v4;
	[tilespmem:s6+$0x0] =	vst v11;
	v11 =	vld.idx.msk [tilespmem:v12+s0+$0x0], $0xffff  }
0xa9: {  	s13 =	sor.u32 s17, s26;
	[tilespmem:s7+$0x0] =	vst v14;
	v3 =	vld.idx.msk [tilespmem:v3+s0+$0x0], $0xffff;
	v12 =	vor.u32 $0x15, v5  }
0xaa: {  	s5 =	sor.u32 s12, s24;
	v14 =	vor.u32 $0xC, v1;
	v0 =	vld.idx.msk [tilespmem:v0+s0+$0x0], $0xffff;
	[tilespmem:s13+$0x0] =	vst v15  }
0xab: {  	s8 =	sadd.s32 $0x18600, s20;
	s2 =	sor.u32 s11, s23;
	v15 =	vld.idx.msk [tilespmem:v16+s0+$0x0], $0xffff;
	[tilespmem:s5+$0x0] =	vst v7;
	v7 =	vor.u32 $0x3, v2  }
0xac: {  	s9 =	sadd.s32 $0x17580, s1;
	s22 =	sor.u32 s19, s8;
	v16 =	vor.u32 $0x3, v13;
	v8 =	vld.idx.msk [tilespmem:v8+s0+$0x0], $0xffff;
	[tilespmem:s2+$0x0] =	vst v9  }
0xad: {  	s24 =	sor.u32 s14, s9;
	s23 =	sadd.s32 $0x16500, s15;
	v9 =	vor.u32 $0xC, v6;
	v10 =	vld.idx.msk [tilespmem:v10+s0+$0x0], $0xffff;
	[tilespmem:s22+$0x0] =	vst v11  }
0xae: {  	s25 =	sor.u32 s16, s23;
	v11 =	vor.u32 $0x15, v4;
	[tilespmem:s24+$0x0] =	vst v3;
	v3 =	vld.idx.msk [tilespmem:v12+s0+$0x0], $0xffff  }
0xaf: {  	s13 =	sor.u32 s17, s23;
	[tilespmem:s25+$0x0] =	vst v0;
	v0 =	vld.idx.msk [tilespmem:v14+s0+$0x0], $0xffff;
	v12 =	vor.u32 $0x16, v5  }
0xb0: {  	s2 =	sor.u32 s12, s9;
	v14 =	vor.u32 $0xD, v1;
	v7 =	vld.idx.msk [tilespmem:v7+s0+$0x0], $0xffff;
	[tilespmem:s13+$0x0] =	vst v15  }
0xb1: {  	s26 =	sadd.s32 $0x18680, s20;
	s5 =	sor.u32 s11, s8;
	v15 =	vld.idx.msk [tilespmem:v16+s0+$0x0], $0xffff;
	[tilespmem:s2+$0x0] =	vst v8;
	v8 =	vor.u32 $0x4, v2  }
0xb2: {  	s6 =	sadd.s32 $0x17600, s1;
	s7 =	sor.u32 s19, s26;
	v16 =	vor.u32 $0x4, v13;
	v9 =	vld.idx.msk [tilespmem:v9+s0+$0x0], $0xffff;
	[tilespmem:s5+$0x0] =	vst v10  }
0xb3: {  	s8 =	sadd.s32 $0x16580, s15;
	s9 =	sor.u32 s14, s6;
	v10 =	vor.u32 $0xD, v6;
	v11 =	vld.idx.msk [tilespmem:v11+s0+$0x0], $0xffff;
	[tilespmem:s7+$0x0] =	vst v3  }
0xb4: {  	s22 =	sor.u32 s16, s8;
	v3 =	vor.u32 $0x16, v4;
	[tilespmem:s9+$0x0] =	vst v0;
	v0 =	vld.idx.msk [tilespmem:v12+s0+$0x0], $0xffff  }
0xb5: {  	s13 =	sor.u32 s17, s8;
	[tilespmem:s22+$0x0] =	vst v7;
	v7 =	vld.idx.msk [tilespmem:v14+s0+$0x0], $0xffff;
	v12 =	vor.u32 $0x17, v5  }
0xb6: {  	s5 =	sor.u32 s12, s6;
	v14 =	vor.u32 $0xE, v1;
	v8 =	vld.idx.msk [tilespmem:v8+s0+$0x0], $0xffff;
	[tilespmem:s13+$0x0] =	vst v15  }
0xb7: {  	s23 =	sadd.s32 $0x18700, s20;
	s2 =	sor.u32 s11, s26;
	v15 =	vld.idx.msk [tilespmem:v16+s0+$0x0], $0xffff;
	[tilespmem:s5+$0x0] =	vst v9;
	v9 =	vor.u32 $0x5, v2  }
0xb8: {  	s24 =	sadd.s32 $0x17680, s1;
	s25 =	sor.u32 s19, s23;
	v16 =	vor.u32 $0x5, v13;
	v10 =	vld.idx.msk [tilespmem:v10+s0+$0x0], $0xffff;
	[tilespmem:s2+$0x0] =	vst v11  }
0xb9: {  	s26 =	sadd.s32 $0x16600, s15;
	s6 =	sor.u32 s14, s24;
	v11 =	vor.u32 $0xE, v6;
	v3 =	vld.idx.msk [tilespmem:v3+s0+$0x0], $0xffff;
	[tilespmem:s25+$0x0] =	vst v0  }
0xba: {  	s7 =	sor.u32 s16, s26;
	v0 =	vor.u32 $0x17, v4;
	[tilespmem:s6+$0x0] =	vst v7;
	v7 =	vld.idx.msk [tilespmem:v12+s0+$0x0], $0xffff  }
0xbb: {  	s13 =	sor.u32 s17, s26;
	[tilespmem:s7+$0x0] =	vst v8;
	v8 =	vld.idx.msk [tilespmem:v14+s0+$0x0], $0xffff;
	v12 =	vor.u32 $0x18, v5  }
0xbc: {  	s2 =	sor.u32 s12, s24;
	v14 =	vor.u32 $0xF, v1;
	v9 =	vld.idx.msk [tilespmem:v9+s0+$0x0], $0xffff;
	[tilespmem:s13+$0x0] =	vst v15  }
0xbd: {  	s8 =	sadd.s32 $0x18780, s20;
	s5 =	sor.u32 s11, s23;
	v15 =	vld.idx.msk [tilespmem:v16+s0+$0x0], $0xffff;
	[tilespmem:s2+$0x0] =	vst v10;
	v10 =	vor.u32 $0x6, v2  }
0xbe: {  	s9 =	sadd.s32 $0x17700, s1;
	s22 =	sor.u32 s19, s8;
	v16 =	vor.u32 $0x6, v13;
	v11 =	vld.idx.msk [tilespmem:v11+s0+$0x0], $0xffff;
	[tilespmem:s5+$0x0] =	vst v3  }
0xbf: {  	s23 =	sadd.s32 $0x16680, s15;
	s24 =	sor.u32 s14, s9;
	v3 =	vor.u32 $0xF, v6;
	v0 =	vld.idx.msk [tilespmem:v0+s0+$0x0], $0xffff;
	[tilespmem:s22+$0x0] =	vst v7  }
0xc0: {  	s25 =	sor.u32 s16, s23;
	v7 =	vor.u32 $0x18, v4;
	[tilespmem:s24+$0x0] =	vst v8;
	v8 =	vld.idx.msk [tilespmem:v12+s0+$0x0], $0xffff  }
0xc1: {  	s13 =	sor.u32 s17, s23;
	[tilespmem:s25+$0x0] =	vst v9;
	v9 =	vld.idx.msk [tilespmem:v14+s0+$0x0], $0xffff;
	v12 =	vor.u32 $0x19, v5  }
0xc2: {  	s5 =	sor.u32 s12, s9;
	v14 =	vor.u32 $0x10, v1;
	v10 =	vld.idx.msk [tilespmem:v10+s0+$0x0], $0xffff;
	[tilespmem:s13+$0x0] =	vst v15  }
0xc3: {  	s26 =	sadd.s32 $0x19400, s20;
	s2 =	sor.u32 s11, s8;
	v15 =	vld.idx.msk [tilespmem:v16+s0+$0x0], $0xffff;
	[tilespmem:s5+$0x0] =	vst v11;
	v11 =	vor.u32 $0x7, v2  }
0xc4: {  	s6 =	sadd.s32 $0x17780, s1;
	s7 =	sor.u32 s19, s26;
	v16 =	vor.u32 $0x7, v13;
	v3 =	vld.idx.msk [tilespmem:v3+s0+$0x0], $0xffff;
	[tilespmem:s2+$0x0] =	vst v0  }
0xc5: {  	s8 =	sadd.s32 $0x16700, s15;
	s9 =	sor.u32 s14, s6;
	v0 =	vor.u32 $0x10, v6;
	v7 =	vld.idx.msk [tilespmem:v7+s0+$0x0], $0xffff;
	[tilespmem:s7+$0x0] =	vst v8  }
0xc6: {  	s22 =	sor.u32 s16, s8;
	v8 =	vor.u32 $0x19, v4;
	[tilespmem:s9+$0x0] =	vst v9;
	v9 =	vld.idx.msk [tilespmem:v12+s0+$0x0], $0xffff  }
0xc7: {  	s13 =	sor.u32 s17, s8;
	[tilespmem:s22+$0x0] =	vst v10;
	v10 =	vld.idx.msk [tilespmem:v14+s0+$0x0], $0xffff;
	v12 =	vor.u32 $0x1A, v5  }
0xc8: {  	s2 =	sor.u32 s12, s6;
	v14 =	vor.u32 $0x11, v1;
	v11 =	vld.idx.msk [tilespmem:v11+s0+$0x0], $0xffff;
	[tilespmem:s13+$0x0] =	vst v15  }
0xc9: {  	s23 =	sadd.s32 $0x19480, s20;
	s5 =	sor.u32 s11, s26;
	v15 =	vld.idx.msk [tilespmem:v16+s0+$0x0], $0xffff;
	[tilespmem:s2+$0x0] =	vst v3;
	v3 =	vor.u32 $0x8, v2  }
0xca: {  	s24 =	sadd.s32 $0x18400, s1;
	s25 =	sor.u32 s19, s23;
	v16 =	vor.u32 $0x8, v13;
	v0 =	vld.idx.msk [tilespmem:v0+s0+$0x0], $0xffff;
	[tilespmem:s5+$0x0] =	vst v7  }
0xcb: {  	s26 =	sadd.s32 $0x16780, s15;
	s6 =	sor.u32 s14, s24;
	v7 =	vor.u32 $0x11, v6;
	v8 =	vld.idx.msk [tilespmem:v8+s0+$0x0], $0xffff;
	[tilespmem:s25+$0x0] =	vst v9  }
0xcc: {  	s7 =	sor.u32 s16, s26;
	v9 =	vor.u32 $0x1A, v4;
	[tilespmem:s6+$0x0] =	vst v10;
	v10 =	vld.idx.msk [tilespmem:v12+s0+$0x0], $0xffff  }
0xcd: {  	s10 =	simm.s32 $0x60;
	s13 =	sor.u32 s17, s26;
	[tilespmem:s7+$0x0] =	vst v11;
	v11 =	vld.idx.msk [tilespmem:v14+s0+$0x0], $0xffff;
	v12 =	vor.u32 $0x1B, v5  }
0xce: {  	s21 =	simm.s32 $0x70;
	s5 =	sor.u32 s12, s24;
	v14 =	vld.idx.msk [tilespmem:v3+s0+$0x0], $0xffff;
	[tilespmem:s13+$0x0] =	vst v15;
	v3 =	vmov s10;
	v15 =	vor.u32 $0x12, v1  }
0xcf: {  	v18 =	vor.u32 $0x9, v2;
	v17 =	vmov s21;
	s8 =	sadd.s32 $0x19500, s20;
	s2 =	sor.u32 s11, s23;
	v16 =	vld.idx.msk [tilespmem:v16+s0+$0x0], $0xffff;
	[tilespmem:s5+$0x0] =	vst v0;
	v0 =	vshll.u32 v3, $0x5  }
0xd0: {  	v17 =	vshll.u32 v17, $0x5;
	s9 =	sadd.s32 $0x18480, s1;
	s22 =	sor.u32 s19, s8;
	v7 =	vld.idx.msk [tilespmem:v7+s0+$0x0], $0xffff;
	[tilespmem:s2+$0x0] =	vst v8;
	v3 =	vor.u32 v19, v0  }
0xd1: {  	v20 =	vor.u32 v19, v17;
	s23 =	sor.u32 s14, s9;
	s24 =	sadd.s32 $0x17400, s15;
	v0 =	vld.idx.msk [tilespmem:v9+s0+$0x0], $0xffff;
	[tilespmem:s22+$0x0] =	vst v10  }
0xd2: {  	s25 =	sor.u32 s16, s24;
	v8 =	vor.u32 $0x9, v13;
	[tilespmem:s23+$0x0] =	vst v11;
	v9 =	vld.idx.msk [tilespmem:v12+s0+$0x0], $0xffff  }
0xd3: {  	s26 =	sor.u32 s17, s24;
	v10 =	vor.u32 $0x12, v6;
	[tilespmem:s25+$0x0] =	vst v14;
	v11 =	vld.idx.msk [tilespmem:v15+s0+$0x0], $0xffff  }
0xd4: {  	s2 =	sor.u32 s12, s9;
	v14 =	vor.u32 $0x1C, v5;
	v12 =	vld.idx.msk [tilespmem:v18+s0+$0x0], $0xffff;
	[tilespmem:s26+$0x0] =	vst v16  }
0xd5: {  	s5 =	sor.u32 s11, s8;
	s23 =	sadd.s32 $0x19580, s20;
	v16 =	vor.u32 $0x13, v1;
	v15 =	vld.idx.msk [tilespmem:v3+s0+$0x0], $0xffff;
	[tilespmem:s2+$0x0] =	vst v7  }
0xd6: {  	s29 =	simm.s32 $0x300;
	v17 =	vor.u32 $0xA, v2;
	s6 =	sor.u32 s19, s23;
	v7 =	vld.idx.msk [tilespmem:v20+s0+$0x0], $0xffff;
	s2 =	sadd.s32 $0x18500, s1;
	[tilespmem:s5+$0x0] =	vst v0  }
0xd7: {  	s7 =	sadd.s32 $0x17480, s15;
	s13 =	sand.u32 $0xC00, s29;
	v8 =	vld.idx.msk [tilespmem:v8+s0+$0x0], $0xffff;
	v0 =	vor.u32 $0x1, v3;
	s24 =	sor.u32 s14, s2;
	[tilespmem:s6+$0x0] =	vst v9  }
0xd8: {  	s25 =	sadd.s32 $0x16400, s13;
	v18 =	vor.u32 $0x1, v20;
	s26 =	sor.u32 s16, s7;
	s5 =	sand.u32 $0x60, s10;
	v10 =	vld.idx.msk [tilespmem:v10+s0+$0x0], $0xffff;
	[tilespmem:s24+$0x0] =	vst v11  }
0xd9: {  	s10 =	sand.u32 $0x70, s21;
	s8 =	sor.u32 s5, s25;
	v9 =	vor.u32 $0xA, v13;
	v11 =	vld.idx.msk [tilespmem:v14+s0+$0x0], $0xffff;
	[tilespmem:s26+$0x0] =	vst v12  }
0xda: {  	s9 =	sor.u32 s10, s25;
	v14 =	vor.u32 $0x13, v6;
	v12 =	vld.idx.msk [tilespmem:v16+s0+$0x0], $0xffff;
	[tilespmem:s8+$0x0] =	vst v15  }
0xdb: {  	s25 =	sor.u32 s17, s7;
	v16 =	vor.u32 $0x1D, v5;
	v15 =	vld.idx.msk [tilespmem:v17+s0+$0x0], $0xffff;
	[tilespmem:s9+$0x0] =	vst v7  }
0xdc: {  	s2 =	sor.u32 s12, s2;
	s21 =	sadd.s32 $0x19600, s20;
	v7 =	vor.u32 $0x14, v1;
	[tilespmem:s25+$0x0] =	vst v8;
	v0 =	vld.idx.msk [tilespmem:v0+s0+$0x0], $0xffff  }
0xdd: {  	s22 =	sadd.s32 $0x18580, s1;
	s26 =	sor.u32 s19, s21;
	v17 =	vld.idx.msk [tilespmem:v18+s0+$0x0], $0xffff;
	v18 =	vor.u32 $0xB, v2;
	[tilespmem:s2+$0x0] =	vst v10  }
0xde: {  	s24 =	sadd.s32 $0x17500, s15;
	s6 =	sor.u32 s14, s22;
	v8 =	vor.u32 $0x2, v3;
	v9 =	vld.idx.msk [tilespmem:v9+s0+$0x0], $0xffff;
	[tilespmem:s26+$0x0] =	vst v11  }
0xdf: {  	s7 =	sadd.s32 $0x16480, s13;
	s8 =	sor.u32 s16, s24;
	v10 =	vor.u32 $0x2, v20;
	v14 =	vld.idx.msk [tilespmem:v14+s0+$0x0], $0xffff;
	[tilespmem:s6+$0x0] =	vst v12  }
0xe0: {  	s9 =	sor.u32 s5, s7;
	v11 =	vor.u32 $0xB, v13;
	v12 =	vld.idx.msk [tilespmem:v16+s0+$0x0], $0xffff;
	[tilespmem:s8+$0x0] =	vst v15  }
0xe1: {  	s2 =	sor.u32 s10, s7;
	v16 =	vor.u32 $0x14, v6;
	v7 =	vld.idx.msk [tilespmem:v7+s0+$0x0], $0xffff;
	[tilespmem:s9+$0x0] =	vst v0  }
0xe2: {  	s24 =	sor.u32 s17, s24;
	v15 =	vor.u32 $0x1E, v5;
	v0 =	vld.idx.msk [tilespmem:v18+s0+$0x0], $0xffff;
	[tilespmem:s2+$0x0] =	vst v17  }
0xe3: {  	s22 =	sor.u32 s12, s22;
	v17 =	vor.u32 $0x15, v1;
	s2 =	sadd.s32 $0x19680, s20;
	v8 =	vld.idx.msk [tilespmem:v8+s0+$0x0], $0xffff;
	[tilespmem:s24+$0x0] =	vst v9  }
0xe4: {  	v18 =	vor.u32 $0xC, v2;
	v10 =	vld.idx.msk [tilespmem:v10+s0+$0x0], $0xffff;
	s6 =	sor.u32 s19, s2;
	s24 =	sadd.s32 $0x18600, s1;
	[tilespmem:s22+$0x0] =	vst v14  }
0xe5: {  	s25 =	sadd.s32 $0x17580, s15;
	v9 =	vor.u32 $0x3, v3;
	v11 =	vld.idx.msk [tilespmem:v11+s0+$0x0], $0xffff;
	s7 =	sor.u32 s14, s24;
	[tilespmem:s6+$0x0] =	vst v12  }
0xe6: {  	s8 =	sadd.s32 $0x16500, s13;
	v14 =	vor.u32 $0x3, v20;
	v16 =	vld.idx.msk [tilespmem:v16+s0+$0x0], $0xffff;
	s6 =	sor.u32 s16, s25;
	[tilespmem:s7+$0x0] =	vst v7  }
0xe7: {  	s9 =	sor.u32 s5, s8;
	v12 =	vor.u32 $0xC, v13;
	v7 =	vld.idx.msk [tilespmem:v15+s0+$0x0], $0xffff;
	[tilespmem:s6+$0x0] =	vst v0  }
0xe8: {  	s22 =	sor.u32 s10, s8;
	v15 =	vor.u32 $0x15, v6;
	v0 =	vld.idx.msk [tilespmem:v17+s0+$0x0], $0xffff;
	[tilespmem:s9+$0x0] =	vst v8  }
0xe9: {  	v5 =	vor.u32 $0x1F, v5;
	s25 =	sor.u32 s17, s25;
	v8 =	vld.idx.msk [tilespmem:v18+s0+$0x0], $0xffff;
	[tilespmem:s22+$0x0] =	vst v10  }
0xea: {  	s26 =	sor.u32 s12, s24;
	v10 =	vor.u32 $0x16, v1;
	s22 =	sadd.s32 $0x19700, s20;
	v9 =	vld.idx.msk [tilespmem:v9+s0+$0x0], $0xffff;
	[tilespmem:s25+$0x0] =	vst v11  }
0xeb: {  	s24 =	sadd.s32 $0x18680, s1;
	v17 =	vor.u32 $0xD, v2;
	s7 =	sor.u32 s19, s22;
	v14 =	vld.idx.msk [tilespmem:v14+s0+$0x0], $0xffff;
	[tilespmem:s26+$0x0] =	vst v16  }
0xec: {  	s8 =	sor.u32 s14, s24;
	v11 =	vor.u32 $0x4, v3;
	s25 =	sadd.s32 $0x17600, s15;
	v12 =	vld.idx.msk [tilespmem:v12+s0+$0x0], $0xffff;
	[tilespmem:s7+$0x0] =	vst v7  }
0xed: {  	s9 =	sadd.s32 $0x16580, s13;
	v16 =	vor.u32 $0x4, v20;
	v15 =	vld.idx.msk [tilespmem:v15+s0+$0x0], $0xffff;
	s7 =	sor.u32 s16, s25;
	[tilespmem:s8+$0x0] =	vst v0  }
0xee: {  	v7 =	vor.u32 $0xD, v13;
	s8 =	sor.u32 s5, s9;
	v0 =	vld.idx.msk [tilespmem:v5+s0+$0x0], $0xffff;
	[tilespmem:s7+$0x0] =	vst v8  }
0xef: {  	s6 =	sor.u32 s10, s9;
	v5 =	vor.u32 $0x16, v6;
	v8 =	vld.idx.msk [tilespmem:v10+s0+$0x0], $0xffff;
	[tilespmem:s8+$0x0] =	vst v9  }
0xf0: {  	s9 =	sor.u32 s17, s25;
	v10 =	vor.u32 $0x1B, v4;
	v9 =	vld.idx.msk [tilespmem:v17+s0+$0x0], $0xffff;
	[tilespmem:s6+$0x0] =	vst v14  }
0xf1: {  	s20 =	sadd.s32 $0x19780, s20;
	s25 =	sor.u32 s12, s24;
	v11 =	vld.idx.msk [tilespmem:v11+s0+$0x0], $0xffff;
	v14 =	vor.u32 $0x17, v1;
	[tilespmem:s9+$0x0] =	vst v12  }
0xf2: {  	s26 =	sor.u32 s19, s20;
	s7 =	sadd.s32 $0x18700, s1;
	v17 =	vor.u32 $0xE, v2;
	v16 =	vld.idx.msk [tilespmem:v16+s0+$0x0], $0xffff;
	[tilespmem:s25+$0x0] =	vst v15  }
0xf3: {  	s19 =	sadd.s32 $0x17680, s15;
	s8 =	sor.u32 s14, s7;
	v12 =	vor.u32 $0x5, v3;
	v7 =	vld.idx.msk [tilespmem:v7+s0+$0x0], $0xffff;
	[tilespmem:s26+$0x0] =	vst v0  }
0xf4: {  	s9 =	sadd.s32 $0x16600, s13;
	v15 =	vor.u32 $0x5, v20;
	v5 =	vld.idx.msk [tilespmem:v5+s0+$0x0], $0xffff;
	s26 =	sor.u32 s16, s19;
	[tilespmem:s8+$0x0] =	vst v8  }
0xf5: {  	v0 =	vor.u32 $0xE, v13;
	v8 =	vld.idx.msk [tilespmem:v10+s0+$0x0], $0xffff;
	s8 =	sor.u32 s5, s9;
	[tilespmem:s26+$0x0] =	vst v9  }
0xf6: {  	s6 =	sor.u32 s10, s9;
	v10 =	vor.u32 $0x17, v6;
	v9 =	vld.idx.msk [tilespmem:v14+s0+$0x0], $0xffff;
	[tilespmem:s8+$0x0] =	vst v11  }
0xf7: {  	s19 =	sor.u32 s17, s19;
	v14 =	vor.u32 $0x1C, v4;
	v17 =	vld.idx.msk [tilespmem:v17+s0+$0x0], $0xffff;
	[tilespmem:s6+$0x0] =	vst v16  }
0xf8: {  	s9 =	sor.u32 s12, s7;
	v12 =	vld.idx.msk [tilespmem:v12+s0+$0x0], $0xffff;
	v16 =	vor.u32 $0x18, v1;
	[tilespmem:s19+$0x0] =	vst v7  }
0xf9: {  	s24 =	sor.u32 s11, s23;
	v15 =	vld.idx.msk [tilespmem:v15+s0+$0x0], $0xffff;
	s19 =	sadd.s32 $0x18780, s1;
	[tilespmem:s9+$0x0] =	vst v5  }
0xfa: {  	s6 =	sadd.s32 $0x17700, s15;
	v0 =	vld.idx.msk [tilespmem:v0+s0+$0x0], $0xffff;
	s25 =	sor.u32 s14, s19;
	[tilespmem:s24+$0x0] =	vst v8  }
0xfb: {  	v19 =	vor.u32 $0xF, v2;
	s8 =	sor.u32 s16, s6;
	v10 =	vld.idx.msk [tilespmem:v10+s0+$0x0], $0xffff;
	[tilespmem:s25+$0x0] =	vst v9  }
0xfc: {  	v11 =	vor.u32 $0x13, v13;
	v9 =	vld.idx.msk [tilespmem:v14+s0+$0x0], $0xffff;
	[tilespmem:s8+$0x0] =	vst v17  }
0xfd: {  	v22 =	vor.u32 $0x6, v3;
	s26 =	sadd.s32 $0x16680, s13;
	v25 =	vld.idx.msk [tilespmem:v16+s0+$0x0], $0xffff;
	[tilespmem:$0x1FF90] =	vst v11;
	v11 =	vor.u32 $0x14, v13  }
0xfe: {  	v5 =	vor.u32 $0x6, v20;
	s9 =	sor.u32 s5, s26;
	[tilespmem:$0x1FFA0] =	vst v11  }
0xff: {  	v21 =	vor.u32 $0x1E, v4;
	v8 =	vor.u32 $0xF, v13;
	v11 =	vor.u32 $0x15, v13;
	[tilespmem:s9+$0x0] =	vst v12  }
0x100: {  	v36 =	vor.u32 $0x1F, v4;
	v18 =	vor.u32 $0x1D, v4;
	v4 =	vor.u32 $0x18, v6;
	s7 =	sor.u32 s10, s26;
	v27 =	vld.idx.msk [tilespmem:v19+s0+$0x0], $0xffff;
	[tilespmem:$0x1FFB0] =	vst v11  }
0x101: {  	v39 =	vor.u32 $0x1A, v6;
	v60 =	vor.u32 $0x1B, v6;
	v59 =	vor.u32 $0x1C, v6;
	s6 =	sor.u32 s17, s6;
	[tilespmem:s7+$0x0] =	vst v15  }
0x102: {  	v24 =	vor.u32 $0x1D, v6;
	v23 =	vor.u32 $0x1E, v6;
	v30 =	vor.u32 $0x10, v2;
	s23 =	sor.u32 s12, s19;
	v28 =	vld.idx.msk [tilespmem:v22+s0+$0x0], $0xffff;
	[tilespmem:s6+$0x0] =	vst v0  }
0x103: {  	v44 =	vor.u32 $0x11, v13;
	v38 =	vor.u32 $0x12, v13;
	s24 =	sor.u32 s11, s21;
	s19 =	sadd.s32 $0x19400, s1;
	v15 =	vor.u32 $0x19, v1;
	[tilespmem:s23+$0x0] =	vst v10;
	v5 =	vld.idx.msk [tilespmem:v5+s0+$0x0], $0xffff  }
0x104: {  	v63 =	vor.u32 $0x16, v13;
	v33 =	vor.u32 $0x17, v13;
	s26 =	sor.u32 s14, s19;
	s25 =	sadd.s32 $0x17780, s15;
	v0 =	vor.u32 $0x7, v3;
	[tilespmem:s24+$0x0] =	vst v9;
	v8 =	vld.idx.msk [tilespmem:v8+s0+$0x0], $0xffff  }
0x105: {  	v52 =	vor.u32 $0x18, v13;
	v29 =	vor.u32 $0x19, v13;
	v31 =	vor.u32 $0x7, v20;
	s8 =	sadd.s32 $0x16700, s13;
	s9 =	sor.u32 s16, s25;
	v11 =	vld.idx.msk [tilespmem:v4+s0+$0x0], $0xffff;
	[tilespmem:s26+$0x0] =	vst v25  }
0x106: {  	v26 =	vor.u32 $0x1A, v13;
	v7 =	vor.u32 $0x19, v6;
	v14 =	vor.u32 $0x1F, v6;
	s24 =	sor.u32 s5, s8;
	v9 =	vld.idx.msk [tilespmem:v18+s0+$0x0], $0xffff;
	[tilespmem:s9+$0x0] =	vst v27  }
0x107: {  	v6 =	vor.u32 $0x10, v13;
	v17 =	vor.u32 $0x1D, v13;
	v16 =	vor.u32 $0x1E, v13;
	s6 =	sor.u32 s10, s8;
	v50 =	vld.idx.msk [tilespmem:v30+s0+$0x0], $0xffff;
	[tilespmem:s24+$0x0] =	vst v28  }
0x108: {  	v19 =	vor.u32 $0x1C, v13;
	v12 =	vor.u32 $0x1F, v13;
	v22 =	vor.u32 $0x1B, v13;
	s7 =	sor.u32 s17, s25;
	v13 =	vld.idx.msk [tilespmem:v15+s0+$0x0], $0xffff;
	[tilespmem:s6+$0x0] =	vst v5  }
0x109: {  	v53 =	vor.u32 $0x11, v2;
	v49 =	vor.u32 $0x8, v20;
	v4 =	vor.u32 $0x13, v20;
	v51 =	vld.idx.msk [tilespmem:v0+s0+$0x0], $0xffff;
	[tilespmem:s7+$0x0] =	vst v8  }
0x10a: {  	v48 =	vor.u32 $0x9, v20;
	v46 =	vor.u32 $0xA, v20;
	v0 =	vld.idx.msk [tilespmem:v31+s0+$0x0], $0xffff;
	[tilespmem:$0x1FFC0] =	vst v4;
	v4 =	vor.u32 $0x14, v20  }
0x10b: {  	v45 =	vor.u32 $0xB, v20;
	v43 =	vor.u32 $0xC, v20;
	v10 =	vor.u32 $0x1A, v1;
	s25 =	sor.u32 s12, s19;
	[tilespmem:$0x1FFD0] =	vst v4  }
0x10c: {  	v42 =	vor.u32 $0xD, v20;
	v41 =	vor.u32 $0xE, v20;
	v5 =	vor.u32 $0x15, v20;
	[tilespmem:s25+$0x0] =	vst v11  }
0x10d: {  	v40 =	vor.u32 $0xF, v20;
	v37 =	vor.u32 $0x10, v20;
	v47 =	vor.u32 $0x11, v20;
	s2 =	sor.u32 s11, s2;
	s26 =	sadd.s32 $0x19480, s1;
	v4 =	vld.idx.msk [tilespmem:v6+s0+$0x0], $0xffff;
	[tilespmem:$0x1FFE0] =	vst v5  }
0x10e: {  	v61 =	vor.u32 $0x12, v20;
	v34 =	vor.u32 $0x16, v20;
	s22 =	sor.u32 s11, s22;
	v25 =	vor.u32 $0x19, v20;
	s8 =	sor.u32 s14, s26;
	s6 =	sadd.s32 $0x18400, s15;
	v5 =	vld.idx.msk [tilespmem:v7+s0+$0x0], $0xffff;
	[tilespmem:s2+$0x0] =	vst v9  }
0x10f: {  	s20 =	sor.u32 s11, s20;
	v18 =	vor.u32 $0x1D, v20;
	v27 =	vor.u32 $0x18, v20;
	s9 =	sadd.s32 $0x16780, s13;
	v30 =	vor.u32 $0x17, v20;
	s25 =	sor.u32 s16, s6;
	[tilespmem:s8+$0x0] =	vst v13;
	v6 =	vld.idx.msk [tilespmem:v21+s0+$0x0], $0xffff  }
0x110: {  	s11 =	simm.s32 $0x90;
	s23 =	sor.u32 s12, s26;
	s26 =	sor.u32 s5, s9;
	v28 =	vor.u32 $0x1B, v20;
	v15 =	vor.u32 $0x1F, v20;
	v8 =	vor.u32 $0x8, v3;
	[tilespmem:s25+$0x0] =	vst v50;
	v7 =	vld.idx.msk [tilespmem:v10+s0+$0x0], $0xffff  }
0x111: {  	s19 =	simm.s32 $0x6;
	v31 =	vor.u32 $0x1A, v20;
	s24 =	sor.u32 s17, s6;
	v13 =	vor.u32 $0x1E, v20;
	[tilespmem:s26+$0x0] =	vst v51;
	s25 =	sor.u32 s10, s9;
	v21 =	vor.u32 $0x1C, v20;
	v9 =	vld.idx.msk [tilespmem:v53+s0+$0x0], $0xffff  }
.LBB2_6:
0x112: {  	[tilespmem:$0x1FEA0] =	vst v33  }
0x113: {  	[tilespmem:$0x1FEE0] =	vst v18  }
0x114: {  	[tilespmem:$0x1FED0] =	vst v17  }
0x115: {  	[tilespmem:$0x1FF50] =	vst v23  }
0x116: {  	[tilespmem:$0x1FF20] =	vst v29  }
0x117: {  	[tilespmem:$0x1FF30] =	vst v25  }
0x118: {  	[tilespmem:$0x1FF60] =	vst v16  }
0x119: {  	[tilespmem:$0x1FF70] =	vst v13  }
0x11a: {  	v11 =	vld [tilespmem:$0x1FFF0];
	[tilespmem:s25+$0x0] =	vst v0  }
0x11b: {  	s6 =	sadd.s32 $0x19500, s1;
	v54 =	vld.idx.msk [tilespmem:v49+s0+$0x0], $0xffff;
	[tilespmem:s24+$0x0] =	vst v4  }
0x11c: {  	s9 =	sor.u32 s14, s6;
	v57 =	vld.idx.msk [tilespmem:v44+s0+$0x0], $0xffff;
	[tilespmem:s23+$0x0] =	vst v5  }
0x11d: {  	v51 =	vld.idx.msk [tilespmem:v8+s0+$0x0], $0xffff;
	s7 =	sadd.s32 $0x18480, s15;
	[tilespmem:s9+$0x0] =	vst v7  }
0x11e: {  	v53 =	vor.u32 $0x1B, v1;
	s25 =	sor.u32 s16, s7;
	v58 =	vld.idx.msk [tilespmem:v39+s0+$0x0], $0xffff;
	[tilespmem:s22+$0x0] =	vst v6  }
0x11f: {  	s2 =	sadd.s32 $0xFFFFFFF0, s11;
	v7 =	vmov v15;
	[tilespmem:s25+$0x0] =	vst v9  }
0x120: {  	v55 =	vor.u32 $0x12, v2;
	v0 =	vmov s2;
	v16 =	vmov v31;
	[tilespmem:$0x1FF00] =	vst v7  }
0x121: {  	v50 =	vmov s11;
	v4 =	vor.u32 $0x9, v3;
	s24 =	sadd.s32 $0x17400, s13;
	v0 =	vshll.u32 v0, $0x5;
	v9 =	vmovc v12;
	[tilespmem:$0x1FEC0] =	vst v16  }
0x122: {  	v8 =	vshll.u32 v50, $0x5;
	s26 =	sor.u32 s5, s24;
	v0 =	vor.u32 v11, v0;
	[tilespmem:$0x1FF40] =	vst v9  }
0x123: {  	s22 =	sor.u32 s10, s24;
	v10 =	vor.u32 v11, v8;
	v31 =	vld.idx.msk [tilespmem:v53+s0+$0x0], $0xffff;
	[tilespmem:s26+$0x0] =	vst v51  }
0x124: {  	v6 =	vld.idx.msk [tilespmem:v36+s0+$0x0], $0xffff;
	v36 =	vmov v14;
	v14 =	vor.u32 $0x6, v10;
	[tilespmem:s22+$0x0] =	vst v54  }
0x125: {  	v13 =	vor.u32 $0x7, v10;
	v20 =	vld.idx.msk [tilespmem:v55+s0+$0x0], $0xffff;
	[tilespmem:$0x1FEB0] =	vst v14  }
0x126: {  	s7 =	sor.u32 s17, s7;
	[tilespmem:$0x1FEF0] =	vst v13;
	v14 =	vld.idx.msk [tilespmem:v4+s0+$0x0], $0xffff  }
0x127: {  	v33 =	vmovc v28;
	v28 =	vmov v60;
	v18 =	vor.u32 $0xA, v3;
	s6 =	sor.u32 s12, s6;
	v54 =	vor.u32 $0x1C, v1;
	[tilespmem:s7+$0x0] =	vst v57;
	s7 =	sadd.s32 $0x19580, s1;
	v15 =	vld.idx.msk [tilespmem:v0+s0+$0x0], $0xffff  }
0x128: {  	v32 =	vmovc v34;
	v34 =	vmovc v63;
	v16 =	vor.u32 $0x13, v2;
	v11 =	vor.u32 $0x1, v10;
	v8 =	vor.u32 $0x2, v10;
	s8 =	sor.u32 s14, s7;
	v17 =	vld.idx.msk [tilespmem:v10+s0+$0x0], $0xffff;
	[tilespmem:s6+$0x0] =	vst v58  }
0x129: {  	v35 =	vmovc v30;
	v30 =	vmovc v22;
	s29 =	sadd.s32 $0x100, s29;
	v5 =	vor.u32 $0x3, v10;
	v60 =	vor.u32 $0x4, v10;
	v56 =	vor.u32 $0x5, v10;
	s6 =	sadd.s32 $0x18500, s15;
	[tilespmem:s8+$0x0] =	vst v31;
	v22 =	vld.idx.msk [tilespmem:v48+s0+$0x0], $0xffff  }
0x12a: {  	v39 =	vmovc v26;
	s25 =	sand.u32 $0xC00, s29;
	v26 =	vmovc v24;
	v49 =	vor.u32 $0x8, v10;
	v9 =	vor.u32 $0x9, v10;
	v12 =	vor.u32 $0xA, v10;
	[tilespmem:s20+$0x0] =	vst v6;
	s20 =	sadd.s32 $0x17480, s13;
	s9 =	sor.u32 s16, s6  }
0x12b: {  	s21 =	sand.u32 $0x70, s11;
	v51 =	vmovc v27;
	v27 =	vmovc v59;
	v7 =	vor.u32 $0xC, v10;
	v63 =	vor.u32 $0xD, v10;
	v59 =	vor.u32 $0xE, v10;
	s22 =	sadd.s32 $0x16400, s25;
	v24 =	vld.idx.msk [tilespmem:v38+s0+$0x0], $0xffff;
	s24 =	sor.u32 s5, s20;
	[tilespmem:s9+$0x0] =	vst v20  }
0x12c: {  	v29 =	vmovc v19;
	v44 =	vmovc v47;
	v55 =	vor.u32 $0xF, v10;
	v47 =	vor.u32 $0x11, v10;
	v19 =	vor.u32 $0x1, v0;
	s9 =	sor.u32 s21, s22;
	v20 =	vld.idx.msk [tilespmem:v54+s0+$0x0], $0xffff;
	[tilespmem:s24+$0x0] =	vst v14  }
0x12d: {  	v50 =	vmovc v52;
	v52 =	vmovc v21;
	v62 =	vor.u32 $0x12, v10;
	v21 =	vor.u32 $0x13, v10;
	v23 =	vor.u32 $0x14, v10;
	s20 =	sor.u32 s10, s20;
	v16 =	vld.idx.msk [tilespmem:v16+s0+$0x0], $0xffff;
	[tilespmem:s9+$0x0] =	vst v17  }
0x12e: {  	s26 =	sand.u32 $0x60, s2;
	v53 =	vor.u32 $0x19, v10;
	v13 =	vor.u32 $0xB, v10;
	v4 =	vor.u32 $0x10, v10;
	v11 =	vld.idx.msk [tilespmem:v11+s0+$0x0], $0xffff;
	[tilespmem:s20+$0x0] =	vst v22  }
0x12f: {  	v25 =	vmovc v62;
	v57 =	vor.u32 $0x18, v10;
	v62 =	vor.u32 $0x1C, v10;
	[tilespmem:$0x1FF10] =	vst v4;
	v4 =	vor.u32 $0x16, v10;
	s8 =	sor.u32 s26, s22;
	v14 =	vld.idx.msk [tilespmem:v46+s0+$0x0], $0xffff  }
0x130: {  	v58 =	vor.u32 $0x1D, v10;
	v31 =	vor.u32 $0x1F, v10;
	v48 =	vmovc v9;
	v9 =	vor.u32 $0x15, v10;
	[tilespmem:s8+$0x0] =	vst v15;
	v46 =	vmovc v12;
	v12 =	vld [tilespmem:$0x1FF90]  }
0x131: {  	v6 =	vor.u32 $0x1A, v10;
	v38 =	vmovc v61;
	v61 =	vor.u32 $0x17, v10;
	v15 =	vld.idx.msk [tilespmem:v18+s0+$0x0], $0xffff;
	v18 =	vor.u32 $0x1D, v1  }
0x132: {  	s23 =	sadd.s32 $0x19600, s1;
	s6 =	sor.u32 s17, s6;
	[tilespmem:$0x1FF80] =	vst v6;
	v6 =	vor.u32 $0x1B, v10;
	v54 =	vor.u32 $0x1E, v10;
	v10 =	vor.u32 $0x14, v2  }
0x133: {  	s24 =	sadd.s32 $0x18580, s15;
	s8 =	sor.u32 s14, s23;
	v19 =	vld.idx.msk [tilespmem:v19+s0+$0x0], $0xffff;
	[tilespmem:s6+$0x0] =	vst v24  }
0x134: {  	s22 =	sadd.s32 $0x17500, s13;
	v17 =	vor.u32 $0xB, v3;
	s9 =	sor.u32 s16, s24;
	[tilespmem:s8+$0x0] =	vst v20  }
0x135: {  	v22 =	vor.u32 $0x2, v0;
	v24 =	vld [tilespmem:$0x1FFC0];
	s8 =	sor.u32 s5, s22;
	[tilespmem:s9+$0x0] =	vst v16  }
0x136: {  	s20 =	sor.u32 s17, s24;
	s24 =	sadd.s32 $0x16480, s25;
	v16 =	vld.idx.msk [tilespmem:v18+s0+$0x0], $0xffff;
	[tilespmem:s8+$0x0] =	vst v15  }
0x137: {  	s9 =	sor.u32 s26, s24;
	v10 =	vld.idx.msk [tilespmem:v10+s0+$0x0], $0xffff  }
0x138: {  	[tilespmem:s9+$0x0] =	vst v19;
	v12 =	vld.idx.msk [tilespmem:v12+s0+$0x0], $0xffff  }
0x139: {  	s6 =	sor.u32 s21, s24;
	v15 =	vld.idx.msk [tilespmem:v17+s0+$0x0], $0xffff  }
0x13a: {  	s2 =	sor.u32 s12, s7;
	s7 =	sor.u32 s10, s22;
	v18 =	vld.idx.msk [tilespmem:v22+s0+$0x0], $0xffff;
	[tilespmem:s6+$0x0] =	vst v11  }
0x13b: {  	v20 =	vmov v21;
	v8 =	vld.idx.msk [tilespmem:v8+s0+$0x0], $0xffff;
	[tilespmem:s7+$0x0] =	vst v14  }
0x13c: {  	[tilespmem:$0x1FFC0] =	vst v20;
	v17 =	vor.u32 $0x1E, v1;
	v20 =	vld.idx.msk [tilespmem:v45+s0+$0x0], $0xffff  }
0x13d: {  	s24 =	sadd.s32 $0x19680, s1;
	v11 =	vor.u32 $0x15, v2;
	[tilespmem:s20+$0x0] =	vst v12;
	v12 =	vld [tilespmem:$0x1FFA0]  }
0x13e: {  	s8 =	sor.u32 s14, s24;
	v19 =	vor.u32 $0xC, v3;
	s7 =	sadd.s32 $0x18600, s15  }
0x13f: {  	s22 =	sadd.s32 $0x17580, s13;
	v14 =	vor.u32 $0x3, v0;
	[tilespmem:s8+$0x0] =	vst v16;
	s9 =	sor.u32 s16, s7  }
0x140: {  	v16 =	vld [tilespmem:$0x1FFD0];
	s8 =	sor.u32 s5, s22;
	[tilespmem:s9+$0x0] =	vst v10;
	s20 =	sadd.s32 $0x16500, s25  }
0x141: {  	v10 =	vld.idx.msk [tilespmem:v17+s0+$0x0], $0xffff;
	[tilespmem:s8+$0x0] =	vst v15;
	s9 =	sor.u32 s26, s20  }
0x142: {  	v45 =	vmov v13;
	v13 =	vmov v23;
	v11 =	vld.idx.msk [tilespmem:v11+s0+$0x0], $0xffff;
	[tilespmem:s9+$0x0] =	vst v18  }
0x143: {  	[tilespmem:$0x1FFD0] =	vst v13;
	v13 =	vld.idx.msk [tilespmem:v19+s0+$0x0], $0xffff  }
0x144: {  	v15 =	vor.u32 $0x1F, v1;
	v1 =	vmovc v2;
	v2 =	vmov v3;
	v3 =	vmov v0;
	s20 =	sor.u32 s21, s20;
	v0 =	vld.idx.msk [tilespmem:v14+s0+$0x0], $0xffff  }
0x145: {  	s6 =	sor.u32 s10, s22;
	v12 =	vld.idx.msk [tilespmem:v12+s0+$0x0], $0xffff;
	[tilespmem:s20+$0x0] =	vst v8  }
0x146: {  	s22 =	sadd.s32 $0x19700, s1;
	v5 =	vld.idx.msk [tilespmem:v5+s0+$0x0], $0xffff;
	[tilespmem:s6+$0x0] =	vst v20  }
0x147: {  	s8 =	sadd.s32 $0x18680, s15;
	s9 =	sor.u32 s14, s22;
	v17 =	vld.idx.msk [tilespmem:v43+s0+$0x0], $0xffff  }
0x148: {  	[tilespmem:s9+$0x0] =	vst v10;
	v8 =	vor.u32 $0x16, v1;
	s20 =	sor.u32 s16, s8;
	v43 =	vmov v7;
	v7 =	vld [tilespmem:$0x1FFB0]  }
0x149: {  	v16 =	vmov v16;
	v14 =	vor.u32 $0xD, v2;
	[tilespmem:s20+$0x0] =	vst v11  }
0x14a: {  	s7 =	sor.u32 s17, s7;
	[tilespmem:$0x1FFA0] =	vst v16;
	v16 =	vor.u32 $0x4, v3;
	v10 =	vmov v9;
	s6 =	sadd.s32 $0x17600, s13;
	v9 =	vld.idx.msk [tilespmem:v15+s0+$0x0], $0xffff  }
0x14b: {  	s9 =	sor.u32 s5, s6;
	[tilespmem:s7+$0x0] =	vst v12;
	v12 =	vld [tilespmem:$0x1FFE0];
	s7 =	sadd.s32 $0x16580, s25  }
0x14c: {  	[tilespmem:s9+$0x0] =	vst v13;
	s20 =	sor.u32 s26, s7  }
0x14d: {  	s9 =	sadd.s32 $0x19780, s1;
	v8 =	vld.idx.msk [tilespmem:v8+s0+$0x0], $0xffff;
	[tilespmem:s20+$0x0] =	vst v0  }
0x14e: {  	s1 =	smov.u32 s15;
	s15 =	smov.u32 s13;
	s13 =	sor.u32 s14, s9;
	[tilespmem:$0x1FFE0] =	vst v10;
	v0 =	vld.idx.msk [tilespmem:v14+s0+$0x0], $0xffff  }
0x14f: {  	s7 =	sor.u32 s21, s7;
	v10 =	vld.idx.msk [tilespmem:v16+s0+$0x0], $0xffff;
	[tilespmem:s13+$0x0] =	vst v9  }
0x150: {  	v7 =	vld.idx.msk [tilespmem:v7+s0+$0x0], $0xffff;
	v12 =	vmov v12;
	[tilespmem:s7+$0x0] =	vst v5;
	v5 =	vor.u32 $0x17, v1  }
0x151: {  	s6 =	sor.u32 s10, s6;
	s7 =	sadd.s32 $0x18700, s1;
	[tilespmem:$0x1FFB0] =	vst v12  }
0x152: {  	s20 =	sor.u32 s12, s9;
	s9 =	sadd.s32 $0x17680, s15;
	v11 =	vld.idx.msk [tilespmem:v60+s0+$0x0], $0xffff;
	[tilespmem:s6+$0x0] =	vst v17;
	s14 =	sor.u32 s16, s7  }
0x153: {  	s13 =	sor.u32 s5, s9;
	v12 =	vor.u32 $0xE, v2;
	[tilespmem:s14+$0x0] =	vst v8  }
0x154: {  	s23 =	sor.u32 s12, s23;
	s8 =	sor.u32 s17, s8;
	v14 =	vld.idx.msk [tilespmem:v42+s0+$0x0], $0xffff;
	[tilespmem:s13+$0x0] =	vst v0  }
0x155: {  	s24 =	sor.u32 s12, s24;
	s22 =	sor.u32 s12, s22;
	s12 =	sadd.s32 $0x16600, s25;
	[tilespmem:s8+$0x0] =	vst v7;
	v0 =	vld.idx.msk [tilespmem:v5+s0+$0x0], $0xffff  }
0x156: {  	s14 =	sor.u32 s26, s12;
	v7 =	vld.idx.msk [tilespmem:v34+s0+$0x0], $0xffff  }
0x157: {  	s8 =	sor.u32 s21, s12;
	[tilespmem:s14+$0x0] =	vst v10;
	v34 =	vmov v4;
	v4 =	vld.idx.msk [tilespmem:v28+s0+$0x0], $0xffff  }
0x158: {  	s6 =	sor.u32 s10, s9;
	v5 =	vld.idx.msk [tilespmem:v12+s0+$0x0], $0xffff;
	[tilespmem:s8+$0x0] =	vst v11  }
0x159: {  	v9 =	vld.idx.msk [tilespmem:v56+s0+$0x0], $0xffff;
	[tilespmem:s6+$0x0] =	vst v14  }
0x15a: {  	s7 =	sor.u32 s17, s7;
	v12 =	vld.idx.msk [tilespmem:v41+s0+$0x0], $0xffff  }
0x15b: {  	[tilespmem:s7+$0x0] =	vst v7;
	v7 =	vld [tilespmem:$0x1FEA0];
	_ =	sdelay $0x1  }
0x15c: {  	v13 =	vor.u32 $0x5, v3;
	_ =	sdelay $0x2  }
0x15d: {  	s13 =	smov.u32 s25  }
0x15e: {  	s12 =	smov.u32 s17;
	s17 =	smov.u32 s10;
	s14 =	smov.u32 s16  }
0x15f: {  	s16 =	smov.u32 s5;
	s5 =	smov.u32 s26;
	s26 =	sadd.s32 $0x18780, s1;
	v28 =	vmov v6;
	v6 =	vld.idx.msk [tilespmem:v13+s0+$0x0], $0xffff  }
0x160: {  	s10 =	smov.u32 s21;
	s21 =	sadd.s32 $0x16680, s13;
	s9 =	sor.u32 s14, s26;
	v7 =	vld.idx.msk [tilespmem:v7+s0+$0x0], $0xffff;
	[tilespmem:s2+$0x0] =	vst v4  }
0x161: {  	[tilespmem:s9+$0x0] =	vst v0;
	s2 =	sor.u32 s10, s21;
	v0 =	vld.idx.msk [tilespmem:v27+s0+$0x0], $0xffff  }
0x162: {  	[tilespmem:s2+$0x0] =	vst v9;
	v9 =	vld [tilespmem:$0x1FEB0];
	_ =	sdelay $0x5  }
0x163: {  	s8 =	sadd.s32 $0x17700, s15  }
0x164: {  	s7 =	sor.u32 s17, s8  }
0x165: {  	s6 =	sor.u32 s12, s26;
	v9 =	vld.idx.msk [tilespmem:v9+s0+$0x0], $0xffff;
	[tilespmem:s7+$0x0] =	vst v12  }
0x166: {  	v12 =	vld.idx.msk [tilespmem:v40+s0+$0x0], $0xffff;
	[tilespmem:s6+$0x0] =	vst v7  }
0x167: {  	v7 =	vld.idx.msk [tilespmem:v50+s0+$0x0], $0xffff  }
0x168: {  	[tilespmem:s23+$0x0] =	vst v0;
	v0 =	vld [tilespmem:$0x1FED0];
	_ =	sdelay $0x1  }
0x169: {  	v24 =	vmov v24  }
0x16a: {  	v8 =	vor.u32 $0x18, v1  }
0x16b: {  	v10 =	vor.u32 $0xF, v2  }
0x16c: {  	[tilespmem:$0x1FF90] =	vst v24;
	v24 =	vmov v0;
	v0 =	vld [tilespmem:$0x1FEE0]  }
0x16d: {  	v11 =	vor.u32 $0x6, v3;
	s25 =	sor.u32 s16, s8  }
0x16e: {  	s26 =	sor.u32 s5, s21;
	[tilespmem:s25+$0x0] =	vst v5  }
0x16f: {  	v4 =	vld.idx.msk [tilespmem:v8+s0+$0x0], $0xffff;
	[tilespmem:s26+$0x0] =	vst v6  }
0x170: {  	v5 =	vld.idx.msk [tilespmem:v10+s0+$0x0], $0xffff  }
0x171: {  	v17 =	vmov v0;
	v0 =	vld [tilespmem:$0x1FEF0]  }
0x172: {  	v8 =	vor.u32 $0x19, v1;
	v6 =	vld.idx.msk [tilespmem:v11+s0+$0x0], $0xffff  }
0x173: {  	s7 =	sadd.s32 $0x19400, s1  }
0x174: {  	s8 =	sadd.s32 $0x17780, s15;
	s9 =	sor.u32 s14, s7  }
0x175: {  	s21 =	sadd.s32 $0x16700, s13;
	s23 =	sor.u32 s16, s8;
	[tilespmem:s9+$0x0] =	vst v4;
	v13 =	vld.idx.msk [tilespmem:v26+s0+$0x0], $0xffff  }
0x176: {  	s25 =	sor.u32 s5, s21;
	[tilespmem:s23+$0x0] =	vst v5;
	v5 =	vld [tilespmem:$0x1FF10]  }
0x177: {  	s6 =	sor.u32 s17, s8;
	s8 =	sor.u32 s10, s21;
	v14 =	vld.idx.msk [tilespmem:v8+s0+$0x0], $0xffff;
	[tilespmem:s25+$0x0] =	vst v6  }
0x178: {  	v6 =	vld [tilespmem:$0x1FF30];
	[tilespmem:s8+$0x0] =	vst v9  }
0x179: {  	v0 =	vld.idx.msk [tilespmem:v0+s0+$0x0], $0xffff;
	[tilespmem:s6+$0x0] =	vst v12  }
0x17a: {  	v10 =	vor.u32 $0x10, v2;
	v4 =	vld.idx.msk [tilespmem:v37+s0+$0x0], $0xffff  }
0x17b: {  	v11 =	vor.u32 $0x7, v3;
	s2 =	sor.u32 s12, s7;
	v37 =	vmov v5;
	v5 =	vld [tilespmem:$0x1FF20]  }
0x17c: {  	[tilespmem:s2+$0x0] =	vst v7;
	v7 =	vld [tilespmem:$0x1FF60]  }
0x17d: {  	v41 =	vmov v59;
	v59 =	vmov v29;
	v29 =	vmov v6;
	v6 =	vld [tilespmem:$0x1FF50]  }
0x17e: {  	v26 =	vld [tilespmem:$0x1FEC0]  }
0x17f: {  	v10 =	vld.idx.msk [tilespmem:v10+s0+$0x0], $0xffff  }
0x180: {  	s26 =	sadd.s32 $0x19480, s1;
	v11 =	vld.idx.msk [tilespmem:v11+s0+$0x0], $0xffff  }
0x181: {  	v9 =	vor.u32 $0x1A, v1;
	s8 =	sor.u32 s14, s26;
	v23 =	vmov v7;
	v7 =	vld [tilespmem:$0x1FF70]  }
0x182: {  	s19 =	sadd.s32 $0x2, s19;
	v15 =	vor.u32 $0x11, v2;
	[tilespmem:s8+$0x0] =	vst v14;
	v14 =	vld [tilespmem:$0x1FF40]  }
0x183: {  	p1 =	slt.u32 s19, $0x1E;
	s7 =	sadd.s32 $0x18400, s15;
	v12 =	vld [tilespmem:$0x1FF00]  }
.Ltmp2:
0x184: {  	s9 =	sadd.s32 $0x16780, s13;
	s21 =	sor.u32 s16, s7;
	v5 =	vld.idx.msk [tilespmem:v5+s0+$0x0], $0xffff;
	[tilespmem:s24+$0x0] =	vst v13;
	(pc) =	sbr.rel @p1 .LBB2_6-.Ltmp2, $4  }
0x185: {  	v21 =	vmov v62;
	v22 =	vmov v33;
	v33 =	vmov v35;
	s23 =	sor.u32 s12, s26;
	s26 =	sor.u32 s5, s9;
	[tilespmem:s21+$0x0] =	vst v10;
	v6 =	vld.idx.msk [tilespmem:v6+s0+$0x0], $0xffff  }
0x186: {  	v18 =	vmovc v58;
	v19 =	vmovc v52;
	v52 =	vmov v51;
	v60 =	vmov v30;
	v16 =	vmov v7;
	v7 =	vld.idx.msk [tilespmem:v9+s0+$0x0], $0xffff;
	[tilespmem:s26+$0x0] =	vst v11  }
0x187: {  	v30 =	vmovc v61;
	v61 =	vmovc v25;
	v25 =	vmov v53;
	v42 =	vmov v63;
	v63 =	vmov v32;
	v9 =	vld.idx.msk [tilespmem:v15+s0+$0x0], $0xffff  }
0x188: {  	s11 =	sadd.s32 $0x20, s11;
	v27 =	vmovc v57;
	v40 =	vmovc v55;
	v8 =	vor.u32 $0x8, v3;
	s25 =	sor.u32 s10, s9;
	s24 =	sor.u32 s17, s7;
	v13 =	vmov v54;
	v15 =	vmov v31;
	v31 =	vld [tilespmem:$0x1FF80]  }
0x189: {  	_ =	sdelay $0x2  }
0x18a: {  	[tilespmem:s25+$0x0] =	vst v0  }
0x18b: {  	v8 =	vld.idx.msk [tilespmem:v8+s0+$0x0], $0xffff;
	[tilespmem:s24+$0x0] =	vst v4;
	v4 =	vor.u32 $0x12, v2  }
0x18c: {  	[tilespmem:s23+$0x0] =	vst v5;
	v5 =	vor.u32 $0x9, v3;
	v10 =	vld.idx.msk [tilespmem:v49+s0+$0x0], $0xffff  }
0x18d: {  	s6 =	sadd.s32 $0x18480, s15;
	[tilespmem:s22+$0x0] =	vst v6;
	v6 =	vld.idx.msk [tilespmem:v39+s0+$0x0], $0xffff  }
0x18e: {  	s8 =	sadd.s32 $0x17400, s13;
	s9 =	sor.u32 s16, s6  }
0x18f: {  	s24 =	sor.u32 s5, s8;
	v56 =	vld.idx.msk [tilespmem:v36+s0+$0x0], $0xffff;
	[tilespmem:s9+$0x0] =	vst v9  }
0x190: {  	s2 =	sadd.s32 $0x19500, s1;
	s8 =	sor.u32 s10, s8;
	[tilespmem:s24+$0x0] =	vst v8;
	v4 =	vld.idx.msk [tilespmem:v4+s0+$0x0], $0xffff  }
0x191: {  	s7 =	sor.u32 s14, s2;
	s2 =	sor.u32 s12, s2;
	v5 =	vld.idx.msk [tilespmem:v5+s0+$0x0], $0xffff;
	[tilespmem:s8+$0x0] =	vst v10  }
0x192: {  	v57 =	vor.u32 $0xA, v3;
	[tilespmem:s2+$0x0] =	vst v6;
	v6 =	vld.idx.msk [tilespmem:v48+s0+$0x0], $0xffff  }
0x193: {  	s2 =	sadd.s32 $0x18500, s15  }
0x194: {  	s26 =	sadd.s32 $0x17480, s13;
	s9 =	sor.u32 s16, s2;
	[tilespmem:s20+$0x0] =	vst v56  }
0x195: {  	s19 =	sor.u32 s5, s26;
	[tilespmem:s9+$0x0] =	vst v4  }
0x196: {  	v11 =	vld.idx.msk [tilespmem:v44+s0+$0x0], $0xffff;
	s20 =	sor.u32 s10, s26;
	[tilespmem:s19+$0x0] =	vst v5  }
0x197: {  	v4 =	vld.idx.msk [tilespmem:v57+s0+$0x0], $0xffff;
	[tilespmem:s20+$0x0] =	vst v6  }
0x198: {  	v5 =	vor.u32 $0xB, v3;
	v6 =	vld.idx.msk [tilespmem:v46+s0+$0x0], $0xffff;
	_ =	sdelay $0x1  }
0x199: {  	s21 =	sadd.s32 $0x17500, s13;
	s6 =	sor.u32 s17, s6  }
0x19a: {  	s22 =	sor.u32 s5, s21;
	[tilespmem:s6+$0x0] =	vst v11  }
0x19b: {  	v0 =	vor.u32 $0x1B, v1;
	s6 =	sor.u32 s10, s21;
	[tilespmem:s22+$0x0] =	vst v4  }
0x19c: {  	v4 =	vld.idx.msk [tilespmem:v5+s0+$0x0], $0xffff;
	[tilespmem:s6+$0x0] =	vst v6  }
0x19d: {  	v5 =	vor.u32 $0xC, v3;
	v6 =	vld.idx.msk [tilespmem:v45+s0+$0x0], $0xffff;
	_ =	sdelay $0x1  }
0x19e: {  	s23 =	sadd.s32 $0x17580, s13;
	[tilespmem:s7+$0x0] =	vst v7  }
0x19f: {  	v0 =	vld.idx.msk [tilespmem:v0+s0+$0x0], $0xffff;
	s24 =	sor.u32 s5, s23  }
0x1a0: {  	s6 =	sor.u32 s10, s23;
	[tilespmem:s24+$0x0] =	vst v4  }
0x1a1: {  	v4 =	vld.idx.msk [tilespmem:v5+s0+$0x0], $0xffff;
	[tilespmem:s6+$0x0] =	vst v6  }
0x1a2: {  	s11 =	sadd.s32 $0x19580, s1;
	v5 =	vor.u32 $0xD, v3;
	v6 =	vld.idx.msk [tilespmem:v43+s0+$0x0], $0xffff  }
0x1a3: {  	s25 =	sor.u32 s14, s11  }
0x1a4: {  	[tilespmem:s25+$0x0] =	vst v0;
	s25 =	sadd.s32 $0x17600, s13  }
0x1a5: {  	s26 =	sor.u32 s5, s25  }
0x1a6: {  	s6 =	sor.u32 s10, s25;
	[tilespmem:s26+$0x0] =	vst v4  }
0x1a7: {  	v4 =	vld.idx.msk [tilespmem:v5+s0+$0x0], $0xffff;
	[tilespmem:s6+$0x0] =	vst v6  }
0x1a8: {  	v5 =	vor.u32 $0xE, v3;
	v6 =	vld.idx.msk [tilespmem:v42+s0+$0x0], $0xffff;
	_ =	sdelay $0x1  }
0x1a9: {  	s8 =	sadd.s32 $0x17680, s13  }
0x1aa: {  	s9 =	sor.u32 s5, s8  }
0x1ab: {  	v7 =	vor.u32 $0x1C, v1;
	s6 =	sor.u32 s10, s8;
	[tilespmem:s9+$0x0] =	vst v4  }
0x1ac: {  	v8 =	vor.u32 $0x13, v2;
	v4 =	vld.idx.msk [tilespmem:v5+s0+$0x0], $0xffff;
	[tilespmem:s6+$0x0] =	vst v6  }
0x1ad: {  	v5 =	vor.u32 $0xF, v3;
	v6 =	vld.idx.msk [tilespmem:v41+s0+$0x0], $0xffff;
	_ =	sdelay $0x1  }
0x1ae: {  	v11 =	vld.idx.msk [tilespmem:v38+s0+$0x0], $0xffff;
	s19 =	sadd.s32 $0x17700, s13  }
0x1af: {  	v35 =	vld.idx.msk [tilespmem:v7+s0+$0x0], $0xffff;
	s20 =	sor.u32 s5, s19  }
0x1b0: {  	v0 =	vld.idx.msk [tilespmem:v8+s0+$0x0], $0xffff;
	s6 =	sor.u32 s10, s19;
	[tilespmem:s20+$0x0] =	vst v4  }
0x1b1: {  	v4 =	vld.idx.msk [tilespmem:v5+s0+$0x0], $0xffff;
	[tilespmem:s6+$0x0] =	vst v6  }
0x1b2: {  	v5 =	vor.u32 $0x10, v3;
	v6 =	vld.idx.msk [tilespmem:v40+s0+$0x0], $0xffff;
	_ =	sdelay $0x1  }
0x1b3: {  	s21 =	sadd.s32 $0x17780, s13  }
0x1b4: {  	s22 =	sor.u32 s5, s21  }
0x1b5: {  	s6 =	sor.u32 s10, s21;
	[tilespmem:s22+$0x0] =	vst v4  }
0x1b6: {  	v4 =	vld.idx.msk [tilespmem:v5+s0+$0x0], $0xffff;
	[tilespmem:s6+$0x0] =	vst v6  }
0x1b7: {  	v5 =	vor.u32 $0x11, v3;
	v6 =	vld.idx.msk [tilespmem:v37+s0+$0x0], $0xffff;
	_ =	sdelay $0x1  }
0x1b8: {  	s23 =	sadd.s32 $0x18400, s13  }
0x1b9: {  	s24 =	sor.u32 s5, s23  }
0x1ba: {  	s6 =	sor.u32 s10, s23;
	[tilespmem:s24+$0x0] =	vst v4  }
0x1bb: {  	v4 =	vld.idx.msk [tilespmem:v5+s0+$0x0], $0xffff;
	[tilespmem:s6+$0x0] =	vst v6  }
0x1bc: {  	v5 =	vor.u32 $0x12, v3;
	v6 =	vld.idx.msk [tilespmem:v47+s0+$0x0], $0xffff;
	_ =	sdelay $0x1  }
0x1bd: {  	s25 =	sadd.s32 $0x18480, s13  }
0x1be: {  	s26 =	sor.u32 s5, s25  }
0x1bf: {  	s6 =	sor.u32 s10, s25;
	[tilespmem:s26+$0x0] =	vst v4  }
0x1c0: {  	v4 =	vld.idx.msk [tilespmem:v5+s0+$0x0], $0xffff;
	[tilespmem:s6+$0x0] =	vst v6  }
0x1c1: {  	s2 =	sor.u32 s17, s2;
	v6 =	vld.idx.msk [tilespmem:v61+s0+$0x0], $0xffff  }
0x1c2: {  	[tilespmem:s2+$0x0] =	vst v11  }
0x1c3: {  	s7 =	sadd.s32 $0x18500, s13;
	v8 =	vld [tilespmem:$0x1FF90]  }
0x1c4: {  	s8 =	sor.u32 s5, s7  }
0x1c5: {  	s9 =	sor.u32 s10, s7;
	[tilespmem:s8+$0x0] =	vst v4  }
0x1c6: {  	[tilespmem:s9+$0x0] =	vst v6  }
0x1c7: {  	v6 =	vld [tilespmem:$0x1FFC0];
	_ =	sdelay $0x1  }
0x1c8: {  	v5 =	vor.u32 $0x13, v3;
	_ =	sdelay $0x1  }
0x1c9: {  	v8 =	vld.idx.msk [tilespmem:v8+s0+$0x0], $0xffff;
	_ =	sdelay $0x1  }
0x1ca: {  	s19 =	sadd.s32 $0x18580, s15  }
0x1cb: {  	s20 =	sor.u32 s16, s19;
	v4 =	vld.idx.msk [tilespmem:v5+s0+$0x0], $0xffff  }
0x1cc: {  	s2 =	sor.u32 s17, s19;
	[tilespmem:s20+$0x0] =	vst v0;
	v6 =	vld.idx.msk [tilespmem:v6+s0+$0x0], $0xffff  }
0x1cd: {  	[tilespmem:s2+$0x0] =	vst v8  }
0x1ce: {  	s21 =	sadd.s32 $0x18580, s13;
	v8 =	vld [tilespmem:$0x1FFA0]  }
0x1cf: {  	s22 =	sor.u32 s5, s21  }
0x1d0: {  	v7 =	vor.u32 $0x14, v2;
	s6 =	sor.u32 s10, s21;
	[tilespmem:s22+$0x0] =	vst v4  }
0x1d1: {  	[tilespmem:s6+$0x0] =	vst v6  }
0x1d2: {  	v6 =	vld [tilespmem:$0x1FFD0];
	_ =	sdelay $0x1  }
0x1d3: {  	v5 =	vor.u32 $0x14, v3  }
0x1d4: {  	v0 =	vld.idx.msk [tilespmem:v7+s0+$0x0], $0xffff  }
0x1d5: {  	v8 =	vld.idx.msk [tilespmem:v8+s0+$0x0], $0xffff;
	_ =	sdelay $0x1  }
0x1d6: {  	s23 =	sadd.s32 $0x18600, s15  }
0x1d7: {  	s24 =	sor.u32 s16, s23;
	v4 =	vld.idx.msk [tilespmem:v5+s0+$0x0], $0xffff  }
0x1d8: {  	s2 =	sor.u32 s17, s23;
	[tilespmem:s24+$0x0] =	vst v0;
	v6 =	vld.idx.msk [tilespmem:v6+s0+$0x0], $0xffff  }
0x1d9: {  	[tilespmem:s2+$0x0] =	vst v8  }
0x1da: {  	s25 =	sadd.s32 $0x18600, s13;
	v7 =	vor.u32 $0x15, v2;
	v8 =	vld [tilespmem:$0x1FFB0]  }
0x1db: {  	s26 =	sor.u32 s5, s25  }
0x1dc: {  	s6 =	sor.u32 s10, s25;
	[tilespmem:s26+$0x0] =	vst v4  }
0x1dd: {  	[tilespmem:s6+$0x0] =	vst v6  }
0x1de: {  	v6 =	vld [tilespmem:$0x1FFE0]  }
0x1df: {  	v5 =	vor.u32 $0x15, v3;
	v0 =	vld.idx.msk [tilespmem:v7+s0+$0x0], $0xffff  }
0x1e0: {  	v7 =	vor.u32 $0x16, v2;
	_ =	sdelay $0x1  }
0x1e1: {  	s6 =	sadd.s32 $0x18680, s15;
	v8 =	vld.idx.msk [tilespmem:v8+s0+$0x0], $0xffff  }
0x1e2: {  	s7 =	sor.u32 s16, s6  }
0x1e3: {  	v4 =	vld.idx.msk [tilespmem:v5+s0+$0x0], $0xffff;
	[tilespmem:s7+$0x0] =	vst v0  }
0x1e4: {  	v5 =	vor.u32 $0x16, v3;
	v0 =	vld.idx.msk [tilespmem:v7+s0+$0x0], $0xffff  }
0x1e5: {  	s2 =	sor.u32 s17, s6;
	v7 =	vor.u32 $0x17, v2;
	v6 =	vld.idx.msk [tilespmem:v6+s0+$0x0], $0xffff  }
0x1e6: {  	s8 =	sadd.s32 $0x18680, s13;
	[tilespmem:s2+$0x0] =	vst v8  }
0x1e7: {  	s19 =	sadd.s32 $0x18700, s15;
	s9 =	sor.u32 s5, s8;
	v8 =	vld.idx.msk [tilespmem:v63+s0+$0x0], $0xffff  }
0x1e8: {  	s20 =	sor.u32 s16, s19;
	[tilespmem:s9+$0x0] =	vst v4  }
0x1e9: {  	s6 =	sor.u32 s10, s8;
	v4 =	vld.idx.msk [tilespmem:v5+s0+$0x0], $0xffff;
	[tilespmem:s20+$0x0] =	vst v0  }
0x1ea: {  	v5 =	vor.u32 $0x17, v3;
	v0 =	vld.idx.msk [tilespmem:v7+s0+$0x0], $0xffff;
	[tilespmem:s6+$0x0] =	vst v6  }
0x1eb: {  	s2 =	sor.u32 s17, s19;
	v7 =	vor.u32 $0x18, v2;
	v6 =	vld.idx.msk [tilespmem:v34+s0+$0x0], $0xffff  }
0x1ec: {  	s21 =	sadd.s32 $0x18700, s13;
	[tilespmem:s2+$0x0] =	vst v8  }
0x1ed: {  	s23 =	sadd.s32 $0x18780, s15;
	s22 =	sor.u32 s5, s21;
	v8 =	vld.idx.msk [tilespmem:v33+s0+$0x0], $0xffff  }
0x1ee: {  	s24 =	sor.u32 s16, s23;
	[tilespmem:s22+$0x0] =	vst v4  }
0x1ef: {  	v4 =	vld.idx.msk [tilespmem:v5+s0+$0x0], $0xffff;
	s6 =	sor.u32 s10, s21;
	[tilespmem:s24+$0x0] =	vst v0  }
0x1f0: {  	v5 =	vor.u32 $0x18, v3;
	v0 =	vld.idx.msk [tilespmem:v7+s0+$0x0], $0xffff;
	[tilespmem:s6+$0x0] =	vst v6  }
0x1f1: {  	s2 =	sor.u32 s17, s23;
	v7 =	vor.u32 $0x19, v2;
	v6 =	vld.idx.msk [tilespmem:v30+s0+$0x0], $0xffff  }
0x1f2: {  	s25 =	sadd.s32 $0x18780, s13;
	[tilespmem:s2+$0x0] =	vst v8  }
0x1f3: {  	s26 =	sor.u32 s5, s25;
	s7 =	sadd.s32 $0x19400, s15;
	v8 =	vld.idx.msk [tilespmem:v52+s0+$0x0], $0xffff  }
0x1f4: {  	s8 =	sor.u32 s16, s7;
	[tilespmem:s26+$0x0] =	vst v4  }
0x1f5: {  	v4 =	vld.idx.msk [tilespmem:v5+s0+$0x0], $0xffff;
	s6 =	sor.u32 s10, s25;
	[tilespmem:s8+$0x0] =	vst v0  }
0x1f6: {  	v5 =	vor.u32 $0x19, v3;
	v0 =	vld.idx.msk [tilespmem:v7+s0+$0x0], $0xffff;
	[tilespmem:s6+$0x0] =	vst v6  }
0x1f7: {  	s2 =	sor.u32 s17, s7;
	v7 =	vor.u32 $0x1A, v2;
	v6 =	vld.idx.msk [tilespmem:v27+s0+$0x0], $0xffff  }
0x1f8: {  	s9 =	sadd.s32 $0x19400, s13;
	[tilespmem:s2+$0x0] =	vst v8  }
0x1f9: {  	s19 =	sor.u32 s5, s9;
	s20 =	sadd.s32 $0x19480, s15;
	v8 =	vld.idx.msk [tilespmem:v29+s0+$0x0], $0xffff  }
0x1fa: {  	s21 =	sor.u32 s16, s20;
	[tilespmem:s19+$0x0] =	vst v4  }
0x1fb: {  	v4 =	vld.idx.msk [tilespmem:v5+s0+$0x0], $0xffff;
	s6 =	sor.u32 s10, s9;
	[tilespmem:s21+$0x0] =	vst v0  }
0x1fc: {  	v5 =	vor.u32 $0x1A, v3;
	v0 =	vld.idx.msk [tilespmem:v7+s0+$0x0], $0xffff;
	[tilespmem:s6+$0x0] =	vst v6  }
0x1fd: {  	s2 =	sor.u32 s17, s20;
	v7 =	vor.u32 $0x1B, v2;
	v6 =	vld.idx.msk [tilespmem:v25+s0+$0x0], $0xffff  }
0x1fe: {  	s22 =	sadd.s32 $0x19480, s13;
	[tilespmem:s2+$0x0] =	vst v8  }
0x1ff: {  	s23 =	sor.u32 s5, s22;
	s24 =	sadd.s32 $0x19500, s15;
	v8 =	vld.idx.msk [tilespmem:v26+s0+$0x0], $0xffff  }
0x200: {  	s25 =	sor.u32 s16, s24;
	[tilespmem:s23+$0x0] =	vst v4  }
0x201: {  	v4 =	vld.idx.msk [tilespmem:v5+s0+$0x0], $0xffff;
	s6 =	sor.u32 s10, s22;
	[tilespmem:s25+$0x0] =	vst v0  }
0x202: {  	v5 =	vor.u32 $0x1B, v3;
	v0 =	vld.idx.msk [tilespmem:v7+s0+$0x0], $0xffff;
	[tilespmem:s6+$0x0] =	vst v6  }
0x203: {  	s2 =	sor.u32 s17, s24;
	v7 =	vor.u32 $0x1C, v2;
	v6 =	vld.idx.msk [tilespmem:v31+s0+$0x0], $0xffff  }
0x204: {  	v58 =	vld.idx.msk [tilespmem:v60+s0+$0x0], $0xffff;
	s26 =	sadd.s32 $0x19500, s13;
	[tilespmem:s2+$0x0] =	vst v8  }
0x205: {  	s7 =	sor.u32 s5, s26;
	s9 =	sadd.s32 $0x19580, s15;
	v8 =	vld.idx.msk [tilespmem:v22+s0+$0x0], $0xffff  }
0x206: {  	s8 =	sor.u32 s12, s11;
	s11 =	sor.u32 s16, s9;
	[tilespmem:s7+$0x0] =	vst v4  }
0x207: {  	v60 =	vor.u32 $0x1D, v1;
	v4 =	vld.idx.msk [tilespmem:v5+s0+$0x0], $0xffff;
	s6 =	sor.u32 s10, s26;
	[tilespmem:s11+$0x0] =	vst v0  }
0x208: {  	v5 =	vor.u32 $0x1C, v3;
	v0 =	vld.idx.msk [tilespmem:v7+s0+$0x0], $0xffff;
	[tilespmem:s6+$0x0] =	vst v6  }
0x209: {  	[tilespmem:s8+$0x0] =	vst v58;
	s19 =	sor.u32 s17, s9;
	s22 =	sadd.s32 $0x19600, s1;
	v7 =	vor.u32 $0x1D, v2;
	v6 =	vld.idx.msk [tilespmem:v28+s0+$0x0], $0xffff  }
0x20a: {  	v61 =	vld.idx.msk [tilespmem:v59+s0+$0x0], $0xffff;
	s20 =	sadd.s32 $0x19580, s13;
	s24 =	sor.u32 s14, s22;
	[tilespmem:s19+$0x0] =	vst v8  }
0x20b: {  	s21 =	sor.u32 s5, s20;
	[tilespmem:s24+$0x0] =	vst v35;
	s26 =	sadd.s32 $0x19600, s15;
	v8 =	vld.idx.msk [tilespmem:v19+s0+$0x0], $0xffff  }
0x20c: {  	v9 =	vld.idx.msk [tilespmem:v60+s0+$0x0], $0xffff;
	[tilespmem:s21+$0x0] =	vst v4;
	s7 =	sor.u32 s16, s26  }
0x20d: {  	v62 =	vor.u32 $0x1E, v1;
	s23 =	sor.u32 s10, s20;
	v4 =	vld.idx.msk [tilespmem:v5+s0+$0x0], $0xffff;
	[tilespmem:s7+$0x0] =	vst v0  }
0x20e: {  	s25 =	sor.u32 s12, s22;
	v5 =	vor.u32 $0x1D, v3;
	v0 =	vld.idx.msk [tilespmem:v7+s0+$0x0], $0xffff;
	[tilespmem:s23+$0x0] =	vst v6  }
0x20f: {  	[tilespmem:s25+$0x0] =	vst v61;
	s11 =	sadd.s32 $0x19680, s1;
	s6 =	sor.u32 s17, s26;
	v7 =	vor.u32 $0x1E, v2;
	v6 =	vld.idx.msk [tilespmem:v21+s0+$0x0], $0xffff  }
0x210: {  	s8 =	sadd.s32 $0x19600, s13;
	v63 =	vld.idx.msk [tilespmem:v24+s0+$0x0], $0xffff;
	s19 =	sor.u32 s14, s11;
	[tilespmem:s6+$0x0] =	vst v8  }
0x211: {  	s9 =	sor.u32 s5, s8;
	s21 =	sadd.s32 $0x19680, s15;
	[tilespmem:s19+$0x0] =	vst v9;
	v8 =	vld.idx.msk [tilespmem:v17+s0+$0x0], $0xffff  }
0x212: {  	s22 =	sor.u32 s16, s21;
	[tilespmem:s9+$0x0] =	vst v4;
	v9 =	vld.idx.msk [tilespmem:v62+s0+$0x0], $0xffff  }
0x213: {  	v1 =	vor.u32 $0x1F, v1;
	s2 =	sor.u32 s10, s8;
	v4 =	vld.idx.msk [tilespmem:v5+s0+$0x0], $0xffff;
	[tilespmem:s22+$0x0] =	vst v0  }
0x214: {  	s20 =	sor.u32 s12, s11;
	v5 =	vor.u32 $0x1E, v3;
	v0 =	vld.idx.msk [tilespmem:v7+s0+$0x0], $0xffff;
	[tilespmem:s2+$0x0] =	vst v6  }
0x215: {  	s25 =	sadd.s32 $0x19700, s1;
	[tilespmem:s20+$0x0] =	vst v63;
	v2 =	vor.u32 $0x1F, v2;
	s6 =	sor.u32 s17, s21;
	v6 =	vld.idx.msk [tilespmem:v18+s0+$0x0], $0xffff  }
0x216: {  	v32 =	vld.idx.msk [tilespmem:v23+s0+$0x0], $0xffff;
	s26 =	sor.u32 s14, s25;
	s23 =	sadd.s32 $0x19680, s13;
	[tilespmem:s6+$0x0] =	vst v8  }
0x217: {  	s9 =	sadd.s32 $0x19700, s15;
	s24 =	sor.u32 s5, s23;
	[tilespmem:s26+$0x0] =	vst v9;
	v7 =	vld.idx.msk [tilespmem:v16+s0+$0x0], $0xffff  }
0x218: {  	s11 =	sor.u32 s16, s9;
	[tilespmem:s24+$0x0] =	vst v4;
	v1 =	vld.idx.msk [tilespmem:v1+s0+$0x0], $0xffff  }
0x219: {  	v4 =	vld.idx.msk [tilespmem:v5+s0+$0x0], $0xffff;
	s2 =	sor.u32 s10, s23;
	[tilespmem:s11+$0x0] =	vst v0  }
0x21a: {  	s8 =	sor.u32 s12, s25;
	v0 =	vld.idx.msk [tilespmem:v2+s0+$0x0], $0xffff;
	[tilespmem:s2+$0x0] =	vst v6  }
0x21b: {  	v3 =	vor.u32 $0x1F, v3;
	[tilespmem:s8+$0x0] =	vst v32;
	s21 =	sadd.s32 $0x19780, s1;
	s6 =	sor.u32 s17, s9;
	v5 =	vld.idx.msk [tilespmem:v13+s0+$0x0], $0xffff  }
0x21c: {  	s19 =	sadd.s32 $0x19700, s13;
	s22 =	sor.u32 s14, s21;
	v6 =	vld.idx.msk [tilespmem:v14+s0+$0x0], $0xffff;
	[tilespmem:s6+$0x0] =	vst v7  }
0x21d: {  	s20 =	sor.u32 s5, s19;
	s23 =	sadd.s32 $0x19780, s15;
	[tilespmem:s22+$0x0] =	vst v1;
	v2 =	vld.idx.msk [tilespmem:v12+s0+$0x0], $0xffff  }
0x21e: {  	s24 =	sor.u32 s16, s23;
	[tilespmem:s20+$0x0] =	vst v4  }
0x21f: {  	s2 =	sor.u32 s10, s19;
	[tilespmem:s24+$0x0] =	vst v0  }
0x220: {  	s1 =	sor.u32 s12, s21;
	v3 =	vld.idx.msk [tilespmem:v3+s0+$0x0], $0xffff;
	[tilespmem:s2+$0x0] =	vst v5  }
0x221: {  	[tilespmem:s1+$0x0] =	vst v6;
	s2 =	sor.u32 s17, s23;
	v1 =	vld.idx.msk [tilespmem:v15+s0+$0x0], $0xffff  }
0x222: {  	[tilespmem:s2+$0x0] =	vst v2  }
0x223: {  	s25 =	sadd.s32 $0x19780, s13;
	s26 =	sshll.u32 s30, $0x14;
	s8 =	rddreg [dreg:$0x4]  }
0x224: {  	s7 =	sor.u32 s5, s25;
	s5 =	sor.u32 s8, s26  }
0x225: {  	s1 =	sor.u32 s10, s25;
	s10 =	rddreg [dreg:$0x1];
	[tilespmem:s7+$0x0] =	vst v3;
	s9 =	sshrl.u32 s5, $0x3  }
0x226: {  	s11 =	simm.s32 $0x16400;
	[tilespmem:s1+$0x0] =	vst v1;
	s1 =	sadd.s32 s10, s9  }
0x227: {  	[hbm4b:s1+s3] =	stream.linear.scatter [tilespmem:s11], [sflag:$0x2], $0x1000, $0x38;
	[tilespmem:$0x1E400] =	vst v63  }
0x228: {  	s12 =	rddreg [dreg:$0x5]  }
0x229: {  	s13 =	simm.s32 $0x17400;
	s14 =	rddreg [dreg:$0x6];
	s1 =	sadd.s32 s9, s12  }
0x22a: {  	[hbm4b:s1+s3] =	stream.linear.scatter [tilespmem:s13], [sflag:$0x2], $0x1000, $0x38;
	[tilespmem:$0x1E400] =	vst v63  }
0x22b: {  	s15 =	simm.s32 $0x18400;
	s16 =	rddreg [dreg:$0x7];
	s1 =	sadd.s32 s9, s14  }
0x22c: {  	[hbm4b:s1+s3] =	stream.linear.scatter [tilespmem:s15], [sflag:$0x2], $0x1000, $0x38;
	[tilespmem:$0x1E400] =	vst v63  }
0x22d: {  	p1 =	sgt.u32 s30, $0x16;
	s17 =	simm.s32 $0x19400;
	s1 =	sadd.s32 s9, s16  }
0x22e: {  	[hbm4b:s1+s3] =	stream.linear.scatter [tilespmem:s17], [sflag:$0x2], $0x1000, $0x38;
	[tilespmem:$0x1E400] =	vst v63  }
0x22f: {  	s1 =	sshll.u32 @!p1 s30, $0xA;
	_ =	swait.ge [sflag:s18], $0x4000  }
0x230: {  	s1 =	sand.u32 @!p1 $0x3FFFFC00, s1;
	[sflag:s18] =	ssyncset.done $0x0  }
0x231: {  	s2 =	simm.s32 @!p1 $0x200;
	s1 =	sadd.s32 @!p1 $0x800, s1;
	[sflag:s18] =	ssyncadd.s32 $0xFFFFC000  }
0x232: {  	[tilespmem:s0], [sflag:$0x1] =	stream.indirect.gather @!p1 [hbm4b:s4+s2], $0x20, s1, s2, $0xb8;
	[tilespmem:$0x1E400] =	vst v63  }
0x233: {  	s1 =	simm.s32 @!p0 $0x2  }
0x234: {  	_ =	swait.ge @!p0 [sflag:s1], $0x1000  }
0x235: {  	[sflag:s1] =	ssyncset.done @!p0 $0x0  }
0x236: {  	[sflag:s1] =	ssyncadd.s32 @!p0 $0xFFFFF000  }
0x237: {  	_ =	swait.ge @!p0 [sflag:s1], $0x1000  }
0x238: {  	[sflag:s1] =	ssyncset.done @!p0 $0x0  }
0x239: {  	[sflag:s1] =	ssyncadd.s32 @!p0 $0xFFFFF000  }
0x23a: {  	_ =	swait.ge @!p0 [sflag:s1], $0x1000  }
0x23b: {  	v19 =	vld [tilespmem:$0x1FFF0];
	_ =	sdelay $0x1  }
0x23c: {  	s19 =	simm.s32 $0x0  }
0x23d: {  	v0 =	vmov s19  }
0x23e: {  	v0 =	vshll.u32 v0, $0x5  }
0x23f: {  	[sflag:s1] =	ssyncset.done @!p0 $0x0;
	v5 =	vor.u32 v19, v0  }
0x240: {  	s0 =	sor.u32 $0x1, s31;
	[sflag:s1] =	ssyncadd.s32 @!p0 $0xFFFFF000  }
0x241: {  	s21 =	simm.s32 $0x10;
	s20 =	sshll.u32 s0, $0xE;
	_ =	swait.ge @!p0 [sflag:s1], $0x1000  }
0x242: {  	s5 =	sand.u32 $0xC000, s20;
	[sflag:s1] =	ssyncset.done @!p0 $0x0;
	v0 =	vmov s21  }
0x243: {  	s31 =	sadd.s32 $0x6400, s5;
	[sflag:s1] =	ssyncadd.s32 @!p0 $0xFFFFF000;
	v0 =	vshll.u32 v0, $0x5  }
0x244: {  	v4 =	vor.u32 v19, v0;
	v0 =	vld.idx.msk [tilespmem:v5+s31+$0x0], $0xffff  }
0x245: {  	s22 =	simm.s32 $0x0;
	v1 =	vor.u32 $0x1, v5  }
0x246: {  	s20 =	sand.u32 $0xC00, s22  }
0x247: {  	s19 =	sand.u32 $0x60, s19;
	s1 =	sadd.s32 $0x1A400, s20  }
0x248: {  	s2 =	sor.u32 s19, s1  }
0x249: {  	v2 =	vld.idx.msk [tilespmem:v4+s31+$0x0], $0xffff;
	[tilespmem:s2+$0x0] =	vst v0  }
0x24a: {  	v0 =	vor.u32 $0x1, v4;
	v1 =	vld.idx.msk [tilespmem:v1+s31+$0x0], $0xffff  }
0x24b: {  	v3 =	vor.u32 $0x2, v5  }
0x24c: {  	s11 =	sand.u32 $0x70, s21  }
0x24d: {  	s23 =	sadd.s32 $0x1A480, s20;
	s1 =	sor.u32 s11, s1  }
0x24e: {  	s24 =	sor.u32 s19, s23;
	[tilespmem:s1+$0x0] =	vst v2  }
0x24f: {  	v0 =	vld.idx.msk [tilespmem:v0+s31+$0x0], $0xffff;
	[tilespmem:s24+$0x0] =	vst v1  }
0x250: {  	v1 =	vor.u32 $0x2, v4;
	v2 =	vld.idx.msk [tilespmem:v3+s31+$0x0], $0xffff  }
0x251: {  	v3 =	vor.u32 $0x3, v5;
	_ =	sdelay $0x1  }
0x252: {  	s26 =	sadd.s32 $0x1A500, s20;
	s25 =	sor.u32 s11, s23  }
0x253: {  	s5 =	sor.u32 s19, s26;
	[tilespmem:s25+$0x0] =	vst v0  }
0x254: {  	v0 =	vld.idx.msk [tilespmem:v1+s31+$0x0], $0xffff;
	[tilespmem:s5+$0x0] =	vst v2  }
0x255: {  	v1 =	vor.u32 $0x3, v4;
	v2 =	vld.idx.msk [tilespmem:v3+s31+$0x0], $0xffff  }
0x256: {  	v3 =	vor.u32 $0x4, v5;
	_ =	sdelay $0x1  }
0x257: {  	s7 =	sadd.s32 $0x1A580, s20;
	s6 =	sor.u32 s11, s26  }
0x258: {  	s8 =	sor.u32 s19, s7;
	[tilespmem:s6+$0x0] =	vst v0  }
0x259: {  	v0 =	vld.idx.msk [tilespmem:v1+s31+$0x0], $0xffff;
	[tilespmem:s8+$0x0] =	vst v2  }
0x25a: {  	v1 =	vor.u32 $0x4, v4;
	v2 =	vld.idx.msk [tilespmem:v3+s31+$0x0], $0xffff  }
0x25b: {  	v3 =	vor.u32 $0x5, v5;
	_ =	sdelay $0x1  }
0x25c: {  	s10 =	sadd.s32 $0x1A600, s20;
	s9 =	sor.u32 s11, s7  }
0x25d: {  	s12 =	sor.u32 s19, s10;
	[tilespmem:s9+$0x0] =	vst v0  }
0x25e: {  	v0 =	vld.idx.msk [tilespmem:v1+s31+$0x0], $0xffff;
	[tilespmem:s12+$0x0] =	vst v2  }
0x25f: {  	v1 =	vor.u32 $0x5, v4;
	v2 =	vld.idx.msk [tilespmem:v3+s31+$0x0], $0xffff  }
0x260: {  	v3 =	vor.u32 $0x6, v5;
	_ =	sdelay $0x1  }
0x261: {  	s14 =	sadd.s32 $0x1A680, s20;
	s13 =	sor.u32 s11, s10  }
0x262: {  	s15 =	sor.u32 s19, s14;
	[tilespmem:s13+$0x0] =	vst v0  }
0x263: {  	v0 =	vld.idx.msk [tilespmem:v1+s31+$0x0], $0xffff;
	[tilespmem:s15+$0x0] =	vst v2  }
0x264: {  	v1 =	vor.u32 $0x6, v4;
	v2 =	vld.idx.msk [tilespmem:v3+s31+$0x0], $0xffff  }
0x265: {  	v3 =	vor.u32 $0x7, v5;
	_ =	sdelay $0x1  }
0x266: {  	s17 =	sadd.s32 $0x1A700, s20;
	s16 =	sor.u32 s11, s14  }
0x267: {  	s21 =	sor.u32 s19, s17;
	[tilespmem:s16+$0x0] =	vst v0  }
0x268: {  	v0 =	vld.idx.msk [tilespmem:v1+s31+$0x0], $0xffff;
	[tilespmem:s21+$0x0] =	vst v2  }
0x269: {  	v1 =	vor.u32 $0x7, v4;
	v2 =	vld.idx.msk [tilespmem:v3+s31+$0x0], $0xffff  }
0x26a: {  	v3 =	vor.u32 $0x8, v5;
	_ =	sdelay $0x1  }
0x26b: {  	s22 =	sor.u32 s11, s17;
	s23 =	sadd.s32 $0x1A780, s20  }
0x26c: {  	s24 =	sor.u32 s19, s23;
	[tilespmem:s22+$0x0] =	vst v0  }
0x26d: {  	s25 =	simm.s32 $0x20;
	v0 =	vld.idx.msk [tilespmem:v1+s31+$0x0], $0xffff;
	[tilespmem:s24+$0x0] =	vst v2  }
0x26e: {  	v1 =	vmov s25;
	v2 =	vor.u32 $0x8, v4;
	v3 =	vld.idx.msk [tilespmem:v3+s31+$0x0], $0xffff  }
0x26f: {  	v7 =	vor.u32 $0x9, v5;
	v1 =	vshll.u32 v1, $0x5  }
0x270: {  	s26 =	simm.s32 $0x30;
	v1 =	vor.u32 v19, v1  }
0x271: {  	s7 =	sadd.s32 $0x1B400, s20;
	v6 =	vmov s26;
	s2 =	sor.u32 s11, s23  }
0x272: {  	s8 =	sor.u32 s19, s7;
	[tilespmem:s2+$0x0] =	vst v0;
	v0 =	vshll.u32 v6, $0x5  }
0x273: {  	v2 =	vld.idx.msk [tilespmem:v2+s31+$0x0], $0xffff;
	v6 =	vor.u32 v19, v0;
	[tilespmem:s8+$0x0] =	vst v3  }
0x274: {  	v0 =	vor.u32 $0x9, v4;
	v3 =	vld.idx.msk [tilespmem:v7+s31+$0x0], $0xffff  }
0x275: {  	v8 =	vor.u32 $0xA, v5;
	v7 =	vld.idx.msk [tilespmem:v1+s31+$0x0], $0xffff  }
0x276: {  	s9 =	simm.s32 $0x100;
	v33 =	vor.u32 $0x1, v1  }
0x277: {  	s10 =	sadd.s32 $0x1B480, s20;
	s1 =	sand.u32 $0xC00, s9;
	s2 =	sor.u32 s11, s7  }
0x278: {  	s14 =	sand.u32 $0x60, s25;
	s13 =	sadd.s32 $0x1A400, s1;
	s15 =	sor.u32 s19, s10;
	[tilespmem:s2+$0x0] =	vst v2;
	v2 =	vld.idx.msk [tilespmem:v6+s31+$0x0], $0xffff  }
0x279: {  	s16 =	sor.u32 s14, s13;
	v34 =	vor.u32 $0x1, v6;
	v0 =	vld.idx.msk [tilespmem:v0+s31+$0x0], $0xffff;
	[tilespmem:s15+$0x0] =	vst v3  }
0x27a: {  	v3 =	vor.u32 $0xA, v4;
	[tilespmem:s16+$0x0] =	vst v7;
	v7 =	vld.idx.msk [tilespmem:v8+s31+$0x0], $0xffff  }
0x27b: {  	v35 =	vor.u32 $0xB, v5;
	s12 =	sand.u32 $0x70, s26;
	v8 =	vld.idx.msk [tilespmem:v33+s31+$0x0], $0xffff  }
0x27c: {  	v36 =	vor.u32 $0x2, v1;
	s2 =	sor.u32 s12, s13  }
0x27d: {  	s17 =	sor.u32 s11, s10;
	s21 =	sadd.s32 $0x1B500, s20;
	[tilespmem:s2+$0x0] =	vst v2  }
0x27e: {  	s23 =	sor.u32 s19, s21;
	s22 =	sadd.s32 $0x1A480, s1;
	v2 =	vld.idx.msk [tilespmem:v34+s31+$0x0], $0xffff;
	[tilespmem:s17+$0x0] =	vst v0  }
0x27f: {  	s24 =	sor.u32 s14, s22;
	v0 =	vor.u32 $0x2, v6;
	v3 =	vld.idx.msk [tilespmem:v3+s31+$0x0], $0xffff;
	[tilespmem:s23+$0x0] =	vst v7  }
0x280: {  	v7 =	vor.u32 $0xB, v4;
	[tilespmem:s24+$0x0] =	vst v8;
	v8 =	vld.idx.msk [tilespmem:v35+s31+$0x0], $0xffff  }
0x281: {  	v38 =	vor.u32 $0xC, v5;
	v37 =	vld.idx.msk [tilespmem:v36+s31+$0x0], $0xffff  }
0x282: {  	s5 =	sor.u32 s12, s22;
	v39 =	vor.u32 $0x3, v1  }
0x283: {  	s25 =	sadd.s32 $0x1B580, s20;
	s2 =	sor.u32 s11, s21;
	[tilespmem:s5+$0x0] =	vst v2  }
0x284: {  	s26 =	sadd.s32 $0x1A500, s1;
	s7 =	sor.u32 s19, s25;
	v0 =	vld.idx.msk [tilespmem:v0+s31+$0x0], $0xffff;
	[tilespmem:s2+$0x0] =	vst v3  }
0x285: {  	s8 =	sor.u32 s14, s26;
	v2 =	vor.u32 $0x3, v6;
	v3 =	vld.idx.msk [tilespmem:v7+s31+$0x0], $0xffff;
	[tilespmem:s7+$0x0] =	vst v8  }
0x286: {  	v7 =	vor.u32 $0xC, v4;
	[tilespmem:s8+$0x0] =	vst v37;
	v8 =	vld.idx.msk [tilespmem:v38+s31+$0x0], $0xffff  }
0x287: {  	v40 =	vor.u32 $0xD, v5;
	v9 =	vld.idx.msk [tilespmem:v39+s31+$0x0], $0xffff  }
0x288: {  	v41 =	vor.u32 $0x4, v1;
	s2 =	sor.u32 s12, s26  }
0x289: {  	s9 =	sadd.s32 $0x1B600, s20;
	s5 =	sor.u32 s11, s25;
	[tilespmem:s2+$0x0] =	vst v0  }
0x28a: {  	s10 =	sadd.s32 $0x1A580, s1;
	s13 =	sor.u32 s19, s9;
	v0 =	vld.idx.msk [tilespmem:v2+s31+$0x0], $0xffff;
	[tilespmem:s5+$0x0] =	vst v3  }
0x28b: {  	s15 =	sor.u32 s14, s10;
	v2 =	vor.u32 $0x4, v6;
	v3 =	vld.idx.msk [tilespmem:v7+s31+$0x0], $0xffff;
	[tilespmem:s13+$0x0] =	vst v8  }
0x28c: {  	v7 =	vor.u32 $0xD, v4;
	[tilespmem:s15+$0x0] =	vst v9;
	v8 =	vld.idx.msk [tilespmem:v40+s31+$0x0], $0xffff  }
0x28d: {  	v42 =	vor.u32 $0xE, v5;
	v9 =	vld.idx.msk [tilespmem:v41+s31+$0x0], $0xffff  }
0x28e: {  	v43 =	vor.u32 $0x5, v1;
	s5 =	sor.u32 s12, s10  }
0x28f: {  	s16 =	sadd.s32 $0x1B680, s20;
	s2 =	sor.u32 s11, s9;
	[tilespmem:s5+$0x0] =	vst v0  }
0x290: {  	s21 =	sor.u32 s19, s16;
	s17 =	sadd.s32 $0x1A600, s1;
	v0 =	vld.idx.msk [tilespmem:v2+s31+$0x0], $0xffff;
	[tilespmem:s2+$0x0] =	vst v3  }
0x291: {  	s22 =	sor.u32 s14, s17;
	v2 =	vor.u32 $0x5, v6;
	v3 =	vld.idx.msk [tilespmem:v7+s31+$0x0], $0xffff;
	[tilespmem:s21+$0x0] =	vst v8  }
0x292: {  	v7 =	vor.u32 $0xE, v4;
	[tilespmem:s22+$0x0] =	vst v9;
	v8 =	vld.idx.msk [tilespmem:v42+s31+$0x0], $0xffff  }
0x293: {  	v44 =	vor.u32 $0xF, v5;
	v9 =	vld.idx.msk [tilespmem:v43+s31+$0x0], $0xffff  }
0x294: {  	v45 =	vor.u32 $0x6, v1;
	s2 =	sor.u32 s12, s17  }
0x295: {  	s23 =	sadd.s32 $0x1B700, s20;
	s5 =	sor.u32 s11, s16;
	[tilespmem:s2+$0x0] =	vst v0  }
0x296: {  	s24 =	sadd.s32 $0x1A680, s1;
	s25 =	sor.u32 s19, s23;
	v0 =	vld.idx.msk [tilespmem:v2+s31+$0x0], $0xffff;
	[tilespmem:s5+$0x0] =	vst v3  }
0x297: {  	s26 =	sor.u32 s14, s24;
	v2 =	vor.u32 $0x6, v6;
	v3 =	vld.idx.msk [tilespmem:v7+s31+$0x0], $0xffff;
	[tilespmem:s25+$0x0] =	vst v8  }
0x298: {  	v7 =	vor.u32 $0xF, v4;
	[tilespmem:s26+$0x0] =	vst v9;
	v8 =	vld.idx.msk [tilespmem:v44+s31+$0x0], $0xffff  }
0x299: {  	v46 =	vor.u32 $0x10, v5;
	v9 =	vld.idx.msk [tilespmem:v45+s31+$0x0], $0xffff  }
0x29a: {  	v47 =	vor.u32 $0x7, v1;
	s5 =	sor.u32 s12, s24  }
0x29b: {  	s8 =	sadd.s32 $0x1B780, s20;
	s2 =	sor.u32 s11, s23;
	[tilespmem:s5+$0x0] =	vst v0  }
0x29c: {  	s9 =	sadd.s32 $0x1A700, s1;
	s10 =	sor.u32 s19, s8;
	v0 =	vld.idx.msk [tilespmem:v2+s31+$0x0], $0xffff;
	[tilespmem:s2+$0x0] =	vst v3  }
0x29d: {  	s13 =	sor.u32 s14, s9;
	v2 =	vor.u32 $0x7, v6;
	v3 =	vld.idx.msk [tilespmem:v7+s31+$0x0], $0xffff;
	[tilespmem:s10+$0x0] =	vst v8  }
0x29e: {  	v7 =	vor.u32 $0x10, v4;
	[tilespmem:s13+$0x0] =	vst v9;
	v8 =	vld.idx.msk [tilespmem:v46+s31+$0x0], $0xffff  }
0x29f: {  	v48 =	vor.u32 $0x11, v5;
	v9 =	vld.idx.msk [tilespmem:v47+s31+$0x0], $0xffff  }
0x2a0: {  	v49 =	vor.u32 $0x8, v1;
	s2 =	sor.u32 s12, s9  }
0x2a1: {  	s15 =	sadd.s32 $0x1C400, s20;
	s5 =	sor.u32 s11, s8;
	[tilespmem:s2+$0x0] =	vst v0  }
0x2a2: {  	s16 =	sadd.s32 $0x1A780, s1;
	s17 =	sor.u32 s19, s15;
	v0 =	vld.idx.msk [tilespmem:v2+s31+$0x0], $0xffff;
	[tilespmem:s5+$0x0] =	vst v3  }
0x2a3: {  	s21 =	sor.u32 s14, s16;
	v3 =	vor.u32 $0x8, v6;
	v7 =	vld.idx.msk [tilespmem:v7+s31+$0x0], $0xffff;
	[tilespmem:s17+$0x0] =	vst v8  }
0x2a4: {  	s22 =	simm.s32 $0x40;
	v8 =	vor.u32 $0x11, v4;
	[tilespmem:s21+$0x0] =	vst v9;
	v50 =	vld.idx.msk [tilespmem:v48+s31+$0x0], $0xffff  }
0x2a5: {  	v52 =	vor.u32 $0x12, v5;
	s7 =	simm.s32 $0x50;
	v2 =	vmov s22;
	v51 =	vld.idx.msk [tilespmem:v49+s31+$0x0], $0xffff  }
0x2a6: {  	v13 =	vor.u32 $0x9, v1;
	v12 =	vmov s7;
	s5 =	sor.u32 s12, s16;
	v2 =	vshll.u32 v2, $0x5  }
0x2a7: {  	s23 =	sadd.s32 $0x1C480, s20;
	s2 =	sor.u32 s11, s15;
	v2 =	vor.u32 v19, v2;
	[tilespmem:s5+$0x0] =	vst v0;
	v0 =	vshll.u32 v12, $0x5  }
0x2a8: {  	s24 =	sadd.s32 $0x1B400, s1;
	s25 =	sor.u32 s19, s23;
	v3 =	vld.idx.msk [tilespmem:v3+s31+$0x0], $0xffff;
	[tilespmem:s2+$0x0] =	vst v7;
	v15 =	vor.u32 v19, v0  }
0x2a9: {  	s26 =	sor.u32 s14, s24;
	v0 =	vor.u32 $0x9, v6;
	v7 =	vld.idx.msk [tilespmem:v8+s31+$0x0], $0xffff;
	[tilespmem:s25+$0x0] =	vst v50  }
0x2aa: {  	v8 =	vor.u32 $0x12, v4;
	[tilespmem:s26+$0x0] =	vst v51;
	v9 =	vld.idx.msk [tilespmem:v52+s31+$0x0], $0xffff  }
0x2ab: {  	v53 =	vor.u32 $0x13, v5;
	v10 =	vld.idx.msk [tilespmem:v13+s31+$0x0], $0xffff  }
0x2ac: {  	s2 =	sor.u32 s12, s24;
	v12 =	vld.idx.msk [tilespmem:v2+s31+$0x0], $0xffff;
	v13 =	vor.u32 $0xA, v1  }
0x2ad: {  	s9 =	simm.s32 $0x200;
	s10 =	sadd.s32 $0x1C500, s20;
	v14 =	vor.u32 $0x1, v2;
	s5 =	sor.u32 s11, s23;
	[tilespmem:s2+$0x0] =	vst v3;
	v3 =	vld.idx.msk [tilespmem:v15+s31+$0x0], $0xffff  }
0x2ae: {  	s13 =	sadd.s32 $0x1B480, s1;
	s15 =	sand.u32 $0xC00, s9;
	s17 =	sor.u32 s19, s10;
	v16 =	vor.u32 $0x1, v15;
	[tilespmem:s5+$0x0] =	vst v7;
	v0 =	vld.idx.msk [tilespmem:v0+s31+$0x0], $0xffff  }
0x2af: {  	s16 =	sand.u32 $0x60, s22;
	s22 =	sor.u32 s14, s13;
	s21 =	sadd.s32 $0x1A400, s15;
	v7 =	vor.u32 $0xA, v6;
	v8 =	vld.idx.msk [tilespmem:v8+s31+$0x0], $0xffff;
	[tilespmem:s17+$0x0] =	vst v9  }
0x2b0: {  	v54 =	vor.u32 $0x13, v4;
	s23 =	sor.u32 s16, s21;
	s17 =	sand.u32 $0x70, s7;
	[tilespmem:s22+$0x0] =	vst v10;
	v55 =	vld.idx.msk [tilespmem:v53+s31+$0x0], $0xffff  }
0x2b1: {  	[tilespmem:s23+$0x0] =	vst v12;
	v12 =	vor.u32 $0x14, v5;
	s6 =	sor.u32 s17, s21;
	v56 =	vld.idx.msk [tilespmem:v13+s31+$0x0], $0xffff  }
0x2b2: {  	s2 =	sor.u32 s12, s13;
	v13 =	vld.idx.msk [tilespmem:v14+s31+$0x0], $0xffff;
	[tilespmem:s6+$0x0] =	vst v3;
	v3 =	vor.u32 $0xB, v1  }
0x2b3: {  	s24 =	sor.u32 s11, s10;
	s25 =	sadd.s32 $0x1C580, s20;
	v14 =	vld.idx.msk [tilespmem:v16+s31+$0x0], $0xffff;
	[tilespmem:s2+$0x0] =	vst v0;
	v0 =	vor.u32 $0x2, v2  }
0x2b4: {  	s26 =	sadd.s32 $0x1B500, s1;
	s9 =	sor.u32 s19, s25;
	v16 =	vor.u32 $0x2, v15;
	v7 =	vld.idx.msk [tilespmem:v7+s31+$0x0], $0xffff;
	[tilespmem:s24+$0x0] =	vst v8  }
0x2b5: {  	s10 =	sadd.s32 $0x1A480, s15;
	s13 =	sor.u32 s14, s26;
	v8 =	vor.u32 $0xB, v6;
	v9 =	vld.idx.msk [tilespmem:v54+s31+$0x0], $0xffff;
	[tilespmem:s9+$0x0] =	vst v55  }
0x2b6: {  	v57 =	vor.u32 $0x14, v4;
	s21 =	sor.u32 s16, s10;
	[tilespmem:s13+$0x0] =	vst v56;
	v58 =	vld.idx.msk [tilespmem:v12+s31+$0x0], $0xffff  }
0x2b7: {  	s7 =	sor.u32 s17, s10;
	[tilespmem:s21+$0x0] =	vst v13;
	v3 =	vld.idx.msk [tilespmem:v3+s31+$0x0], $0xffff;
	v12 =	vor.u32 $0x15, v5  }
0x2b8: {  	s5 =	sor.u32 s12, s26;
	v13 =	vor.u32 $0xC, v1;
	v0 =	vld.idx.msk [tilespmem:v0+s31+$0x0], $0xffff;
	[tilespmem:s7+$0x0] =	vst v14  }
0x2b9: {  	s22 =	sadd.s32 $0x1C600, s20;
	s2 =	sor.u32 s11, s25;
	v14 =	vld.idx.msk [tilespmem:v16+s31+$0x0], $0xffff;
	[tilespmem:s5+$0x0] =	vst v7;
	v7 =	vor.u32 $0x3, v2  }
0x2ba: {  	s23 =	sadd.s32 $0x1B580, s1;
	s24 =	sor.u32 s19, s22;
	v16 =	vor.u32 $0x3, v15;
	v8 =	vld.idx.msk [tilespmem:v8+s31+$0x0], $0xffff;
	[tilespmem:s2+$0x0] =	vst v9  }
0x2bb: {  	v59 =	vor.u32 $0xC, v6;
	s26 =	sor.u32 s14, s23;
	s25 =	sadd.s32 $0x1A500, s15;
	v10 =	vld.idx.msk [tilespmem:v57+s31+$0x0], $0xffff;
	[tilespmem:s24+$0x0] =	vst v58  }
0x2bc: {  	v60 =	vor.u32 $0x15, v4;
	s9 =	sor.u32 s16, s25;
	[tilespmem:s26+$0x0] =	vst v3;
	v3 =	vld.idx.msk [tilespmem:v12+s31+$0x0], $0xffff  }
0x2bd: {  	s7 =	sor.u32 s17, s25;
	[tilespmem:s9+$0x0] =	vst v0;
	v0 =	vld.idx.msk [tilespmem:v13+s31+$0x0], $0xffff;
	v12 =	vor.u32 $0x16, v5  }
0x2be: {  	s2 =	sor.u32 s12, s23;
	v13 =	vor.u32 $0xD, v1;
	v7 =	vld.idx.msk [tilespmem:v7+s31+$0x0], $0xffff;
	[tilespmem:s7+$0x0] =	vst v14  }
0x2bf: {  	s10 =	sadd.s32 $0x1C680, s20;
	s5 =	sor.u32 s11, s22;
	v14 =	vld.idx.msk [tilespmem:v16+s31+$0x0], $0xffff;
	[tilespmem:s2+$0x0] =	vst v8;
	v8 =	vor.u32 $0x4, v2  }
0x2c0: {  	s13 =	sadd.s32 $0x1B600, s1;
	s21 =	sor.u32 s19, s10;
	v16 =	vor.u32 $0x4, v15;
	v9 =	vld.idx.msk [tilespmem:v59+s31+$0x0], $0xffff;
	[tilespmem:s5+$0x0] =	vst v10  }
0x2c1: {  	v61 =	vor.u32 $0xD, v6;
	s22 =	sadd.s32 $0x1A580, s15;
	s23 =	sor.u32 s14, s13;
	v11 =	vld.idx.msk [tilespmem:v60+s31+$0x0], $0xffff;
	[tilespmem:s21+$0x0] =	vst v3  }
0x2c2: {  	s24 =	sor.u32 s16, s22;
	v3 =	vor.u32 $0x16, v4;
	[tilespmem:s23+$0x0] =	vst v0;
	v0 =	vld.idx.msk [tilespmem:v12+s31+$0x0], $0xffff  }
0x2c3: {  	s7 =	sor.u32 s17, s22;
	[tilespmem:s24+$0x0] =	vst v7;
	v7 =	vld.idx.msk [tilespmem:v13+s31+$0x0], $0xffff;
	v12 =	vor.u32 $0x17, v5  }
0x2c4: {  	s5 =	sor.u32 s12, s13;
	v13 =	vor.u32 $0xE, v1;
	v8 =	vld.idx.msk [tilespmem:v8+s31+$0x0], $0xffff;
	[tilespmem:s7+$0x0] =	vst v14  }
0x2c5: {  	v62 =	vor.u32 $0x5, v2;
	s25 =	sadd.s32 $0x1C700, s20;
	s2 =	sor.u32 s11, s10;
	v14 =	vld.idx.msk [tilespmem:v16+s31+$0x0], $0xffff;
	[tilespmem:s5+$0x0] =	vst v9  }
0x2c6: {  	s26 =	sadd.s32 $0x1B680, s1;
	s9 =	sor.u32 s19, s25;
	v16 =	vor.u32 $0x5, v15;
	v10 =	vld.idx.msk [tilespmem:v61+s31+$0x0], $0xffff;
	[tilespmem:s2+$0x0] =	vst v11  }
0x2c7: {  	v63 =	vor.u32 $0xE, v6;
	s10 =	sadd.s32 $0x1A600, s15;
	s13 =	sor.u32 s14, s26;
	v3 =	vld.idx.msk [tilespmem:v3+s31+$0x0], $0xffff;
	[tilespmem:s9+$0x0] =	vst v0  }
0x2c8: {  	s21 =	sor.u32 s16, s10;
	v0 =	vor.u32 $0x17, v4;
	[tilespmem:s13+$0x0] =	vst v7;
	v7 =	vld.idx.msk [tilespmem:v12+s31+$0x0], $0xffff  }
0x2c9: {  	s7 =	sor.u32 s17, s10;
	[tilespmem:s21+$0x0] =	vst v8;
	v8 =	vld.idx.msk [tilespmem:v13+s31+$0x0], $0xffff;
	v12 =	vor.u32 $0x18, v5  }
0x2ca: {  	s2 =	sor.u32 s12, s26;
	v13 =	vor.u32 $0xF, v1;
	v9 =	vld.idx.msk [tilespmem:v62+s31+$0x0], $0xffff;
	[tilespmem:s7+$0x0] =	vst v14  }
0x2cb: {  	v32 =	vor.u32 $0x6, v2;
	s22 =	sadd.s32 $0x1C780, s20;
	s5 =	sor.u32 s11, s25;
	v14 =	vld.idx.msk [tilespmem:v16+s31+$0x0], $0xffff;
	[tilespmem:s2+$0x0] =	vst v10  }
0x2cc: {  	s23 =	sadd.s32 $0x1B700, s1;
	s24 =	sor.u32 s19, s22;
	v16 =	vor.u32 $0x6, v15;
	v11 =	vld.idx.msk [tilespmem:v63+s31+$0x0], $0xffff;
	[tilespmem:s5+$0x0] =	vst v3  }
0x2cd: {  	s25 =	sadd.s32 $0x1A680, s15;
	s26 =	sor.u32 s14, s23;
	v3 =	vor.u32 $0xF, v6;
	v0 =	vld.idx.msk [tilespmem:v0+s31+$0x0], $0xffff;
	[tilespmem:s24+$0x0] =	vst v7  }
0x2ce: {  	s9 =	sor.u32 s16, s25;
	v7 =	vor.u32 $0x18, v4;
	[tilespmem:s26+$0x0] =	vst v8;
	v8 =	vld.idx.msk [tilespmem:v12+s31+$0x0], $0xffff  }
0x2cf: {  	s7 =	sor.u32 s17, s25;
	[tilespmem:s9+$0x0] =	vst v9;
	v33 =	vld.idx.msk [tilespmem:v13+s31+$0x0], $0xffff;
	v12 =	vor.u32 $0x19, v5  }
0x2d0: {  	s5 =	sor.u32 s12, s23;
	v13 =	vor.u32 $0x10, v1;
	v10 =	vld.idx.msk [tilespmem:v32+s31+$0x0], $0xffff;
	[tilespmem:s7+$0x0] =	vst v14  }
0x2d1: {  	v34 =	vor.u32 $0x7, v2;
	s10 =	sadd.s32 $0x1D400, s20;
	s2 =	sor.u32 s11, s22;
	v14 =	vld.idx.msk [tilespmem:v16+s31+$0x0], $0xffff;
	[tilespmem:s5+$0x0] =	vst v11  }
0x2d2: {  	s13 =	sadd.s32 $0x1B780, s1;
	s21 =	sor.u32 s19, s10;
	v16 =	vor.u32 $0x7, v15;
	v3 =	vld.idx.msk [tilespmem:v3+s31+$0x0], $0xffff;
	[tilespmem:s2+$0x0] =	vst v0  }
0x2d3: {  	s22 =	sadd.s32 $0x1A700, s15;
	s23 =	sor.u32 s14, s13;
	v0 =	vor.u32 $0x10, v6;
	v7 =	vld.idx.msk [tilespmem:v7+s31+$0x0], $0xffff;
	[tilespmem:s21+$0x0] =	vst v8  }
0x2d4: {  	s24 =	sor.u32 s16, s22;
	v8 =	vor.u32 $0x19, v4;
	[tilespmem:s23+$0x0] =	vst v33;
	v35 =	vld.idx.msk [tilespmem:v12+s31+$0x0], $0xffff  }
0x2d5: {  	s7 =	sor.u32 s17, s22;
	[tilespmem:s24+$0x0] =	vst v10;
	v36 =	vld.idx.msk [tilespmem:v13+s31+$0x0], $0xffff;
	v12 =	vor.u32 $0x1A, v5  }
0x2d6: {  	s2 =	sor.u32 s12, s13;
	v13 =	vor.u32 $0x11, v1;
	v11 =	vld.idx.msk [tilespmem:v34+s31+$0x0], $0xffff;
	[tilespmem:s7+$0x0] =	vst v14  }
0x2d7: {  	s25 =	sadd.s32 $0x1D480, s20;
	s5 =	sor.u32 s11, s10;
	v14 =	vld.idx.msk [tilespmem:v16+s31+$0x0], $0xffff;
	[tilespmem:s2+$0x0] =	vst v3;
	v3 =	vor.u32 $0x8, v2  }
0x2d8: {  	s8 =	sor.u32 s19, s25;
	s26 =	sadd.s32 $0x1C400, s1;
	v16 =	vor.u32 $0x8, v15;
	v0 =	vld.idx.msk [tilespmem:v0+s31+$0x0], $0xffff;
	[tilespmem:s5+$0x0] =	vst v7  }
0x2d9: {  	s9 =	sadd.s32 $0x1A780, s15;
	s10 =	sor.u32 s14, s26;
	v7 =	vor.u32 $0x11, v6;
	v8 =	vld.idx.msk [tilespmem:v8+s31+$0x0], $0xffff;
	[tilespmem:s8+$0x0] =	vst v35  }
0x2da: {  	v37 =	vor.u32 $0x1A, v4;
	s13 =	sor.u32 s16, s9;
	[tilespmem:s10+$0x0] =	vst v36;
	v38 =	vld.idx.msk [tilespmem:v12+s31+$0x0], $0xffff  }
0x2db: {  	s6 =	simm.s32 $0x60;
	s7 =	sor.u32 s17, s9;
	[tilespmem:s13+$0x0] =	vst v11;
	v39 =	vld.idx.msk [tilespmem:v13+s31+$0x0], $0xffff;
	v12 =	vor.u32 $0x1B, v5  }
0x2dc: {  	s5 =	sor.u32 s12, s26;
	s8 =	simm.s32 $0x70;
	v13 =	vld.idx.msk [tilespmem:v3+s31+$0x0], $0xffff;
	[tilespmem:s7+$0x0] =	vst v14;
	v3 =	vmov s6;
	v14 =	vor.u32 $0x12, v1  }
0x2dd: {  	v18 =	vor.u32 $0x9, v2;
	s21 =	sadd.s32 $0x1D500, s20;
	s2 =	sor.u32 s11, s25;
	v17 =	vmov s8;
	v16 =	vld.idx.msk [tilespmem:v16+s31+$0x0], $0xffff;
	[tilespmem:s5+$0x0] =	vst v0;
	v0 =	vshll.u32 v3, $0x5  }
0x2de: {  	s22 =	sadd.s32 $0x1C480, s1;
	s23 =	sor.u32 s19, s21;
	v17 =	vshll.u32 v17, $0x5;
	v7 =	vld.idx.msk [tilespmem:v7+s31+$0x0], $0xffff;
	[tilespmem:s2+$0x0] =	vst v8;
	v3 =	vor.u32 v19, v0  }
0x2df: {  	s24 =	sadd.s32 $0x1B400, s15;
	s25 =	sor.u32 s14, s22;
	v21 =	vor.u32 v19, v17;
	v0 =	vld.idx.msk [tilespmem:v37+s31+$0x0], $0xffff;
	[tilespmem:s23+$0x0] =	vst v38  }
0x2e0: {  	s26 =	sor.u32 s16, s24;
	v8 =	vor.u32 $0x9, v15;
	[tilespmem:s25+$0x0] =	vst v39;
	v40 =	vld.idx.msk [tilespmem:v12+s31+$0x0], $0xffff  }
0x2e1: {  	v41 =	vor.u32 $0x12, v6;
	s13 =	sor.u32 s17, s24;
	[tilespmem:s26+$0x0] =	vst v13;
	v11 =	vld.idx.msk [tilespmem:v14+s31+$0x0], $0xffff  }
0x2e2: {  	s2 =	sor.u32 s12, s22;
	v13 =	vor.u32 $0x1C, v5;
	v12 =	vld.idx.msk [tilespmem:v18+s31+$0x0], $0xffff;
	[tilespmem:s13+$0x0] =	vst v16  }
0x2e3: {  	s5 =	sor.u32 s11, s21;
	s22 =	sadd.s32 $0x1D580, s20;
	v16 =	vor.u32 $0x13, v1;
	v14 =	vld.idx.msk [tilespmem:v3+s31+$0x0], $0xffff;
	[tilespmem:s2+$0x0] =	vst v7  }
0x2e4: {  	s29 =	simm.s32 $0x300;
	v17 =	vor.u32 $0xA, v2;
	s21 =	sor.u32 s19, s22;
	v7 =	vld.idx.msk [tilespmem:v21+s31+$0x0], $0xffff;
	s2 =	sadd.s32 $0x1C500, s1;
	[tilespmem:s5+$0x0] =	vst v0  }
0x2e5: {  	s23 =	sadd.s32 $0x1B480, s15;
	s13 =	sand.u32 $0xC00, s29;
	v8 =	vld.idx.msk [tilespmem:v8+s31+$0x0], $0xffff;
	v0 =	vor.u32 $0x1, v3;
	s24 =	sor.u32 s14, s2;
	[tilespmem:s21+$0x0] =	vst v40  }
0x2e6: {  	v18 =	vor.u32 $0x1, v21;
	s25 =	sadd.s32 $0x1A400, s13;
	v10 =	vld.idx.msk [tilespmem:v41+s31+$0x0], $0xffff;
	s5 =	sand.u32 $0x60, s6;
	s21 =	sor.u32 s16, s23;
	[tilespmem:s24+$0x0] =	vst v11  }
0x2e7: {  	v42 =	vor.u32 $0xA, v15;
	s10 =	sand.u32 $0x70, s8;
	s26 =	sor.u32 s5, s25;
	v43 =	vld.idx.msk [tilespmem:v13+s31+$0x0], $0xffff;
	[tilespmem:s21+$0x0] =	vst v12  }
0x2e8: {  	s6 =	sor.u32 s10, s25;
	v13 =	vor.u32 $0x13, v6;
	v12 =	vld.idx.msk [tilespmem:v16+s31+$0x0], $0xffff;
	[tilespmem:s26+$0x0] =	vst v14  }
0x2e9: {  	s7 =	sor.u32 s17, s23;
	v16 =	vor.u32 $0x1D, v5;
	v14 =	vld.idx.msk [tilespmem:v17+s31+$0x0], $0xffff;
	[tilespmem:s6+$0x0] =	vst v7  }
0x2ea: {  	s2 =	sor.u32 s12, s2;
	s21 =	sadd.s32 $0x1D600, s20;
	v7 =	vor.u32 $0x14, v1;
	[tilespmem:s7+$0x0] =	vst v8;
	v0 =	vld.idx.msk [tilespmem:v0+s31+$0x0], $0xffff  }
0x2eb: {  	s6 =	sadd.s32 $0x1C580, s1;
	s9 =	sor.u32 s19, s21;
	v17 =	vld.idx.msk [tilespmem:v18+s31+$0x0], $0xffff;
	v18 =	vor.u32 $0xB, v2;
	[tilespmem:s2+$0x0] =	vst v10  }
0x2ec: {  	v8 =	vor.u32 $0x2, v3;
	s7 =	sadd.s32 $0x1B500, s15;
	v9 =	vld.idx.msk [tilespmem:v42+s31+$0x0], $0xffff;
	s23 =	sor.u32 s14, s6;
	[tilespmem:s9+$0x0] =	vst v43  }
0x2ed: {  	v44 =	vor.u32 $0x2, v21;
	s24 =	sadd.s32 $0x1A480, s13;
	s25 =	sor.u32 s16, s7;
	v13 =	vld.idx.msk [tilespmem:v13+s31+$0x0], $0xffff;
	[tilespmem:s23+$0x0] =	vst v12  }
0x2ee: {  	v45 =	vor.u32 $0xB, v15;
	s26 =	sor.u32 s5, s24;
	v12 =	vld.idx.msk [tilespmem:v16+s31+$0x0], $0xffff;
	[tilespmem:s25+$0x0] =	vst v14  }
0x2ef: {  	s2 =	sor.u32 s10, s24;
	v16 =	vor.u32 $0x14, v6;
	v7 =	vld.idx.msk [tilespmem:v7+s31+$0x0], $0xffff;
	[tilespmem:s26+$0x0] =	vst v0  }
0x2f0: {  	s7 =	sor.u32 s17, s7;
	v14 =	vor.u32 $0x1E, v5;
	v0 =	vld.idx.msk [tilespmem:v18+s31+$0x0], $0xffff;
	[tilespmem:s2+$0x0] =	vst v17  }
0x2f1: {  	s6 =	sor.u32 s12, s6;
	v17 =	vor.u32 $0x15, v1;
	[tilespmem:s7+$0x0] =	vst v9;
	s2 =	sadd.s32 $0x1D680, s20;
	v8 =	vld.idx.msk [tilespmem:v8+s31+$0x0], $0xffff  }
0x2f2: {  	v18 =	vor.u32 $0xC, v2;
	s7 =	sadd.s32 $0x1C600, s1;
	v10 =	vld.idx.msk [tilespmem:v44+s31+$0x0], $0xffff;
	s9 =	sor.u32 s19, s2;
	[tilespmem:s6+$0x0] =	vst v13  }
0x2f3: {  	s8 =	sadd.s32 $0x1B580, s15;
	v46 =	vor.u32 $0x3, v3;
	v11 =	vld.idx.msk [tilespmem:v45+s31+$0x0], $0xffff;
	s23 =	sor.u32 s14, s7;
	[tilespmem:s9+$0x0] =	vst v12  }
0x2f4: {  	s24 =	sadd.s32 $0x1A500, s13;
	s25 =	sor.u32 s16, s8;
	v13 =	vor.u32 $0x3, v21;
	v16 =	vld.idx.msk [tilespmem:v16+s31+$0x0], $0xffff;
	[tilespmem:s23+$0x0] =	vst v7  }
0x2f5: {  	s26 =	sor.u32 s5, s24;
	v12 =	vor.u32 $0xC, v15;
	v7 =	vld.idx.msk [tilespmem:v14+s31+$0x0], $0xffff;
	[tilespmem:s25+$0x0] =	vst v0  }
0x2f6: {  	s6 =	sor.u32 s10, s24;
	v14 =	vor.u32 $0x15, v6;
	v0 =	vld.idx.msk [tilespmem:v17+s31+$0x0], $0xffff;
	[tilespmem:s26+$0x0] =	vst v8  }
0x2f7: {  	v5 =	vor.u32 $0x1F, v5;
	s8 =	sor.u32 s17, s8;
	v8 =	vld.idx.msk [tilespmem:v18+s31+$0x0], $0xffff;
	[tilespmem:s6+$0x0] =	vst v10  }
0x2f8: {  	v47 =	vor.u32 $0x16, v1;
	s9 =	sor.u32 s12, s7;
	s23 =	sadd.s32 $0x1D700, s20;
	[tilespmem:s8+$0x0] =	vst v11;
	v9 =	vld.idx.msk [tilespmem:v46+s31+$0x0], $0xffff  }
0x2f9: {  	s7 =	sadd.s32 $0x1C680, s1;
	v17 =	vor.u32 $0xD, v2;
	s24 =	sor.u32 s19, s23;
	v13 =	vld.idx.msk [tilespmem:v13+s31+$0x0], $0xffff;
	[tilespmem:s9+$0x0] =	vst v16  }
0x2fa: {  	v48 =	vor.u32 $0x4, v3;
	s25 =	sor.u32 s14, s7;
	s8 =	sadd.s32 $0x1B600, s15;
	v12 =	vld.idx.msk [tilespmem:v12+s31+$0x0], $0xffff;
	[tilespmem:s24+$0x0] =	vst v7  }
0x2fb: {  	s26 =	sadd.s32 $0x1A580, s13;
	v16 =	vor.u32 $0x4, v21;
	v14 =	vld.idx.msk [tilespmem:v14+s31+$0x0], $0xffff;
	[tilespmem:s25+$0x0] =	vst v0;
	s24 =	sor.u32 s16, s8  }
0x2fc: {  	v7 =	vor.u32 $0xD, v15;
	s25 =	sor.u32 s5, s26;
	v0 =	vld.idx.msk [tilespmem:v5+s31+$0x0], $0xffff;
	[tilespmem:s24+$0x0] =	vst v8  }
0x2fd: {  	s6 =	sor.u32 s10, s26;
	v5 =	vor.u32 $0x16, v6;
	v8 =	vld.idx.msk [tilespmem:v47+s31+$0x0], $0xffff;
	[tilespmem:s25+$0x0] =	vst v9  }
0x2fe: {  	v49 =	vor.u32 $0x1B, v4;
	s8 =	sor.u32 s17, s8;
	v50 =	vld.idx.msk [tilespmem:v17+s31+$0x0], $0xffff;
	[tilespmem:s6+$0x0] =	vst v13  }
0x2ff: {  	s20 =	sadd.s32 $0x1D780, s20;
	s26 =	sor.u32 s12, s7;
	v11 =	vld.idx.msk [tilespmem:v48+s31+$0x0], $0xffff;
	v13 =	vor.u32 $0x17, v1;
	[tilespmem:s8+$0x0] =	vst v12  }
0x300: {  	s9 =	sor.u32 s19, s20;
	s7 =	sadd.s32 $0x1C700, s1;
	v17 =	vor.u32 $0xE, v2;
	v16 =	vld.idx.msk [tilespmem:v16+s31+$0x0], $0xffff;
	[tilespmem:s26+$0x0] =	vst v14  }
0x301: {  	s19 =	sor.u32 s14, s7;
	v12 =	vor.u32 $0x5, v3;
	s8 =	sadd.s32 $0x1B680, s15;
	v7 =	vld.idx.msk [tilespmem:v7+s31+$0x0], $0xffff;
	[tilespmem:s9+$0x0] =	vst v0  }
0x302: {  	s24 =	sadd.s32 $0x1A600, s13;
	s25 =	sor.u32 s16, s8;
	v5 =	vld.idx.msk [tilespmem:v5+s31+$0x0], $0xffff;
	[tilespmem:s19+$0x0] =	vst v8  }
0x303: {  	v14 =	vor.u32 $0x5, v21;
	s26 =	sor.u32 s5, s24;
	v8 =	vld.idx.msk [tilespmem:v49+s31+$0x0], $0xffff;
	[tilespmem:s25+$0x0] =	vst v50  }
0x304: {  	s6 =	sor.u32 s10, s24;
	v0 =	vor.u32 $0xE, v15;
	v52 =	vld.idx.msk [tilespmem:v13+s31+$0x0], $0xffff;
	[tilespmem:s26+$0x0] =	vst v11  }
0x305: {  	v51 =	vor.u32 $0x17, v6;
	s8 =	sor.u32 s17, s8;
	v17 =	vld.idx.msk [tilespmem:v17+s31+$0x0], $0xffff;
	[tilespmem:s6+$0x0] =	vst v16  }
0x306: {  	s7 =	sor.u32 s12, s7;
	v13 =	vor.u32 $0x1C, v4;
	v18 =	vld.idx.msk [tilespmem:v12+s31+$0x0], $0xffff;
	[tilespmem:s8+$0x0] =	vst v7  }
0x307: {  	s9 =	sor.u32 s11, s22;
	v16 =	vor.u32 $0x18, v1;
	s8 =	sadd.s32 $0x1C780, s1;
	[tilespmem:s7+$0x0] =	vst v5  }
0x308: {  	v22 =	vor.u32 $0x1E, v4;
	v25 =	vor.u32 $0x1F, v4;
	s19 =	sadd.s32 $0x1B700, s15;
	v20 =	vld.idx.msk [tilespmem:v14+s31+$0x0], $0xffff;
	s22 =	sor.u32 s14, s8;
	[tilespmem:s9+$0x0] =	vst v8  }
0x309: {  	v30 =	vor.u32 $0x19, v1;
	v27 =	vor.u32 $0x1A, v6;
	v23 =	vor.u32 $0xF, v2;
	s24 =	sadd.s32 $0x1A680, s13;
	s25 =	sor.u32 s16, s19;
	v0 =	vld.idx.msk [tilespmem:v0+s31+$0x0], $0xffff;
	[tilespmem:s22+$0x0] =	vst v52  }
0x30a: {  	v31 =	vor.u32 $0x18, v15;
	v28 =	vor.u32 $0x19, v15;
	v24 =	vor.u32 $0x6, v3;
	s26 =	sor.u32 s5, s24;
	v9 =	vld.idx.msk [tilespmem:v51+s31+$0x0], $0xffff;
	[tilespmem:s25+$0x0] =	vst v17  }
0x30b: {  	v56 =	vor.u32 $0x12, v15;
	v57 =	vor.u32 $0x13, v15;
	v5 =	vor.u32 $0x6, v21;
	v53 =	vld.idx.msk [tilespmem:v13+s31+$0x0], $0xffff;
	[tilespmem:s26+$0x0] =	vst v18  }
0x30c: {  	v58 =	vor.u32 $0x14, v15;
	v59 =	vor.u32 $0x1C, v6;
	v8 =	vor.u32 $0xF, v15;
	v17 =	vld.idx.msk [tilespmem:v16+s31+$0x0], $0xffff;
	[tilespmem:$0x1FE40] =	vst v57  }
0x30d: {  	v60 =	vor.u32 $0x1B, v6;
	v19 =	vor.u32 $0x1D, v4;
	v4 =	vor.u32 $0x18, v6;
	s7 =	sor.u32 s10, s24;
	[tilespmem:$0x1FE50] =	vst v58  }
0x30e: {  	v61 =	vor.u32 $0x10, v2;
	v32 =	vor.u32 $0x17, v15;
	v33 =	vor.u32 $0x16, v15;
	s6 =	sor.u32 s17, s19;
	v26 =	vld.idx.msk [tilespmem:v23+s31+$0x0], $0xffff;
	[tilespmem:s7+$0x0] =	vst v20  }
0x30f: {  	v34 =	vor.u32 $0x15, v15;
	v36 =	vor.u32 $0x11, v15;
	v62 =	vor.u32 $0x7, v21;
	s8 =	sor.u32 s12, s8;
	v29 =	vld.idx.msk [tilespmem:v24+s31+$0x0], $0xffff;
	[tilespmem:s6+$0x0] =	vst v0  }
0x310: {  	v37 =	vor.u32 $0x1D, v6;
	v12 =	vor.u32 $0x1F, v6;
	s19 =	sadd.s32 $0x1D400, s1;
	v7 =	vor.u32 $0x19, v6;
	s9 =	sor.u32 s11, s21;
	v5 =	vld.idx.msk [tilespmem:v5+s31+$0x0], $0xffff;
	[tilespmem:s8+$0x0] =	vst v9  }
0x311: {  	v14 =	vor.u32 $0x1E, v6;
	v6 =	vor.u32 $0x10, v15;
	s21 =	sadd.s32 $0x1B780, s15;
	s22 =	sor.u32 s14, s19;
	v0 =	vor.u32 $0x7, v3;
	v8 =	vld.idx.msk [tilespmem:v8+s31+$0x0], $0xffff;
	[tilespmem:s9+$0x0] =	vst v53  }
0x312: {  	s24 =	sadd.s32 $0x1A700, s13;
	v13 =	vor.u32 $0x1F, v15;
	s25 =	sor.u32 s16, s21;
	v18 =	vor.u32 $0x1D, v15;
	v16 =	vor.u32 $0x1E, v15;
	v4 =	vld.idx.msk [tilespmem:v4+s31+$0x0], $0xffff;
	[tilespmem:s22+$0x0] =	vst v17  }
0x313: {  	s26 =	sor.u32 s5, s24;
	v24 =	vor.u32 $0x1A, v15;
	v23 =	vor.u32 $0x1B, v15;
	v20 =	vor.u32 $0x1C, v15;
	v15 =	vld.idx.msk [tilespmem:v19+s31+$0x0], $0xffff;
	[tilespmem:s25+$0x0] =	vst v26  }
0x314: {  	s6 =	sor.u32 s10, s24;
	v17 =	vld.idx.msk [tilespmem:v30+s31+$0x0], $0xffff;
	[tilespmem:s26+$0x0] =	vst v29  }
0x315: {  	s7 =	sor.u32 s17, s21;
	v51 =	vld.idx.msk [tilespmem:v61+s31+$0x0], $0xffff;
	[tilespmem:s6+$0x0] =	vst v5  }
0x316: {  	v53 =	vld.idx.msk [tilespmem:v0+s31+$0x0], $0xffff;
	[tilespmem:s7+$0x0] =	vst v8;
	v0 =	vor.u32 $0x12, v21  }
0x317: {  	v54 =	vor.u32 $0x1A, v1;
	v5 =	vld.idx.msk [tilespmem:v62+s31+$0x0], $0xffff;
	[tilespmem:$0x1FE60] =	vst v0;
	v0 =	vor.u32 $0x13, v21  }
0x318: {  	v63 =	vor.u32 $0x11, v2;
	v35 =	vor.u32 $0x1A, v21;
	[tilespmem:$0x1FE70] =	vst v0;
	v0 =	vor.u32 $0x14, v21  }
0x319: {  	v39 =	vor.u32 $0x16, v21;
	v41 =	vor.u32 $0xF, v21;
	v40 =	vor.u32 $0x10, v21;
	s19 =	sor.u32 s12, s19;
	[tilespmem:$0x1FE80] =	vst v0  }
0x31a: {  	v42 =	vor.u32 $0xE, v21;
	v43 =	vor.u32 $0xD, v21;
	[tilespmem:s19+$0x0] =	vst v4;
	v4 =	vor.u32 $0x15, v21  }
0x31b: {  	v45 =	vor.u32 $0xB, v21;
	v44 =	vor.u32 $0xC, v21;
	s2 =	sor.u32 s11, s2;
	v46 =	vor.u32 $0xA, v21;
	s21 =	sadd.s32 $0x1D480, s1;
	s24 =	sadd.s32 $0x1A780, s13;
	v0 =	vld.idx.msk [tilespmem:v6+s31+$0x0], $0xffff;
	[tilespmem:$0x1FE90] =	vst v4  }
0x31c: {  	v47 =	vor.u32 $0x11, v21;
	v48 =	vor.u32 $0x9, v21;
	v49 =	vor.u32 $0x8, v21;
	s22 =	sadd.s32 $0x1C400, s15;
	s19 =	sor.u32 s11, s23;
	s23 =	sor.u32 s14, s21;
	v52 =	vld.idx.msk [tilespmem:v7+s31+$0x0], $0xffff;
	[tilespmem:s2+$0x0] =	vst v15  }
0x31d: {  	v19 =	vor.u32 $0x1C, v21;
	v30 =	vor.u32 $0x17, v21;
	v29 =	vor.u32 $0x18, v21;
	s25 =	sor.u32 s16, s22;
	s26 =	sor.u32 s5, s24;
	[tilespmem:s23+$0x0] =	vst v17;
	v50 =	vld.idx.msk [tilespmem:v22+s31+$0x0], $0xffff  }
0x31e: {  	v26 =	vor.u32 $0x19, v21;
	s11 =	sor.u32 s11, s20;
	s20 =	simm.s32 $0x6;
	v6 =	vor.u32 $0x8, v3;
	v17 =	vor.u32 $0x1D, v21;
	s23 =	sor.u32 s12, s21;
	[tilespmem:s25+$0x0] =	vst v51;
	v51 =	vld.idx.msk [tilespmem:v54+s31+$0x0], $0xffff  }
0x31f: {  	v15 =	vor.u32 $0x1E, v21;
	[tilespmem:s26+$0x0] =	vst v53;
	s2 =	sor.u32 s17, s22;
	s25 =	sor.u32 s10, s24;
	s21 =	simm.s32 $0x90;
	v22 =	vor.u32 $0x1B, v21;
	v21 =	vor.u32 $0x1F, v21;
	v4 =	vld.idx.msk [tilespmem:v63+s31+$0x0], $0xffff  }
.LBB2_8:
0x320: {  	[tilespmem:$0x1FD90] =	vst v18  }
0x321: {  	[tilespmem:$0x1FD50] =	vst v30  }
0x322: {  	[tilespmem:$0x1FDA0] =	vst v17  }
0x323: {  	[tilespmem:$0x1FE10] =	vst v16  }
0x324: {  	[tilespmem:$0x1FE20] =	vst v15  }
0x325: {  	[tilespmem:$0x1FE00] =	vst v14  }
0x326: {  	[tilespmem:$0x1FD80] =	vst v37  }
0x327: {  	[tilespmem:$0x1FDE0] =	vst v28  }
0x328: {  	[tilespmem:$0x1FDF0] =	vst v26  }
0x329: {  	[tilespmem:s25+$0x0] =	vst v5  }
0x32a: {  	s24 =	sadd.s32 $0xFFFFFFF0, s21;
	s25 =	sadd.s32 $0x1D500, s1;
	v7 =	vmov v47;
	v53 =	vld.idx.msk [tilespmem:v49+s31+$0x0], $0xffff;
	[tilespmem:s2+$0x0] =	vst v0  }
0x32b: {  	v6 =	vld.idx.msk [tilespmem:v6+s31+$0x0], $0xffff;
	v5 =	vmov s24;
	[tilespmem:$0x1FD70] =	vst v7;
	s7 =	sor.u32 s14, s25  }
0x32c: {  	s6 =	sadd.s32 $0x1C480, s15;
	v0 =	vshll.u32 v5, $0x5;
	v5 =	vld [tilespmem:$0x1FFF0];
	[tilespmem:s7+$0x0] =	vst v51  }
0x32d: {  	v9 =	vor.u32 $0x1B, v1;
	s9 =	sor.u32 s16, s6;
	v57 =	vld.idx.msk [tilespmem:v36+s31+$0x0], $0xffff;
	[tilespmem:s23+$0x0] =	vst v52  }
0x32e: {  	[tilespmem:s9+$0x0] =	vst v4  }
0x32f: {  	v54 =	vor.u32 $0x12, v2;
	v7 =	vmov v13;
	v58 =	vld.idx.msk [tilespmem:v27+s31+$0x0], $0xffff;
	[tilespmem:s19+$0x0] =	vst v50  }
0x330: {  	v11 =	vmov s21;
	v55 =	vor.u32 $0x9, v3;
	s8 =	sadd.s32 $0x1B400, s13;
	v4 =	vmov v21;
	[tilespmem:$0x1FDC0] =	vst v7  }
0x331: {  	v30 =	vmov v24;
	v24 =	vld [tilespmem:$0x1FE60];
	v8 =	vshll.u32 v11, $0x5;
	s26 =	sor.u32 s5, s8;
	[tilespmem:$0x1FE30] =	vst v4;
	v0 =	vor.u32 v5, v0  }
0x332: {  	v38 =	vmov v34;
	s8 =	sor.u32 s10, s8;
	v34 =	vld.idx.msk [tilespmem:v9+s31+$0x0], $0xffff;
	[tilespmem:s26+$0x0] =	vst v6;
	v10 =	vor.u32 v5, v8  }
0x333: {  	v61 =	vld.idx.msk [tilespmem:v25+s31+$0x0], $0xffff;
	[tilespmem:s8+$0x0] =	vst v53;
	v14 =	vor.u32 $0x6, v10  }
0x334: {  	v52 =	vmov v12;
	v6 =	vld.idx.msk [tilespmem:v54+s31+$0x0], $0xffff;
	v12 =	vor.u32 $0x7, v10;
	[tilespmem:$0x1FD60] =	vst v14  }
0x335: {  	s6 =	sor.u32 s17, s6;
	v21 =	vld.idx.msk [tilespmem:v55+s31+$0x0], $0xffff;
	[tilespmem:$0x1FDB0] =	vst v12  }
0x336: {  	s2 =	sor.u32 s12, s25;
	[tilespmem:s6+$0x0] =	vst v57;
	s6 =	sadd.s32 $0x1D580, s1;
	v14 =	vld.idx.msk [tilespmem:v0+s31+$0x0], $0xffff  }
0x337: {  	v54 =	vor.u32 $0x1C, v1;
	s19 =	sor.u32 s14, s6;
	v16 =	vld.idx.msk [tilespmem:v10+s31+$0x0], $0xffff;
	[tilespmem:s2+$0x0] =	vst v58  }
0x338: {  	v15 =	vor.u32 $0x13, v2;
	s29 =	sadd.s32 $0x100, s29;
	v51 =	vmovc v29;
	v29 =	vmov v20;
	v11 =	vor.u32 $0x1, v10;
	s2 =	sadd.s32 $0x1C500, s15;
	[tilespmem:s19+$0x0] =	vst v34;
	v20 =	vld.idx.msk [tilespmem:v48+s31+$0x0], $0xffff  }
0x339: {  	v17 =	vor.u32 $0xA, v3;
	s25 =	sand.u32 $0xC00, s29;
	v36 =	vmovc v31;
	v31 =	vmovc v23;
	v27 =	vmov v60;
	v62 =	vor.u32 $0x12, v10;
	[tilespmem:s11+$0x0] =	vst v61;
	s23 =	sor.u32 s16, s2  }
0x33a: {  	s22 =	sand.u32 $0x70, s21;
	v8 =	vor.u32 $0x2, v10;
	v5 =	vor.u32 $0x3, v10;
	v60 =	vor.u32 $0x4, v10;
	s11 =	sadd.s32 $0x1A400, s25;
	v23 =	vld.idx.msk [tilespmem:v56+s31+$0x0], $0xffff;
	v56 =	vmovc v24;
	v24 =	vmovc v62;
	[tilespmem:s23+$0x0] =	vst v6  }
0x33b: {  	s8 =	sadd.s32 $0x1B480, s13;
	v50 =	vor.u32 $0x5, v10;
	v49 =	vor.u32 $0x8, v10;
	v4 =	vor.u32 $0x9, v10;
	s7 =	sor.u32 s22, s11;
	[tilespmem:$0x1FE60] =	vst v24  }
0x33c: {  	v13 =	vor.u32 $0xB, v10;
	v7 =	vor.u32 $0xC, v10;
	v63 =	vor.u32 $0xD, v10;
	s19 =	sor.u32 s5, s8;
	s8 =	sor.u32 s10, s8;
	v24 =	vld.idx.msk [tilespmem:v54+s31+$0x0], $0xffff;
	[tilespmem:s7+$0x0] =	vst v16  }
0x33d: {  	v25 =	vmovc v59;
	v59 =	vor.u32 $0xE, v10;
	v55 =	vor.u32 $0xF, v10;
	v47 =	vor.u32 $0x11, v10;
	v11 =	vld.idx.msk [tilespmem:v11+s31+$0x0], $0xffff;
	[tilespmem:s8+$0x0] =	vst v20  }
0x33e: {  	v28 =	vmovc v19;
	v37 =	vmovc v32;
	s26 =	sand.u32 $0x60, s24;
	v18 =	vor.u32 $0x1, v0;
	v12 =	vor.u32 $0xA, v10;
	v57 =	vor.u32 $0x10, v10;
	[tilespmem:s19+$0x0] =	vst v21;
	v21 =	vld.idx.msk [tilespmem:v46+s31+$0x0], $0xffff  }
0x33f: {  	v32 =	vmovc v22;
	v19 =	vor.u32 $0x13, v10;
	v22 =	vor.u32 $0x14, v10;
	v9 =	vor.u32 $0x15, v10;
	[tilespmem:$0x1FDD0] =	vst v57;
	s23 =	sor.u32 s26, s11;
	v46 =	vmovc v12;
	v12 =	vld [tilespmem:$0x1FE40]  }
0x340: {  	v26 =	vmovc v33;
	v33 =	vmovc v35;
	v53 =	vor.u32 $0x19, v10;
	v35 =	vor.u32 $0x1A, v10;
	v57 =	vor.u32 $0x18, v10;
	v15 =	vld.idx.msk [tilespmem:v15+s31+$0x0], $0xffff;
	[tilespmem:s23+$0x0] =	vst v14  }
0x341: {  	v58 =	vor.u32 $0x1D, v10;
	v34 =	vor.u32 $0x1F, v10;
	v14 =	vld.idx.msk [tilespmem:v17+s31+$0x0], $0xffff;
	v17 =	vor.u32 $0x1D, v1  }
0x342: {  	v48 =	vmovc v4;
	v4 =	vor.u32 $0x16, v10;
	v61 =	vor.u32 $0x17, v10;
	s24 =	sor.u32 s17, s2;
	v6 =	vor.u32 $0x1B, v10;
	s8 =	sadd.s32 $0x1D600, s1  }
0x343: {  	v62 =	vor.u32 $0x1C, v10;
	s11 =	sadd.s32 $0x1C580, s15;
	v54 =	vor.u32 $0x1E, v10;
	v10 =	vor.u32 $0x14, v2;
	v18 =	vld.idx.msk [tilespmem:v18+s31+$0x0], $0xffff;
	[tilespmem:s24+$0x0] =	vst v23;
	s19 =	sor.u32 s14, s8  }
0x344: {  	v20 =	vor.u32 $0x2, v0;
	s24 =	sor.u32 s16, s11;
	[tilespmem:s19+$0x0] =	vst v24  }
0x345: {  	s9 =	sadd.s32 $0x1B500, s13;
	v24 =	vmov v33;
	v33 =	vld [tilespmem:$0x1FE70];
	[tilespmem:s24+$0x0] =	vst v15  }
0x346: {  	s7 =	sor.u32 s17, s11;
	s11 =	sadd.s32 $0x1A480, s25;
	s19 =	sor.u32 s5, s9;
	v15 =	vld.idx.msk [tilespmem:v17+s31+$0x0], $0xffff  }
0x347: {  	s24 =	sor.u32 s26, s11;
	[tilespmem:s19+$0x0] =	vst v14;
	v12 =	vld.idx.msk [tilespmem:v12+s31+$0x0], $0xffff  }
0x348: {  	s23 =	sor.u32 s12, s8;
	s8 =	sor.u32 s22, s11;
	v10 =	vld.idx.msk [tilespmem:v10+s31+$0x0], $0xffff;
	[tilespmem:s24+$0x0] =	vst v18  }
0x349: {  	s2 =	sor.u32 s12, s6;
	s6 =	sor.u32 s10, s9;
	v17 =	vld.idx.msk [tilespmem:v20+s31+$0x0], $0xffff;
	[tilespmem:s8+$0x0] =	vst v11  }
0x34a: {  	v8 =	vld.idx.msk [tilespmem:v8+s31+$0x0], $0xffff;
	[tilespmem:s6+$0x0] =	vst v21  }
0x34b: {  	v16 =	vor.u32 $0xB, v3;
	v20 =	vld.idx.msk [tilespmem:v45+s31+$0x0], $0xffff  }
0x34c: {  	[tilespmem:s7+$0x0] =	vst v12;
	v12 =	vld [tilespmem:$0x1FE50];
	_ =	sdelay $0x3  }
0x34d: {  	s9 =	sadd.s32 $0x1D680, s1;
	v23 =	vmov v33;
	v14 =	vld.idx.msk [tilespmem:v16+s31+$0x0], $0xffff;
	v16 =	vor.u32 $0x1E, v1  }
0x34e: {  	s11 =	sor.u32 s14, s9;
	v33 =	vor.u32 $0x15, v2;
	[tilespmem:$0x1FE40] =	vst v23;
	s8 =	sadd.s32 $0x1C600, s15  }
0x34f: {  	v18 =	vor.u32 $0xC, v3;
	s19 =	sor.u32 s16, s8;
	[tilespmem:s11+$0x0] =	vst v15  }
0x350: {  	s24 =	sor.u32 s12, s9;
	s9 =	sadd.s32 $0x1B580, s13;
	v15 =	vld [tilespmem:$0x1FE80];
	v45 =	vmov v13;
	v13 =	vmov v22;
	[tilespmem:s19+$0x0] =	vst v10  }
0x351: {  	s11 =	sor.u32 s5, s9;
	[tilespmem:$0x1FE80] =	vst v13;
	s7 =	sadd.s32 $0x1A500, s25;
	v12 =	vld.idx.msk [tilespmem:v12+s31+$0x0], $0xffff  }
0x352: {  	v10 =	vld.idx.msk [tilespmem:v16+s31+$0x0], $0xffff;
	[tilespmem:s11+$0x0] =	vst v14;
	s19 =	sor.u32 s26, s7  }
0x353: {  	v11 =	vld.idx.msk [tilespmem:v33+s31+$0x0], $0xffff;
	s7 =	sor.u32 s22, s7;
	[tilespmem:s19+$0x0] =	vst v17  }
0x354: {  	v23 =	vmov v19;
	v19 =	vor.u32 $0x3, v0;
	s6 =	sor.u32 s10, s9;
	v13 =	vld.idx.msk [tilespmem:v18+s31+$0x0], $0xffff;
	[tilespmem:s7+$0x0] =	vst v8  }
0x355: {  	s8 =	sor.u32 s17, s8;
	v5 =	vld.idx.msk [tilespmem:v5+s31+$0x0], $0xffff;
	[tilespmem:s6+$0x0] =	vst v20  }
0x356: {  	v17 =	vld.idx.msk [tilespmem:v44+s31+$0x0], $0xffff;
	[tilespmem:s8+$0x0] =	vst v12  }
0x357: {  	s9 =	sadd.s32 $0x1D700, s1;
	v44 =	vmov v7;
	v7 =	vld.idx.msk [tilespmem:v38+s31+$0x0], $0xffff  }
0x358: {  	v14 =	vor.u32 $0x1F, v1;
	s11 =	sor.u32 s14, s9;
	s7 =	sadd.s32 $0x1C680, s15;
	v38 =	vld [tilespmem:$0x1FE90]  }
0x359: {  	v1 =	vmov v2;
	v2 =	vmov v3;
	v3 =	vmov v0;
	s19 =	sor.u32 s12, s9;
	v0 =	vld.idx.msk [tilespmem:v19+s31+$0x0], $0xffff;
	[tilespmem:s11+$0x0] =	vst v10;
	s9 =	sor.u32 s16, s7;
	s8 =	sadd.s32 $0x1A580, s25  }
0x35a: {  	v8 =	vor.u32 $0x16, v1;
	[tilespmem:s9+$0x0] =	vst v11;
	s9 =	sor.u32 s26, s8;
	s8 =	sor.u32 s22, s8  }
0x35b: {  	v15 =	vmov v15;
	s6 =	sadd.s32 $0x1B600, s13;
	[tilespmem:s8+$0x0] =	vst v5  }
0x35c: {  	[tilespmem:$0x1FE50] =	vst v15;
	v15 =	vor.u32 $0xD, v2;
	s11 =	sor.u32 s5, s6;
	s6 =	sor.u32 s10, s6;
	v11 =	vld.idx.msk [tilespmem:v60+s31+$0x0], $0xffff  }
0x35d: {  	v21 =	vmov v34;
	v16 =	vor.u32 $0x4, v3;
	[tilespmem:s6+$0x0] =	vst v17;
	v34 =	vmov v38;
	v38 =	vld.idx.msk [tilespmem:v14+s31+$0x0], $0xffff  }
0x35e: {  	s7 =	sor.u32 s17, s7;
	[tilespmem:s11+$0x0] =	vst v13;
	v14 =	vld.idx.msk [tilespmem:v43+s31+$0x0], $0xffff  }
0x35f: {  	[tilespmem:s7+$0x0] =	vst v7;
	v8 =	vld.idx.msk [tilespmem:v8+s31+$0x0], $0xffff  }
0x360: {  	v33 =	vmov v9;
	s11 =	sadd.s32 $0x1D780, s1;
	s1 =	smov.u32 s15;
	s15 =	smov.u32 s13;
	[tilespmem:s9+$0x0] =	vst v0;
	v7 =	vld.idx.msk [tilespmem:v26+s31+$0x0], $0xffff  }
0x361: {  	s13 =	sor.u32 s14, s11;
	s11 =	sor.u32 s12, s11;
	s12 =	sadd.s32 $0x1A600, s25;
	v0 =	vld.idx.msk [tilespmem:v15+s31+$0x0], $0xffff  }
0x362: {  	[tilespmem:$0x1FE90] =	vst v33;
	v5 =	vor.u32 $0x17, v1;
	v10 =	vld.idx.msk [tilespmem:v16+s31+$0x0], $0xffff;
	s7 =	sor.u32 s22, s12  }
0x363: {  	v12 =	vor.u32 $0xE, v2;
	v33 =	vmov v39;
	v39 =	vmov v4;
	s8 =	sadd.s32 $0x1C700, s1;
	v4 =	vld.idx.msk [tilespmem:v27+s31+$0x0], $0xffff;
	[tilespmem:s7+$0x0] =	vst v11  }
0x364: {  	v13 =	vor.u32 $0x5, v3;
	s9 =	sadd.s32 $0x1B680, s15;
	s14 =	sor.u32 s16, s8;
	[tilespmem:s13+$0x0] =	vst v38  }
0x365: {  	s13 =	sor.u32 s5, s9;
	[tilespmem:s14+$0x0] =	vst v8  }
0x366: {  	v43 =	vmov v63;
	v63 =	vld.idx.msk [tilespmem:v50+s31+$0x0], $0xffff;
	s14 =	sor.u32 s26, s12;
	[tilespmem:s13+$0x0] =	vst v0  }
0x367: {  	v0 =	vld.idx.msk [tilespmem:v5+s31+$0x0], $0xffff;
	[tilespmem:s14+$0x0] =	vst v10  }
0x368: {  	s6 =	sor.u32 s10, s9;
	v5 =	vld.idx.msk [tilespmem:v12+s31+$0x0], $0xffff  }
0x369: {  	v22 =	vmov v6;
	s8 =	sor.u32 s17, s8;
	[tilespmem:s6+$0x0] =	vst v14;
	v6 =	vld.idx.msk [tilespmem:v13+s31+$0x0], $0xffff  }
0x36a: {  	s7 =	sadd.s32 $0x1C780, s1;
	s14 =	smov.u32 s16;
	v12 =	vld.idx.msk [tilespmem:v42+s31+$0x0], $0xffff;
	[tilespmem:s8+$0x0] =	vst v7  }
0x36b: {  	s9 =	sor.u32 s14, s7;
	v7 =	vld.idx.msk [tilespmem:v37+s31+$0x0], $0xffff;
	[tilespmem:s2+$0x0] =	vst v4  }
0x36c: {  	[tilespmem:s9+$0x0] =	vst v0;
	v0 =	vld.idx.msk [tilespmem:v25+s31+$0x0], $0xffff  }
0x36d: {  	v25 =	vmov v52;
	v52 =	vld [tilespmem:$0x1FD60];
	_ =	sdelay $0x3  }
0x36e: {  	s12 =	smov.u32 s17;
	s13 =	smov.u32 s25  }
0x36f: {  	s17 =	smov.u32 s10;
	s10 =	smov.u32 s22;
	s22 =	sadd.s32 $0x1A680, s13  }
0x370: {  	s8 =	sadd.s32 $0x1B700, s15;
	s2 =	sor.u32 s10, s22  }
0x371: {  	s6 =	sor.u32 s12, s7;
	v4 =	vld [tilespmem:$0x1FD50];
	s7 =	sor.u32 s17, s8;
	[tilespmem:s2+$0x0] =	vst v63  }
0x372: {  	v9 =	vld.idx.msk [tilespmem:v52+s31+$0x0], $0xffff;
	[tilespmem:s7+$0x0] =	vst v12  }
0x373: {  	v8 =	vor.u32 $0x18, v1;
	v12 =	vld.idx.msk [tilespmem:v41+s31+$0x0], $0xffff;
	[tilespmem:s6+$0x0] =	vst v7  }
0x374: {  	v7 =	vld.idx.msk [tilespmem:v36+s31+$0x0], $0xffff  }
0x375: {  	s16 =	smov.u32 s5;
	[tilespmem:s23+$0x0] =	vst v0;
	v0 =	vld [tilespmem:$0x1FD80]  }
0x376: {  	v38 =	vor.u32 $0xF, v2;
	s25 =	sor.u32 s16, s8  }
0x377: {  	v50 =	vor.u32 $0x6, v3;
	[tilespmem:s25+$0x0] =	vst v5  }
0x378: {  	[tilespmem:$0x1FE70] =	vst v23;
	v23 =	vmov v32;
	s5 =	smov.u32 s26;
	v32 =	vmov v4;
	v4 =	vld.idx.msk [tilespmem:v8+s31+$0x0], $0xffff  }
0x379: {  	s26 =	sor.u32 s5, s22  }
0x37a: {  	[tilespmem:s26+$0x0] =	vst v6  }
0x37b: {  	s8 =	sadd.s32 $0x1D400, s1;
	v5 =	vld.idx.msk [tilespmem:v38+s31+$0x0], $0xffff  }
0x37c: {  	s22 =	sor.u32 s14, s8;
	v6 =	vld.idx.msk [tilespmem:v50+s31+$0x0], $0xffff  }
0x37d: {  	[tilespmem:s22+$0x0] =	vst v4;
	v4 =	vld.idx.msk [tilespmem:v0+s31+$0x0], $0xffff  }
0x37e: {  	v0 =	vld [tilespmem:$0x1FD90];
	_ =	sdelay $0x4  }
0x37f: {  	v37 =	vmov v0;
	v0 =	vld [tilespmem:$0x1FDA0];
	_ =	sdelay $0x4  }
0x380: {  	v18 =	vmov v0;
	v0 =	vld [tilespmem:$0x1FDB0];
	_ =	sdelay $0x3  }
0x381: {  	s9 =	sadd.s32 $0x1B780, s15  }
0x382: {  	s25 =	sor.u32 s16, s9;
	s23 =	sadd.s32 $0x1A700, s13  }
0x383: {  	s2 =	sor.u32 s12, s8;
	[tilespmem:s25+$0x0] =	vst v5;
	s8 =	sor.u32 s10, s23  }
0x384: {  	s6 =	sor.u32 s17, s9;
	[tilespmem:s8+$0x0] =	vst v9  }
0x385: {  	v5 =	vld.idx.msk [tilespmem:v0+s31+$0x0], $0xffff;
	[tilespmem:s6+$0x0] =	vst v12  }
0x386: {  	v0 =	vld.idx.msk [tilespmem:v40+s31+$0x0], $0xffff  }
0x387: {  	[tilespmem:s2+$0x0] =	vst v7;
	v7 =	vld [tilespmem:$0x1FDD0];
	_ =	sdelay $0x4  }
0x388: {  	v40 =	vmov v7;
	v7 =	vld [tilespmem:$0x1FDE0];
	_ =	sdelay $0x7  }
0x389: {  	v52 =	vld.idx.msk [tilespmem:v7+s31+$0x0], $0xffff  }
0x38a: {  	[tilespmem:s24+$0x0] =	vst v4;
	v4 =	vld [tilespmem:$0x1FDF0];
	_ =	sdelay $0x4  }
0x38b: {  	v20 =	vmov v28;
	v28 =	vmov v4;
	v4 =	vld [tilespmem:$0x1FE00];
	_ =	sdelay $0x5  }
0x38c: {  	v8 =	vor.u32 $0x19, v1  }
0x38d: {  	v27 =	vmov v30;
	v30 =	vmov v61;
	v61 =	vor.u32 $0x10, v2  }
0x38e: {  	v19 =	vmov v62;
	v62 =	vor.u32 $0x7, v3;
	v50 =	vld.idx.msk [tilespmem:v4+s31+$0x0], $0xffff  }
0x38f: {  	v4 =	vld [tilespmem:$0x1FE10]  }
0x390: {  	s26 =	sor.u32 s5, s23  }
0x391: {  	v8 =	vld.idx.msk [tilespmem:v8+s31+$0x0], $0xffff;
	[tilespmem:s26+$0x0] =	vst v6  }
0x392: {  	v10 =	vld.idx.msk [tilespmem:v61+s31+$0x0], $0xffff  }
0x393: {  	v63 =	vor.u32 $0x1A, v1;
	v11 =	vld.idx.msk [tilespmem:v62+s31+$0x0], $0xffff  }
0x394: {  	s20 =	sadd.s32 $0x2, s20;
	v13 =	vor.u32 $0x11, v2;
	s7 =	sadd.s32 $0x1D480, s1;
	v14 =	vmov v4;
	v4 =	vld [tilespmem:$0x1FE20]  }
0x395: {  	p0 =	slt.u32 s20, $0x1E;
	s9 =	sor.u32 s14, s7;
	s8 =	sadd.s32 $0x1C400, s15  }
.Ltmp3:
0x396: {  	s22 =	sadd.s32 $0x1A780, s13;
	v36 =	vld [tilespmem:$0x1FD70];
	[tilespmem:s9+$0x0] =	vst v8;
	s24 =	sor.u32 s16, s8;
	(pc) =	sbr.rel @p0 .LBB2_8-.Ltmp3, $4  }
0x397: {  	s26 =	sor.u32 s5, s22;
	v12 =	vld [tilespmem:$0x1FDC0];
	[tilespmem:s24+$0x0] =	vst v10  }
0x398: {  	v60 =	vmov v31;
	v31 =	vmov v51;
	v51 =	vld.idx.msk [tilespmem:v63+s31+$0x0], $0xffff;
	[tilespmem:s26+$0x0] =	vst v11  }
0x399: {  	s21 =	sadd.s32 $0x20, s21;
	v17 =	vmovc v58;
	v26 =	vmov v53;
	v15 =	vmov v54;
	v16 =	vmov v4;
	v4 =	vld.idx.msk [tilespmem:v13+s31+$0x0], $0xffff  }
0x39a: {  	v42 =	vmovc v59;
	v59 =	vmovc v29;
	v29 =	vmov v57;
	s25 =	sor.u32 s10, s22;
	v41 =	vmov v55;
	s23 =	sor.u32 s12, s7;
	v6 =	vor.u32 $0x8, v3;
	s2 =	sor.u32 s17, s8;
	v13 =	vld [tilespmem:$0x1FE30]  }
0x39b: {  	_ =	sdelay $0x3  }
0x39c: {  	v6 =	vld.idx.msk [tilespmem:v6+s31+$0x0], $0xffff;
	[tilespmem:s25+$0x0] =	vst v5  }
0x39d: {  	v7 =	vor.u32 $0x9, v3;
	v5 =	vld.idx.msk [tilespmem:v49+s31+$0x0], $0xffff;
	_ =	sdelay $0x1  }
0x39e: {  	s6 =	sadd.s32 $0x1B400, s13  }
0x39f: {  	s7 =	sor.u32 s5, s6  }
0x3a0: {  	s6 =	sor.u32 s10, s6;
	[tilespmem:s7+$0x0] =	vst v6  }
0x3a1: {  	v6 =	vld.idx.msk [tilespmem:v7+s31+$0x0], $0xffff;
	[tilespmem:s6+$0x0] =	vst v5  }
0x3a2: {  	v61 =	vor.u32 $0xA, v3;
	v62 =	vld.idx.msk [tilespmem:v48+s31+$0x0], $0xffff;
	_ =	sdelay $0x1  }
0x3a3: {  	s24 =	sadd.s32 $0x1B480, s13  }
0x3a4: {  	s25 =	sor.u32 s5, s24  }
0x3a5: {  	s6 =	sor.u32 s10, s24;
	[tilespmem:s25+$0x0] =	vst v6  }
0x3a6: {  	v5 =	vld.idx.msk [tilespmem:v61+s31+$0x0], $0xffff;
	[tilespmem:s6+$0x0] =	vst v62  }
0x3a7: {  	v63 =	vor.u32 $0xB, v3;
	v7 =	vld.idx.msk [tilespmem:v46+s31+$0x0], $0xffff;
	_ =	sdelay $0x1  }
0x3a8: {  	s26 =	sadd.s32 $0x1B500, s13  }
0x3a9: {  	s29 =	sor.u32 s5, s26  }
0x3aa: {  	s6 =	sor.u32 s10, s26;
	[tilespmem:s29+$0x0] =	vst v5  }
0x3ab: {  	v5 =	vld.idx.msk [tilespmem:v63+s31+$0x0], $0xffff;
	[tilespmem:s6+$0x0] =	vst v7  }
0x3ac: {  	v9 =	vor.u32 $0xC, v3;
	v7 =	vld.idx.msk [tilespmem:v45+s31+$0x0], $0xffff;
	_ =	sdelay $0x1  }
0x3ad: {  	s7 =	sadd.s32 $0x1B580, s13  }
0x3ae: {  	s8 =	sor.u32 s5, s7  }
0x3af: {  	s6 =	sor.u32 s10, s7;
	[tilespmem:s8+$0x0] =	vst v5  }
0x3b0: {  	v5 =	vld.idx.msk [tilespmem:v9+s31+$0x0], $0xffff;
	[tilespmem:s6+$0x0] =	vst v7  }
0x3b1: {  	v10 =	vor.u32 $0xD, v3;
	v7 =	vld.idx.msk [tilespmem:v44+s31+$0x0], $0xffff;
	_ =	sdelay $0x1  }
0x3b2: {  	s9 =	sadd.s32 $0x1B600, s13  }
0x3b3: {  	s20 =	sor.u32 s5, s9  }
0x3b4: {  	s6 =	sor.u32 s10, s9;
	[tilespmem:s20+$0x0] =	vst v5  }
0x3b5: {  	v5 =	vld.idx.msk [tilespmem:v10+s31+$0x0], $0xffff;
	[tilespmem:s6+$0x0] =	vst v7  }
0x3b6: {  	v11 =	vor.u32 $0xE, v3;
	v7 =	vld.idx.msk [tilespmem:v43+s31+$0x0], $0xffff;
	_ =	sdelay $0x1  }
0x3b7: {  	s21 =	sadd.s32 $0x1B680, s13  }
0x3b8: {  	s22 =	sor.u32 s5, s21  }
0x3b9: {  	s6 =	sor.u32 s10, s21;
	[tilespmem:s22+$0x0] =	vst v5  }
0x3ba: {  	v5 =	vld.idx.msk [tilespmem:v11+s31+$0x0], $0xffff;
	[tilespmem:s6+$0x0] =	vst v7  }
0x3bb: {  	v38 =	vor.u32 $0xF, v3;
	v7 =	vld.idx.msk [tilespmem:v42+s31+$0x0], $0xffff;
	_ =	sdelay $0x1  }
0x3bc: {  	s24 =	sadd.s32 $0x1B700, s13  }
0x3bd: {  	s25 =	sor.u32 s5, s24  }
0x3be: {  	s6 =	sor.u32 s10, s24;
	[tilespmem:s25+$0x0] =	vst v5  }
0x3bf: {  	v5 =	vld.idx.msk [tilespmem:v38+s31+$0x0], $0xffff;
	[tilespmem:s6+$0x0] =	vst v7  }
0x3c0: {  	v43 =	vor.u32 $0x10, v3;
	v7 =	vld.idx.msk [tilespmem:v41+s31+$0x0], $0xffff;
	_ =	sdelay $0x1  }
0x3c1: {  	s26 =	sadd.s32 $0x1B780, s13  }
0x3c2: {  	s29 =	sor.u32 s5, s26  }
0x3c3: {  	s6 =	sor.u32 s10, s26;
	[tilespmem:s29+$0x0] =	vst v5  }
0x3c4: {  	v5 =	vld.idx.msk [tilespmem:v43+s31+$0x0], $0xffff;
	[tilespmem:s6+$0x0] =	vst v7  }
0x3c5: {  	v44 =	vor.u32 $0x11, v3;
	v7 =	vld.idx.msk [tilespmem:v40+s31+$0x0], $0xffff;
	_ =	sdelay $0x1  }
0x3c6: {  	[tilespmem:s2+$0x0] =	vst v0;
	s7 =	sadd.s32 $0x1C400, s13  }
0x3c7: {  	v8 =	vld.idx.msk [tilespmem:v36+s31+$0x0], $0xffff;
	s8 =	sor.u32 s5, s7  }
0x3c8: {  	s6 =	sor.u32 s10, s7;
	[tilespmem:s8+$0x0] =	vst v5  }
0x3c9: {  	v5 =	vld.idx.msk [tilespmem:v44+s31+$0x0], $0xffff;
	[tilespmem:s6+$0x0] =	vst v7  }
0x3ca: {  	s9 =	sadd.s32 $0x1C480, s15;
	v7 =	vld.idx.msk [tilespmem:v47+s31+$0x0], $0xffff  }
0x3cb: {  	s2 =	sor.u32 s17, s9  }
0x3cc: {  	[tilespmem:s2+$0x0] =	vst v8;
	s20 =	sor.u32 s16, s9;
	s21 =	sadd.s32 $0x1C480, s13  }
0x3cd: {  	[tilespmem:s20+$0x0] =	vst v4;
	s22 =	sor.u32 s5, s21  }
0x3ce: {  	s6 =	sor.u32 s10, s21;
	[tilespmem:s22+$0x0] =	vst v5  }
0x3cf: {  	[tilespmem:s6+$0x0] =	vst v7  }
0x3d0: {  	v45 =	vor.u32 $0x12, v2;
	v7 =	vld [tilespmem:$0x1FE60];
	_ =	sdelay $0x1  }
0x3d1: {  	v46 =	vor.u32 $0x12, v3;
	_ =	sdelay $0x2  }
0x3d2: {  	v0 =	vld.idx.msk [tilespmem:v45+s31+$0x0], $0xffff  }
0x3d3: {  	v8 =	vld.idx.msk [tilespmem:v56+s31+$0x0], $0xffff  }
0x3d4: {  	v5 =	vld.idx.msk [tilespmem:v46+s31+$0x0], $0xffff  }
0x3d5: {  	s24 =	sadd.s32 $0x1C500, s15;
	v7 =	vld.idx.msk [tilespmem:v7+s31+$0x0], $0xffff  }
0x3d6: {  	s25 =	sor.u32 s16, s24  }
0x3d7: {  	s2 =	sor.u32 s17, s24;
	s26 =	sadd.s32 $0x1C500, s13;
	[tilespmem:s25+$0x0] =	vst v0  }
0x3d8: {  	s29 =	sor.u32 s5, s26;
	[tilespmem:s2+$0x0] =	vst v8  }
0x3d9: {  	s6 =	sor.u32 s10, s26;
	v8 =	vld [tilespmem:$0x1FE40];
	[tilespmem:s29+$0x0] =	vst v5  }
0x3da: {  	[tilespmem:s6+$0x0] =	vst v7  }
0x3db: {  	v48 =	vor.u32 $0x13, v2;
	v7 =	vld [tilespmem:$0x1FE70];
	_ =	sdelay $0x1  }
0x3dc: {  	v49 =	vor.u32 $0x13, v3;
	_ =	sdelay $0x2  }
0x3dd: {  	v0 =	vld.idx.msk [tilespmem:v48+s31+$0x0], $0xffff  }
0x3de: {  	v8 =	vld.idx.msk [tilespmem:v8+s31+$0x0], $0xffff  }
0x3df: {  	v5 =	vld.idx.msk [tilespmem:v49+s31+$0x0], $0xffff  }
0x3e0: {  	s7 =	sadd.s32 $0x1C580, s15;
	v7 =	vld.idx.msk [tilespmem:v7+s31+$0x0], $0xffff  }
0x3e1: {  	s8 =	sor.u32 s16, s7  }
0x3e2: {  	s9 =	sadd.s32 $0x1C580, s13;
	s2 =	sor.u32 s17, s7;
	[tilespmem:s8+$0x0] =	vst v0  }
0x3e3: {  	s20 =	sor.u32 s5, s9;
	[tilespmem:s2+$0x0] =	vst v8  }
0x3e4: {  	s6 =	sor.u32 s10, s9;
	v8 =	vld [tilespmem:$0x1FE50];
	[tilespmem:s20+$0x0] =	vst v5  }
0x3e5: {  	[tilespmem:s6+$0x0] =	vst v7  }
0x3e6: {  	v53 =	vor.u32 $0x14, v2;
	v7 =	vld [tilespmem:$0x1FE80];
	_ =	sdelay $0x1  }
0x3e7: {  	v54 =	vor.u32 $0x14, v3;
	_ =	sdelay $0x2  }
0x3e8: {  	v0 =	vld.idx.msk [tilespmem:v53+s31+$0x0], $0xffff  }
0x3e9: {  	v8 =	vld.idx.msk [tilespmem:v8+s31+$0x0], $0xffff  }
0x3ea: {  	v5 =	vld.idx.msk [tilespmem:v54+s31+$0x0], $0xffff  }
0x3eb: {  	s21 =	sadd.s32 $0x1C600, s15;
	v7 =	vld.idx.msk [tilespmem:v7+s31+$0x0], $0xffff  }
0x3ec: {  	s22 =	sor.u32 s16, s21  }
0x3ed: {  	v55 =	vor.u32 $0x15, v2;
	s24 =	sadd.s32 $0x1C600, s13;
	s2 =	sor.u32 s17, s21;
	[tilespmem:s22+$0x0] =	vst v0  }
0x3ee: {  	s25 =	sor.u32 s5, s24;
	[tilespmem:s2+$0x0] =	vst v8  }
0x3ef: {  	s6 =	sor.u32 s10, s24;
	[tilespmem:s25+$0x0] =	vst v5  }
0x3f0: {  	[tilespmem:s6+$0x0] =	vst v7  }
0x3f1: {  	v7 =	vld [tilespmem:$0x1FE90]  }
0x3f2: {  	v56 =	vor.u32 $0x15, v3;
	v0 =	vld.idx.msk [tilespmem:v55+s31+$0x0], $0xffff  }
0x3f3: {  	v57 =	vor.u32 $0x16, v2;
	_ =	sdelay $0x1  }
0x3f4: {  	s26 =	sadd.s32 $0x1C680, s15;
	v8 =	vld.idx.msk [tilespmem:v34+s31+$0x0], $0xffff  }
0x3f5: {  	s29 =	sor.u32 s16, s26  }
0x3f6: {  	v5 =	vld.idx.msk [tilespmem:v56+s31+$0x0], $0xffff;
	[tilespmem:s29+$0x0] =	vst v0  }
0x3f7: {  	v58 =	vor.u32 $0x16, v3;
	v0 =	vld.idx.msk [tilespmem:v57+s31+$0x0], $0xffff  }
0x3f8: {  	v61 =	vor.u32 $0x17, v2;
	s2 =	sor.u32 s17, s26;
	v7 =	vld.idx.msk [tilespmem:v7+s31+$0x0], $0xffff  }
0x3f9: {  	s7 =	sadd.s32 $0x1C680, s13;
	[tilespmem:s2+$0x0] =	vst v8  }
0x3fa: {  	s9 =	sadd.s32 $0x1C700, s15;
	s8 =	sor.u32 s5, s7;
	v8 =	vld.idx.msk [tilespmem:v33+s31+$0x0], $0xffff  }
0x3fb: {  	s20 =	sor.u32 s16, s9;
	[tilespmem:s8+$0x0] =	vst v5  }
0x3fc: {  	s6 =	sor.u32 s10, s7;
	v5 =	vld.idx.msk [tilespmem:v58+s31+$0x0], $0xffff;
	[tilespmem:s20+$0x0] =	vst v0  }
0x3fd: {  	v62 =	vor.u32 $0x17, v3;
	v0 =	vld.idx.msk [tilespmem:v61+s31+$0x0], $0xffff;
	[tilespmem:s6+$0x0] =	vst v7  }
0x3fe: {  	v63 =	vor.u32 $0x18, v2;
	s2 =	sor.u32 s17, s9;
	v7 =	vld.idx.msk [tilespmem:v39+s31+$0x0], $0xffff  }
0x3ff: {  	s21 =	sadd.s32 $0x1C700, s13;
	[tilespmem:s2+$0x0] =	vst v8  }
0x400: {  	s24 =	sadd.s32 $0x1C780, s15;
	s22 =	sor.u32 s5, s21;
	v8 =	vld.idx.msk [tilespmem:v32+s31+$0x0], $0xffff  }
0x401: {  	s25 =	sor.u32 s16, s24;
	[tilespmem:s22+$0x0] =	vst v5  }
0x402: {  	v5 =	vld.idx.msk [tilespmem:v62+s31+$0x0], $0xffff;
	[tilespmem:s25+$0x0] =	vst v0;
	s6 =	sor.u32 s10, s21  }
0x403: {  	v32 =	vor.u32 $0x18, v3;
	v0 =	vld.idx.msk [tilespmem:v63+s31+$0x0], $0xffff;
	[tilespmem:s6+$0x0] =	vst v7  }
0x404: {  	v33 =	vor.u32 $0x19, v2;
	s2 =	sor.u32 s17, s24;
	v7 =	vld.idx.msk [tilespmem:v30+s31+$0x0], $0xffff  }
0x405: {  	s26 =	sadd.s32 $0x1C780, s13;
	[tilespmem:s2+$0x0] =	vst v8  }
0x406: {  	s29 =	sor.u32 s5, s26;
	s8 =	sadd.s32 $0x1D400, s15;
	v34 =	vld.idx.msk [tilespmem:v31+s31+$0x0], $0xffff  }
0x407: {  	s9 =	sor.u32 s16, s8;
	[tilespmem:s29+$0x0] =	vst v5  }
0x408: {  	s7 =	sor.u32 s10, s26;
	v6 =	vld.idx.msk [tilespmem:v32+s31+$0x0], $0xffff;
	[tilespmem:s9+$0x0] =	vst v0  }
0x409: {  	v36 =	vor.u32 $0x19, v3;
	v0 =	vld.idx.msk [tilespmem:v33+s31+$0x0], $0xffff;
	[tilespmem:s7+$0x0] =	vst v7  }
0x40a: {  	[tilespmem:s19+$0x0] =	vst v50;
	s2 =	sor.u32 s17, s8;
	v39 =	vor.u32 $0x1A, v2;
	v38 =	vld.idx.msk [tilespmem:v29+s31+$0x0], $0xffff  }
0x40b: {  	v11 =	vld.idx.msk [tilespmem:v25+s31+$0x0], $0xffff;
	s20 =	sadd.s32 $0x1D400, s13;
	[tilespmem:s2+$0x0] =	vst v34  }
0x40c: {  	[tilespmem:s23+$0x0] =	vst v52;
	s24 =	sadd.s32 $0x1D480, s15;
	s21 =	sor.u32 s5, s20;
	v5 =	vld.idx.msk [tilespmem:v28+s31+$0x0], $0xffff  }
0x40d: {  	s25 =	sor.u32 s16, s24;
	[tilespmem:s21+$0x0] =	vst v6  }
0x40e: {  	v10 =	vor.u32 $0x1B, v1;
	s6 =	sor.u32 s10, s20;
	v6 =	vld.idx.msk [tilespmem:v36+s31+$0x0], $0xffff;
	[tilespmem:s25+$0x0] =	vst v0  }
0x40f: {  	v40 =	vor.u32 $0x1A, v3;
	v0 =	vld.idx.msk [tilespmem:v39+s31+$0x0], $0xffff;
	[tilespmem:s6+$0x0] =	vst v38  }
0x410: {  	v41 =	vor.u32 $0x1B, v2;
	s22 =	sadd.s32 $0x1D500, s1;
	[tilespmem:s11+$0x0] =	vst v11;
	s7 =	sor.u32 s17, s24;
	v8 =	vld.idx.msk [tilespmem:v26+s31+$0x0], $0xffff  }
0x411: {  	s26 =	sadd.s32 $0x1D480, s13;
	v9 =	vld.idx.msk [tilespmem:v27+s31+$0x0], $0xffff;
	s23 =	sor.u32 s14, s22;
	[tilespmem:s7+$0x0] =	vst v5  }
0x412: {  	[tilespmem:s23+$0x0] =	vst v51;
	s29 =	sor.u32 s5, s26;
	s7 =	sadd.s32 $0x1D500, s15;
	v5 =	vld.idx.msk [tilespmem:v24+s31+$0x0], $0xffff  }
0x413: {  	v43 =	vld.idx.msk [tilespmem:v10+s31+$0x0], $0xffff;
	[tilespmem:s29+$0x0] =	vst v6;
	s8 =	sor.u32 s16, s7  }
0x414: {  	v44 =	vor.u32 $0x1C, v1;
	v6 =	vld.idx.msk [tilespmem:v40+s31+$0x0], $0xffff;
	[tilespmem:s8+$0x0] =	vst v0;
	s6 =	sor.u32 s10, s26  }
0x415: {  	v42 =	vor.u32 $0x1B, v3;
	s2 =	sor.u32 s12, s22;
	v0 =	vld.idx.msk [tilespmem:v41+s31+$0x0], $0xffff;
	[tilespmem:s6+$0x0] =	vst v8  }
0x416: {  	v46 =	vor.u32 $0x1C, v2;
	s19 =	sadd.s32 $0x1D580, s1;
	[tilespmem:s2+$0x0] =	vst v9;
	s2 =	sor.u32 s17, s7;
	v8 =	vld.idx.msk [tilespmem:v35+s31+$0x0], $0xffff  }
0x417: {  	s9 =	sadd.s32 $0x1D500, s13;
	s20 =	sor.u32 s14, s19;
	v45 =	vld.idx.msk [tilespmem:v60+s31+$0x0], $0xffff;
	[tilespmem:s2+$0x0] =	vst v5  }
0x418: {  	s21 =	sadd.s32 $0x1D580, s15;
	s11 =	sor.u32 s5, s9;
	[tilespmem:s20+$0x0] =	vst v43;
	v5 =	vld.idx.msk [tilespmem:v23+s31+$0x0], $0xffff  }
0x419: {  	s22 =	sor.u32 s16, s21;
	v9 =	vld.idx.msk [tilespmem:v44+s31+$0x0], $0xffff;
	[tilespmem:s11+$0x0] =	vst v6  }
0x41a: {  	v48 =	vor.u32 $0x1D, v1;
	v6 =	vld.idx.msk [tilespmem:v42+s31+$0x0], $0xffff;
	[tilespmem:s22+$0x0] =	vst v0;
	s6 =	sor.u32 s10, s9  }
0x41b: {  	v47 =	vor.u32 $0x1C, v3;
	s2 =	sor.u32 s12, s19;
	v0 =	vld.idx.msk [tilespmem:v46+s31+$0x0], $0xffff;
	[tilespmem:s6+$0x0] =	vst v8  }
0x41c: {  	v49 =	vor.u32 $0x1D, v2;
	s23 =	sor.u32 s17, s21;
	s26 =	sadd.s32 $0x1D600, s1;
	[tilespmem:s2+$0x0] =	vst v45;
	v8 =	vld.idx.msk [tilespmem:v22+s31+$0x0], $0xffff  }
0x41d: {  	s24 =	sadd.s32 $0x1D580, s13;
	s29 =	sor.u32 s14, s26;
	v11 =	vld.idx.msk [tilespmem:v59+s31+$0x0], $0xffff;
	[tilespmem:s23+$0x0] =	vst v5  }
0x41e: {  	s25 =	sor.u32 s5, s24;
	s7 =	sadd.s32 $0x1D600, s15;
	[tilespmem:s29+$0x0] =	vst v9;
	v5 =	vld.idx.msk [tilespmem:v20+s31+$0x0], $0xffff  }
0x41f: {  	s8 =	sor.u32 s16, s7;
	v9 =	vld.idx.msk [tilespmem:v48+s31+$0x0], $0xffff;
	[tilespmem:s25+$0x0] =	vst v6  }
0x420: {  	v51 =	vor.u32 $0x1E, v1;
	v6 =	vld.idx.msk [tilespmem:v47+s31+$0x0], $0xffff;
	[tilespmem:s8+$0x0] =	vst v0;
	s6 =	sor.u32 s10, s24  }
0x421: {  	v50 =	vor.u32 $0x1D, v3;
	s2 =	sor.u32 s12, s26;
	v0 =	vld.idx.msk [tilespmem:v49+s31+$0x0], $0xffff;
	[tilespmem:s6+$0x0] =	vst v8  }
0x422: {  	v52 =	vor.u32 $0x1E, v2;
	s19 =	sadd.s32 $0x1D680, s1;
	[tilespmem:s2+$0x0] =	vst v11;
	s6 =	sor.u32 s17, s7;
	v8 =	vld.idx.msk [tilespmem:v19+s31+$0x0], $0xffff  }
0x423: {  	s20 =	sor.u32 s14, s19;
	s9 =	sadd.s32 $0x1D600, s13;
	v11 =	vld.idx.msk [tilespmem:v37+s31+$0x0], $0xffff;
	[tilespmem:s6+$0x0] =	vst v5  }
0x424: {  	s21 =	sadd.s32 $0x1D680, s15;
	s11 =	sor.u32 s5, s9;
	[tilespmem:s20+$0x0] =	vst v9;
	v5 =	vld.idx.msk [tilespmem:v18+s31+$0x0], $0xffff  }
0x425: {  	s22 =	sor.u32 s16, s21;
	v9 =	vld.idx.msk [tilespmem:v51+s31+$0x0], $0xffff;
	[tilespmem:s11+$0x0] =	vst v6  }
0x426: {  	v54 =	vor.u32 $0x1F, v1;
	s2 =	sor.u32 s10, s9;
	v6 =	vld.idx.msk [tilespmem:v50+s31+$0x0], $0xffff;
	[tilespmem:s22+$0x0] =	vst v0  }
0x427: {  	v53 =	vor.u32 $0x1E, v3;
	v0 =	vld.idx.msk [tilespmem:v52+s31+$0x0], $0xffff;
	s6 =	sor.u32 s12, s19;
	[tilespmem:s2+$0x0] =	vst v8  }
0x428: {  	v56 =	vor.u32 $0x1F, v2;
	s25 =	sadd.s32 $0x1D700, s1;
	[tilespmem:s6+$0x0] =	vst v11;
	s2 =	sor.u32 s17, s21;
	v8 =	vld.idx.msk [tilespmem:v17+s31+$0x0], $0xffff  }
0x429: {  	s26 =	sor.u32 s14, s25;
	s23 =	sadd.s32 $0x1D680, s13;
	v55 =	vld.idx.msk [tilespmem:v14+s31+$0x0], $0xffff;
	[tilespmem:s2+$0x0] =	vst v5  }
0x42a: {  	s29 =	sadd.s32 $0x1D700, s15;
	s24 =	sor.u32 s5, s23;
	[tilespmem:s26+$0x0] =	vst v9;
	v57 =	vld.idx.msk [tilespmem:v16+s31+$0x0], $0xffff  }
0x42b: {  	v1 =	vld.idx.msk [tilespmem:v54+s31+$0x0], $0xffff;
	[tilespmem:s24+$0x0] =	vst v6;
	s7 =	sor.u32 s16, s29  }
0x42c: {  	v58 =	vld.idx.msk [tilespmem:v53+s31+$0x0], $0xffff;
	s6 =	sor.u32 s10, s23;
	[tilespmem:s7+$0x0] =	vst v0  }
0x42d: {  	v0 =	vld.idx.msk [tilespmem:v56+s31+$0x0], $0xffff;
	s2 =	sor.u32 s12, s25;
	[tilespmem:s6+$0x0] =	vst v8  }
0x42e: {  	v59 =	vor.u32 $0x1F, v3;
	s11 =	sadd.s32 $0x1D780, s1;
	[tilespmem:s2+$0x0] =	vst v55;
	s6 =	sor.u32 s17, s29;
	v60 =	vld.idx.msk [tilespmem:v15+s31+$0x0], $0xffff  }
0x42f: {  	s8 =	sadd.s32 $0x1D700, s13;
	s14 =	sor.u32 s14, s11;
	v61 =	vld.idx.msk [tilespmem:v12+s31+$0x0], $0xffff;
	[tilespmem:s6+$0x0] =	vst v57  }
0x430: {  	s15 =	sadd.s32 $0x1D780, s15;
	s9 =	sor.u32 s5, s8;
	[tilespmem:s14+$0x0] =	vst v1;
	v62 =	vld.idx.msk [tilespmem:v13+s31+$0x0], $0xffff  }
0x431: {  	s16 =	sor.u32 s16, s15;
	[tilespmem:s9+$0x0] =	vst v58  }
0x432: {  	s2 =	sor.u32 s10, s8;
	[tilespmem:s16+$0x0] =	vst v0  }
0x433: {  	s1 =	sor.u32 s12, s11;
	v3 =	vld.idx.msk [tilespmem:v59+s31+$0x0], $0xffff;
	[tilespmem:s2+$0x0] =	vst v60  }
0x434: {  	[tilespmem:s1+$0x0] =	vst v61;
	s2 =	sor.u32 s17, s15;
	v63 =	vld.idx.msk [tilespmem:v21+s31+$0x0], $0xffff  }
0x435: {  	[tilespmem:s2+$0x0] =	vst v62  }
0x436: {  	s0 =	sshll.u32 s0, $0x13;
	s17 =	sadd.s32 $0x1D780, s13;
	s20 =	rddreg [dreg:$0x4]  }
0x437: {  	s19 =	sor.u32 s5, s17;
	s0 =	sor.u32 s20, s0  }
0x438: {  	s21 =	rddreg [dreg:$0x1];
	s1 =	sor.u32 s10, s17;
	[tilespmem:s19+$0x0] =	vst v3;
	s0 =	sshrl.u32 s0, $0x3  }
0x439: {  	s22 =	simm.s32 $0x1A400;
	[tilespmem:s1+$0x0] =	vst v63;
	s1 =	sadd.s32 s21, s0  }
0x43a: {  	[hbm4b:s1+s3] =	stream.linear.scatter [tilespmem:s22], [sflag:$0x2], $0x1000, $0x38;
	[tilespmem:$0x1E400] =	vst v63  }
0x43b: {  	s30 =	sadd.s32 $0x1, s30;
	s23 =	rddreg [dreg:$0x5]  }
0x43c: {  	p0 =	sne.s32 s30, $0x19;
	s24 =	simm.s32 $0x1B400;
	s1 =	sadd.s32 s0, s23  }
0x43d: {  	[hbm4b:s1+s3] =	stream.linear.scatter [tilespmem:s24], [sflag:$0x2], $0x1000, $0x38;
	[tilespmem:$0x1E400] =	vst v63  }
.Ltmp4:
0x43e: {  	s25 =	rddreg [dreg:$0x6];
	(pc) =	sbr.rel @p0 .LBB2_2-.Ltmp4, $4  }
0x43f: {  	s26 =	simm.s32 $0x1C400;
	s29 =	rddreg [dreg:$0x7];
	s1 =	sadd.s32 s0, s25  }
0x440: {  	[hbm4b:s1+s3] =	stream.linear.scatter [tilespmem:s26], [sflag:$0x2], $0x1000, $0x38;
	[tilespmem:$0x1E400] =	vst v63  }
0x441: {  	s31 =	simm.s32 $0x1D400;
	s0 =	sadd.s32 s0, s29  }
0x442: {  	[hbm4b:s0+s3] =	stream.linear.scatter [tilespmem:s31], [sflag:$0x2], $0x1000, $0x38;
	[tilespmem:$0x1E400] =	vst v63  }
0x443: {  	_ =	swait.ge [sflag:s28], $0x1000  }
0x444: {  	[sflag:s28] =	ssyncset.done $0x0  }
0x445: {  	[sflag:s28] =	ssyncadd.s32 $0xFFFFF000  }
0x446: {  	_ =	swait.ge [sflag:s28], $0x1000  }
0x447: {  	[sflag:s28] =	ssyncset.done $0x0  }
0x448: {  	[sflag:s28] =	ssyncadd.s32 $0xFFFFF000  }
0x449: {  	_ =	swait.ge [sflag:s28], $0x1000  }
0x44a: {  	[sflag:s28] =	ssyncset.done $0x0  }
0x44b: {  	[sflag:s28] =	ssyncadd.s32 $0xFFFFF000  }
0x44c: {  	_ =	swait.ge [sflag:s28], $0x1000  }
0x44d: {  	[sflag:s28] =	ssyncset.done $0x0  }
0x44e: {  	[sflag:s28] =	ssyncadd.s32 $0xFFFFF000  }
0x44f: {  	_ =	swait.ge [sflag:s28], $0x1000  }
0x450: {  	[sflag:s28] =	ssyncset.done $0x0  }
0x451: {  	[sflag:s28] =	ssyncadd.s32 $0xFFFFF000  }
0x452: {  	_ =	swait.ge [sflag:s28], $0x1000  }
0x453: {  	[sflag:s28] =	ssyncset.done $0x0  }
0x454: {  	[sflag:s28] =	ssyncadd.s32 $0xFFFFF000  }
0x455: {  	_ =	swait.ge [sflag:s28], $0x1000  }
0x456: {  	[sflag:s28] =	ssyncset.done $0x0  }
0x457: {  	[sflag:s28] =	ssyncadd.s32 $0xFFFFF000  }
0x458: {  	_ =	swait.ge [sflag:s28], $0x1000  }
0x459: {  	s1 =	rddreg [dreg:$0x9]  }
0x45a: {  	s0 =	rddreg [dreg:$0x8];
	s1 =	sadd.s32 $0x1, s1  }
0x45b: {  	p0 =	sne.s32 s1, s0  }
.Ltmp5:
0x45c: {  	_ = 	snop;
	(pc) =	sbr.rel @p0 .LBB2_1-.Ltmp5, $3  }
0x45d: {  	_ =	sdelay $0x1  }
0x45e: {  	[sflag:s28] =	ssyncset.done $0x0  }
0x45f: {  	[sflag:s28] =	ssyncadd.s32 $0xFFFFF000  }
0x460: {  	_ =	sfence.sel $0x180000  }
0x461: {  	[bflag:$0x0] =	sbarrier.arrive $0xFFFF  }
0x462: {  	_ =	strace $0x9000004A  }
0x463: {  	s0 =	stileid.u32;
	[bflag:$0x2] =	sbarrier.arrive $0xFFFF  }
0x464: {  	p0 =	sne.s32 s0, $0x0;
	s0 =	rddreg [dreg:$0x2]  }
0x465: {  	s0 =	sadd.s32 @!p0 $0x100000, s0  }
0x466: {  	[sflag:s0] =	ssyncadd.tile.s32 @!p0 $0x1;
	_ =	shalt  }
.Lfunc_end2:
_tile_overlayer_lowered:
.L_overlay_start_2:
0x467: {  	(tag) =	ssettag $0x2  }
0x468: {  	s0 =	rddreg [dreg:$0x0];
	s2 =	stileid.u32  }
0x469: {  	s1 =	rddreg [dreg:$0x1];
	p0 =	sne.s32 s2, $0x0  }
0x46a: {  	s3 =	rddreg [dreg:$0x2];
	[bflag:$0x3] =	sbarrier.arrive $0xFFFF;
	s2 =	simm.s32 @!p0 $0x1C03  }
0x46b: {  	[timem:s3], [sflag:s2] =	dma.local @!p0 [hbm:s0], s1  }
0x46c: {  	s0 =	simm.s32 @!p0 $0x3  }
0x46d: {  	_ =	swait.ge @!p0 [sflag:s0], s1  }
0x46e: {  	s1 =	ssub.s32 @!p0 $0x0, s1;
	[sflag:s0] =	ssyncset.done @!p0 $0x0  }
0x46f: {  	[sflag:s0] =	ssyncadd.s32 @!p0 s1  }
0x470: {  	[bflag:$0x3] =	sbarrier.arrive $0xFFFF  }
0x471: {  	_ =	shalt  }

</sc_bundles>
